<compile_context>
chip_gen: v7x
topology: tpu7x:2x2x1
jax: 0.10.2.dev20260603
libtpu: 0.0.44.dev20260713+nightly
codegen_flags: <defaults>
</compile_context>

<pallas_src>
import jax
import jax.numpy as jnp
from jax import lax
from jax.experimental import pallas as pl
from jax.experimental.pallas import tpu as pltpu
from jax.experimental.pallas import tpu_sc as plsc

N_GRAPH = 256
N_NODE = 128
N_FEAT = 9
EMB = 128
NC = 2
NS = 16
NW = NC * NS

GPW = N_GRAPH // NW
CHUNK = N_NODE
IDXC = N_FEAT * CHUNK
NBUF = 3


def _sc_body(xt_hbm, deg_hbm, node_hbm, degt_hbm, tok_hbm, out3_hbm,
             nix, dgx, rix, acc_v, degt_sh, tok_rows_v, tok_idx_v,
             semi, semd, semg, semo):
    cid = lax.axis_index("c")
    sid = lax.axis_index("s")
    wid = sid * NC + cid
    lane = lax.iota(jnp.int32, 16)

    @pl.when(sid == 0)
    def _():
        pltpu.sync_copy(degt_hbm, degt_sh)
    plsc.subcore_barrier()

    def fetch_idx(c):
        b = c % NBUF
        g0 = wid * GPW + c
        pltpu.async_copy(xt_hbm.at[pl.ds(g0 * IDXC, IDXC)], nix[b], semi[b])
        pltpu.async_copy(deg_hbm.at[pl.ds(g0 * CHUNK, CHUNK)], dgx[b],
                         semi[b])

    def drain_idx(c):
        b = c % NBUF
        pltpu.make_async_copy(xt_hbm.at[pl.ds(0, IDXC)], nix[b],
                              semi[b]).wait()
        pltpu.make_async_copy(deg_hbm.at[pl.ds(0, CHUNK)], dgx[b],
                              semi[b]).wait()

    def issue_deg(c):
        b = c % NBUF
        pltpu.async_copy(degt_sh.at[dgx[b]], acc_v.at[b], semd[b])

    def drain_deg(c):
        b = c % NBUF
        pltpu.make_async_copy(degt_sh.at[dgx[b]], acc_v.at[b],
                              semd[b]).wait()

    def issue_nodes(c):
        b = c % NBUF
        for j in range(N_FEAT):
            pltpu.async_copy(
                node_hbm.at[nix[b].at[pl.ds(j * CHUNK, CHUNK)]],
                acc_v.at[b], semg[b], add=True)

    def drain_nodes(c):
        b = c % NBUF
        for j in range(N_FEAT):
            pltpu.make_async_copy(
                node_hbm.at[nix[b].at[pl.ds(j * CHUNK, CHUNK)]],
                acc_v.at[b], semg[b]).wait()

    for v in range(CHUNK // 16):
        rix[0][pl.ds(v * 16, 16)] = 1 + v * 16 + lane

    def issue_scatter(c):
        b = c % NBUF
        g = wid * GPW + c
        pltpu.async_copy(acc_v.at[b], out3_hbm.at[g].at[rix[0]], semo[b])

    def drain_scatter(c):
        b = c % NBUF
        g = wid * GPW + c
        pltpu.make_async_copy(acc_v.at[b], out3_hbm.at[g].at[rix[0]],
                              semo[b]).wait()

    fetch_idx(0)
    fetch_idx(1)
    drain_idx(0)
    issue_deg(0)
    drain_deg(0)
    issue_nodes(0)

    pltpu.sync_copy(tok_hbm, tok_rows_v.at[pl.ds(0, 1)])
    for v in range(EMB // 16):
        sl = pl.ds(v * 16, 16)
        tv = tok_rows_v[0, sl]
        for i in range(1, 16):
            tok_rows_v[i, sl] = tv
    tok_idx_v[pl.ds(0, 16)] = lane - lane
    for gi in range(GPW):
        g = wid * GPW + gi
        pltpu.async_copy(tok_rows_v, out3_hbm.at[g].at[tok_idx_v], semd[1])
    for gi in range(GPW):
        g = wid * GPW + gi
        pltpu.make_async_copy(tok_rows_v, out3_hbm.at[g].at[tok_idx_v],
                              semd[1]).wait()

    for c in range(GPW):
        if c >= 1:
            drain_scatter(c - 1)
        if c + 2 < GPW:
            fetch_idx(c + 2)
        if c + 1 < GPW:
            drain_idx(c + 1)
            issue_deg(c + 1)
        drain_nodes(c)
        issue_scatter(c)
        if c + 1 < GPW:
            drain_deg(c + 1)
            issue_nodes(c + 1)
    drain_scatter(GPW - 1)


@jax.jit
def _graph_node_features(xt_flat, deg_flat, node_table, degree_table,
                         graph_token):
    mesh = plsc.VectorSubcoreMesh(core_axis_name="c", subcore_axis_name="s")
    out = pl.kernel(
        _sc_body,
        out_type=jax.ShapeDtypeStruct((N_GRAPH, N_NODE + 1, EMB),
                                       jnp.float32),
        mesh=mesh,
        scratch_types=[
            [pltpu.VMEM((IDXC,), jnp.int32) for _ in range(NBUF)],
            [pltpu.VMEM((CHUNK,), jnp.int32) for _ in range(NBUF)],
            [pltpu.VMEM((CHUNK,), jnp.int32) for _ in range(1)],
            pltpu.VMEM((NBUF, CHUNK, EMB), jnp.float32),
            pltpu.VMEM_SHARED((512, EMB), jnp.float32),
            pltpu.VMEM((16, EMB), jnp.float32),
            pltpu.VMEM((16,), jnp.int32),
            [pltpu.SemaphoreType.DMA for _ in range(NBUF)],
            [pltpu.SemaphoreType.DMA for _ in range(NBUF)],
            [pltpu.SemaphoreType.DMA for _ in range(NBUF)],
            [pltpu.SemaphoreType.DMA for _ in range(NBUF)],
        ],
    )(xt_flat, deg_flat, node_table, degree_table, graph_token)
    return out


def kernel(x, degree, node_table, degree_table, graph_token):
    xt_flat = x.astype(jnp.int32).transpose(0, 2, 1).reshape(-1)
    deg_flat = degree.reshape(-1).astype(jnp.int32)
    return _graph_node_features(xt_flat, deg_flat, node_table, degree_table,
                                graph_token)

# --- scband reference (transcript-rebuilt; emitter-appended) ---
"""Pipeline reference for scband-graph-node-features-24120536335072 (READ-ONLY COPY).

The authoritative reference and input builder live on the scoring server;
editing this copy changes nothing except your own understanding.
"""

import jax, jax.numpy as jnp
import numpy as np

NODES = 100000
DEGREE = 512
EMB = 128
N_GRAPH = 256
N_NODE = 128
N_FEAT = 9

def setup_inputs(seed: int = 0) -> dict:
    key = jax.random.key(seed)
    k1, k2, k3, k4, k5 = jax.random.split(key, 5)
    x = jax.random.randint(k1, (N_GRAPH, N_NODE, N_FEAT), 0, NODES + 1, dtype=jnp.int64 if jax.config.jax_enable_x64 else jnp.int32)
    degree = jax.random.randint(k2, (N_GRAPH, N_NODE), 0, DEGREE, dtype=jnp.int64 if jax.config.jax_enable_x64 else jnp.int32)
    node_table = jax.random.normal(k3, (NODES + 1, EMB), dtype=jnp.float32) * 0.02
    degree_table = jax.random.normal(k4, (DEGREE, EMB), dtype=jnp.float32) * 0.02
    graph_token = jax.random.normal(k5, (1, EMB), dtype=jnp.float32) * 0.02
    return {"x": x, "degree": degree, "node_table": node_table, "degree_table": degree_table, "graph_token": graph_token}

def reference(x, degree, node_table, degree_table, graph_token):
    # node_feature = node_encoder(x).sum(dim=-2)
    node_feature = jnp.take(node_table, x, axis=0).sum(axis=-2)  # [G, N, EMB]
    node_feature = node_feature + jnp.take(degree_table, degree, axis=0)
    n_graph = x.shape[0]
    graph_token_feature = jnp.broadcast_to(graph_token[None, :, :], (n_graph, 1, graph_token.shape[-1]))
    graph_node_feature = jnp.concatenate([graph_token_feature, node_feature], axis=1)  # [G, N+1, EMB]
    return graph_node_feature

if __name__ == "__main__":
    import jax
    _d = setup_inputs()
    print(jax.jit(kernel)(*tuple(_d.values())))

</pallas_src>

<mosaic_0001>
#map = affine_map<(d0, d1) -> (0)>
#map1 = affine_map<(d0, d1) -> (0, 0)>
#map2 = affine_map<(d0, d1) -> (0, 0, 0)>
module attributes {stable_mosaic.version = 14 : i64} {
  func.func @_sc_body(%arg0: i32, %arg1: i32, %arg2: memref<294912xi32, #tpu.memory_space<hbm>>, %arg3: memref<32768xi32, #tpu.memory_space<hbm>>, %arg4: memref<100001x128xf32, #tpu.memory_space<hbm>>, %arg5: memref<512x128xf32, #tpu.memory_space<hbm>>, %arg6: memref<1x128xf32, #tpu.memory_space<hbm>>, %arg7: memref<256x129x128xf32, #tpu.memory_space<hbm>>, %arg8: memref<1152xi32, #tpu.memory_space<vmem>>, %arg9: memref<1152xi32, #tpu.memory_space<vmem>>, %arg10: memref<1152xi32, #tpu.memory_space<vmem>>, %arg11: memref<128xi32, #tpu.memory_space<vmem>>, %arg12: memref<128xi32, #tpu.memory_space<vmem>>, %arg13: memref<128xi32, #tpu.memory_space<vmem>>, %arg14: memref<128xi32, #tpu.memory_space<vmem>>, %arg15: memref<3x128x128xf32, #tpu.memory_space<vmem>>, %arg16: memref<512x128xf32, #tpu.memory_space<vmem_shared>>, %arg17: memref<16x128xf32, #tpu.memory_space<vmem>>, %arg18: memref<16xi32, #tpu.memory_space<vmem>>, %arg19: memref<!tpu.dma_semaphore, #tpu.memory_space<semaphore_mem>>, %arg20: memref<!tpu.dma_semaphore, #tpu.memory_space<semaphore_mem>>, %arg21: memref<!tpu.dma_semaphore, #tpu.memory_space<semaphore_mem>>, %arg22: memref<!tpu.dma_semaphore, #tpu.memory_space<semaphore_mem>>, %arg23: memref<!tpu.dma_semaphore, #tpu.memory_space<semaphore_mem>>, %arg24: memref<!tpu.dma_semaphore, #tpu.memory_space<semaphore_mem>>, %arg25: memref<!tpu.dma_semaphore, #tpu.memory_space<semaphore_mem>>, %arg26: memref<!tpu.dma_semaphore, #tpu.memory_space<semaphore_mem>>, %arg27: memref<!tpu.dma_semaphore, #tpu.memory_space<semaphore_mem>>, %arg28: memref<!tpu.dma_semaphore, #tpu.memory_space<semaphore_mem>>, %arg29: memref<!tpu.dma_semaphore, #tpu.memory_space<semaphore_mem>>, %arg30: memref<!tpu.dma_semaphore, #tpu.memory_space<semaphore_mem>>) attributes {dimension_semantics = [#tpu.dimension_semantics<core_parallel>, #tpu.dimension_semantics<subcore_parallel>], iteration_bounds = array<i64: 2, 16>, scalar_prefetch = 0 : i64, scratch_operands = 23 : i64, tpu.core_type = #tpu.core_type<sc_vector_subcore>, window_params = [{transform_indices = #map}, {transform_indices = #map}, {transform_indices = #map1}, {transform_indices = #map1}, {transform_indices = #map1}, {transform_indices = #map2}]} {
    %mul3A = arith.constant 2 : i32
    %mul3A_0 = arith.muli %arg1, %mul3A : i32
    %add3A = arith.addi %mul3A_0, %arg0 : i32
    %iota3A = tpu.iota {dimensions = array<i32: 0>} : vector<16xi32>
    %eq3A = arith.constant 0 : i32
    %eq3A_1 = arith.cmpi eq, %arg1, %eq3A : i32
    %convert_element_type3A = arith.extui %eq3A_1 : i1 to i32
    %cond3A = arith.constant 0 : i32
    %cond3A_2 = arith.cmpi ne, %convert_element_type3A, %cond3A : i32
    scf.if %cond3A_2 {
      "tpu.region"() ({
        %run_scoped3A = tpu.sem_alloc : memref<!tpu.dma_semaphore, #tpu.memory_space<semaphore_mem>>
        tpu.enqueue_dma source(%arg5 : memref<512x128xf32, #tpu.memory_space<hbm>>) target(%arg16 : memref<512x128xf32, #tpu.memory_space<vmem_shared>>) target_semaphore(%run_scoped3A : memref<!tpu.dma_semaphore, #tpu.memory_space<semaphore_mem>>)
        tpu.wait_dma2 semaphore(%run_scoped3A : memref<!tpu.dma_semaphore, #tpu.memory_space<semaphore_mem>>) src(%arg5 : memref<512x128xf32, #tpu.memory_space<hbm>>) dst(%arg16 : memref<512x128xf32, #tpu.memory_space<vmem_shared>>)
        tpu.yield
      }) : () -> ()
    } else {
    }
    %barrier3A = arith.constant 0 : index
    tpu.barrier barrier_id(%barrier3A)
    %add3A_3 = arith.constant 1 : i32
    %add3A_4 = vector.broadcast %add3A_3 : i32 to vector<16xi32>
    %add3A_5 = arith.addi %add3A_4, %iota3A : vector<16xi32>
    %swap3A = arith.constant 0 : index
    %swap3A_6 = tpu.vector_load %arg14[%swap3A] {strides = array<i32>} : memref<128xi32, #tpu.memory_space<vmem>>, vector<16xi32>,
    %swap3A_7 = vector.shape_cast %swap3A_6 : vector<16xi32> to vector<16xi32>
    %swap3A_8 = vector.shape_cast %add3A_5 : vector<16xi32> to vector<16xi32>
    tpu.vector_store %arg14[%swap3A], %swap3A_8 {strides = array<i32>} : memref<128xi32, #tpu.memory_space<vmem>>, vector<16xi32>,
    %add3A_9 = arith.constant 17 : i32
    %add3A_10 = vector.broadcast %add3A_9 : i32 to vector<16xi32>
    %add3A_11 = arith.addi %add3A_10, %iota3A : vector<16xi32>
    %swap3A_12 = arith.constant 16 : index
    %swap3A_13 = tpu.vector_load %arg14[%swap3A_12] {strides = array<i32>} : memref<128xi32, #tpu.memory_space<vmem>>, vector<16xi32>,
    %swap3A_14 = vector.shape_cast %swap3A_13 : vector<16xi32> to vector<16xi32>
    %swap3A_15 = vector.shape_cast %add3A_11 : vector<16xi32> to vector<16xi32>
    tpu.vector_store %arg14[%swap3A_12], %swap3A_15 {strides = array<i32>} : memref<128xi32, #tpu.memory_space<vmem>>, vector<16xi32>,
    %add3A_16 = arith.constant 33 : i32
    %add3A_17 = vector.broadcast %add3A_16 : i32 to vector<16xi32>
    %add3A_18 = arith.addi %add3A_17, %iota3A : vector<16xi32>
    %swap3A_19 = arith.constant 32 : index
    %swap3A_20 = tpu.vector_load %arg14[%swap3A_19] {strides = array<i32>} : memref<128xi32, #tpu.memory_space<vmem>>, vector<16xi32>,
    %swap3A_21 = vector.shape_cast %swap3A_20 : vector<16xi32> to vector<16xi32>
    %swap3A_22 = vector.shape_cast %add3A_18 : vector<16xi32> to vector<16xi32>
    tpu.vector_store %arg14[%swap3A_19], %swap3A_22 {strides = array<i32>} : memref<128xi32, #tpu.memory_space<vmem>>, vector<16xi32>,
    %add3A_23 = arith.constant 49 : i32
    %add3A_24 = vector.broadcast %add3A_23 : i32 to vector<16xi32>
    %add3A_25 = arith.addi %add3A_24, %iota3A : vector<16xi32>
    %swap3A_26 = arith.constant 48 : index
    %swap3A_27 = tpu.vector_load %arg14[%swap3A_26] {strides = array<i32>} : memref<128xi32, #tpu.memory_space<vmem>>, vector<16xi32>,
    %swap3A_28 = vector.shape_cast %swap3A_27 : vector<16xi32> to vector<16xi32>
    %swap3A_29 = vector.shape_cast %add3A_25 : vector<16xi32> to vector<16xi32>
    tpu.vector_store %arg14[%swap3A_26], %swap3A_29 {strides = array<i32>} : memref<128xi32, #tpu.memory_space<vmem>>, vector<16xi32>,
    %add3A_30 = arith.constant 65 : i32
    %add3A_31 = vector.broadcast %add3A_30 : i32 to vector<16xi32>
    %add3A_32 = arith.addi %add3A_31, %iota3A : vector<16xi32>
    %swap3A_33 = arith.constant 64 : index
    %swap3A_34 = tpu.vector_load %arg14[%swap3A_33] {strides = array<i32>} : memref<128xi32, #tpu.memory_space<vmem>>, vector<16xi32>,
    %swap3A_35 = vector.shape_cast %swap3A_34 : vector<16xi32> to vector<16xi32>
    %swap3A_36 = vector.shape_cast %add3A_32 : vector<16xi32> to vector<16xi32>
    tpu.vector_store %arg14[%swap3A_33], %swap3A_36 {strides = array<i32>} : memref<128xi32, #tpu.memory_space<vmem>>, vector<16xi32>,
    %add3A_37 = arith.constant 81 : i32
    %add3A_38 = vector.broadcast %add3A_37 : i32 to vector<16xi32>
    %add3A_39 = arith.addi %add3A_38, %iota3A : vector<16xi32>
    %swap3A_40 = arith.constant 80 : index
    %swap3A_41 = tpu.vector_load %arg14[%swap3A_40] {strides = array<i32>} : memref<128xi32, #tpu.memory_space<vmem>>, vector<16xi32>,
    %swap3A_42 = vector.shape_cast %swap3A_41 : vector<16xi32> to vector<16xi32>
    %swap3A_43 = vector.shape_cast %add3A_39 : vector<16xi32> to vector<16xi32>
    tpu.vector_store %arg14[%swap3A_40], %swap3A_43 {strides = array<i32>} : memref<128xi32, #tpu.memory_space<vmem>>, vector<16xi32>,
    %add3A_44 = arith.constant 97 : i32
    %add3A_45 = vector.broadcast %add3A_44 : i32 to vector<16xi32>
    %add3A_46 = arith.addi %add3A_45, %iota3A : vector<16xi32>
    %swap3A_47 = arith.constant 96 : index
    %swap3A_48 = tpu.vector_load %arg14[%swap3A_47] {strides = array<i32>} : memref<128xi32, #tpu.memory_space<vmem>>, vector<16xi32>,
    %swap3A_49 = vector.shape_cast %swap3A_48 : vector<16xi32> to vector<16xi32>
    %swap3A_50 = vector.shape_cast %add3A_46 : vector<16xi32> to vector<16xi32>
    tpu.vector_store %arg14[%swap3A_47], %swap3A_50 {strides = array<i32>} : memref<128xi32, #tpu.memory_space<vmem>>, vector<16xi32>,
    %add3A_51 = arith.constant 113 : i32
    %add3A_52 = vector.broadcast %add3A_51 : i32 to vector<16xi32>
    %add3A_53 = arith.addi %add3A_52, %iota3A : vector<16xi32>
    %swap3A_54 = arith.constant 112 : index
    %swap3A_55 = tpu.vector_load %arg14[%swap3A_54] {strides = array<i32>} : memref<128xi32, #tpu.memory_space<vmem>>, vector<16xi32>,
    %swap3A_56 = vector.shape_cast %swap3A_55 : vector<16xi32> to vector<16xi32>
    %swap3A_57 = vector.shape_cast %add3A_53 : vector<16xi32> to vector<16xi32>
    tpu.vector_store %arg14[%swap3A_54], %swap3A_57 {strides = array<i32>} : memref<128xi32, #tpu.memory_space<vmem>>, vector<16xi32>,
    %mul3A_58 = arith.constant 8 : i32
    %mul3A_59 = arith.muli %add3A, %mul3A_58 : i32
    %add3A_60 = arith.constant 0 : i32
    %add3A_61 = arith.addi %mul3A_59, %add3A_60 : i32
    %mul3A_62 = arith.constant 1152 : i32
    %mul3A_63 = arith.muli %add3A_61, %mul3A_62 : i32
    %dma_start3A = tpu.memref_slice %arg2[%mul3A_63] : memref<294912xi32, #tpu.memory_space<hbm>> -> memref<1152xi32, #tpu.memory_space<hbm>>
    %dma_start3A_64 = tpu.memref_slice %arg2[%mul3A_63] : memref<294912xi32, #tpu.memory_space<hbm>> -> memref<1152xi32, #tpu.memory_space<hbm>>
    tpu.enqueue_dma source(%dma_start3A_64 : memref<1152xi32, #tpu.memory_space<hbm>>) target(%arg8 : memref<1152xi32, #tpu.memory_space<vmem>>) target_semaphore(%arg19 : memref<!tpu.dma_semaphore, #tpu.memory_space<semaphore_mem>>)
    %mul3A_65 = arith.constant 128 : i32
    %mul3A_66 = arith.muli %add3A_61, %mul3A_65 : i32
    %dma_start3A_67 = tpu.memref_slice %arg3[%mul3A_66] : memref<32768xi32, #tpu.memory_space<hbm>> -> memref<128xi32, #tpu.memory_space<hbm>>
    %dma_start3A_68 = tpu.memref_slice %arg3[%mul3A_66] : memref<32768xi32, #tpu.memory_space<hbm>> -> memref<128xi32, #tpu.memory_space<hbm>>
    tpu.enqueue_dma source(%dma_start3A_68 : memref<128xi32, #tpu.memory_space<hbm>>) target(%arg11 : memref<128xi32, #tpu.memory_space<vmem>>) target_semaphore(%arg19 : memref<!tpu.dma_semaphore, #tpu.memory_space<semaphore_mem>>)
    %mul3A_69 = arith.constant 8 : i32
    %mul3A_70 = arith.muli %add3A, %mul3A_69 : i32
    %add3A_71 = arith.constant 1 : i32
    %add3A_72 = arith.addi %mul3A_70, %add3A_71 : i32
    %mul3A_73 = arith.constant 1152 : i32
    %mul3A_74 = arith.muli %add3A_72, %mul3A_73 : i32
    %dma_start3A_75 = tpu.memref_slice %arg2[%mul3A_74] : memref<294912xi32, #tpu.memory_space<hbm>> -> memref<1152xi32, #tpu.memory_space<hbm>>
    %dma_start3A_76 = tpu.memref_slice %arg2[%mul3A_74] : memref<294912xi32, #tpu.memory_space<hbm>> -> memref<1152xi32, #tpu.memory_space<hbm>>
    tpu.enqueue_dma source(%dma_start3A_76 : memref<1152xi32, #tpu.memory_space<hbm>>) target(%arg9 : memref<1152xi32, #tpu.memory_space<vmem>>) target_semaphore(%arg20 : memref<!tpu.dma_semaphore, #tpu.memory_space<semaphore_mem>>)
    %mul3A_77 = arith.constant 128 : i32
    %mul3A_78 = arith.muli %add3A_72, %mul3A_77 : i32
    %dma_start3A_79 = tpu.memref_slice %arg3[%mul3A_78] : memref<32768xi32, #tpu.memory_space<hbm>> -> memref<128xi32, #tpu.memory_space<hbm>>
    %dma_start3A_80 = tpu.memref_slice %arg3[%mul3A_78] : memref<32768xi32, #tpu.memory_space<hbm>> -> memref<128xi32, #tpu.memory_space<hbm>>
    tpu.enqueue_dma source(%dma_start3A_80 : memref<128xi32, #tpu.memory_space<hbm>>) target(%arg12 : memref<128xi32, #tpu.memory_space<vmem>>) target_semaphore(%arg20 : memref<!tpu.dma_semaphore, #tpu.memory_space<semaphore_mem>>)
    %dma_wait3A = arith.constant 0 : i32
    %dma_wait3A_81 = tpu.memref_slice %arg2[%dma_wait3A] : memref<294912xi32, #tpu.memory_space<hbm>> -> memref<1152xi32, #tpu.memory_space<hbm>>
    %dma_wait3A_82 = arith.constant 0 : i32
    %dma_wait3A_83 = tpu.memref_slice %arg2[%dma_wait3A_82] : memref<294912xi32, #tpu.memory_space<hbm>> -> memref<1152xi32, #tpu.memory_space<hbm>>
    tpu.wait_dma2 semaphore(%arg19 : memref<!tpu.dma_semaphore, #tpu.memory_space<semaphore_mem>>) src(%dma_wait3A_83 : memref<1152xi32, #tpu.memory_space<hbm>>) dst(%arg8 : memref<1152xi32, #tpu.memory_space<vmem>>)
    %dma_wait3A_84 = arith.constant 0 : i32
    %dma_wait3A_85 = tpu.memref_slice %arg3[%dma_wait3A_84] : memref<32768xi32, #tpu.memory_space<hbm>> -> memref<128xi32, #tpu.memory_space<hbm>>
    %dma_wait3A_86 = arith.constant 0 : i32
    %dma_wait3A_87 = tpu.memref_slice %arg3[%dma_wait3A_86] : memref<32768xi32, #tpu.memory_space<hbm>> -> memref<128xi32, #tpu.memory_space<hbm>>
    tpu.wait_dma2 semaphore(%arg19 : memref<!tpu.dma_semaphore, #tpu.memory_space<semaphore_mem>>) src(%dma_wait3A_87 : memref<128xi32, #tpu.memory_space<hbm>>) dst(%arg11 : memref<128xi32, #tpu.memory_space<vmem>>)
    %dma_start3A_88 = arith.constant 0 : i32
    %dma_start3A_89 = arith.constant 0 : i32
    %dma_start3A_90 = arith.constant 0 : i32
    %dma_start3A_91 = tpu.memref_slice %arg15[%dma_start3A_88, %dma_start3A_89, %dma_start3A_90] : memref<3x128x128xf32, #tpu.memory_space<vmem>> -> memref<1x128x128xf32, #tpu.memory_space<vmem>>
    %dma_start3A_92 = tpu.memref_squeeze %dma_start3A_91 : memref<1x128x128xf32, #tpu.memory_space<vmem>> -> memref<128x128xf32, #tpu.memory_space<vmem>>
    %dma_start3A_93 = arith.constant 0 : i32
    %dma_start3A_94 = arith.constant 0 : i32
    %dma_start3A_95 = tpu.memref_slice %arg16[%dma_start3A_93, %dma_start3A_94] : memref<512x128xf32, #tpu.memory_space<vmem_shared>> -> memref<512x128xf32, #tpu.memory_space<vmem_shared>>
    tpu.enqueue_indirect_dma source(%dma_start3A_95 : memref<512x128xf32, #tpu.memory_space<vmem_shared>>) target(%dma_start3A_92 : memref<128x128xf32, #tpu.memory_space<vmem>>) offsets(%arg11 : memref<128xi32, #tpu.memory_space<vmem>>) semaphore(%arg22 : memref<!tpu.dma_semaphore, #tpu.memory_space<semaphore_mem>>)
    %dma_wait3A_96 = arith.constant 0 : i32
    %dma_wait3A_97 = arith.constant 0 : i32
    %dma_wait3A_98 = arith.constant 0 : i32
    %dma_wait3A_99 = tpu.memref_slice %arg15[%dma_wait3A_96, %dma_wait3A_97, %dma_wait3A_98] : memref<3x128x128xf32, #tpu.memory_space<vmem>> -> memref<1x128x128xf32, #tpu.memory_space<vmem>>
    %dma_wait3A_100 = tpu.memref_squeeze %dma_wait3A_99 : memref<1x128x128xf32, #tpu.memory_space<vmem>> -> memref<128x128xf32, #tpu.memory_space<vmem>>
    %dma_wait3A_101 = arith.constant 0 : i32
    %dma_wait3A_102 = arith.constant 0 : i32
    %dma_wait3A_103 = tpu.memref_slice %arg16[%dma_wait3A_101, %dma_wait3A_102] : memref<512x128xf32, #tpu.memory_space<vmem_shared>> -> memref<512x128xf32, #tpu.memory_space<vmem_shared>>
    tpu.wait_indirect_dma semaphore(%arg22 : memref<!tpu.dma_semaphore, #tpu.memory_space<semaphore_mem>>) src(%dma_wait3A_103 : memref<512x128xf32, #tpu.memory_space<vmem_shared>>) dst(%dma_wait3A_100 : memref<128x128xf32, #tpu.memory_space<vmem>>)
    %dma_start3A_104 = arith.constant 0 : i32
    %dma_start3A_105 = arith.constant 0 : i32
    %dma_start3A_106 = arith.constant 0 : i32
    %dma_start3A_107 = tpu.memref_slice %arg15[%dma_start3A_104, %dma_start3A_105, %dma_start3A_106] : memref<3x128x128xf32, #tpu.memory_space<vmem>> -> memref<1x128x128xf32, #tpu.memory_space<vmem>>
    %dma_start3A_108 = tpu.memref_squeeze %dma_start3A_107 : memref<1x128x128xf32, #tpu.memory_space<vmem>> -> memref<128x128xf32, #tpu.memory_space<vmem>>
    %dma_start3A_109 = arith.constant 0 : i32
    %dma_start3A_110 = tpu.memref_slice %arg8[%dma_start3A_109] : memref<1152xi32, #tpu.memory_space<vmem>> -> memref<128xi32, #tpu.memory_space<vmem>>
    %dma_start3A_111 = arith.constant 0 : i32
    %dma_start3A_112 = arith.constant 0 : i32
    %dma_start3A_113 = tpu.memref_slice %arg4[%dma_start3A_111, %dma_start3A_112] : memref<100001x128xf32, #tpu.memory_space<hbm>> -> memref<100001x128xf32, #tpu.memory_space<hbm>>
    tpu.enqueue_indirect_dma source(%dma_start3A_113 : memref<100001x128xf32, #tpu.memory_space<hbm>>) target(%dma_start3A_108 : memref<128x128xf32, #tpu.memory_space<vmem>>) offsets(%dma_start3A_110 : memref<128xi32, #tpu.memory_space<vmem>>) semaphore(%arg25 : memref<!tpu.dma_semaphore, #tpu.memory_space<semaphore_mem>>) {add = true}
    %dma_start3A_114 = arith.constant 0 : i32
    %dma_start3A_115 = arith.constant 0 : i32
    %dma_start3A_116 = arith.constant 0 : i32
    %dma_start3A_117 = tpu.memref_slice %arg15[%dma_start3A_114, %dma_start3A_115, %dma_start3A_116] : memref<3x128x128xf32, #tpu.memory_space<vmem>> -> memref<1x128x128xf32, #tpu.memory_space<vmem>>
    %dma_start3A_118 = tpu.memref_squeeze %dma_start3A_117 : memref<1x128x128xf32, #tpu.memory_space<vmem>> -> memref<128x128xf32, #tpu.memory_space<vmem>>
    %dma_start3A_119 = arith.constant 128 : i32
    %dma_start3A_120 = tpu.memref_slice %arg8[%dma_start3A_119] : memref<1152xi32, #tpu.memory_space<vmem>> -> memref<128xi32, #tpu.memory_space<vmem>>
    %dma_start3A_121 = arith.constant 0 : i32
    %dma_start3A_122 = arith.constant 0 : i32
    %dma_start3A_123 = tpu.memref_slice %arg4[%dma_start3A_121, %dma_start3A_122] : memref<100001x128xf32, #tpu.memory_space<hbm>> -> memref<100001x128xf32, #tpu.memory_space<hbm>>
    tpu.enqueue_indirect_dma source(%dma_start3A_123 : memref<100001x128xf32, #tpu.memory_space<hbm>>) target(%dma_start3A_118 : memref<128x128xf32, #tpu.memory_space<vmem>>) offsets(%dma_start3A_120 : memref<128xi32, #tpu.memory_space<vmem>>) semaphore(%arg25 : memref<!tpu.dma_semaphore, #tpu.memory_space<semaphore_mem>>) {add = true}
    %dma_start3A_124 = arith.constant 0 : i32
    %dma_start3A_125 = arith.constant 0 : i32
    %dma_start3A_126 = arith.constant 0 : i32
    %dma_start3A_127 = tpu.memref_slice %arg15[%dma_start3A_124, %dma_start3A_125, %dma_start3A_126] : memref<3x128x128xf32, #tpu.memory_space<vmem>> -> memref<1x128x128xf32, #tpu.memory_space<vmem>>
    %dma_start3A_128 = tpu.memref_squeeze %dma_start3A_127 : memref<1x128x128xf32, #tpu.memory_space<vmem>> -> memref<128x128xf32, #tpu.memory_space<vmem>>
    %dma_start3A_129 = arith.constant 256 : i32
    %dma_start3A_130 = tpu.memref_slice %arg8[%dma_start3A_129] : memref<1152xi32, #tpu.memory_space<vmem>> -> memref<128xi32, #tpu.memory_space<vmem>>
    %dma_start3A_131 = arith.constant 0 : i32
    %dma_start3A_132 = arith.constant 0 : i32
    %dma_start3A_133 = tpu.memref_slice %arg4[%dma_start3A_131, %dma_start3A_132] : memref<100001x128xf32, #tpu.memory_space<hbm>> -> memref<100001x128xf32, #tpu.memory_space<hbm>>
    tpu.enqueue_indirect_dma source(%dma_start3A_133 : memref<100001x128xf32, #tpu.memory_space<hbm>>) target(%dma_start3A_128 : memref<128x128xf32, #tpu.memory_space<vmem>>) offsets(%dma_start3A_130 : memref<128xi32, #tpu.memory_space<vmem>>) semaphore(%arg25 : memref<!tpu.dma_semaphore, #tpu.memory_space<semaphore_mem>>) {add = true}
    %dma_start3A_134 = arith.constant 0 : i32
    %dma_start3A_135 = arith.constant 0 : i32
    %dma_start3A_136 = arith.constant 0 : i32
    %dma_start3A_137 = tpu.memref_slice %arg15[%dma_start3A_134, %dma_start3A_135, %dma_start3A_136] : memref<3x128x128xf32, #tpu.memory_space<vmem>> -> memref<1x128x128xf32, #tpu.memory_space<vmem>>
    %dma_start3A_138 = tpu.memref_squeeze %dma_start3A_137 : memref<1x128x128xf32, #tpu.memory_space<vmem>> -> memref<128x128xf32, #tpu.memory_space<vmem>>
    %dma_start3A_139 = arith.constant 384 : i32
    %dma_start3A_140 = tpu.memref_slice %arg8[%dma_start3A_139] : memref<1152xi32, #tpu.memory_space<vmem>> -> memref<128xi32, #tpu.memory_space<vmem>>
    %dma_start3A_141 = arith.constant 0 : i32
    %dma_start3A_142 = arith.constant 0 : i32
    %dma_start3A_143 = tpu.memref_slice %arg4[%dma_start3A_141, %dma_start3A_142] : memref<100001x128xf32, #tpu.memory_space<hbm>> -> memref<100001x128xf32, #tpu.memory_space<hbm>>
    tpu.enqueue_indirect_dma source(%dma_start3A_143 : memref<100001x128xf32, #tpu.memory_space<hbm>>) target(%dma_start3A_138 : memref<128x128xf32, #tpu.memory_space<vmem>>) offsets(%dma_start3A_140 : memref<128xi32, #tpu.memory_space<vmem>>) semaphore(%arg25 : memref<!tpu.dma_semaphore, #tpu.memory_space<semaphore_mem>>) {add = true}
    %dma_start3A_144 = arith.constant 0 : i32
    %dma_start3A_145 = arith.constant 0 : i32
    %dma_start3A_146 = arith.constant 0 : i32
    %dma_start3A_147 = tpu.memref_slice %arg15[%dma_start3A_144, %dma_start3A_145, %dma_start3A_146] : memref<3x128x128xf32, #tpu.memory_space<vmem>> -> memref<1x128x128xf32, #tpu.memory_space<vmem>>
    %dma_start3A_148 = tpu.memref_squeeze %dma_start3A_147 : memref<1x128x128xf32, #tpu.memory_space<vmem>> -> memref<128x128xf32, #tpu.memory_space<vmem>>
    %dma_start3A_149 = arith.constant 512 : i32
    %dma_start3A_150 = tpu.memref_slice %arg8[%dma_start3A_149] : memref<1152xi32, #tpu.memory_space<vmem>> -> memref<128xi32, #tpu.memory_space<vmem>>
    %dma_start3A_151 = arith.constant 0 : i32
    %dma_start3A_152 = arith.constant 0 : i32
    %dma_start3A_153 = tpu.memref_slice %arg4[%dma_start3A_151, %dma_start3A_152] : memref<100001x128xf32, #tpu.memory_space<hbm>> -> memref<100001x128xf32, #tpu.memory_space<hbm>>
    tpu.enqueue_indirect_dma source(%dma_start3A_153 : memref<100001x128xf32, #tpu.memory_space<hbm>>) target(%dma_start3A_148 : memref<128x128xf32, #tpu.memory_space<vmem>>) offsets(%dma_start3A_150 : memref<128xi32, #tpu.memory_space<vmem>>) semaphore(%arg25 : memref<!tpu.dma_semaphore, #tpu.memory_space<semaphore_mem>>) {add = true}
    %dma_start3A_154 = arith.constant 0 : i32
    %dma_start3A_155 = arith.constant 0 : i32
    %dma_start3A_156 = arith.constant 0 : i32
    %dma_start3A_157 = tpu.memref_slice %arg15[%dma_start3A_154, %dma_start3A_155, %dma_start3A_156] : memref<3x128x128xf32, #tpu.memory_space<vmem>> -> memref<1x128x128xf32, #tpu.memory_space<vmem>>
    %dma_start3A_158 = tpu.memref_squeeze %dma_start3A_157 : memref<1x128x128xf32, #tpu.memory_space<vmem>> -> memref<128x128xf32, #tpu.memory_space<vmem>>
    %dma_start3A_159 = arith.constant 640 : i32
    %dma_start3A_160 = tpu.memref_slice %arg8[%dma_start3A_159] : memref<1152xi32, #tpu.memory_space<vmem>> -> memref<128xi32, #tpu.memory_space<vmem>>
    %dma_start3A_161 = arith.constant 0 : i32
    %dma_start3A_162 = arith.constant 0 : i32
    %dma_start3A_163 = tpu.memref_slice %arg4[%dma_start3A_161, %dma_start3A_162] : memref<100001x128xf32, #tpu.memory_space<hbm>> -> memref<100001x128xf32, #tpu.memory_space<hbm>>
    tpu.enqueue_indirect_dma source(%dma_start3A_163 : memref<100001x128xf32, #tpu.memory_space<hbm>>) target(%dma_start3A_158 : memref<128x128xf32, #tpu.memory_space<vmem>>) offsets(%dma_start3A_160 : memref<128xi32, #tpu.memory_space<vmem>>) semaphore(%arg25 : memref<!tpu.dma_semaphore, #tpu.memory_space<semaphore_mem>>) {add = true}
    %dma_start3A_164 = arith.constant 0 : i32
    %dma_start3A_165 = arith.constant 0 : i32
    %dma_start3A_166 = arith.constant 0 : i32
    %dma_start3A_167 = tpu.memref_slice %arg15[%dma_start3A_164, %dma_start3A_165, %dma_start3A_166] : memref<3x128x128xf32, #tpu.memory_space<vmem>> -> memref<1x128x128xf32, #tpu.memory_space<vmem>>
    %dma_start3A_168 = tpu.memref_squeeze %dma_start3A_167 : memref<1x128x128xf32, #tpu.memory_space<vmem>> -> memref<128x128xf32, #tpu.memory_space<vmem>>
    %dma_start3A_169 = arith.constant 768 : i32
    %dma_start3A_170 = tpu.memref_slice %arg8[%dma_start3A_169] : memref<1152xi32, #tpu.memory_space<vmem>> -> memref<128xi32, #tpu.memory_space<vmem>>
    %dma_start3A_171 = arith.constant 0 : i32
    %dma_start3A_172 = arith.constant 0 : i32
    %dma_start3A_173 = tpu.memref_slice %arg4[%dma_start3A_171, %dma_start3A_172] : memref<100001x128xf32, #tpu.memory_space<hbm>> -> memref<100001x128xf32, #tpu.memory_space<hbm>>
    tpu.enqueue_indirect_dma source(%dma_start3A_173 : memref<100001x128xf32, #tpu.memory_space<hbm>>) target(%dma_start3A_168 : memref<128x128xf32, #tpu.memory_space<vmem>>) offsets(%dma_start3A_170 : memref<128xi32, #tpu.memory_space<vmem>>) semaphore(%arg25 : memref<!tpu.dma_semaphore, #tpu.memory_space<semaphore_mem>>) {add = true}
    %dma_start3A_174 = arith.constant 0 : i32
    %dma_start3A_175 = arith.constant 0 : i32
    %dma_start3A_176 = arith.constant 0 : i32
    %dma_start3A_177 = tpu.memref_slice %arg15[%dma_start3A_174, %dma_start3A_175, %dma_start3A_176] : memref<3x128x128xf32, #tpu.memory_space<vmem>> -> memref<1x128x128xf32, #tpu.memory_space<vmem>>
    %dma_start3A_178 = tpu.memref_squeeze %dma_start3A_177 : memref<1x128x128xf32, #tpu.memory_space<vmem>> -> memref<128x128xf32, #tpu.memory_space<vmem>>
    %dma_start3A_179 = arith.constant 896 : i32
    %dma_start3A_180 = tpu.memref_slice %arg8[%dma_start3A_179] : memref<1152xi32, #tpu.memory_space<vmem>> -> memref<128xi32, #tpu.memory_space<vmem>>
    %dma_start3A_181 = arith.constant 0 : i32
    %dma_start3A_182 = arith.constant 0 : i32
    %dma_start3A_183 = tpu.memref_slice %arg4[%dma_start3A_181, %dma_start3A_182] : memref<100001x128xf32, #tpu.memory_space<hbm>> -> memref<100001x128xf32, #tpu.memory_space<hbm>>
    tpu.enqueue_indirect_dma source(%dma_start3A_183 : memref<100001x128xf32, #tpu.memory_space<hbm>>) target(%dma_start3A_178 : memref<128x128xf32, #tpu.memory_space<vmem>>) offsets(%dma_start3A_180 : memref<128xi32, #tpu.memory_space<vmem>>) semaphore(%arg25 : memref<!tpu.dma_semaphore, #tpu.memory_space<semaphore_mem>>) {add = true}
    %dma_start3A_184 = arith.constant 0 : i32
    %dma_start3A_185 = arith.constant 0 : i32
    %dma_start3A_186 = arith.constant 0 : i32
    %dma_start3A_187 = tpu.memref_slice %arg15[%dma_start3A_184, %dma_start3A_185, %dma_start3A_186] : memref<3x128x128xf32, #tpu.memory_space<vmem>> -> memref<1x128x128xf32, #tpu.memory_space<vmem>>
    %dma_start3A_188 = tpu.memref_squeeze %dma_start3A_187 : memref<1x128x128xf32, #tpu.memory_space<vmem>> -> memref<128x128xf32, #tpu.memory_space<vmem>>
    %dma_start3A_189 = arith.constant 1024 : i32
    %dma_start3A_190 = tpu.memref_slice %arg8[%dma_start3A_189] : memref<1152xi32, #tpu.memory_space<vmem>> -> memref<128xi32, #tpu.memory_space<vmem>>
    %dma_start3A_191 = arith.constant 0 : i32
    %dma_start3A_192 = arith.constant 0 : i32
    %dma_start3A_193 = tpu.memref_slice %arg4[%dma_start3A_191, %dma_start3A_192] : memref<100001x128xf32, #tpu.memory_space<hbm>> -> memref<100001x128xf32, #tpu.memory_space<hbm>>
    tpu.enqueue_indirect_dma source(%dma_start3A_193 : memref<100001x128xf32, #tpu.memory_space<hbm>>) target(%dma_start3A_188 : memref<128x128xf32, #tpu.memory_space<vmem>>) offsets(%dma_start3A_190 : memref<128xi32, #tpu.memory_space<vmem>>) semaphore(%arg25 : memref<!tpu.dma_semaphore, #tpu.memory_space<semaphore_mem>>) {add = true}
    "tpu.region"() ({
      %run_scoped3A = tpu.sem_alloc : memref<!tpu.dma_semaphore, #tpu.memory_space<semaphore_mem>>
      %dma_start3A_2979 = arith.constant 0 : i32
      %dma_start3A_2980 = arith.constant 0 : i32
      %dma_start3A_2981 = tpu.memref_slice %arg17[%dma_start3A_2979, %dma_start3A_2980] : memref<16x128xf32, #tpu.memory_space<vmem>> -> memref<1x128xf32, #tpu.memory_space<vmem>>
      %dma_start3A_2982 = arith.constant 0 : i32
      %dma_start3A_2983 = arith.constant 0 : i32
      %dma_start3A_2984 = tpu.memref_slice %arg17[%dma_start3A_2982, %dma_start3A_2983] : memref<16x128xf32, #tpu.memory_space<vmem>> -> memref<1x128xf32, #tpu.memory_space<vmem>>
      tpu.enqueue_dma source(%arg6 : memref<1x128xf32, #tpu.memory_space<hbm>>) target(%dma_start3A_2984 : memref<1x128xf32, #tpu.memory_space<vmem>>) target_semaphore(%run_scoped3A : memref<!tpu.dma_semaphore, #tpu.memory_space<semaphore_mem>>)
      %dma_wait3A_2985 = arith.constant 0 : i32
      %dma_wait3A_2986 = arith.constant 0 : i32
      %dma_wait3A_2987 = tpu.memref_slice %arg17[%dma_wait3A_2985, %dma_wait3A_2986] : memref<16x128xf32, #tpu.memory_space<vmem>> -> memref<1x128xf32, #tpu.memory_space<vmem>>
      %dma_wait3A_2988 = arith.constant 0 : i32
      %dma_wait3A_2989 = arith.constant 0 : i32
      %dma_wait3A_2990 = tpu.memref_slice %arg17[%dma_wait3A_2988, %dma_wait3A_2989] : memref<16x128xf32, #tpu.memory_space<vmem>> -> memref<1x128xf32, #tpu.memory_space<vmem>>
      tpu.wait_dma2 semaphore(%run_scoped3A : memref<!tpu.dma_semaphore, #tpu.memory_space<semaphore_mem>>) src(%arg6 : memref<1x128xf32, #tpu.memory_space<hbm>>) dst(%dma_wait3A_2990 : memref<1x128xf32, #tpu.memory_space<vmem>>)
      tpu.yield
    }) : () -> ()
    %get3A = arith.constant 0 : i32
    %get3A_194 = arith.index_cast %get3A : i32 to index
    %get3A_195 = arith.constant 0 : index
    %get3A_196 = tpu.vector_load %arg17[%get3A_194, %get3A_195] {strides = array<i32>} : memref<16x128xf32, #tpu.memory_space<vmem>>, vector<1x16xf32>,
    %get3A_197 = vector.shape_cast %get3A_196 : vector<1x16xf32> to vector<16xf32>
    %swap3A_198 = arith.constant 1 : i32
    %swap3A_199 = arith.index_cast %swap3A_198 : i32 to index
    %swap3A_200 = arith.constant 0 : index
    %swap3A_201 = tpu.vector_load %arg17[%swap3A_199, %swap3A_200] {strides = array<i32>} : memref<16x128xf32, #tpu.memory_space<vmem>>, vector<1x16xf32>,
    %swap3A_202 = vector.shape_cast %swap3A_201 : vector<1x16xf32> to vector<16xf32>
    %swap3A_203 = vector.shape_cast %get3A_197 : vector<16xf32> to vector<1x16xf32>
    tpu.vector_store %arg17[%swap3A_199, %swap3A_200], %swap3A_203 {strides = array<i32>} : memref<16x128xf32, #tpu.memory_space<vmem>>, vector<1x16xf32>,
    %swap3A_204 = arith.constant 2 : i32
    %swap3A_205 = arith.index_cast %swap3A_204 : i32 to index
    %swap3A_206 = arith.constant 0 : index
    %swap3A_207 = tpu.vector_load %arg17[%swap3A_205, %swap3A_206] {strides = array<i32>} : memref<16x128xf32, #tpu.memory_space<vmem>>, vector<1x16xf32>,
    %swap3A_208 = vector.shape_cast %swap3A_207 : vector<1x16xf32> to vector<16xf32>
    %swap3A_209 = vector.shape_cast %get3A_197 : vector<16xf32> to vector<1x16xf32>
    tpu.vector_store %arg17[%swap3A_205, %swap3A_206], %swap3A_209 {strides = array<i32>} : memref<16x128xf32, #tpu.memory_space<vmem>>, vector<1x16xf32>,
    %swap3A_210 = arith.constant 3 : i32
    %swap3A_211 = arith.index_cast %swap3A_210 : i32 to index
    %swap3A_212 = arith.constant 0 : index
    %swap3A_213 = tpu.vector_load %arg17[%swap3A_211, %swap3A_212] {strides = array<i32>} : memref<16x128xf32, #tpu.memory_space<vmem>>, vector<1x16xf32>,
    %swap3A_214 = vector.shape_cast %swap3A_213 : vector<1x16xf32> to vector<16xf32>
    %swap3A_215 = vector.shape_cast %get3A_197 : vector<16xf32> to vector<1x16xf32>
    tpu.vector_store %arg17[%swap3A_211, %swap3A_212], %swap3A_215 {strides = array<i32>} : memref<16x128xf32, #tpu.memory_space<vmem>>, vector<1x16xf32>,
    %swap3A_216 = arith.constant 4 : i32
    %swap3A_217 = arith.index_cast %swap3A_216 : i32 to index
    %swap3A_218 = arith.constant 0 : index
    %swap3A_219 = tpu.vector_load %arg17[%swap3A_217, %swap3A_218] {strides = array<i32>} : memref<16x128xf32, #tpu.memory_space<vmem>>, vector<1x16xf32>,
    %swap3A_220 = vector.shape_cast %swap3A_219 : vector<1x16xf32> to vector<16xf32>
    %swap3A_221 = vector.shape_cast %get3A_197 : vector<16xf32> to vector<1x16xf32>
    tpu.vector_store %arg17[%swap3A_217, %swap3A_218], %swap3A_221 {strides = array<i32>} : memref<16x128xf32, #tpu.memory_space<vmem>>, vector<1x16xf32>,
    %swap3A_222 = arith.constant 5 : i32
    %swap3A_223 = arith.index_cast %swap3A_222 : i32 to index
    %swap3A_224 = arith.constant 0 : index
    %swap3A_225 = tpu.vector_load %arg17[%swap3A_223, %swap3A_224] {strides = array<i32>} : memref<16x128xf32, #tpu.memory_space<vmem>>, vector<1x16xf32>,
    %swap3A_226 = vector.shape_cast %swap3A_225 : vector<1x16xf32> to vector<16xf32>
    %swap3A_227 = vector.shape_cast %get3A_197 : vector<16xf32> to vector<1x16xf32>
    tpu.vector_store %arg17[%swap3A_223, %swap3A_224], %swap3A_227 {strides = array<i32>} : memref<16x128xf32, #tpu.memory_space<vmem>>, vector<1x16xf32>,
    %swap3A_228 = arith.constant 6 : i32
    %swap3A_229 = arith.index_cast %swap3A_228 : i32 to index
    %swap3A_230 = arith.constant 0 : index
    %swap3A_231 = tpu.vector_load %arg17[%swap3A_229, %swap3A_230] {strides = array<i32>} : memref<16x128xf32, #tpu.memory_space<vmem>>, vector<1x16xf32>,
    %swap3A_232 = vector.shape_cast %swap3A_231 : vector<1x16xf32> to vector<16xf32>
    %swap3A_233 = vector.shape_cast %get3A_197 : vector<16xf32> to vector<1x16xf32>
    tpu.vector_store %arg17[%swap3A_229, %swap3A_230], %swap3A_233 {strides = array<i32>} : memref<16x128xf32, #tpu.memory_space<vmem>>, vector<1x16xf32>,
    %swap3A_234 = arith.constant 7 : i32
    %swap3A_235 = arith.index_cast %swap3A_234 : i32 to index
    %swap3A_236 = arith.constant 0 : index
    %swap3A_237 = tpu.vector_load %arg17[%swap3A_235, %swap3A_236] {strides = array<i32>} : memref<16x128xf32, #tpu.memory_space<vmem>>, vector<1x16xf32>,
    %swap3A_238 = vector.shape_cast %swap3A_237 : vector<1x16xf32> to vector<16xf32>
    %swap3A_239 = vector.shape_cast %get3A_197 : vector<16xf32> to vector<1x16xf32>
    tpu.vector_store %arg17[%swap3A_235, %swap3A_236], %swap3A_239 {strides = array<i32>} : memref<16x128xf32, #tpu.memory_space<vmem>>, vector<1x16xf32>,
    %swap3A_240 = arith.constant 8 : i32
    %swap3A_241 = arith.index_cast %swap3A_240 : i32 to index
    %swap3A_242 = arith.constant 0 : index
    %swap3A_243 = tpu.vector_load %arg17[%swap3A_241, %swap3A_242] {strides = array<i32>} : memref<16x128xf32, #tpu.memory_space<vmem>>, vector<1x16xf32>,
    %swap3A_244 = vector.shape_cast %swap3A_243 : vector<1x16xf32> to vector<16xf32>
    %swap3A_245 = vector.shape_cast %get3A_197 : vector<16xf32> to vector<1x16xf32>
    tpu.vector_store %arg17[%swap3A_241, %swap3A_242], %swap3A_245 {strides = array<i32>} : memref<16x128xf32, #tpu.memory_space<vmem>>, vector<1x16xf32>,
    %swap3A_246 = arith.constant 9 : i32
    %swap3A_247 = arith.index_cast %swap3A_246 : i32 to index
    %swap3A_248 = arith.constant 0 : index
    %swap3A_249 = tpu.vector_load %arg17[%swap3A_247, %swap3A_248] {strides = array<i32>} : memref<16x128xf32, #tpu.memory_space<vmem>>, vector<1x16xf32>,
    %swap3A_250 = vector.shape_cast %swap3A_249 : vector<1x16xf32> to vector<16xf32>
    %swap3A_251 = vector.shape_cast %get3A_197 : vector<16xf32> to vector<1x16xf32>
    tpu.vector_store %arg17[%swap3A_247, %swap3A_248], %swap3A_251 {strides = array<i32>} : memref<16x128xf32, #tpu.memory_space<vmem>>, vector<1x16xf32>,
    %swap3A_252 = arith.constant 10 : i32
    %swap3A_253 = arith.index_cast %swap3A_252 : i32 to index
    %swap3A_254 = arith.constant 0 : index
    %swap3A_255 = tpu.vector_load %arg17[%swap3A_253, %swap3A_254] {strides = array<i32>} : memref<16x128xf32, #tpu.memory_space<vmem>>, vector<1x16xf32>,
    %swap3A_256 = vector.shape_cast %swap3A_255 : vector<1x16xf32> to vector<16xf32>
    %swap3A_257 = vector.shape_cast %get3A_197 : vector<16xf32> to vector<1x16xf32>
    tpu.vector_store %arg17[%swap3A_253, %swap3A_254], %swap3A_257 {strides = array<i32>} : memref<16x128xf32, #tpu.memory_space<vmem>>, vector<1x16xf32>,
    %swap3A_258 = arith.constant 11 : i32
    %swap3A_259 = arith.index_cast %swap3A_258 : i32 to index
    %swap3A_260 = arith.constant 0 : index
    %swap3A_261 = tpu.vector_load %arg17[%swap3A_259, %swap3A_260] {strides = array<i32>} : memref<16x128xf32, #tpu.memory_space<vmem>>, vector<1x16xf32>,
    %swap3A_262 = vector.shape_cast %swap3A_261 : vector<1x16xf32> to vector<16xf32>
    %swap3A_263 = vector.shape_cast %get3A_197 : vector<16xf32> to vector<1x16xf32>
    tpu.vector_store %arg17[%swap3A_259, %swap3A_260], %swap3A_263 {strides = array<i32>} : memref<16x128xf32, #tpu.memory_space<vmem>>, vector<1x16xf32>,
    %swap3A_264 = arith.constant 12 : i32
    %swap3A_265 = arith.index_cast %swap3A_264 : i32 to index
    %swap3A_266 = arith.constant 0 : index
    %swap3A_267 = tpu.vector_load %arg17[%swap3A_265, %swap3A_266] {strides = array<i32>} : memref<16x128xf32, #tpu.memory_space<vmem>>, vector<1x16xf32>,
    %swap3A_268 = vector.shape_cast %swap3A_267 : vector<1x16xf32> to vector<16xf32>
    %swap3A_269 = vector.shape_cast %get3A_197 : vector<16xf32> to vector<1x16xf32>
    tpu.vector_store %arg17[%swap3A_265, %swap3A_266], %swap3A_269 {strides = array<i32>} : memref<16x128xf32, #tpu.memory_space<vmem>>, vector<1x16xf32>,
    %swap3A_270 = arith.constant 13 : i32
    %swap3A_271 = arith.index_cast %swap3A_270 : i32 to index
    %swap3A_272 = arith.constant 0 : index
    %swap3A_273 = tpu.vector_load %arg17[%swap3A_271, %swap3A_272] {strides = array<i32>} : memref<16x128xf32, #tpu.memory_space<vmem>>, vector<1x16xf32>,
    %swap3A_274 = vector.shape_cast %swap3A_273 : vector<1x16xf32> to vector<16xf32>
    %swap3A_275 = vector.shape_cast %get3A_197 : vector<16xf32> to vector<1x16xf32>
    tpu.vector_store %arg17[%swap3A_271, %swap3A_272], %swap3A_275 {strides = array<i32>} : memref<16x128xf32, #tpu.memory_space<vmem>>, vector<1x16xf32>,
    %swap3A_276 = arith.constant 14 : i32
    %swap3A_277 = arith.index_cast %swap3A_276 : i32 to index
    %swap3A_278 = arith.constant 0 : index
    %swap3A_279 = tpu.vector_load %arg17[%swap3A_277, %swap3A_278] {strides = array<i32>} : memref<16x128xf32, #tpu.memory_space<vmem>>, vector<1x16xf32>,
    %swap3A_280 = vector.shape_cast %swap3A_279 : vector<1x16xf32> to vector<16xf32>
    %swap3A_281 = vector.shape_cast %get3A_197 : vector<16xf32> to vector<1x16xf32>
    tpu.vector_store %arg17[%swap3A_277, %swap3A_278], %swap3A_281 {strides = array<i32>} : memref<16x128xf32, #tpu.memory_space<vmem>>, vector<1x16xf32>,
    %swap3A_282 = arith.constant 15 : i32
    %swap3A_283 = arith.index_cast %swap3A_282 : i32 to index
    %swap3A_284 = arith.constant 0 : index
    %swap3A_285 = tpu.vector_load %arg17[%swap3A_283, %swap3A_284] {strides = array<i32>} : memref<16x128xf32, #tpu.memory_space<vmem>>, vector<1x16xf32>,
    %swap3A_286 = vector.shape_cast %swap3A_285 : vector<1x16xf32> to vector<16xf32>
    %swap3A_287 = vector.shape_cast %get3A_197 : vector<16xf32> to vector<1x16xf32>
    tpu.vector_store %arg17[%swap3A_283, %swap3A_284], %swap3A_287 {strides = array<i32>} : memref<16x128xf32, #tpu.memory_space<vmem>>, vector<1x16xf32>,
    %get3A_288 = arith.constant 0 : i32
    %get3A_289 = arith.index_cast %get3A_288 : i32 to index
    %get3A_290 = arith.constant 16 : index
    %get3A_291 = tpu.vector_load %arg17[%get3A_289, %get3A_290] {strides = array<i32>} : memref<16x128xf32, #tpu.memory_space<vmem>>, vector<1x16xf32>,
    %get3A_292 = vector.shape_cast %get3A_291 : vector<1x16xf32> to vector<16xf32>
    %swap3A_293 = arith.constant 1 : i32
    %swap3A_294 = arith.index_cast %swap3A_293 : i32 to index
    %swap3A_295 = arith.constant 16 : index
    %swap3A_296 = tpu.vector_load %arg17[%swap3A_294, %swap3A_295] {strides = array<i32>} : memref<16x128xf32, #tpu.memory_space<vmem>>, vector<1x16xf32>,
    %swap3A_297 = vector.shape_cast %swap3A_296 : vector<1x16xf32> to vector<16xf32>
    %swap3A_298 = vector.shape_cast %get3A_292 : vector<16xf32> to vector<1x16xf32>
    tpu.vector_store %arg17[%swap3A_294, %swap3A_295], %swap3A_298 {strides = array<i32>} : memref<16x128xf32, #tpu.memory_space<vmem>>, vector<1x16xf32>,
    %swap3A_299 = arith.constant 2 : i32
    %swap3A_300 = arith.index_cast %swap3A_299 : i32 to index
    %swap3A_301 = arith.constant 16 : index
    %swap3A_302 = tpu.vector_load %arg17[%swap3A_300, %swap3A_301] {strides = array<i32>} : memref<16x128xf32, #tpu.memory_space<vmem>>, vector<1x16xf32>,
    %swap3A_303 = vector.shape_cast %swap3A_302 : vector<1x16xf32> to vector<16xf32>
    %swap3A_304 = vector.shape_cast %get3A_292 : vector<16xf32> to vector<1x16xf32>
    tpu.vector_store %arg17[%swap3A_300, %swap3A_301], %swap3A_304 {strides = array<i32>} : memref<16x128xf32, #tpu.memory_space<vmem>>, vector<1x16xf32>,
    %swap3A_305 = arith.constant 3 : i32
    %swap3A_306 = arith.index_cast %swap3A_305 : i32 to index
    %swap3A_307 = arith.constant 16 : index
    %swap3A_308 = tpu.vector_load %arg17[%swap3A_306, %swap3A_307] {strides = array<i32>} : memref<16x128xf32, #tpu.memory_space<vmem>>, vector<1x16xf32>,
    %swap3A_309 = vector.shape_cast %swap3A_308 : vector<1x16xf32> to vector<16xf32>
    %swap3A_310 = vector.shape_cast %get3A_292 : vector<16xf32> to vector<1x16xf32>
    tpu.vector_store %arg17[%swap3A_306, %swap3A_307], %swap3A_310 {strides = array<i32>} : memref<16x128xf32, #tpu.memory_space<vmem>>, vector<1x16xf32>,
    %swap3A_311 = arith.constant 4 : i32
    %swap3A_312 = arith.index_cast %swap3A_311 : i32 to index
    %swap3A_313 = arith.constant 16 : index
    %swap3A_314 = tpu.vector_load %arg17[%swap3A_312, %swap3A_313] {strides = array<i32>} : memref<16x128xf32, #tpu.memory_space<vmem>>, vector<1x16xf32>,
    %swap3A_315 = vector.shape_cast %swap3A_314 : vector<1x16xf32> to vector<16xf32>
    %swap3A_316 = vector.shape_cast %get3A_292 : vector<16xf32> to vector<1x16xf32>
    tpu.vector_store %arg17[%swap3A_312, %swap3A_313], %swap3A_316 {strides = array<i32>} : memref<16x128xf32, #tpu.memory_space<vmem>>, vector<1x16xf32>,
    %swap3A_317 = arith.constant 5 : i32
    %swap3A_318 = arith.index_cast %swap3A_317 : i32 to index
    %swap3A_319 = arith.constant 16 : index
    %swap3A_320 = tpu.vector_load %arg17[%swap3A_318, %swap3A_319] {strides = array<i32>} : memref<16x128xf32, #tpu.memory_space<vmem>>, vector<1x16xf32>,
    %swap3A_321 = vector.shape_cast %swap3A_320 : vector<1x16xf32> to vector<16xf32>
    %swap3A_322 = vector.shape_cast %get3A_292 : vector<16xf32> to vector<1x16xf32>
    tpu.vector_store %arg17[%swap3A_318, %swap3A_319], %swap3A_322 {strides = array<i32>} : memref<16x128xf32, #tpu.memory_space<vmem>>, vector<1x16xf32>,
    %swap3A_323 = arith.constant 6 : i32
    %swap3A_324 = arith.index_cast %swap3A_323 : i32 to index
    %swap3A_325 = arith.constant 16 : index
    %swap3A_326 = tpu.vector_load %arg17[%swap3A_324, %swap3A_325] {strides = array<i32>} : memref<16x128xf32, #tpu.memory_space<vmem>>, vector<1x16xf32>,
    %swap3A_327 = vector.shape_cast %swap3A_326 : vector<1x16xf32> to vector<16xf32>
    %swap3A_328 = vector.shape_cast %get3A_292 : vector<16xf32> to vector<1x16xf32>
    tpu.vector_store %arg17[%swap3A_324, %swap3A_325], %swap3A_328 {strides = array<i32>} : memref<16x128xf32, #tpu.memory_space<vmem>>, vector<1x16xf32>,
    %swap3A_329 = arith.constant 7 : i32
    %swap3A_330 = arith.index_cast %swap3A_329 : i32 to index
    %swap3A_331 = arith.constant 16 : index
    %swap3A_332 = tpu.vector_load %arg17[%swap3A_330, %swap3A_331] {strides = array<i32>} : memref<16x128xf32, #tpu.memory_space<vmem>>, vector<1x16xf32>,
    %swap3A_333 = vector.shape_cast %swap3A_332 : vector<1x16xf32> to vector<16xf32>
    %swap3A_334 = vector.shape_cast %get3A_292 : vector<16xf32> to vector<1x16xf32>
    tpu.vector_store %arg17[%swap3A_330, %swap3A_331], %swap3A_334 {strides = array<i32>} : memref<16x128xf32, #tpu.memory_space<vmem>>, vector<1x16xf32>,
    %swap3A_335 = arith.constant 8 : i32
    %swap3A_336 = arith.index_cast %swap3A_335 : i32 to index
    %swap3A_337 = arith.constant 16 : index
    %swap3A_338 = tpu.vector_load %arg17[%swap3A_336, %swap3A_337] {strides = array<i32>} : memref<16x128xf32, #tpu.memory_space<vmem>>, vector<1x16xf32>,
    %swap3A_339 = vector.shape_cast %swap3A_338 : vector<1x16xf32> to vector<16xf32>
    %swap3A_340 = vector.shape_cast %get3A_292 : vector<16xf32> to vector<1x16xf32>
    tpu.vector_store %arg17[%swap3A_336, %swap3A_337], %swap3A_340 {strides = array<i32>} : memref<16x128xf32, #tpu.memory_space<vmem>>, vector<1x16xf32>,
    %swap3A_341 = arith.constant 9 : i32
    %swap3A_342 = arith.index_cast %swap3A_341 : i32 to index
    %swap3A_343 = arith.constant 16 : index
    %swap3A_344 = tpu.vector_load %arg17[%swap3A_342, %swap3A_343] {strides = array<i32>} : memref<16x128xf32, #tpu.memory_space<vmem>>, vector<1x16xf32>,
    %swap3A_345 = vector.shape_cast %swap3A_344 : vector<1x16xf32> to vector<16xf32>
    %swap3A_346 = vector.shape_cast %get3A_292 : vector<16xf32> to vector<1x16xf32>
    tpu.vector_store %arg17[%swap3A_342, %swap3A_343], %swap3A_346 {strides = array<i32>} : memref<16x128xf32, #tpu.memory_space<vmem>>, vector<1x16xf32>,
    %swap3A_347 = arith.constant 10 : i32
    %swap3A_348 = arith.index_cast %swap3A_347 : i32 to index
    %swap3A_349 = arith.constant 16 : index
    %swap3A_350 = tpu.vector_load %arg17[%swap3A_348, %swap3A_349] {strides = array<i32>} : memref<16x128xf32, #tpu.memory_space<vmem>>, vector<1x16xf32>,
    %swap3A_351 = vector.shape_cast %swap3A_350 : vector<1x16xf32> to vector<16xf32>
    %swap3A_352 = vector.shape_cast %get3A_292 : vector<16xf32> to vector<1x16xf32>
    tpu.vector_store %arg17[%swap3A_348, %swap3A_349], %swap3A_352 {strides = array<i32>} : memref<16x128xf32, #tpu.memory_space<vmem>>, vector<1x16xf32>,
    %swap3A_353 = arith.constant 11 : i32
    %swap3A_354 = arith.index_cast %swap3A_353 : i32 to index
    %swap3A_355 = arith.constant 16 : index
    %swap3A_356 = tpu.vector_load %arg17[%swap3A_354, %swap3A_355] {strides = array<i32>} : memref<16x128xf32, #tpu.memory_space<vmem>>, vector<1x16xf32>,
    %swap3A_357 = vector.shape_cast %swap3A_356 : vector<1x16xf32> to vector<16xf32>
    %swap3A_358 = vector.shape_cast %get3A_292 : vector<16xf32> to vector<1x16xf32>
    tpu.vector_store %arg17[%swap3A_354, %swap3A_355], %swap3A_358 {strides = array<i32>} : memref<16x128xf32, #tpu.memory_space<vmem>>, vector<1x16xf32>,
    %swap3A_359 = arith.constant 12 : i32
    %swap3A_360 = arith.index_cast %swap3A_359 : i32 to index
    %swap3A_361 = arith.constant 16 : index
    %swap3A_362 = tpu.vector_load %arg17[%swap3A_360, %swap3A_361] {strides = array<i32>} : memref<16x128xf32, #tpu.memory_space<vmem>>, vector<1x16xf32>,
    %swap3A_363 = vector.shape_cast %swap3A_362 : vector<1x16xf32> to vector<16xf32>
    %swap3A_364 = vector.shape_cast %get3A_292 : vector<16xf32> to vector<1x16xf32>
    tpu.vector_store %arg17[%swap3A_360, %swap3A_361], %swap3A_364 {strides = array<i32>} : memref<16x128xf32, #tpu.memory_space<vmem>>, vector<1x16xf32>,
    %swap3A_365 = arith.constant 13 : i32
    %swap3A_366 = arith.index_cast %swap3A_365 : i32 to index
    %swap3A_367 = arith.constant 16 : index
    %swap3A_368 = tpu.vector_load %arg17[%swap3A_366, %swap3A_367] {strides = array<i32>} : memref<16x128xf32, #tpu.memory_space<vmem>>, vector<1x16xf32>,
    %swap3A_369 = vector.shape_cast %swap3A_368 : vector<1x16xf32> to vector<16xf32>
    %swap3A_370 = vector.shape_cast %get3A_292 : vector<16xf32> to vector<1x16xf32>
    tpu.vector_store %arg17[%swap3A_366, %swap3A_367], %swap3A_370 {strides = array<i32>} : memref<16x128xf32, #tpu.memory_space<vmem>>, vector<1x16xf32>,
    %swap3A_371 = arith.constant 14 : i32
    %swap3A_372 = arith.index_cast %swap3A_371 : i32 to index
    %swap3A_373 = arith.constant 16 : index
    %swap3A_374 = tpu.vector_load %arg17[%swap3A_372, %swap3A_373] {strides = array<i32>} : memref<16x128xf32, #tpu.memory_space<vmem>>, vector<1x16xf32>,
    %swap3A_375 = vector.shape_cast %swap3A_374 : vector<1x16xf32> to vector<16xf32>
    %swap3A_376 = vector.shape_cast %get3A_292 : vector<16xf32> to vector<1x16xf32>
    tpu.vector_store %arg17[%swap3A_372, %swap3A_373], %swap3A_376 {strides = array<i32>} : memref<16x128xf32, #tpu.memory_space<vmem>>, vector<1x16xf32>,
    %swap3A_377 = arith.constant 15 : i32
    %swap3A_378 = arith.index_cast %swap3A_377 : i32 to index
    %swap3A_379 = arith.constant 16 : index
    %swap3A_380 = tpu.vector_load %arg17[%swap3A_378, %swap3A_379] {strides = array<i32>} : memref<16x128xf32, #tpu.memory_space<vmem>>, vector<1x16xf32>,
    %swap3A_381 = vector.shape_cast %swap3A_380 : vector<1x16xf32> to vector<16xf32>
    %swap3A_382 = vector.shape_cast %get3A_292 : vector<16xf32> to vector<1x16xf32>
    tpu.vector_store %arg17[%swap3A_378, %swap3A_379], %swap3A_382 {strides = array<i32>} : memref<16x128xf32, #tpu.memory_space<vmem>>, vector<1x16xf32>,
    %get3A_383 = arith.constant 0 : i32
    %get3A_384 = arith.index_cast %get3A_383 : i32 to index
    %get3A_385 = arith.constant 32 : index
    %get3A_386 = tpu.vector_load %arg17[%get3A_384, %get3A_385] {strides = array<i32>} : memref<16x128xf32, #tpu.memory_space<vmem>>, vector<1x16xf32>,
    %get3A_387 = vector.shape_cast %get3A_386 : vector<1x16xf32> to vector<16xf32>
    %swap3A_388 = arith.constant 1 : i32
    %swap3A_389 = arith.index_cast %swap3A_388 : i32 to index
    %swap3A_390 = arith.constant 32 : index
    %swap3A_391 = tpu.vector_load %arg17[%swap3A_389, %swap3A_390] {strides = array<i32>} : memref<16x128xf32, #tpu.memory_space<vmem>>, vector<1x16xf32>,
    %swap3A_392 = vector.shape_cast %swap3A_391 : vector<1x16xf32> to vector<16xf32>
    %swap3A_393 = vector.shape_cast %get3A_387 : vector<16xf32> to vector<1x16xf32>
    tpu.vector_store %arg17[%swap3A_389, %swap3A_390], %swap3A_393 {strides = array<i32>} : memref<16x128xf32, #tpu.memory_space<vmem>>, vector<1x16xf32>,
    %swap3A_394 = arith.constant 2 : i32
    %swap3A_395 = arith.index_cast %swap3A_394 : i32 to index
    %swap3A_396 = arith.constant 32 : index
    %swap3A_397 = tpu.vector_load %arg17[%swap3A_395, %swap3A_396] {strides = array<i32>} : memref<16x128xf32, #tpu.memory_space<vmem>>, vector<1x16xf32>,
    %swap3A_398 = vector.shape_cast %swap3A_397 : vector<1x16xf32> to vector<16xf32>
    %swap3A_399 = vector.shape_cast %get3A_387 : vector<16xf32> to vector<1x16xf32>
    tpu.vector_store %arg17[%swap3A_395, %swap3A_396], %swap3A_399 {strides = array<i32>} : memref<16x128xf32, #tpu.memory_space<vmem>>, vector<1x16xf32>,
    %swap3A_400 = arith.constant 3 : i32
    %swap3A_401 = arith.index_cast %swap3A_400 : i32 to index
    %swap3A_402 = arith.constant 32 : index
    %swap3A_403 = tpu.vector_load %arg17[%swap3A_401, %swap3A_402] {strides = array<i32>} : memref<16x128xf32, #tpu.memory_space<vmem>>, vector<1x16xf32>,
    %swap3A_404 = vector.shape_cast %swap3A_403 : vector<1x16xf32> to vector<16xf32>
    %swap3A_405 = vector.shape_cast %get3A_387 : vector<16xf32> to vector<1x16xf32>
    tpu.vector_store %arg17[%swap3A_401, %swap3A_402], %swap3A_405 {strides = array<i32>} : memref<16x128xf32, #tpu.memory_space<vmem>>, vector<1x16xf32>,
    %swap3A_406 = arith.constant 4 : i32
    %swap3A_407 = arith.index_cast %swap3A_406 : i32 to index
    %swap3A_408 = arith.constant 32 : index
    %swap3A_409 = tpu.vector_load %arg17[%swap3A_407, %swap3A_408] {strides = array<i32>} : memref<16x128xf32, #tpu.memory_space<vmem>>, vector<1x16xf32>,
    %swap3A_410 = vector.shape_cast %swap3A_409 : vector<1x16xf32> to vector<16xf32>
    %swap3A_411 = vector.shape_cast %get3A_387 : vector<16xf32> to vector<1x16xf32>
    tpu.vector_store %arg17[%swap3A_407, %swap3A_408], %swap3A_411 {strides = array<i32>} : memref<16x128xf32, #tpu.memory_space<vmem>>, vector<1x16xf32>,
    %swap3A_412 = arith.constant 5 : i32
    %swap3A_413 = arith.index_cast %swap3A_412 : i32 to index
    %swap3A_414 = arith.constant 32 : index
    %swap3A_415 = tpu.vector_load %arg17[%swap3A_413, %swap3A_414] {strides = array<i32>} : memref<16x128xf32, #tpu.memory_space<vmem>>, vector<1x16xf32>,
    %swap3A_416 = vector.shape_cast %swap3A_415 : vector<1x16xf32> to vector<16xf32>
    %swap3A_417 = vector.shape_cast %get3A_387 : vector<16xf32> to vector<1x16xf32>
    tpu.vector_store %arg17[%swap3A_413, %swap3A_414], %swap3A_417 {strides = array<i32>} : memref<16x128xf32, #tpu.memory_space<vmem>>, vector<1x16xf32>,
    %swap3A_418 = arith.constant 6 : i32
    %swap3A_419 = arith.index_cast %swap3A_418 : i32 to index
    %swap3A_420 = arith.constant 32 : index
    %swap3A_421 = tpu.vector_load %arg17[%swap3A_419, %swap3A_420] {strides = array<i32>} : memref<16x128xf32, #tpu.memory_space<vmem>>, vector<1x16xf32>,
    %swap3A_422 = vector.shape_cast %swap3A_421 : vector<1x16xf32> to vector<16xf32>
    %swap3A_423 = vector.shape_cast %get3A_387 : vector<16xf32> to vector<1x16xf32>
    tpu.vector_store %arg17[%swap3A_419, %swap3A_420], %swap3A_423 {strides = array<i32>} : memref<16x128xf32, #tpu.memory_space<vmem>>, vector<1x16xf32>,
    %swap3A_424 = arith.constant 7 : i32
    %swap3A_425 = arith.index_cast %swap3A_424 : i32 to index
    %swap3A_426 = arith.constant 32 : index
    %swap3A_427 = tpu.vector_load %arg17[%swap3A_425, %swap3A_426] {strides = array<i32>} : memref<16x128xf32, #tpu.memory_space<vmem>>, vector<1x16xf32>,
    %swap3A_428 = vector.shape_cast %swap3A_427 : vector<1x16xf32> to vector<16xf32>
    %swap3A_429 = vector.shape_cast %get3A_387 : vector<16xf32> to vector<1x16xf32>
    tpu.vector_store %arg17[%swap3A_425, %swap3A_426], %swap3A_429 {strides = array<i32>} : memref<16x128xf32, #tpu.memory_space<vmem>>, vector<1x16xf32>,
    %swap3A_430 = arith.constant 8 : i32
    %swap3A_431 = arith.index_cast %swap3A_430 : i32 to index
    %swap3A_432 = arith.constant 32 : index
    %swap3A_433 = tpu.vector_load %arg17[%swap3A_431, %swap3A_432] {strides = array<i32>} : memref<16x128xf32, #tpu.memory_space<vmem>>, vector<1x16xf32>,
    %swap3A_434 = vector.shape_cast %swap3A_433 : vector<1x16xf32> to vector<16xf32>
    %swap3A_435 = vector.shape_cast %get3A_387 : vector<16xf32> to vector<1x16xf32>
    tpu.vector_store %arg17[%swap3A_431, %swap3A_432], %swap3A_435 {strides = array<i32>} : memref<16x128xf32, #tpu.memory_space<vmem>>, vector<1x16xf32>,
    %swap3A_436 = arith.constant 9 : i32
    %swap3A_437 = arith.index_cast %swap3A_436 : i32 to index
    %swap3A_438 = arith.constant 32 : index
    %swap3A_439 = tpu.vector_load %arg17[%swap3A_437, %swap3A_438] {strides = array<i32>} : memref<16x128xf32, #tpu.memory_space<vmem>>, vector<1x16xf32>,
    %swap3A_440 = vector.shape_cast %swap3A_439 : vector<1x16xf32> to vector<16xf32>
    %swap3A_441 = vector.shape_cast %get3A_387 : vector<16xf32> to vector<1x16xf32>
    tpu.vector_store %arg17[%swap3A_437, %swap3A_438], %swap3A_441 {strides = array<i32>} : memref<16x128xf32, #tpu.memory_space<vmem>>, vector<1x16xf32>,
    %swap3A_442 = arith.constant 10 : i32
    %swap3A_443 = arith.index_cast %swap3A_442 : i32 to index
    %swap3A_444 = arith.constant 32 : index
    %swap3A_445 = tpu.vector_load %arg17[%swap3A_443, %swap3A_444] {strides = array<i32>} : memref<16x128xf32, #tpu.memory_space<vmem>>, vector<1x16xf32>,
    %swap3A_446 = vector.shape_cast %swap3A_445 : vector<1x16xf32> to vector<16xf32>
    %swap3A_447 = vector.shape_cast %get3A_387 : vector<16xf32> to vector<1x16xf32>
    tpu.vector_store %arg17[%swap3A_443, %swap3A_444], %swap3A_447 {strides = array<i32>} : memref<16x128xf32, #tpu.memory_space<vmem>>, vector<1x16xf32>,
    %swap3A_448 = arith.constant 11 : i32
    %swap3A_449 = arith.index_cast %swap3A_448 : i32 to index
    %swap3A_450 = arith.constant 32 : index
    %swap3A_451 = tpu.vector_load %arg17[%swap3A_449, %swap3A_450] {strides = array<i32>} : memref<16x128xf32, #tpu.memory_space<vmem>>, vector<1x16xf32>,
    %swap3A_452 = vector.shape_cast %swap3A_451 : vector<1x16xf32> to vector<16xf32>
    %swap3A_453 = vector.shape_cast %get3A_387 : vector<16xf32> to vector<1x16xf32>
    tpu.vector_store %arg17[%swap3A_449, %swap3A_450], %swap3A_453 {strides = array<i32>} : memref<16x128xf32, #tpu.memory_space<vmem>>, vector<1x16xf32>,
    %swap3A_454 = arith.constant 12 : i32
    %swap3A_455 = arith.index_cast %swap3A_454 : i32 to index
    %swap3A_456 = arith.constant 32 : index
    %swap3A_457 = tpu.vector_load %arg17[%swap3A_455, %swap3A_456] {strides = array<i32>} : memref<16x128xf32, #tpu.memory_space<vmem>>, vector<1x16xf32>,
    %swap3A_458 = vector.shape_cast %swap3A_457 : vector<1x16xf32> to vector<16xf32>
    %swap3A_459 = vector.shape_cast %get3A_387 : vector<16xf32> to vector<1x16xf32>
    tpu.vector_store %arg17[%swap3A_455, %swap3A_456], %swap3A_459 {strides = array<i32>} : memref<16x128xf32, #tpu.memory_space<vmem>>, vector<1x16xf32>,
    %swap3A_460 = arith.constant 13 : i32
    %swap3A_461 = arith.index_cast %swap3A_460 : i32 to index
    %swap3A_462 = arith.constant 32 : index
    %swap3A_463 = tpu.vector_load %arg17[%swap3A_461, %swap3A_462] {strides = array<i32>} : memref<16x128xf32, #tpu.memory_space<vmem>>, vector<1x16xf32>,
    %swap3A_464 = vector.shape_cast %swap3A_463 : vector<1x16xf32> to vector<16xf32>
    %swap3A_465 = vector.shape_cast %get3A_387 : vector<16xf32> to vector<1x16xf32>
    tpu.vector_store %arg17[%swap3A_461, %swap3A_462], %swap3A_465 {strides = array<i32>} : memref<16x128xf32, #tpu.memory_space<vmem>>, vector<1x16xf32>,
    %swap3A_466 = arith.constant 14 : i32
    %swap3A_467 = arith.index_cast %swap3A_466 : i32 to index
    %swap3A_468 = arith.constant 32 : index
    %swap3A_469 = tpu.vector_load %arg17[%swap3A_467, %swap3A_468] {strides = array<i32>} : memref<16x128xf32, #tpu.memory_space<vmem>>, vector<1x16xf32>,
    %swap3A_470 = vector.shape_cast %swap3A_469 : vector<1x16xf32> to vector<16xf32>
    %swap3A_471 = vector.shape_cast %get3A_387 : vector<16xf32> to vector<1x16xf32>
    tpu.vector_store %arg17[%swap3A_467, %swap3A_468], %swap3A_471 {strides = array<i32>} : memref<16x128xf32, #tpu.memory_space<vmem>>, vector<1x16xf32>,
    %swap3A_472 = arith.constant 15 : i32
    %swap3A_473 = arith.index_cast %swap3A_472 : i32 to index
    %swap3A_474 = arith.constant 32 : index
    %swap3A_475 = tpu.vector_load %arg17[%swap3A_473, %swap3A_474] {strides = array<i32>} : memref<16x128xf32, #tpu.memory_space<vmem>>, vector<1x16xf32>,
    %swap3A_476 = vector.shape_cast %swap3A_475 : vector<1x16xf32> to vector<16xf32>
    %swap3A_477 = vector.shape_cast %get3A_387 : vector<16xf32> to vector<1x16xf32>
    tpu.vector_store %arg17[%swap3A_473, %swap3A_474], %swap3A_477 {strides = array<i32>} : memref<16x128xf32, #tpu.memory_space<vmem>>, vector<1x16xf32>,
    %get3A_478 = arith.constant 0 : i32
    %get3A_479 = arith.index_cast %get3A_478 : i32 to index
    %get3A_480 = arith.constant 48 : index
    %get3A_481 = tpu.vector_load %arg17[%get3A_479, %get3A_480] {strides = array<i32>} : memref<16x128xf32, #tpu.memory_space<vmem>>, vector<1x16xf32>,
    %get3A_482 = vector.shape_cast %get3A_481 : vector<1x16xf32> to vector<16xf32>
    %swap3A_483 = arith.constant 1 : i32
    %swap3A_484 = arith.index_cast %swap3A_483 : i32 to index
    %swap3A_485 = arith.constant 48 : index
    %swap3A_486 = tpu.vector_load %arg17[%swap3A_484, %swap3A_485] {strides = array<i32>} : memref<16x128xf32, #tpu.memory_space<vmem>>, vector<1x16xf32>,
    %swap3A_487 = vector.shape_cast %swap3A_486 : vector<1x16xf32> to vector<16xf32>
    %swap3A_488 = vector.shape_cast %get3A_482 : vector<16xf32> to vector<1x16xf32>
    tpu.vector_store %arg17[%swap3A_484, %swap3A_485], %swap3A_488 {strides = array<i32>} : memref<16x128xf32, #tpu.memory_space<vmem>>, vector<1x16xf32>,
    %swap3A_489 = arith.constant 2 : i32
    %swap3A_490 = arith.index_cast %swap3A_489 : i32 to index
    %swap3A_491 = arith.constant 48 : index
    %swap3A_492 = tpu.vector_load %arg17[%swap3A_490, %swap3A_491] {strides = array<i32>} : memref<16x128xf32, #tpu.memory_space<vmem>>, vector<1x16xf32>,
    %swap3A_493 = vector.shape_cast %swap3A_492 : vector<1x16xf32> to vector<16xf32>
    %swap3A_494 = vector.shape_cast %get3A_482 : vector<16xf32> to vector<1x16xf32>
    tpu.vector_store %arg17[%swap3A_490, %swap3A_491], %swap3A_494 {strides = array<i32>} : memref<16x128xf32, #tpu.memory_space<vmem>>, vector<1x16xf32>,
    %swap3A_495 = arith.constant 3 : i32
    %swap3A_496 = arith.index_cast %swap3A_495 : i32 to index
    %swap3A_497 = arith.constant 48 : index
    %swap3A_498 = tpu.vector_load %arg17[%swap3A_496, %swap3A_497] {strides = array<i32>} : memref<16x128xf32, #tpu.memory_space<vmem>>, vector<1x16xf32>,
    %swap3A_499 = vector.shape_cast %swap3A_498 : vector<1x16xf32> to vector<16xf32>
    %swap3A_500 = vector.shape_cast %get3A_482 : vector<16xf32> to vector<1x16xf32>
    tpu.vector_store %arg17[%swap3A_496, %swap3A_497], %swap3A_500 {strides = array<i32>} : memref<16x128xf32, #tpu.memory_space<vmem>>, vector<1x16xf32>,
    %swap3A_501 = arith.constant 4 : i32
    %swap3A_502 = arith.index_cast %swap3A_501 : i32 to index
    %swap3A_503 = arith.constant 48 : index
    %swap3A_504 = tpu.vector_load %arg17[%swap3A_502, %swap3A_503] {strides = array<i32>} : memref<16x128xf32, #tpu.memory_space<vmem>>, vector<1x16xf32>,
    %swap3A_505 = vector.shape_cast %swap3A_504 : vector<1x16xf32> to vector<16xf32>
    %swap3A_506 = vector.shape_cast %get3A_482 : vector<16xf32> to vector<1x16xf32>
    tpu.vector_store %arg17[%swap3A_502, %swap3A_503], %swap3A_506 {strides = array<i32>} : memref<16x128xf32, #tpu.memory_space<vmem>>, vector<1x16xf32>,
    %swap3A_507 = arith.constant 5 : i32
    %swap3A_508 = arith.index_cast %swap3A_507 : i32 to index
    %swap3A_509 = arith.constant 48 : index
    %swap3A_510 = tpu.vector_load %arg17[%swap3A_508, %swap3A_509] {strides = array<i32>} : memref<16x128xf32, #tpu.memory_space<vmem>>, vector<1x16xf32>,
    %swap3A_511 = vector.shape_cast %swap3A_510 : vector<1x16xf32> to vector<16xf32>
    %swap3A_512 = vector.shape_cast %get3A_482 : vector<16xf32> to vector<1x16xf32>
    tpu.vector_store %arg17[%swap3A_508, %swap3A_509], %swap3A_512 {strides = array<i32>} : memref<16x128xf32, #tpu.memory_space<vmem>>, vector<1x16xf32>,
    %swap3A_513 = arith.constant 6 : i32
    %swap3A_514 = arith.index_cast %swap3A_513 : i32 to index
    %swap3A_515 = arith.constant 48 : index
    %swap3A_516 = tpu.vector_load %arg17[%swap3A_514, %swap3A_515] {strides = array<i32>} : memref<16x128xf32, #tpu.memory_space<vmem>>, vector<1x16xf32>,
    %swap3A_517 = vector.shape_cast %swap3A_516 : vector<1x16xf32> to vector<16xf32>
    %swap3A_518 = vector.shape_cast %get3A_482 : vector<16xf32> to vector<1x16xf32>
    tpu.vector_store %arg17[%swap3A_514, %swap3A_515], %swap3A_518 {strides = array<i32>} : memref<16x128xf32, #tpu.memory_space<vmem>>, vector<1x16xf32>,
    %swap3A_519 = arith.constant 7 : i32
    %swap3A_520 = arith.index_cast %swap3A_519 : i32 to index
    %swap3A_521 = arith.constant 48 : index
    %swap3A_522 = tpu.vector_load %arg17[%swap3A_520, %swap3A_521] {strides = array<i32>} : memref<16x128xf32, #tpu.memory_space<vmem>>, vector<1x16xf32>,
    %swap3A_523 = vector.shape_cast %swap3A_522 : vector<1x16xf32> to vector<16xf32>
    %swap3A_524 = vector.shape_cast %get3A_482 : vector<16xf32> to vector<1x16xf32>
    tpu.vector_store %arg17[%swap3A_520, %swap3A_521], %swap3A_524 {strides = array<i32>} : memref<16x128xf32, #tpu.memory_space<vmem>>, vector<1x16xf32>,
    %swap3A_525 = arith.constant 8 : i32
    %swap3A_526 = arith.index_cast %swap3A_525 : i32 to index
    %swap3A_527 = arith.constant 48 : index
    %swap3A_528 = tpu.vector_load %arg17[%swap3A_526, %swap3A_527] {strides = array<i32>} : memref<16x128xf32, #tpu.memory_space<vmem>>, vector<1x16xf32>,
    %swap3A_529 = vector.shape_cast %swap3A_528 : vector<1x16xf32> to vector<16xf32>
    %swap3A_530 = vector.shape_cast %get3A_482 : vector<16xf32> to vector<1x16xf32>
    tpu.vector_store %arg17[%swap3A_526, %swap3A_527], %swap3A_530 {strides = array<i32>} : memref<16x128xf32, #tpu.memory_space<vmem>>, vector<1x16xf32>,
    %swap3A_531 = arith.constant 9 : i32
    %swap3A_532 = arith.index_cast %swap3A_531 : i32 to index
    %swap3A_533 = arith.constant 48 : index
    %swap3A_534 = tpu.vector_load %arg17[%swap3A_532, %swap3A_533] {strides = array<i32>} : memref<16x128xf32, #tpu.memory_space<vmem>>, vector<1x16xf32>,
    %swap3A_535 = vector.shape_cast %swap3A_534 : vector<1x16xf32> to vector<16xf32>
    %swap3A_536 = vector.shape_cast %get3A_482 : vector<16xf32> to vector<1x16xf32>
    tpu.vector_store %arg17[%swap3A_532, %swap3A_533], %swap3A_536 {strides = array<i32>} : memref<16x128xf32, #tpu.memory_space<vmem>>, vector<1x16xf32>,
    %swap3A_537 = arith.constant 10 : i32
    %swap3A_538 = arith.index_cast %swap3A_537 : i32 to index
    %swap3A_539 = arith.constant 48 : index
    %swap3A_540 = tpu.vector_load %arg17[%swap3A_538, %swap3A_539] {strides = array<i32>} : memref<16x128xf32, #tpu.memory_space<vmem>>, vector<1x16xf32>,
    %swap3A_541 = vector.shape_cast %swap3A_540 : vector<1x16xf32> to vector<16xf32>
    %swap3A_542 = vector.shape_cast %get3A_482 : vector<16xf32> to vector<1x16xf32>
    tpu.vector_store %arg17[%swap3A_538, %swap3A_539], %swap3A_542 {strides = array<i32>} : memref<16x128xf32, #tpu.memory_space<vmem>>, vector<1x16xf32>,
    %swap3A_543 = arith.constant 11 : i32
    %swap3A_544 = arith.index_cast %swap3A_543 : i32 to index
    %swap3A_545 = arith.constant 48 : index
    %swap3A_546 = tpu.vector_load %arg17[%swap3A_544, %swap3A_545] {strides = array<i32>} : memref<16x128xf32, #tpu.memory_space<vmem>>, vector<1x16xf32>,
    %swap3A_547 = vector.shape_cast %swap3A_546 : vector<1x16xf32> to vector<16xf32>
    %swap3A_548 = vector.shape_cast %get3A_482 : vector<16xf32> to vector<1x16xf32>
    tpu.vector_store %arg17[%swap3A_544, %swap3A_545], %swap3A_548 {strides = array<i32>} : memref<16x128xf32, #tpu.memory_space<vmem>>, vector<1x16xf32>,
    %swap3A_549 = arith.constant 12 : i32
    %swap3A_550 = arith.index_cast %swap3A_549 : i32 to index
    %swap3A_551 = arith.constant 48 : index
    %swap3A_552 = tpu.vector_load %arg17[%swap3A_550, %swap3A_551] {strides = array<i32>} : memref<16x128xf32, #tpu.memory_space<vmem>>, vector<1x16xf32>,
    %swap3A_553 = vector.shape_cast %swap3A_552 : vector<1x16xf32> to vector<16xf32>
    %swap3A_554 = vector.shape_cast %get3A_482 : vector<16xf32> to vector<1x16xf32>
    tpu.vector_store %arg17[%swap3A_550, %swap3A_551], %swap3A_554 {strides = array<i32>} : memref<16x128xf32, #tpu.memory_space<vmem>>, vector<1x16xf32>,
    %swap3A_555 = arith.constant 13 : i32
    %swap3A_556 = arith.index_cast %swap3A_555 : i32 to index
    %swap3A_557 = arith.constant 48 : index
    %swap3A_558 = tpu.vector_load %arg17[%swap3A_556, %swap3A_557] {strides = array<i32>} : memref<16x128xf32, #tpu.memory_space<vmem>>, vector<1x16xf32>,
    %swap3A_559 = vector.shape_cast %swap3A_558 : vector<1x16xf32> to vector<16xf32>
    %swap3A_560 = vector.shape_cast %get3A_482 : vector<16xf32> to vector<1x16xf32>
    tpu.vector_store %arg17[%swap3A_556, %swap3A_557], %swap3A_560 {strides = array<i32>} : memref<16x128xf32, #tpu.memory_space<vmem>>, vector<1x16xf32>,
    %swap3A_561 = arith.constant 14 : i32
    %swap3A_562 = arith.index_cast %swap3A_561 : i32 to index
    %swap3A_563 = arith.constant 48 : index
    %swap3A_564 = tpu.vector_load %arg17[%swap3A_562, %swap3A_563] {strides = array<i32>} : memref<16x128xf32, #tpu.memory_space<vmem>>, vector<1x16xf32>,
    %swap3A_565 = vector.shape_cast %swap3A_564 : vector<1x16xf32> to vector<16xf32>
    %swap3A_566 = vector.shape_cast %get3A_482 : vector<16xf32> to vector<1x16xf32>
    tpu.vector_store %arg17[%swap3A_562, %swap3A_563], %swap3A_566 {strides = array<i32>} : memref<16x128xf32, #tpu.memory_space<vmem>>, vector<1x16xf32>,
    %swap3A_567 = arith.constant 15 : i32
    %swap3A_568 = arith.index_cast %swap3A_567 : i32 to index
    %swap3A_569 = arith.constant 48 : index
    %swap3A_570 = tpu.vector_load %arg17[%swap3A_568, %swap3A_569] {strides = array<i32>} : memref<16x128xf32, #tpu.memory_space<vmem>>, vector<1x16xf32>,
    %swap3A_571 = vector.shape_cast %swap3A_570 : vector<1x16xf32> to vector<16xf32>
    %swap3A_572 = vector.shape_cast %get3A_482 : vector<16xf32> to vector<1x16xf32>
    tpu.vector_store %arg17[%swap3A_568, %swap3A_569], %swap3A_572 {strides = array<i32>} : memref<16x128xf32, #tpu.memory_space<vmem>>, vector<1x16xf32>,
    %get3A_573 = arith.constant 0 : i32
    %get3A_574 = arith.index_cast %get3A_573 : i32 to index
    %get3A_575 = arith.constant 64 : index
    %get3A_576 = tpu.vector_load %arg17[%get3A_574, %get3A_575] {strides = array<i32>} : memref<16x128xf32, #tpu.memory_space<vmem>>, vector<1x16xf32>,
    %get3A_577 = vector.shape_cast %get3A_576 : vector<1x16xf32> to vector<16xf32>
    %swap3A_578 = arith.constant 1 : i32
    %swap3A_579 = arith.index_cast %swap3A_578 : i32 to index
    %swap3A_580 = arith.constant 64 : index
    %swap3A_581 = tpu.vector_load %arg17[%swap3A_579, %swap3A_580] {strides = array<i32>} : memref<16x128xf32, #tpu.memory_space<vmem>>, vector<1x16xf32>,
    %swap3A_582 = vector.shape_cast %swap3A_581 : vector<1x16xf32> to vector<16xf32>
    %swap3A_583 = vector.shape_cast %get3A_577 : vector<16xf32> to vector<1x16xf32>
    tpu.vector_store %arg17[%swap3A_579, %swap3A_580], %swap3A_583 {strides = array<i32>} : memref<16x128xf32, #tpu.memory_space<vmem>>, vector<1x16xf32>,
    %swap3A_584 = arith.constant 2 : i32
    %swap3A_585 = arith.index_cast %swap3A_584 : i32 to index
    %swap3A_586 = arith.constant 64 : index
    %swap3A_587 = tpu.vector_load %arg17[%swap3A_585, %swap3A_586] {strides = array<i32>} : memref<16x128xf32, #tpu.memory_space<vmem>>, vector<1x16xf32>,
    %swap3A_588 = vector.shape_cast %swap3A_587 : vector<1x16xf32> to vector<16xf32>
    %swap3A_589 = vector.shape_cast %get3A_577 : vector<16xf32> to vector<1x16xf32>
    tpu.vector_store %arg17[%swap3A_585, %swap3A_586], %swap3A_589 {strides = array<i32>} : memref<16x128xf32, #tpu.memory_space<vmem>>, vector<1x16xf32>,
    %swap3A_590 = arith.constant 3 : i32
    %swap3A_591 = arith.index_cast %swap3A_590 : i32 to index
    %swap3A_592 = arith.constant 64 : index
    %swap3A_593 = tpu.vector_load %arg17[%swap3A_591, %swap3A_592] {strides = array<i32>} : memref<16x128xf32, #tpu.memory_space<vmem>>, vector<1x16xf32>,
    %swap3A_594 = vector.shape_cast %swap3A_593 : vector<1x16xf32> to vector<16xf32>
    %swap3A_595 = vector.shape_cast %get3A_577 : vector<16xf32> to vector<1x16xf32>
    tpu.vector_store %arg17[%swap3A_591, %swap3A_592], %swap3A_595 {strides = array<i32>} : memref<16x128xf32, #tpu.memory_space<vmem>>, vector<1x16xf32>,
    %swap3A_596 = arith.constant 4 : i32
    %swap3A_597 = arith.index_cast %swap3A_596 : i32 to index
    %swap3A_598 = arith.constant 64 : index
    %swap3A_599 = tpu.vector_load %arg17[%swap3A_597, %swap3A_598] {strides = array<i32>} : memref<16x128xf32, #tpu.memory_space<vmem>>, vector<1x16xf32>,
    %swap3A_600 = vector.shape_cast %swap3A_599 : vector<1x16xf32> to vector<16xf32>
    %swap3A_601 = vector.shape_cast %get3A_577 : vector<16xf32> to vector<1x16xf32>
    tpu.vector_store %arg17[%swap3A_597, %swap3A_598], %swap3A_601 {strides = array<i32>} : memref<16x128xf32, #tpu.memory_space<vmem>>, vector<1x16xf32>,
    %swap3A_602 = arith.constant 5 : i32
    %swap3A_603 = arith.index_cast %swap3A_602 : i32 to index
    %swap3A_604 = arith.constant 64 : index
    %swap3A_605 = tpu.vector_load %arg17[%swap3A_603, %swap3A_604] {strides = array<i32>} : memref<16x128xf32, #tpu.memory_space<vmem>>, vector<1x16xf32>,
    %swap3A_606 = vector.shape_cast %swap3A_605 : vector<1x16xf32> to vector<16xf32>
    %swap3A_607 = vector.shape_cast %get3A_577 : vector<16xf32> to vector<1x16xf32>
    tpu.vector_store %arg17[%swap3A_603, %swap3A_604], %swap3A_607 {strides = array<i32>} : memref<16x128xf32, #tpu.memory_space<vmem>>, vector<1x16xf32>,
    %swap3A_608 = arith.constant 6 : i32
    %swap3A_609 = arith.index_cast %swap3A_608 : i32 to index
    %swap3A_610 = arith.constant 64 : index
    %swap3A_611 = tpu.vector_load %arg17[%swap3A_609, %swap3A_610] {strides = array<i32>} : memref<16x128xf32, #tpu.memory_space<vmem>>, vector<1x16xf32>,
    %swap3A_612 = vector.shape_cast %swap3A_611 : vector<1x16xf32> to vector<16xf32>
    %swap3A_613 = vector.shape_cast %get3A_577 : vector<16xf32> to vector<1x16xf32>
    tpu.vector_store %arg17[%swap3A_609, %swap3A_610], %swap3A_613 {strides = array<i32>} : memref<16x128xf32, #tpu.memory_space<vmem>>, vector<1x16xf32>,
    %swap3A_614 = arith.constant 7 : i32
    %swap3A_615 = arith.index_cast %swap3A_614 : i32 to index
    %swap3A_616 = arith.constant 64 : index
    %swap3A_617 = tpu.vector_load %arg17[%swap3A_615, %swap3A_616] {strides = array<i32>} : memref<16x128xf32, #tpu.memory_space<vmem>>, vector<1x16xf32>,
    %swap3A_618 = vector.shape_cast %swap3A_617 : vector<1x16xf32> to vector<16xf32>
    %swap3A_619 = vector.shape_cast %get3A_577 : vector<16xf32> to vector<1x16xf32>
    tpu.vector_store %arg17[%swap3A_615, %swap3A_616], %swap3A_619 {strides = array<i32>} : memref<16x128xf32, #tpu.memory_space<vmem>>, vector<1x16xf32>,
    %swap3A_620 = arith.constant 8 : i32
    %swap3A_621 = arith.index_cast %swap3A_620 : i32 to index
    %swap3A_622 = arith.constant 64 : index
    %swap3A_623 = tpu.vector_load %arg17[%swap3A_621, %swap3A_622] {strides = array<i32>} : memref<16x128xf32, #tpu.memory_space<vmem>>, vector<1x16xf32>,
    %swap3A_624 = vector.shape_cast %swap3A_623 : vector<1x16xf32> to vector<16xf32>
    %swap3A_625 = vector.shape_cast %get3A_577 : vector<16xf32> to vector<1x16xf32>
    tpu.vector_store %arg17[%swap3A_621, %swap3A_622], %swap3A_625 {strides = array<i32>} : memref<16x128xf32, #tpu.memory_space<vmem>>, vector<1x16xf32>,
    %swap3A_626 = arith.constant 9 : i32
    %swap3A_627 = arith.index_cast %swap3A_626 : i32 to index
    %swap3A_628 = arith.constant 64 : index
    %swap3A_629 = tpu.vector_load %arg17[%swap3A_627, %swap3A_628] {strides = array<i32>} : memref<16x128xf32, #tpu.memory_space<vmem>>, vector<1x16xf32>,
    %swap3A_630 = vector.shape_cast %swap3A_629 : vector<1x16xf32> to vector<16xf32>
    %swap3A_631 = vector.shape_cast %get3A_577 : vector<16xf32> to vector<1x16xf32>
    tpu.vector_store %arg17[%swap3A_627, %swap3A_628], %swap3A_631 {strides = array<i32>} : memref<16x128xf32, #tpu.memory_space<vmem>>, vector<1x16xf32>,
    %swap3A_632 = arith.constant 10 : i32
    %swap3A_633 = arith.index_cast %swap3A_632 : i32 to index
    %swap3A_634 = arith.constant 64 : index
    %swap3A_635 = tpu.vector_load %arg17[%swap3A_633, %swap3A_634] {strides = array<i32>} : memref<16x128xf32, #tpu.memory_space<vmem>>, vector<1x16xf32>,
    %swap3A_636 = vector.shape_cast %swap3A_635 : vector<1x16xf32> to vector<16xf32>
    %swap3A_637 = vector.shape_cast %get3A_577 : vector<16xf32> to vector<1x16xf32>
    tpu.vector_store %arg17[%swap3A_633, %swap3A_634], %swap3A_637 {strides = array<i32>} : memref<16x128xf32, #tpu.memory_space<vmem>>, vector<1x16xf32>,
    %swap3A_638 = arith.constant 11 : i32
    %swap3A_639 = arith.index_cast %swap3A_638 : i32 to index
    %swap3A_640 = arith.constant 64 : index
    %swap3A_641 = tpu.vector_load %arg17[%swap3A_639, %swap3A_640] {strides = array<i32>} : memref<16x128xf32, #tpu.memory_space<vmem>>, vector<1x16xf32>,
    %swap3A_642 = vector.shape_cast %swap3A_641 : vector<1x16xf32> to vector<16xf32>
    %swap3A_643 = vector.shape_cast %get3A_577 : vector<16xf32> to vector<1x16xf32>
    tpu.vector_store %arg17[%swap3A_639, %swap3A_640], %swap3A_643 {strides = array<i32>} : memref<16x128xf32, #tpu.memory_space<vmem>>, vector<1x16xf32>,
    %swap3A_644 = arith.constant 12 : i32
    %swap3A_645 = arith.index_cast %swap3A_644 : i32 to index
    %swap3A_646 = arith.constant 64 : index
    %swap3A_647 = tpu.vector_load %arg17[%swap3A_645, %swap3A_646] {strides = array<i32>} : memref<16x128xf32, #tpu.memory_space<vmem>>, vector<1x16xf32>,
    %swap3A_648 = vector.shape_cast %swap3A_647 : vector<1x16xf32> to vector<16xf32>
    %swap3A_649 = vector.shape_cast %get3A_577 : vector<16xf32> to vector<1x16xf32>
    tpu.vector_store %arg17[%swap3A_645, %swap3A_646], %swap3A_649 {strides = array<i32>} : memref<16x128xf32, #tpu.memory_space<vmem>>, vector<1x16xf32>,
    %swap3A_650 = arith.constant 13 : i32
    %swap3A_651 = arith.index_cast %swap3A_650 : i32 to index
    %swap3A_652 = arith.constant 64 : index
    %swap3A_653 = tpu.vector_load %arg17[%swap3A_651, %swap3A_652] {strides = array<i32>} : memref<16x128xf32, #tpu.memory_space<vmem>>, vector<1x16xf32>,
    %swap3A_654 = vector.shape_cast %swap3A_653 : vector<1x16xf32> to vector<16xf32>
    %swap3A_655 = vector.shape_cast %get3A_577 : vector<16xf32> to vector<1x16xf32>
    tpu.vector_store %arg17[%swap3A_651, %swap3A_652], %swap3A_655 {strides = array<i32>} : memref<16x128xf32, #tpu.memory_space<vmem>>, vector<1x16xf32>,
    %swap3A_656 = arith.constant 14 : i32
    %swap3A_657 = arith.index_cast %swap3A_656 : i32 to index
    %swap3A_658 = arith.constant 64 : index
    %swap3A_659 = tpu.vector_load %arg17[%swap3A_657, %swap3A_658] {strides = array<i32>} : memref<16x128xf32, #tpu.memory_space<vmem>>, vector<1x16xf32>,
    %swap3A_660 = vector.shape_cast %swap3A_659 : vector<1x16xf32> to vector<16xf32>
    %swap3A_661 = vector.shape_cast %get3A_577 : vector<16xf32> to vector<1x16xf32>
    tpu.vector_store %arg17[%swap3A_657, %swap3A_658], %swap3A_661 {strides = array<i32>} : memref<16x128xf32, #tpu.memory_space<vmem>>, vector<1x16xf32>,
    %swap3A_662 = arith.constant 15 : i32
    %swap3A_663 = arith.index_cast %swap3A_662 : i32 to index
    %swap3A_664 = arith.constant 64 : index
    %swap3A_665 = tpu.vector_load %arg17[%swap3A_663, %swap3A_664] {strides = array<i32>} : memref<16x128xf32, #tpu.memory_space<vmem>>, vector<1x16xf32>,
    %swap3A_666 = vector.shape_cast %swap3A_665 : vector<1x16xf32> to vector<16xf32>
    %swap3A_667 = vector.shape_cast %get3A_577 : vector<16xf32> to vector<1x16xf32>
    tpu.vector_store %arg17[%swap3A_663, %swap3A_664], %swap3A_667 {strides = array<i32>} : memref<16x128xf32, #tpu.memory_space<vmem>>, vector<1x16xf32>,
    %get3A_668 = arith.constant 0 : i32
    %get3A_669 = arith.index_cast %get3A_668 : i32 to index
    %get3A_670 = arith.constant 80 : index
    %get3A_671 = tpu.vector_load %arg17[%get3A_669, %get3A_670] {strides = array<i32>} : memref<16x128xf32, #tpu.memory_space<vmem>>, vector<1x16xf32>,
    %get3A_672 = vector.shape_cast %get3A_671 : vector<1x16xf32> to vector<16xf32>
    %swap3A_673 = arith.constant 1 : i32
    %swap3A_674 = arith.index_cast %swap3A_673 : i32 to index
    %swap3A_675 = arith.constant 80 : index
    %swap3A_676 = tpu.vector_load %arg17[%swap3A_674, %swap3A_675] {strides = array<i32>} : memref<16x128xf32, #tpu.memory_space<vmem>>, vector<1x16xf32>,
    %swap3A_677 = vector.shape_cast %swap3A_676 : vector<1x16xf32> to vector<16xf32>
    %swap3A_678 = vector.shape_cast %get3A_672 : vector<16xf32> to vector<1x16xf32>
    tpu.vector_store %arg17[%swap3A_674, %swap3A_675], %swap3A_678 {strides = array<i32>} : memref<16x128xf32, #tpu.memory_space<vmem>>, vector<1x16xf32>,
    %swap3A_679 = arith.constant 2 : i32
    %swap3A_680 = arith.index_cast %swap3A_679 : i32 to index
    %swap3A_681 = arith.constant 80 : index
    %swap3A_682 = tpu.vector_load %arg17[%swap3A_680, %swap3A_681] {strides = array<i32>} : memref<16x128xf32, #tpu.memory_space<vmem>>, vector<1x16xf32>,
    %swap3A_683 = vector.shape_cast %swap3A_682 : vector<1x16xf32> to vector<16xf32>
    %swap3A_684 = vector.shape_cast %get3A_672 : vector<16xf32> to vector<1x16xf32>
    tpu.vector_store %arg17[%swap3A_680, %swap3A_681], %swap3A_684 {strides = array<i32>} : memref<16x128xf32, #tpu.memory_space<vmem>>, vector<1x16xf32>,
    %swap3A_685 = arith.constant 3 : i32
    %swap3A_686 = arith.index_cast %swap3A_685 : i32 to index
    %swap3A_687 = arith.constant 80 : index
    %swap3A_688 = tpu.vector_load %arg17[%swap3A_686, %swap3A_687] {strides = array<i32>} : memref<16x128xf32, #tpu.memory_space<vmem>>, vector<1x16xf32>,
    %swap3A_689 = vector.shape_cast %swap3A_688 : vector<1x16xf32> to vector<16xf32>
    %swap3A_690 = vector.shape_cast %get3A_672 : vector<16xf32> to vector<1x16xf32>
    tpu.vector_store %arg17[%swap3A_686, %swap3A_687], %swap3A_690 {strides = array<i32>} : memref<16x128xf32, #tpu.memory_space<vmem>>, vector<1x16xf32>,
    %swap3A_691 = arith.constant 4 : i32
    %swap3A_692 = arith.index_cast %swap3A_691 : i32 to index
    %swap3A_693 = arith.constant 80 : index
    %swap3A_694 = tpu.vector_load %arg17[%swap3A_692, %swap3A_693] {strides = array<i32>} : memref<16x128xf32, #tpu.memory_space<vmem>>, vector<1x16xf32>,
    %swap3A_695 = vector.shape_cast %swap3A_694 : vector<1x16xf32> to vector<16xf32>
    %swap3A_696 = vector.shape_cast %get3A_672 : vector<16xf32> to vector<1x16xf32>
    tpu.vector_store %arg17[%swap3A_692, %swap3A_693], %swap3A_696 {strides = array<i32>} : memref<16x128xf32, #tpu.memory_space<vmem>>, vector<1x16xf32>,
    %swap3A_697 = arith.constant 5 : i32
    %swap3A_698 = arith.index_cast %swap3A_697 : i32 to index
    %swap3A_699 = arith.constant 80 : index
    %swap3A_700 = tpu.vector_load %arg17[%swap3A_698, %swap3A_699] {strides = array<i32>} : memref<16x128xf32, #tpu.memory_space<vmem>>, vector<1x16xf32>,
    %swap3A_701 = vector.shape_cast %swap3A_700 : vector<1x16xf32> to vector<16xf32>
    %swap3A_702 = vector.shape_cast %get3A_672 : vector<16xf32> to vector<1x16xf32>
    tpu.vector_store %arg17[%swap3A_698, %swap3A_699], %swap3A_702 {strides = array<i32>} : memref<16x128xf32, #tpu.memory_space<vmem>>, vector<1x16xf32>,
    %swap3A_703 = arith.constant 6 : i32
    %swap3A_704 = arith.index_cast %swap3A_703 : i32 to index
    %swap3A_705 = arith.constant 80 : index
    %swap3A_706 = tpu.vector_load %arg17[%swap3A_704, %swap3A_705] {strides = array<i32>} : memref<16x128xf32, #tpu.memory_space<vmem>>, vector<1x16xf32>,
    %swap3A_707 = vector.shape_cast %swap3A_706 : vector<1x16xf32> to vector<16xf32>
    %swap3A_708 = vector.shape_cast %get3A_672 : vector<16xf32> to vector<1x16xf32>
    tpu.vector_store %arg17[%swap3A_704, %swap3A_705], %swap3A_708 {strides = array<i32>} : memref<16x128xf32, #tpu.memory_space<vmem>>, vector<1x16xf32>,
    %swap3A_709 = arith.constant 7 : i32
    %swap3A_710 = arith.index_cast %swap3A_709 : i32 to index
    %swap3A_711 = arith.constant 80 : index
    %swap3A_712 = tpu.vector_load %arg17[%swap3A_710, %swap3A_711] {strides = array<i32>} : memref<16x128xf32, #tpu.memory_space<vmem>>, vector<1x16xf32>,
    %swap3A_713 = vector.shape_cast %swap3A_712 : vector<1x16xf32> to vector<16xf32>
    %swap3A_714 = vector.shape_cast %get3A_672 : vector<16xf32> to vector<1x16xf32>
    tpu.vector_store %arg17[%swap3A_710, %swap3A_711], %swap3A_714 {strides = array<i32>} : memref<16x128xf32, #tpu.memory_space<vmem>>, vector<1x16xf32>,
    %swap3A_715 = arith.constant 8 : i32
    %swap3A_716 = arith.index_cast %swap3A_715 : i32 to index
    %swap3A_717 = arith.constant 80 : index
    %swap3A_718 = tpu.vector_load %arg17[%swap3A_716, %swap3A_717] {strides = array<i32>} : memref<16x128xf32, #tpu.memory_space<vmem>>, vector<1x16xf32>,
    %swap3A_719 = vector.shape_cast %swap3A_718 : vector<1x16xf32> to vector<16xf32>
    %swap3A_720 = vector.shape_cast %get3A_672 : vector<16xf32> to vector<1x16xf32>
    tpu.vector_store %arg17[%swap3A_716, %swap3A_717], %swap3A_720 {strides = array<i32>} : memref<16x128xf32, #tpu.memory_space<vmem>>, vector<1x16xf32>,
    %swap3A_721 = arith.constant 9 : i32
    %swap3A_722 = arith.index_cast %swap3A_721 : i32 to index
    %swap3A_723 = arith.constant 80 : index
    %swap3A_724 = tpu.vector_load %arg17[%swap3A_722, %swap3A_723] {strides = array<i32>} : memref<16x128xf32, #tpu.memory_space<vmem>>, vector<1x16xf32>,
    %swap3A_725 = vector.shape_cast %swap3A_724 : vector<1x16xf32> to vector<16xf32>
    %swap3A_726 = vector.shape_cast %get3A_672 : vector<16xf32> to vector<1x16xf32>
    tpu.vector_store %arg17[%swap3A_722, %swap3A_723], %swap3A_726 {strides = array<i32>} : memref<16x128xf32, #tpu.memory_space<vmem>>, vector<1x16xf32>,
    %swap3A_727 = arith.constant 10 : i32
    %swap3A_728 = arith.index_cast %swap3A_727 : i32 to index
    %swap3A_729 = arith.constant 80 : index
    %swap3A_730 = tpu.vector_load %arg17[%swap3A_728, %swap3A_729] {strides = array<i32>} : memref<16x128xf32, #tpu.memory_space<vmem>>, vector<1x16xf32>,
    %swap3A_731 = vector.shape_cast %swap3A_730 : vector<1x16xf32> to vector<16xf32>
    %swap3A_732 = vector.shape_cast %get3A_672 : vector<16xf32> to vector<1x16xf32>
    tpu.vector_store %arg17[%swap3A_728, %swap3A_729], %swap3A_732 {strides = array<i32>} : memref<16x128xf32, #tpu.memory_space<vmem>>, vector<1x16xf32>,
    %swap3A_733 = arith.constant 11 : i32
    %swap3A_734 = arith.index_cast %swap3A_733 : i32 to index
    %swap3A_735 = arith.constant 80 : index
    %swap3A_736 = tpu.vector_load %arg17[%swap3A_734, %swap3A_735] {strides = array<i32>} : memref<16x128xf32, #tpu.memory_space<vmem>>, vector<1x16xf32>,
    %swap3A_737 = vector.shape_cast %swap3A_736 : vector<1x16xf32> to vector<16xf32>
    %swap3A_738 = vector.shape_cast %get3A_672 : vector<16xf32> to vector<1x16xf32>
    tpu.vector_store %arg17[%swap3A_734, %swap3A_735], %swap3A_738 {strides = array<i32>} : memref<16x128xf32, #tpu.memory_space<vmem>>, vector<1x16xf32>,
    %swap3A_739 = arith.constant 12 : i32
    %swap3A_740 = arith.index_cast %swap3A_739 : i32 to index
    %swap3A_741 = arith.constant 80 : index
    %swap3A_742 = tpu.vector_load %arg17[%swap3A_740, %swap3A_741] {strides = array<i32>} : memref<16x128xf32, #tpu.memory_space<vmem>>, vector<1x16xf32>,
    %swap3A_743 = vector.shape_cast %swap3A_742 : vector<1x16xf32> to vector<16xf32>
    %swap3A_744 = vector.shape_cast %get3A_672 : vector<16xf32> to vector<1x16xf32>
    tpu.vector_store %arg17[%swap3A_740, %swap3A_741], %swap3A_744 {strides = array<i32>} : memref<16x128xf32, #tpu.memory_space<vmem>>, vector<1x16xf32>,
    %swap3A_745 = arith.constant 13 : i32
    %swap3A_746 = arith.index_cast %swap3A_745 : i32 to index
    %swap3A_747 = arith.constant 80 : index
    %swap3A_748 = tpu.vector_load %arg17[%swap3A_746, %swap3A_747] {strides = array<i32>} : memref<16x128xf32, #tpu.memory_space<vmem>>, vector<1x16xf32>,
    %swap3A_749 = vector.shape_cast %swap3A_748 : vector<1x16xf32> to vector<16xf32>
    %swap3A_750 = vector.shape_cast %get3A_672 : vector<16xf32> to vector<1x16xf32>
    tpu.vector_store %arg17[%swap3A_746, %swap3A_747], %swap3A_750 {strides = array<i32>} : memref<16x128xf32, #tpu.memory_space<vmem>>, vector<1x16xf32>,
    %swap3A_751 = arith.constant 14 : i32
    %swap3A_752 = arith.index_cast %swap3A_751 : i32 to index
    %swap3A_753 = arith.constant 80 : index
    %swap3A_754 = tpu.vector_load %arg17[%swap3A_752, %swap3A_753] {strides = array<i32>} : memref<16x128xf32, #tpu.memory_space<vmem>>, vector<1x16xf32>,
    %swap3A_755 = vector.shape_cast %swap3A_754 : vector<1x16xf32> to vector<16xf32>
    %swap3A_756 = vector.shape_cast %get3A_672 : vector<16xf32> to vector<1x16xf32>
    tpu.vector_store %arg17[%swap3A_752, %swap3A_753], %swap3A_756 {strides = array<i32>} : memref<16x128xf32, #tpu.memory_space<vmem>>, vector<1x16xf32>,
    %swap3A_757 = arith.constant 15 : i32
    %swap3A_758 = arith.index_cast %swap3A_757 : i32 to index
    %swap3A_759 = arith.constant 80 : index
    %swap3A_760 = tpu.vector_load %arg17[%swap3A_758, %swap3A_759] {strides = array<i32>} : memref<16x128xf32, #tpu.memory_space<vmem>>, vector<1x16xf32>,
    %swap3A_761 = vector.shape_cast %swap3A_760 : vector<1x16xf32> to vector<16xf32>
    %swap3A_762 = vector.shape_cast %get3A_672 : vector<16xf32> to vector<1x16xf32>
    tpu.vector_store %arg17[%swap3A_758, %swap3A_759], %swap3A_762 {strides = array<i32>} : memref<16x128xf32, #tpu.memory_space<vmem>>, vector<1x16xf32>,
    %get3A_763 = arith.constant 0 : i32
    %get3A_764 = arith.index_cast %get3A_763 : i32 to index
    %get3A_765 = arith.constant 96 : index
    %get3A_766 = tpu.vector_load %arg17[%get3A_764, %get3A_765] {strides = array<i32>} : memref<16x128xf32, #tpu.memory_space<vmem>>, vector<1x16xf32>,
    %get3A_767 = vector.shape_cast %get3A_766 : vector<1x16xf32> to vector<16xf32>
    %swap3A_768 = arith.constant 1 : i32
    %swap3A_769 = arith.index_cast %swap3A_768 : i32 to index
    %swap3A_770 = arith.constant 96 : index
    %swap3A_771 = tpu.vector_load %arg17[%swap3A_769, %swap3A_770] {strides = array<i32>} : memref<16x128xf32, #tpu.memory_space<vmem>>, vector<1x16xf32>,
    %swap3A_772 = vector.shape_cast %swap3A_771 : vector<1x16xf32> to vector<16xf32>
    %swap3A_773 = vector.shape_cast %get3A_767 : vector<16xf32> to vector<1x16xf32>
    tpu.vector_store %arg17[%swap3A_769, %swap3A_770], %swap3A_773 {strides = array<i32>} : memref<16x128xf32, #tpu.memory_space<vmem>>, vector<1x16xf32>,
    %swap3A_774 = arith.constant 2 : i32
    %swap3A_775 = arith.index_cast %swap3A_774 : i32 to index
    %swap3A_776 = arith.constant 96 : index
    %swap3A_777 = tpu.vector_load %arg17[%swap3A_775, %swap3A_776] {strides = array<i32>} : memref<16x128xf32, #tpu.memory_space<vmem>>, vector<1x16xf32>,
    %swap3A_778 = vector.shape_cast %swap3A_777 : vector<1x16xf32> to vector<16xf32>
    %swap3A_779 = vector.shape_cast %get3A_767 : vector<16xf32> to vector<1x16xf32>
    tpu.vector_store %arg17[%swap3A_775, %swap3A_776], %swap3A_779 {strides = array<i32>} : memref<16x128xf32, #tpu.memory_space<vmem>>, vector<1x16xf32>,
    %swap3A_780 = arith.constant 3 : i32
    %swap3A_781 = arith.index_cast %swap3A_780 : i32 to index
    %swap3A_782 = arith.constant 96 : index
    %swap3A_783 = tpu.vector_load %arg17[%swap3A_781, %swap3A_782] {strides = array<i32>} : memref<16x128xf32, #tpu.memory_space<vmem>>, vector<1x16xf32>,
    %swap3A_784 = vector.shape_cast %swap3A_783 : vector<1x16xf32> to vector<16xf32>
    %swap3A_785 = vector.shape_cast %get3A_767 : vector<16xf32> to vector<1x16xf32>
    tpu.vector_store %arg17[%swap3A_781, %swap3A_782], %swap3A_785 {strides = array<i32>} : memref<16x128xf32, #tpu.memory_space<vmem>>, vector<1x16xf32>,
    %swap3A_786 = arith.constant 4 : i32
    %swap3A_787 = arith.index_cast %swap3A_786 : i32 to index
    %swap3A_788 = arith.constant 96 : index
    %swap3A_789 = tpu.vector_load %arg17[%swap3A_787, %swap3A_788] {strides = array<i32>} : memref<16x128xf32, #tpu.memory_space<vmem>>, vector<1x16xf32>,
    %swap3A_790 = vector.shape_cast %swap3A_789 : vector<1x16xf32> to vector<16xf32>
    %swap3A_791 = vector.shape_cast %get3A_767 : vector<16xf32> to vector<1x16xf32>
    tpu.vector_store %arg17[%swap3A_787, %swap3A_788], %swap3A_791 {strides = array<i32>} : memref<16x128xf32, #tpu.memory_space<vmem>>, vector<1x16xf32>,
    %swap3A_792 = arith.constant 5 : i32
    %swap3A_793 = arith.index_cast %swap3A_792 : i32 to index
    %swap3A_794 = arith.constant 96 : index
    %swap3A_795 = tpu.vector_load %arg17[%swap3A_793, %swap3A_794] {strides = array<i32>} : memref<16x128xf32, #tpu.memory_space<vmem>>, vector<1x16xf32>,
    %swap3A_796 = vector.shape_cast %swap3A_795 : vector<1x16xf32> to vector<16xf32>
    %swap3A_797 = vector.shape_cast %get3A_767 : vector<16xf32> to vector<1x16xf32>
    tpu.vector_store %arg17[%swap3A_793, %swap3A_794], %swap3A_797 {strides = array<i32>} : memref<16x128xf32, #tpu.memory_space<vmem>>, vector<1x16xf32>,
    %swap3A_798 = arith.constant 6 : i32
    %swap3A_799 = arith.index_cast %swap3A_798 : i32 to index
    %swap3A_800 = arith.constant 96 : index
    %swap3A_801 = tpu.vector_load %arg17[%swap3A_799, %swap3A_800] {strides = array<i32>} : memref<16x128xf32, #tpu.memory_space<vmem>>, vector<1x16xf32>,
    %swap3A_802 = vector.shape_cast %swap3A_801 : vector<1x16xf32> to vector<16xf32>
    %swap3A_803 = vector.shape_cast %get3A_767 : vector<16xf32> to vector<1x16xf32>
    tpu.vector_store %arg17[%swap3A_799, %swap3A_800], %swap3A_803 {strides = array<i32>} : memref<16x128xf32, #tpu.memory_space<vmem>>, vector<1x16xf32>,
    %swap3A_804 = arith.constant 7 : i32
    %swap3A_805 = arith.index_cast %swap3A_804 : i32 to index
    %swap3A_806 = arith.constant 96 : index
    %swap3A_807 = tpu.vector_load %arg17[%swap3A_805, %swap3A_806] {strides = array<i32>} : memref<16x128xf32, #tpu.memory_space<vmem>>, vector<1x16xf32>,
    %swap3A_808 = vector.shape_cast %swap3A_807 : vector<1x16xf32> to vector<16xf32>
    %swap3A_809 = vector.shape_cast %get3A_767 : vector<16xf32> to vector<1x16xf32>
    tpu.vector_store %arg17[%swap3A_805, %swap3A_806], %swap3A_809 {strides = array<i32>} : memref<16x128xf32, #tpu.memory_space<vmem>>, vector<1x16xf32>,
    %swap3A_810 = arith.constant 8 : i32
    %swap3A_811 = arith.index_cast %swap3A_810 : i32 to index
    %swap3A_812 = arith.constant 96 : index
    %swap3A_813 = tpu.vector_load %arg17[%swap3A_811, %swap3A_812] {strides = array<i32>} : memref<16x128xf32, #tpu.memory_space<vmem>>, vector<1x16xf32>,
    %swap3A_814 = vector.shape_cast %swap3A_813 : vector<1x16xf32> to vector<16xf32>
    %swap3A_815 = vector.shape_cast %get3A_767 : vector<16xf32> to vector<1x16xf32>
    tpu.vector_store %arg17[%swap3A_811, %swap3A_812], %swap3A_815 {strides = array<i32>} : memref<16x128xf32, #tpu.memory_space<vmem>>, vector<1x16xf32>,
    %swap3A_816 = arith.constant 9 : i32
    %swap3A_817 = arith.index_cast %swap3A_816 : i32 to index
    %swap3A_818 = arith.constant 96 : index
    %swap3A_819 = tpu.vector_load %arg17[%swap3A_817, %swap3A_818] {strides = array<i32>} : memref<16x128xf32, #tpu.memory_space<vmem>>, vector<1x16xf32>,
    %swap3A_820 = vector.shape_cast %swap3A_819 : vector<1x16xf32> to vector<16xf32>
    %swap3A_821 = vector.shape_cast %get3A_767 : vector<16xf32> to vector<1x16xf32>
    tpu.vector_store %arg17[%swap3A_817, %swap3A_818], %swap3A_821 {strides = array<i32>} : memref<16x128xf32, #tpu.memory_space<vmem>>, vector<1x16xf32>,
    %swap3A_822 = arith.constant 10 : i32
    %swap3A_823 = arith.index_cast %swap3A_822 : i32 to index
    %swap3A_824 = arith.constant 96 : index
    %swap3A_825 = tpu.vector_load %arg17[%swap3A_823, %swap3A_824] {strides = array<i32>} : memref<16x128xf32, #tpu.memory_space<vmem>>, vector<1x16xf32>,
    %swap3A_826 = vector.shape_cast %swap3A_825 : vector<1x16xf32> to vector<16xf32>
    %swap3A_827 = vector.shape_cast %get3A_767 : vector<16xf32> to vector<1x16xf32>
    tpu.vector_store %arg17[%swap3A_823, %swap3A_824], %swap3A_827 {strides = array<i32>} : memref<16x128xf32, #tpu.memory_space<vmem>>, vector<1x16xf32>,
    %swap3A_828 = arith.constant 11 : i32
    %swap3A_829 = arith.index_cast %swap3A_828 : i32 to index
    %swap3A_830 = arith.constant 96 : index
    %swap3A_831 = tpu.vector_load %arg17[%swap3A_829, %swap3A_830] {strides = array<i32>} : memref<16x128xf32, #tpu.memory_space<vmem>>, vector<1x16xf32>,
    %swap3A_832 = vector.shape_cast %swap3A_831 : vector<1x16xf32> to vector<16xf32>
    %swap3A_833 = vector.shape_cast %get3A_767 : vector<16xf32> to vector<1x16xf32>
    tpu.vector_store %arg17[%swap3A_829, %swap3A_830], %swap3A_833 {strides = array<i32>} : memref<16x128xf32, #tpu.memory_space<vmem>>, vector<1x16xf32>,
    %swap3A_834 = arith.constant 12 : i32
    %swap3A_835 = arith.index_cast %swap3A_834 : i32 to index
    %swap3A_836 = arith.constant 96 : index
    %swap3A_837 = tpu.vector_load %arg17[%swap3A_835, %swap3A_836] {strides = array<i32>} : memref<16x128xf32, #tpu.memory_space<vmem>>, vector<1x16xf32>,
    %swap3A_838 = vector.shape_cast %swap3A_837 : vector<1x16xf32> to vector<16xf32>
    %swap3A_839 = vector.shape_cast %get3A_767 : vector<16xf32> to vector<1x16xf32>
    tpu.vector_store %arg17[%swap3A_835, %swap3A_836], %swap3A_839 {strides = array<i32>} : memref<16x128xf32, #tpu.memory_space<vmem>>, vector<1x16xf32>,
    %swap3A_840 = arith.constant 13 : i32
    %swap3A_841 = arith.index_cast %swap3A_840 : i32 to index
    %swap3A_842 = arith.constant 96 : index
    %swap3A_843 = tpu.vector_load %arg17[%swap3A_841, %swap3A_842] {strides = array<i32>} : memref<16x128xf32, #tpu.memory_space<vmem>>, vector<1x16xf32>,
    %swap3A_844 = vector.shape_cast %swap3A_843 : vector<1x16xf32> to vector<16xf32>
    %swap3A_845 = vector.shape_cast %get3A_767 : vector<16xf32> to vector<1x16xf32>
    tpu.vector_store %arg17[%swap3A_841, %swap3A_842], %swap3A_845 {strides = array<i32>} : memref<16x128xf32, #tpu.memory_space<vmem>>, vector<1x16xf32>,
    %swap3A_846 = arith.constant 14 : i32
    %swap3A_847 = arith.index_cast %swap3A_846 : i32 to index
    %swap3A_848 = arith.constant 96 : index
    %swap3A_849 = tpu.vector_load %arg17[%swap3A_847, %swap3A_848] {strides = array<i32>} : memref<16x128xf32, #tpu.memory_space<vmem>>, vector<1x16xf32>,
    %swap3A_850 = vector.shape_cast %swap3A_849 : vector<1x16xf32> to vector<16xf32>
    %swap3A_851 = vector.shape_cast %get3A_767 : vector<16xf32> to vector<1x16xf32>
    tpu.vector_store %arg17[%swap3A_847, %swap3A_848], %swap3A_851 {strides = array<i32>} : memref<16x128xf32, #tpu.memory_space<vmem>>, vector<1x16xf32>,
    %swap3A_852 = arith.constant 15 : i32
    %swap3A_853 = arith.index_cast %swap3A_852 : i32 to index
    %swap3A_854 = arith.constant 96 : index
    %swap3A_855 = tpu.vector_load %arg17[%swap3A_853, %swap3A_854] {strides = array<i32>} : memref<16x128xf32, #tpu.memory_space<vmem>>, vector<1x16xf32>,
    %swap3A_856 = vector.shape_cast %swap3A_855 : vector<1x16xf32> to vector<16xf32>
    %swap3A_857 = vector.shape_cast %get3A_767 : vector<16xf32> to vector<1x16xf32>
    tpu.vector_store %arg17[%swap3A_853, %swap3A_854], %swap3A_857 {strides = array<i32>} : memref<16x128xf32, #tpu.memory_space<vmem>>, vector<1x16xf32>,
    %get3A_858 = arith.constant 0 : i32
    %get3A_859 = arith.index_cast %get3A_858 : i32 to index
    %get3A_860 = arith.constant 112 : index
    %get3A_861 = tpu.vector_load %arg17[%get3A_859, %get3A_860] {strides = array<i32>} : memref<16x128xf32, #tpu.memory_space<vmem>>, vector<1x16xf32>,
    %get3A_862 = vector.shape_cast %get3A_861 : vector<1x16xf32> to vector<16xf32>
    %swap3A_863 = arith.constant 1 : i32
    %swap3A_864 = arith.index_cast %swap3A_863 : i32 to index
    %swap3A_865 = arith.constant 112 : index
    %swap3A_866 = tpu.vector_load %arg17[%swap3A_864, %swap3A_865] {strides = array<i32>} : memref<16x128xf32, #tpu.memory_space<vmem>>, vector<1x16xf32>,
    %swap3A_867 = vector.shape_cast %swap3A_866 : vector<1x16xf32> to vector<16xf32>
    %swap3A_868 = vector.shape_cast %get3A_862 : vector<16xf32> to vector<1x16xf32>
    tpu.vector_store %arg17[%swap3A_864, %swap3A_865], %swap3A_868 {strides = array<i32>} : memref<16x128xf32, #tpu.memory_space<vmem>>, vector<1x16xf32>,
    %swap3A_869 = arith.constant 2 : i32
    %swap3A_870 = arith.index_cast %swap3A_869 : i32 to index
    %swap3A_871 = arith.constant 112 : index
    %swap3A_872 = tpu.vector_load %arg17[%swap3A_870, %swap3A_871] {strides = array<i32>} : memref<16x128xf32, #tpu.memory_space<vmem>>, vector<1x16xf32>,
    %swap3A_873 = vector.shape_cast %swap3A_872 : vector<1x16xf32> to vector<16xf32>
    %swap3A_874 = vector.shape_cast %get3A_862 : vector<16xf32> to vector<1x16xf32>
    tpu.vector_store %arg17[%swap3A_870, %swap3A_871], %swap3A_874 {strides = array<i32>} : memref<16x128xf32, #tpu.memory_space<vmem>>, vector<1x16xf32>,
    %swap3A_875 = arith.constant 3 : i32
    %swap3A_876 = arith.index_cast %swap3A_875 : i32 to index
    %swap3A_877 = arith.constant 112 : index
    %swap3A_878 = tpu.vector_load %arg17[%swap3A_876, %swap3A_877] {strides = array<i32>} : memref<16x128xf32, #tpu.memory_space<vmem>>, vector<1x16xf32>,
    %swap3A_879 = vector.shape_cast %swap3A_878 : vector<1x16xf32> to vector<16xf32>
    %swap3A_880 = vector.shape_cast %get3A_862 : vector<16xf32> to vector<1x16xf32>
    tpu.vector_store %arg17[%swap3A_876, %swap3A_877], %swap3A_880 {strides = array<i32>} : memref<16x128xf32, #tpu.memory_space<vmem>>, vector<1x16xf32>,
    %swap3A_881 = arith.constant 4 : i32
    %swap3A_882 = arith.index_cast %swap3A_881 : i32 to index
    %swap3A_883 = arith.constant 112 : index
    %swap3A_884 = tpu.vector_load %arg17[%swap3A_882, %swap3A_883] {strides = array<i32>} : memref<16x128xf32, #tpu.memory_space<vmem>>, vector<1x16xf32>,
    %swap3A_885 = vector.shape_cast %swap3A_884 : vector<1x16xf32> to vector<16xf32>
    %swap3A_886 = vector.shape_cast %get3A_862 : vector<16xf32> to vector<1x16xf32>
    tpu.vector_store %arg17[%swap3A_882, %swap3A_883], %swap3A_886 {strides = array<i32>} : memref<16x128xf32, #tpu.memory_space<vmem>>, vector<1x16xf32>,
    %swap3A_887 = arith.constant 5 : i32
    %swap3A_888 = arith.index_cast %swap3A_887 : i32 to index
    %swap3A_889 = arith.constant 112 : index
    %swap3A_890 = tpu.vector_load %arg17[%swap3A_888, %swap3A_889] {strides = array<i32>} : memref<16x128xf32, #tpu.memory_space<vmem>>, vector<1x16xf32>,
    %swap3A_891 = vector.shape_cast %swap3A_890 : vector<1x16xf32> to vector<16xf32>
    %swap3A_892 = vector.shape_cast %get3A_862 : vector<16xf32> to vector<1x16xf32>
    tpu.vector_store %arg17[%swap3A_888, %swap3A_889], %swap3A_892 {strides = array<i32>} : memref<16x128xf32, #tpu.memory_space<vmem>>, vector<1x16xf32>,
    %swap3A_893 = arith.constant 6 : i32
    %swap3A_894 = arith.index_cast %swap3A_893 : i32 to index
    %swap3A_895 = arith.constant 112 : index
    %swap3A_896 = tpu.vector_load %arg17[%swap3A_894, %swap3A_895] {strides = array<i32>} : memref<16x128xf32, #tpu.memory_space<vmem>>, vector<1x16xf32>,
    %swap3A_897 = vector.shape_cast %swap3A_896 : vector<1x16xf32> to vector<16xf32>
    %swap3A_898 = vector.shape_cast %get3A_862 : vector<16xf32> to vector<1x16xf32>
    tpu.vector_store %arg17[%swap3A_894, %swap3A_895], %swap3A_898 {strides = array<i32>} : memref<16x128xf32, #tpu.memory_space<vmem>>, vector<1x16xf32>,
    %swap3A_899 = arith.constant 7 : i32
    %swap3A_900 = arith.index_cast %swap3A_899 : i32 to index
    %swap3A_901 = arith.constant 112 : index
    %swap3A_902 = tpu.vector_load %arg17[%swap3A_900, %swap3A_901] {strides = array<i32>} : memref<16x128xf32, #tpu.memory_space<vmem>>, vector<1x16xf32>,
    %swap3A_903 = vector.shape_cast %swap3A_902 : vector<1x16xf32> to vector<16xf32>
    %swap3A_904 = vector.shape_cast %get3A_862 : vector<16xf32> to vector<1x16xf32>
    tpu.vector_store %arg17[%swap3A_900, %swap3A_901], %swap3A_904 {strides = array<i32>} : memref<16x128xf32, #tpu.memory_space<vmem>>, vector<1x16xf32>,
    %swap3A_905 = arith.constant 8 : i32
    %swap3A_906 = arith.index_cast %swap3A_905 : i32 to index
    %swap3A_907 = arith.constant 112 : index
    %swap3A_908 = tpu.vector_load %arg17[%swap3A_906, %swap3A_907] {strides = array<i32>} : memref<16x128xf32, #tpu.memory_space<vmem>>, vector<1x16xf32>,
    %swap3A_909 = vector.shape_cast %swap3A_908 : vector<1x16xf32> to vector<16xf32>
    %swap3A_910 = vector.shape_cast %get3A_862 : vector<16xf32> to vector<1x16xf32>
    tpu.vector_store %arg17[%swap3A_906, %swap3A_907], %swap3A_910 {strides = array<i32>} : memref<16x128xf32, #tpu.memory_space<vmem>>, vector<1x16xf32>,
    %swap3A_911 = arith.constant 9 : i32
    %swap3A_912 = arith.index_cast %swap3A_911 : i32 to index
    %swap3A_913 = arith.constant 112 : index
    %swap3A_914 = tpu.vector_load %arg17[%swap3A_912, %swap3A_913] {strides = array<i32>} : memref<16x128xf32, #tpu.memory_space<vmem>>, vector<1x16xf32>,
    %swap3A_915 = vector.shape_cast %swap3A_914 : vector<1x16xf32> to vector<16xf32>
    %swap3A_916 = vector.shape_cast %get3A_862 : vector<16xf32> to vector<1x16xf32>
    tpu.vector_store %arg17[%swap3A_912, %swap3A_913], %swap3A_916 {strides = array<i32>} : memref<16x128xf32, #tpu.memory_space<vmem>>, vector<1x16xf32>,
    %swap3A_917 = arith.constant 10 : i32
    %swap3A_918 = arith.index_cast %swap3A_917 : i32 to index
    %swap3A_919 = arith.constant 112 : index
    %swap3A_920 = tpu.vector_load %arg17[%swap3A_918, %swap3A_919] {strides = array<i32>} : memref<16x128xf32, #tpu.memory_space<vmem>>, vector<1x16xf32>,
    %swap3A_921 = vector.shape_cast %swap3A_920 : vector<1x16xf32> to vector<16xf32>
    %swap3A_922 = vector.shape_cast %get3A_862 : vector<16xf32> to vector<1x16xf32>
    tpu.vector_store %arg17[%swap3A_918, %swap3A_919], %swap3A_922 {strides = array<i32>} : memref<16x128xf32, #tpu.memory_space<vmem>>, vector<1x16xf32>,
    %swap3A_923 = arith.constant 11 : i32
    %swap3A_924 = arith.index_cast %swap3A_923 : i32 to index
    %swap3A_925 = arith.constant 112 : index
    %swap3A_926 = tpu.vector_load %arg17[%swap3A_924, %swap3A_925] {strides = array<i32>} : memref<16x128xf32, #tpu.memory_space<vmem>>, vector<1x16xf32>,
    %swap3A_927 = vector.shape_cast %swap3A_926 : vector<1x16xf32> to vector<16xf32>
    %swap3A_928 = vector.shape_cast %get3A_862 : vector<16xf32> to vector<1x16xf32>
    tpu.vector_store %arg17[%swap3A_924, %swap3A_925], %swap3A_928 {strides = array<i32>} : memref<16x128xf32, #tpu.memory_space<vmem>>, vector<1x16xf32>,
    %swap3A_929 = arith.constant 12 : i32
    %swap3A_930 = arith.index_cast %swap3A_929 : i32 to index
    %swap3A_931 = arith.constant 112 : index
    %swap3A_932 = tpu.vector_load %arg17[%swap3A_930, %swap3A_931] {strides = array<i32>} : memref<16x128xf32, #tpu.memory_space<vmem>>, vector<1x16xf32>,
    %swap3A_933 = vector.shape_cast %swap3A_932 : vector<1x16xf32> to vector<16xf32>
    %swap3A_934 = vector.shape_cast %get3A_862 : vector<16xf32> to vector<1x16xf32>
    tpu.vector_store %arg17[%swap3A_930, %swap3A_931], %swap3A_934 {strides = array<i32>} : memref<16x128xf32, #tpu.memory_space<vmem>>, vector<1x16xf32>,
    %swap3A_935 = arith.constant 13 : i32
    %swap3A_936 = arith.index_cast %swap3A_935 : i32 to index
    %swap3A_937 = arith.constant 112 : index
    %swap3A_938 = tpu.vector_load %arg17[%swap3A_936, %swap3A_937] {strides = array<i32>} : memref<16x128xf32, #tpu.memory_space<vmem>>, vector<1x16xf32>,
    %swap3A_939 = vector.shape_cast %swap3A_938 : vector<1x16xf32> to vector<16xf32>
    %swap3A_940 = vector.shape_cast %get3A_862 : vector<16xf32> to vector<1x16xf32>
    tpu.vector_store %arg17[%swap3A_936, %swap3A_937], %swap3A_940 {strides = array<i32>} : memref<16x128xf32, #tpu.memory_space<vmem>>, vector<1x16xf32>,
    %swap3A_941 = arith.constant 14 : i32
    %swap3A_942 = arith.index_cast %swap3A_941 : i32 to index
    %swap3A_943 = arith.constant 112 : index
    %swap3A_944 = tpu.vector_load %arg17[%swap3A_942, %swap3A_943] {strides = array<i32>} : memref<16x128xf32, #tpu.memory_space<vmem>>, vector<1x16xf32>,
    %swap3A_945 = vector.shape_cast %swap3A_944 : vector<1x16xf32> to vector<16xf32>
    %swap3A_946 = vector.shape_cast %get3A_862 : vector<16xf32> to vector<1x16xf32>
    tpu.vector_store %arg17[%swap3A_942, %swap3A_943], %swap3A_946 {strides = array<i32>} : memref<16x128xf32, #tpu.memory_space<vmem>>, vector<1x16xf32>,
    %swap3A_947 = arith.constant 15 : i32
    %swap3A_948 = arith.index_cast %swap3A_947 : i32 to index
    %swap3A_949 = arith.constant 112 : index
    %swap3A_950 = tpu.vector_load %arg17[%swap3A_948, %swap3A_949] {strides = array<i32>} : memref<16x128xf32, #tpu.memory_space<vmem>>, vector<1x16xf32>,
    %swap3A_951 = vector.shape_cast %swap3A_950 : vector<1x16xf32> to vector<16xf32>
    %swap3A_952 = vector.shape_cast %get3A_862 : vector<16xf32> to vector<1x16xf32>
    tpu.vector_store %arg17[%swap3A_948, %swap3A_949], %swap3A_952 {strides = array<i32>} : memref<16x128xf32, #tpu.memory_space<vmem>>, vector<1x16xf32>,
    %sub3A = arith.subi %iota3A, %iota3A : vector<16xi32>
    %swap3A_953 = arith.constant 0 : index
    %swap3A_954 = tpu.vector_load %arg18[%swap3A_953] {strides = array<i32>} : memref<16xi32, #tpu.memory_space<vmem>>, vector<16xi32>,
    %swap3A_955 = vector.shape_cast %swap3A_954 : vector<16xi32> to vector<16xi32>
    %swap3A_956 = vector.shape_cast %sub3A : vector<16xi32> to vector<16xi32>
    tpu.vector_store %arg18[%swap3A_953], %swap3A_956 {strides = array<i32>} : memref<16xi32, #tpu.memory_space<vmem>>, vector<16xi32>,
    %mul3A_957 = arith.constant 8 : i32
    %mul3A_958 = arith.muli %add3A, %mul3A_957 : i32
    %add3A_959 = arith.constant 0 : i32
    %add3A_960 = arith.addi %mul3A_958, %add3A_959 : i32
    %dma_start3A_961 = arith.constant 0 : i32
    %dma_start3A_962 = arith.constant 0 : i32
    %dma_start3A_963 = tpu.memref_slice %arg7[%add3A_960, %dma_start3A_961, %dma_start3A_962] : memref<256x129x128xf32, #tpu.memory_space<hbm>> -> memref<1x129x128xf32, #tpu.memory_space<hbm>>
    %dma_start3A_964 = tpu.memref_squeeze %dma_start3A_963 : memref<1x129x128xf32, #tpu.memory_space<hbm>> -> memref<129x128xf32, #tpu.memory_space<hbm>>
    %dma_start3A_965 = arith.constant 0 : i32
    %dma_start3A_966 = arith.constant 0 : i32
    %dma_start3A_967 = tpu.memref_slice %dma_start3A_964[%dma_start3A_965, %dma_start3A_966] : memref<129x128xf32, #tpu.memory_space<hbm>> -> memref<129x128xf32, #tpu.memory_space<hbm>>
    tpu.enqueue_indirect_dma source(%arg17 : memref<16x128xf32, #tpu.memory_space<vmem>>) target(%dma_start3A_967 : memref<129x128xf32, #tpu.memory_space<hbm>>) offsets(%arg18 : memref<16xi32, #tpu.memory_space<vmem>>) semaphore(%arg23 : memref<!tpu.dma_semaphore, #tpu.memory_space<semaphore_mem>>)
    %mul3A_968 = arith.constant 8 : i32
    %mul3A_969 = arith.muli %add3A, %mul3A_968 : i32
    %add3A_970 = arith.constant 1 : i32
    %add3A_971 = arith.addi %mul3A_969, %add3A_970 : i32
    %dma_start3A_972 = arith.constant 0 : i32
    %dma_start3A_973 = arith.constant 0 : i32
    %dma_start3A_974 = tpu.memref_slice %arg7[%add3A_971, %dma_start3A_972, %dma_start3A_973] : memref<256x129x128xf32, #tpu.memory_space<hbm>> -> memref<1x129x128xf32, #tpu.memory_space<hbm>>
    %dma_start3A_975 = tpu.memref_squeeze %dma_start3A_974 : memref<1x129x128xf32, #tpu.memory_space<hbm>> -> memref<129x128xf32, #tpu.memory_space<hbm>>
    %dma_start3A_976 = arith.constant 0 : i32
    %dma_start3A_977 = arith.constant 0 : i32
    %dma_start3A_978 = tpu.memref_slice %dma_start3A_975[%dma_start3A_976, %dma_start3A_977] : memref<129x128xf32, #tpu.memory_space<hbm>> -> memref<129x128xf32, #tpu.memory_space<hbm>>
    tpu.enqueue_indirect_dma source(%arg17 : memref<16x128xf32, #tpu.memory_space<vmem>>) target(%dma_start3A_978 : memref<129x128xf32, #tpu.memory_space<hbm>>) offsets(%arg18 : memref<16xi32, #tpu.memory_space<vmem>>) semaphore(%arg23 : memref<!tpu.dma_semaphore, #tpu.memory_space<semaphore_mem>>)
    %mul3A_979 = arith.constant 8 : i32
    %mul3A_980 = arith.muli %add3A, %mul3A_979 : i32
    %add3A_981 = arith.constant 2 : i32
    %add3A_982 = arith.addi %mul3A_980, %add3A_981 : i32
    %dma_start3A_983 = arith.constant 0 : i32
    %dma_start3A_984 = arith.constant 0 : i32
    %dma_start3A_985 = tpu.memref_slice %arg7[%add3A_982, %dma_start3A_983, %dma_start3A_984] : memref<256x129x128xf32, #tpu.memory_space<hbm>> -> memref<1x129x128xf32, #tpu.memory_space<hbm>>
    %dma_start3A_986 = tpu.memref_squeeze %dma_start3A_985 : memref<1x129x128xf32, #tpu.memory_space<hbm>> -> memref<129x128xf32, #tpu.memory_space<hbm>>
    %dma_start3A_987 = arith.constant 0 : i32
    %dma_start3A_988 = arith.constant 0 : i32
    %dma_start3A_989 = tpu.memref_slice %dma_start3A_986[%dma_start3A_987, %dma_start3A_988] : memref<129x128xf32, #tpu.memory_space<hbm>> -> memref<129x128xf32, #tpu.memory_space<hbm>>
    tpu.enqueue_indirect_dma source(%arg17 : memref<16x128xf32, #tpu.memory_space<vmem>>) target(%dma_start3A_989 : memref<129x128xf32, #tpu.memory_space<hbm>>) offsets(%arg18 : memref<16xi32, #tpu.memory_space<vmem>>) semaphore(%arg23 : memref<!tpu.dma_semaphore, #tpu.memory_space<semaphore_mem>>)
    %mul3A_990 = arith.constant 8 : i32
    %mul3A_991 = arith.muli %add3A, %mul3A_990 : i32
    %add3A_992 = arith.constant 3 : i32
    %add3A_993 = arith.addi %mul3A_991, %add3A_992 : i32
    %dma_start3A_994 = arith.constant 0 : i32
    %dma_start3A_995 = arith.constant 0 : i32
    %dma_start3A_996 = tpu.memref_slice %arg7[%add3A_993, %dma_start3A_994, %dma_start3A_995] : memref<256x129x128xf32, #tpu.memory_space<hbm>> -> memref<1x129x128xf32, #tpu.memory_space<hbm>>
    %dma_start3A_997 = tpu.memref_squeeze %dma_start3A_996 : memref<1x129x128xf32, #tpu.memory_space<hbm>> -> memref<129x128xf32, #tpu.memory_space<hbm>>
    %dma_start3A_998 = arith.constant 0 : i32
    %dma_start3A_999 = arith.constant 0 : i32
    %dma_start3A_1000 = tpu.memref_slice %dma_start3A_997[%dma_start3A_998, %dma_start3A_999] : memref<129x128xf32, #tpu.memory_space<hbm>> -> memref<129x128xf32, #tpu.memory_space<hbm>>
    tpu.enqueue_indirect_dma source(%arg17 : memref<16x128xf32, #tpu.memory_space<vmem>>) target(%dma_start3A_1000 : memref<129x128xf32, #tpu.memory_space<hbm>>) offsets(%arg18 : memref<16xi32, #tpu.memory_space<vmem>>) semaphore(%arg23 : memref<!tpu.dma_semaphore, #tpu.memory_space<semaphore_mem>>)
    %mul3A_1001 = arith.constant 8 : i32
    %mul3A_1002 = arith.muli %add3A, %mul3A_1001 : i32
    %add3A_1003 = arith.constant 4 : i32
    %add3A_1004 = arith.addi %mul3A_1002, %add3A_1003 : i32
    %dma_start3A_1005 = arith.constant 0 : i32
    %dma_start3A_1006 = arith.constant 0 : i32
    %dma_start3A_1007 = tpu.memref_slice %arg7[%add3A_1004, %dma_start3A_1005, %dma_start3A_1006] : memref<256x129x128xf32, #tpu.memory_space<hbm>> -> memref<1x129x128xf32, #tpu.memory_space<hbm>>
    %dma_start3A_1008 = tpu.memref_squeeze %dma_start3A_1007 : memref<1x129x128xf32, #tpu.memory_space<hbm>> -> memref<129x128xf32, #tpu.memory_space<hbm>>
    %dma_start3A_1009 = arith.constant 0 : i32
    %dma_start3A_1010 = arith.constant 0 : i32
    %dma_start3A_1011 = tpu.memref_slice %dma_start3A_1008[%dma_start3A_1009, %dma_start3A_1010] : memref<129x128xf32, #tpu.memory_space<hbm>> -> memref<129x128xf32, #tpu.memory_space<hbm>>
    tpu.enqueue_indirect_dma source(%arg17 : memref<16x128xf32, #tpu.memory_space<vmem>>) target(%dma_start3A_1011 : memref<129x128xf32, #tpu.memory_space<hbm>>) offsets(%arg18 : memref<16xi32, #tpu.memory_space<vmem>>) semaphore(%arg23 : memref<!tpu.dma_semaphore, #tpu.memory_space<semaphore_mem>>)
    %mul3A_1012 = arith.constant 8 : i32
    %mul3A_1013 = arith.muli %add3A, %mul3A_1012 : i32
    %add3A_1014 = arith.constant 5 : i32
    %add3A_1015 = arith.addi %mul3A_1013, %add3A_1014 : i32
    %dma_start3A_1016 = arith.constant 0 : i32
    %dma_start3A_1017 = arith.constant 0 : i32
    %dma_start3A_1018 = tpu.memref_slice %arg7[%add3A_1015, %dma_start3A_1016, %dma_start3A_1017] : memref<256x129x128xf32, #tpu.memory_space<hbm>> -> memref<1x129x128xf32, #tpu.memory_space<hbm>>
    %dma_start3A_1019 = tpu.memref_squeeze %dma_start3A_1018 : memref<1x129x128xf32, #tpu.memory_space<hbm>> -> memref<129x128xf32, #tpu.memory_space<hbm>>
    %dma_start3A_1020 = arith.constant 0 : i32
    %dma_start3A_1021 = arith.constant 0 : i32
    %dma_start3A_1022 = tpu.memref_slice %dma_start3A_1019[%dma_start3A_1020, %dma_start3A_1021] : memref<129x128xf32, #tpu.memory_space<hbm>> -> memref<129x128xf32, #tpu.memory_space<hbm>>
    tpu.enqueue_indirect_dma source(%arg17 : memref<16x128xf32, #tpu.memory_space<vmem>>) target(%dma_start3A_1022 : memref<129x128xf32, #tpu.memory_space<hbm>>) offsets(%arg18 : memref<16xi32, #tpu.memory_space<vmem>>) semaphore(%arg23 : memref<!tpu.dma_semaphore, #tpu.memory_space<semaphore_mem>>)
    %mul3A_1023 = arith.constant 8 : i32
    %mul3A_1024 = arith.muli %add3A, %mul3A_1023 : i32
    %add3A_1025 = arith.constant 6 : i32
    %add3A_1026 = arith.addi %mul3A_1024, %add3A_1025 : i32
    %dma_start3A_1027 = arith.constant 0 : i32
    %dma_start3A_1028 = arith.constant 0 : i32
    %dma_start3A_1029 = tpu.memref_slice %arg7[%add3A_1026, %dma_start3A_1027, %dma_start3A_1028] : memref<256x129x128xf32, #tpu.memory_space<hbm>> -> memref<1x129x128xf32, #tpu.memory_space<hbm>>
    %dma_start3A_1030 = tpu.memref_squeeze %dma_start3A_1029 : memref<1x129x128xf32, #tpu.memory_space<hbm>> -> memref<129x128xf32, #tpu.memory_space<hbm>>
    %dma_start3A_1031 = arith.constant 0 : i32
    %dma_start3A_1032 = arith.constant 0 : i32
    %dma_start3A_1033 = tpu.memref_slice %dma_start3A_1030[%dma_start3A_1031, %dma_start3A_1032] : memref<129x128xf32, #tpu.memory_space<hbm>> -> memref<129x128xf32, #tpu.memory_space<hbm>>
    tpu.enqueue_indirect_dma source(%arg17 : memref<16x128xf32, #tpu.memory_space<vmem>>) target(%dma_start3A_1033 : memref<129x128xf32, #tpu.memory_space<hbm>>) offsets(%arg18 : memref<16xi32, #tpu.memory_space<vmem>>) semaphore(%arg23 : memref<!tpu.dma_semaphore, #tpu.memory_space<semaphore_mem>>)
    %mul3A_1034 = arith.constant 8 : i32
    %mul3A_1035 = arith.muli %add3A, %mul3A_1034 : i32
    %add3A_1036 = arith.constant 7 : i32
    %add3A_1037 = arith.addi %mul3A_1035, %add3A_1036 : i32
    %dma_start3A_1038 = arith.constant 0 : i32
    %dma_start3A_1039 = arith.constant 0 : i32
    %dma_start3A_1040 = tpu.memref_slice %arg7[%add3A_1037, %dma_start3A_1038, %dma_start3A_1039] : memref<256x129x128xf32, #tpu.memory_space<hbm>> -> memref<1x129x128xf32, #tpu.memory_space<hbm>>
    %dma_start3A_1041 = tpu.memref_squeeze %dma_start3A_1040 : memref<1x129x128xf32, #tpu.memory_space<hbm>> -> memref<129x128xf32, #tpu.memory_space<hbm>>
    %dma_start3A_1042 = arith.constant 0 : i32
    %dma_start3A_1043 = arith.constant 0 : i32
    %dma_start3A_1044 = tpu.memref_slice %dma_start3A_1041[%dma_start3A_1042, %dma_start3A_1043] : memref<129x128xf32, #tpu.memory_space<hbm>> -> memref<129x128xf32, #tpu.memory_space<hbm>>
    tpu.enqueue_indirect_dma source(%arg17 : memref<16x128xf32, #tpu.memory_space<vmem>>) target(%dma_start3A_1044 : memref<129x128xf32, #tpu.memory_space<hbm>>) offsets(%arg18 : memref<16xi32, #tpu.memory_space<vmem>>) semaphore(%arg23 : memref<!tpu.dma_semaphore, #tpu.memory_space<semaphore_mem>>)
    %mul3A_1045 = arith.constant 8 : i32
    %mul3A_1046 = arith.muli %add3A, %mul3A_1045 : i32
    %add3A_1047 = arith.constant 0 : i32
    %add3A_1048 = arith.addi %mul3A_1046, %add3A_1047 : i32
    %dma_wait3A_1049 = arith.constant 0 : i32
    %dma_wait3A_1050 = arith.constant 0 : i32
    %dma_wait3A_1051 = tpu.memref_slice %arg7[%add3A_1048, %dma_wait3A_1049, %dma_wait3A_1050] : memref<256x129x128xf32, #tpu.memory_space<hbm>> -> memref<1x129x128xf32, #tpu.memory_space<hbm>>
    %dma_wait3A_1052 = tpu.memref_squeeze %dma_wait3A_1051 : memref<1x129x128xf32, #tpu.memory_space<hbm>> -> memref<129x128xf32, #tpu.memory_space<hbm>>
    %dma_wait3A_1053 = arith.constant 0 : i32
    %dma_wait3A_1054 = arith.constant 0 : i32
    %dma_wait3A_1055 = tpu.memref_slice %dma_wait3A_1052[%dma_wait3A_1053, %dma_wait3A_1054] : memref<129x128xf32, #tpu.memory_space<hbm>> -> memref<129x128xf32, #tpu.memory_space<hbm>>
    tpu.wait_indirect_dma semaphore(%arg23 : memref<!tpu.dma_semaphore, #tpu.memory_space<semaphore_mem>>) src(%arg17 : memref<16x128xf32, #tpu.memory_space<vmem>>) dst(%dma_wait3A_1055 : memref<129x128xf32, #tpu.memory_space<hbm>>)
    %mul3A_1056 = arith.constant 8 : i32
    %mul3A_1057 = arith.muli %add3A, %mul3A_1056 : i32
    %add3A_1058 = arith.constant 1 : i32
    %add3A_1059 = arith.addi %mul3A_1057, %add3A_1058 : i32
    %dma_wait3A_1060 = arith.constant 0 : i32
    %dma_wait3A_1061 = arith.constant 0 : i32
    %dma_wait3A_1062 = tpu.memref_slice %arg7[%add3A_1059, %dma_wait3A_1060, %dma_wait3A_1061] : memref<256x129x128xf32, #tpu.memory_space<hbm>> -> memref<1x129x128xf32, #tpu.memory_space<hbm>>
    %dma_wait3A_1063 = tpu.memref_squeeze %dma_wait3A_1062 : memref<1x129x128xf32, #tpu.memory_space<hbm>> -> memref<129x128xf32, #tpu.memory_space<hbm>>
    %dma_wait3A_1064 = arith.constant 0 : i32
    %dma_wait3A_1065 = arith.constant 0 : i32
    %dma_wait3A_1066 = tpu.memref_slice %dma_wait3A_1063[%dma_wait3A_1064, %dma_wait3A_1065] : memref<129x128xf32, #tpu.memory_space<hbm>> -> memref<129x128xf32, #tpu.memory_space<hbm>>
    tpu.wait_indirect_dma semaphore(%arg23 : memref<!tpu.dma_semaphore, #tpu.memory_space<semaphore_mem>>) src(%arg17 : memref<16x128xf32, #tpu.memory_space<vmem>>) dst(%dma_wait3A_1066 : memref<129x128xf32, #tpu.memory_space<hbm>>)
    %mul3A_1067 = arith.constant 8 : i32
    %mul3A_1068 = arith.muli %add3A, %mul3A_1067 : i32
    %add3A_1069 = arith.constant 2 : i32
    %add3A_1070 = arith.addi %mul3A_1068, %add3A_1069 : i32
    %dma_wait3A_1071 = arith.constant 0 : i32
    %dma_wait3A_1072 = arith.constant 0 : i32
    %dma_wait3A_1073 = tpu.memref_slice %arg7[%add3A_1070, %dma_wait3A_1071, %dma_wait3A_1072] : memref<256x129x128xf32, #tpu.memory_space<hbm>> -> memref<1x129x128xf32, #tpu.memory_space<hbm>>
    %dma_wait3A_1074 = tpu.memref_squeeze %dma_wait3A_1073 : memref<1x129x128xf32, #tpu.memory_space<hbm>> -> memref<129x128xf32, #tpu.memory_space<hbm>>
    %dma_wait3A_1075 = arith.constant 0 : i32
    %dma_wait3A_1076 = arith.constant 0 : i32
    %dma_wait3A_1077 = tpu.memref_slice %dma_wait3A_1074[%dma_wait3A_1075, %dma_wait3A_1076] : memref<129x128xf32, #tpu.memory_space<hbm>> -> memref<129x128xf32, #tpu.memory_space<hbm>>
    tpu.wait_indirect_dma semaphore(%arg23 : memref<!tpu.dma_semaphore, #tpu.memory_space<semaphore_mem>>) src(%arg17 : memref<16x128xf32, #tpu.memory_space<vmem>>) dst(%dma_wait3A_1077 : memref<129x128xf32, #tpu.memory_space<hbm>>)
    %mul3A_1078 = arith.constant 8 : i32
    %mul3A_1079 = arith.muli %add3A, %mul3A_1078 : i32
    %add3A_1080 = arith.constant 3 : i32
    %add3A_1081 = arith.addi %mul3A_1079, %add3A_1080 : i32
    %dma_wait3A_1082 = arith.constant 0 : i32
    %dma_wait3A_1083 = arith.constant 0 : i32
    %dma_wait3A_1084 = tpu.memref_slice %arg7[%add3A_1081, %dma_wait3A_1082, %dma_wait3A_1083] : memref<256x129x128xf32, #tpu.memory_space<hbm>> -> memref<1x129x128xf32, #tpu.memory_space<hbm>>
    %dma_wait3A_1085 = tpu.memref_squeeze %dma_wait3A_1084 : memref<1x129x128xf32, #tpu.memory_space<hbm>> -> memref<129x128xf32, #tpu.memory_space<hbm>>
    %dma_wait3A_1086 = arith.constant 0 : i32
    %dma_wait3A_1087 = arith.constant 0 : i32
    %dma_wait3A_1088 = tpu.memref_slice %dma_wait3A_1085[%dma_wait3A_1086, %dma_wait3A_1087] : memref<129x128xf32, #tpu.memory_space<hbm>> -> memref<129x128xf32, #tpu.memory_space<hbm>>
    tpu.wait_indirect_dma semaphore(%arg23 : memref<!tpu.dma_semaphore, #tpu.memory_space<semaphore_mem>>) src(%arg17 : memref<16x128xf32, #tpu.memory_space<vmem>>) dst(%dma_wait3A_1088 : memref<129x128xf32, #tpu.memory_space<hbm>>)
    %mul3A_1089 = arith.constant 8 : i32
    %mul3A_1090 = arith.muli %add3A, %mul3A_1089 : i32
    %add3A_1091 = arith.constant 4 : i32
    %add3A_1092 = arith.addi %mul3A_1090, %add3A_1091 : i32
    %dma_wait3A_1093 = arith.constant 0 : i32
    %dma_wait3A_1094 = arith.constant 0 : i32
    %dma_wait3A_1095 = tpu.memref_slice %arg7[%add3A_1092, %dma_wait3A_1093, %dma_wait3A_1094] : memref<256x129x128xf32, #tpu.memory_space<hbm>> -> memref<1x129x128xf32, #tpu.memory_space<hbm>>
    %dma_wait3A_1096 = tpu.memref_squeeze %dma_wait3A_1095 : memref<1x129x128xf32, #tpu.memory_space<hbm>> -> memref<129x128xf32, #tpu.memory_space<hbm>>
    %dma_wait3A_1097 = arith.constant 0 : i32
    %dma_wait3A_1098 = arith.constant 0 : i32
    %dma_wait3A_1099 = tpu.memref_slice %dma_wait3A_1096[%dma_wait3A_1097, %dma_wait3A_1098] : memref<129x128xf32, #tpu.memory_space<hbm>> -> memref<129x128xf32, #tpu.memory_space<hbm>>
    tpu.wait_indirect_dma semaphore(%arg23 : memref<!tpu.dma_semaphore, #tpu.memory_space<semaphore_mem>>) src(%arg17 : memref<16x128xf32, #tpu.memory_space<vmem>>) dst(%dma_wait3A_1099 : memref<129x128xf32, #tpu.memory_space<hbm>>)
    %mul3A_1100 = arith.constant 8 : i32
    %mul3A_1101 = arith.muli %add3A, %mul3A_1100 : i32
    %add3A_1102 = arith.constant 5 : i32
    %add3A_1103 = arith.addi %mul3A_1101, %add3A_1102 : i32
    %dma_wait3A_1104 = arith.constant 0 : i32
    %dma_wait3A_1105 = arith.constant 0 : i32
    %dma_wait3A_1106 = tpu.memref_slice %arg7[%add3A_1103, %dma_wait3A_1104, %dma_wait3A_1105] : memref<256x129x128xf32, #tpu.memory_space<hbm>> -> memref<1x129x128xf32, #tpu.memory_space<hbm>>
    %dma_wait3A_1107 = tpu.memref_squeeze %dma_wait3A_1106 : memref<1x129x128xf32, #tpu.memory_space<hbm>> -> memref<129x128xf32, #tpu.memory_space<hbm>>
    %dma_wait3A_1108 = arith.constant 0 : i32
    %dma_wait3A_1109 = arith.constant 0 : i32
    %dma_wait3A_1110 = tpu.memref_slice %dma_wait3A_1107[%dma_wait3A_1108, %dma_wait3A_1109] : memref<129x128xf32, #tpu.memory_space<hbm>> -> memref<129x128xf32, #tpu.memory_space<hbm>>
    tpu.wait_indirect_dma semaphore(%arg23 : memref<!tpu.dma_semaphore, #tpu.memory_space<semaphore_mem>>) src(%arg17 : memref<16x128xf32, #tpu.memory_space<vmem>>) dst(%dma_wait3A_1110 : memref<129x128xf32, #tpu.memory_space<hbm>>)
    %mul3A_1111 = arith.constant 8 : i32
    %mul3A_1112 = arith.muli %add3A, %mul3A_1111 : i32
    %add3A_1113 = arith.constant 6 : i32
    %add3A_1114 = arith.addi %mul3A_1112, %add3A_1113 : i32
    %dma_wait3A_1115 = arith.constant 0 : i32
    %dma_wait3A_1116 = arith.constant 0 : i32
    %dma_wait3A_1117 = tpu.memref_slice %arg7[%add3A_1114, %dma_wait3A_1115, %dma_wait3A_1116] : memref<256x129x128xf32, #tpu.memory_space<hbm>> -> memref<1x129x128xf32, #tpu.memory_space<hbm>>
    %dma_wait3A_1118 = tpu.memref_squeeze %dma_wait3A_1117 : memref<1x129x128xf32, #tpu.memory_space<hbm>> -> memref<129x128xf32, #tpu.memory_space<hbm>>
    %dma_wait3A_1119 = arith.constant 0 : i32
    %dma_wait3A_1120 = arith.constant 0 : i32
    %dma_wait3A_1121 = tpu.memref_slice %dma_wait3A_1118[%dma_wait3A_1119, %dma_wait3A_1120] : memref<129x128xf32, #tpu.memory_space<hbm>> -> memref<129x128xf32, #tpu.memory_space<hbm>>
    tpu.wait_indirect_dma semaphore(%arg23 : memref<!tpu.dma_semaphore, #tpu.memory_space<semaphore_mem>>) src(%arg17 : memref<16x128xf32, #tpu.memory_space<vmem>>) dst(%dma_wait3A_1121 : memref<129x128xf32, #tpu.memory_space<hbm>>)
    %mul3A_1122 = arith.constant 8 : i32
    %mul3A_1123 = arith.muli %add3A, %mul3A_1122 : i32
    %add3A_1124 = arith.constant 7 : i32
    %add3A_1125 = arith.addi %mul3A_1123, %add3A_1124 : i32
    %dma_wait3A_1126 = arith.constant 0 : i32
    %dma_wait3A_1127 = arith.constant 0 : i32
    %dma_wait3A_1128 = tpu.memref_slice %arg7[%add3A_1125, %dma_wait3A_1126, %dma_wait3A_1127] : memref<256x129x128xf32, #tpu.memory_space<hbm>> -> memref<1x129x128xf32, #tpu.memory_space<hbm>>
    %dma_wait3A_1129 = tpu.memref_squeeze %dma_wait3A_1128 : memref<1x129x128xf32, #tpu.memory_space<hbm>> -> memref<129x128xf32, #tpu.memory_space<hbm>>
    %dma_wait3A_1130 = arith.constant 0 : i32
    %dma_wait3A_1131 = arith.constant 0 : i32
    %dma_wait3A_1132 = tpu.memref_slice %dma_wait3A_1129[%dma_wait3A_1130, %dma_wait3A_1131] : memref<129x128xf32, #tpu.memory_space<hbm>> -> memref<129x128xf32, #tpu.memory_space<hbm>>
    tpu.wait_indirect_dma semaphore(%arg23 : memref<!tpu.dma_semaphore, #tpu.memory_space<semaphore_mem>>) src(%arg17 : memref<16x128xf32, #tpu.memory_space<vmem>>) dst(%dma_wait3A_1132 : memref<129x128xf32, #tpu.memory_space<hbm>>)
    %mul3A_1133 = arith.constant 8 : i32
    %mul3A_1134 = arith.muli %add3A, %mul3A_1133 : i32
    %add3A_1135 = arith.constant 2 : i32
    %add3A_1136 = arith.addi %mul3A_1134, %add3A_1135 : i32
    %mul3A_1137 = arith.constant 1152 : i32
    %mul3A_1138 = arith.muli %add3A_1136, %mul3A_1137 : i32
    %dma_start3A_1139 = tpu.memref_slice %arg2[%mul3A_1138] : memref<294912xi32, #tpu.memory_space<hbm>> -> memref<1152xi32, #tpu.memory_space<hbm>>
    %dma_start3A_1140 = tpu.memref_slice %arg2[%mul3A_1138] : memref<294912xi32, #tpu.memory_space<hbm>> -> memref<1152xi32, #tpu.memory_space<hbm>>
    tpu.enqueue_dma source(%dma_start3A_1140 : memref<1152xi32, #tpu.memory_space<hbm>>) target(%arg10 : memref<1152xi32, #tpu.memory_space<vmem>>) target_semaphore(%arg21 : memref<!tpu.dma_semaphore, #tpu.memory_space<semaphore_mem>>)
    %mul3A_1141 = arith.constant 128 : i32
    %mul3A_1142 = arith.muli %add3A_1136, %mul3A_1141 : i32
    %dma_start3A_1143 = tpu.memref_slice %arg3[%mul3A_1142] : memref<32768xi32, #tpu.memory_space<hbm>> -> memref<128xi32, #tpu.memory_space<hbm>>
    %dma_start3A_1144 = tpu.memref_slice %arg3[%mul3A_1142] : memref<32768xi32, #tpu.memory_space<hbm>> -> memref<128xi32, #tpu.memory_space<hbm>>
    tpu.enqueue_dma source(%dma_start3A_1144 : memref<128xi32, #tpu.memory_space<hbm>>) target(%arg13 : memref<128xi32, #tpu.memory_space<vmem>>) target_semaphore(%arg21 : memref<!tpu.dma_semaphore, #tpu.memory_space<semaphore_mem>>)
    %dma_wait3A_1145 = arith.constant 0 : i32
    %dma_wait3A_1146 = tpu.memref_slice %arg2[%dma_wait3A_1145] : memref<294912xi32, #tpu.memory_space<hbm>> -> memref<1152xi32, #tpu.memory_space<hbm>>
    %dma_wait3A_1147 = arith.constant 0 : i32
    %dma_wait3A_1148 = tpu.memref_slice %arg2[%dma_wait3A_1147] : memref<294912xi32, #tpu.memory_space<hbm>> -> memref<1152xi32, #tpu.memory_space<hbm>>
    tpu.wait_dma2 semaphore(%arg20 : memref<!tpu.dma_semaphore, #tpu.memory_space<semaphore_mem>>) src(%dma_wait3A_1148 : memref<1152xi32, #tpu.memory_space<hbm>>) dst(%arg9 : memref<1152xi32, #tpu.memory_space<vmem>>)
    %dma_wait3A_1149 = arith.constant 0 : i32
    %dma_wait3A_1150 = tpu.memref_slice %arg3[%dma_wait3A_1149] : memref<32768xi32, #tpu.memory_space<hbm>> -> memref<128xi32, #tpu.memory_space<hbm>>
    %dma_wait3A_1151 = arith.constant 0 : i32
    %dma_wait3A_1152 = tpu.memref_slice %arg3[%dma_wait3A_1151] : memref<32768xi32, #tpu.memory_space<hbm>> -> memref<128xi32, #tpu.memory_space<hbm>>
    tpu.wait_dma2 semaphore(%arg20 : memref<!tpu.dma_semaphore, #tpu.memory_space<semaphore_mem>>) src(%dma_wait3A_1152 : memref<128xi32, #tpu.memory_space<hbm>>) dst(%arg12 : memref<128xi32, #tpu.memory_space<vmem>>)
    %dma_start3A_1153 = arith.constant 1 : i32
    %dma_start3A_1154 = arith.constant 0 : i32
    %dma_start3A_1155 = arith.constant 0 : i32
    %dma_start3A_1156 = tpu.memref_slice %arg15[%dma_start3A_1153, %dma_start3A_1154, %dma_start3A_1155] : memref<3x128x128xf32, #tpu.memory_space<vmem>> -> memref<1x128x128xf32, #tpu.memory_space<vmem>>
    %dma_start3A_1157 = tpu.memref_squeeze %dma_start3A_1156 : memref<1x128x128xf32, #tpu.memory_space<vmem>> -> memref<128x128xf32, #tpu.memory_space<vmem>>
    %dma_start3A_1158 = arith.constant 0 : i32
    %dma_start3A_1159 = arith.constant 0 : i32
    %dma_start3A_1160 = tpu.memref_slice %arg16[%dma_start3A_1158, %dma_start3A_1159] : memref<512x128xf32, #tpu.memory_space<vmem_shared>> -> memref<512x128xf32, #tpu.memory_space<vmem_shared>>
    tpu.enqueue_indirect_dma source(%dma_start3A_1160 : memref<512x128xf32, #tpu.memory_space<vmem_shared>>) target(%dma_start3A_1157 : memref<128x128xf32, #tpu.memory_space<vmem>>) offsets(%arg12 : memref<128xi32, #tpu.memory_space<vmem>>) semaphore(%arg23 : memref<!tpu.dma_semaphore, #tpu.memory_space<semaphore_mem>>)
    %dma_wait3A_1161 = arith.constant 0 : i32
    %dma_wait3A_1162 = arith.constant 0 : i32
    %dma_wait3A_1163 = arith.constant 0 : i32
    %dma_wait3A_1164 = tpu.memref_slice %arg15[%dma_wait3A_1161, %dma_wait3A_1162, %dma_wait3A_1163] : memref<3x128x128xf32, #tpu.memory_space<vmem>> -> memref<1x128x128xf32, #tpu.memory_space<vmem>>
    %dma_wait3A_1165 = tpu.memref_squeeze %dma_wait3A_1164 : memref<1x128x128xf32, #tpu.memory_space<vmem>> -> memref<128x128xf32, #tpu.memory_space<vmem>>
    %dma_wait3A_1166 = arith.constant 0 : i32
    %dma_wait3A_1167 = tpu.memref_slice %arg8[%dma_wait3A_1166] : memref<1152xi32, #tpu.memory_space<vmem>> -> memref<128xi32, #tpu.memory_space<vmem>>
    %dma_wait3A_1168 = arith.constant 0 : i32
    %dma_wait3A_1169 = arith.constant 0 : i32
    %dma_wait3A_1170 = tpu.memref_slice %arg4[%dma_wait3A_1168, %dma_wait3A_1169] : memref<100001x128xf32, #tpu.memory_space<hbm>> -> memref<100001x128xf32, #tpu.memory_space<hbm>>
    tpu.wait_indirect_dma semaphore(%arg25 : memref<!tpu.dma_semaphore, #tpu.memory_space<semaphore_mem>>) src(%dma_wait3A_1170 : memref<100001x128xf32, #tpu.memory_space<hbm>>) dst(%dma_wait3A_1165 : memref<128x128xf32, #tpu.memory_space<vmem>>)
    %dma_wait3A_1171 = arith.constant 0 : i32
    %dma_wait3A_1172 = arith.constant 0 : i32
    %dma_wait3A_1173 = arith.constant 0 : i32
    %dma_wait3A_1174 = tpu.memref_slice %arg15[%dma_wait3A_1171, %dma_wait3A_1172, %dma_wait3A_1173] : memref<3x128x128xf32, #tpu.memory_space<vmem>> -> memref<1x128x128xf32, #tpu.memory_space<vmem>>
    %dma_wait3A_1175 = tpu.memref_squeeze %dma_wait3A_1174 : memref<1x128x128xf32, #tpu.memory_space<vmem>> -> memref<128x128xf32, #tpu.memory_space<vmem>>
    %dma_wait3A_1176 = arith.constant 128 : i32
    %dma_wait3A_1177 = tpu.memref_slice %arg8[%dma_wait3A_1176] : memref<1152xi32, #tpu.memory_space<vmem>> -> memref<128xi32, #tpu.memory_space<vmem>>
    %dma_wait3A_1178 = arith.constant 0 : i32
    %dma_wait3A_1179 = arith.constant 0 : i32
    %dma_wait3A_1180 = tpu.memref_slice %arg4[%dma_wait3A_1178, %dma_wait3A_1179] : memref<100001x128xf32, #tpu.memory_space<hbm>> -> memref<100001x128xf32, #tpu.memory_space<hbm>>
    tpu.wait_indirect_dma semaphore(%arg25 : memref<!tpu.dma_semaphore, #tpu.memory_space<semaphore_mem>>) src(%dma_wait3A_1180 : memref<100001x128xf32, #tpu.memory_space<hbm>>) dst(%dma_wait3A_1175 : memref<128x128xf32, #tpu.memory_space<vmem>>)
    %dma_wait3A_1181 = arith.constant 0 : i32
    %dma_wait3A_1182 = arith.constant 0 : i32
    %dma_wait3A_1183 = arith.constant 0 : i32
    %dma_wait3A_1184 = tpu.memref_slice %arg15[%dma_wait3A_1181, %dma_wait3A_1182, %dma_wait3A_1183] : memref<3x128x128xf32, #tpu.memory_space<vmem>> -> memref<1x128x128xf32, #tpu.memory_space<vmem>>
    %dma_wait3A_1185 = tpu.memref_squeeze %dma_wait3A_1184 : memref<1x128x128xf32, #tpu.memory_space<vmem>> -> memref<128x128xf32, #tpu.memory_space<vmem>>
    %dma_wait3A_1186 = arith.constant 256 : i32
    %dma_wait3A_1187 = tpu.memref_slice %arg8[%dma_wait3A_1186] : memref<1152xi32, #tpu.memory_space<vmem>> -> memref<128xi32, #tpu.memory_space<vmem>>
    %dma_wait3A_1188 = arith.constant 0 : i32
    %dma_wait3A_1189 = arith.constant 0 : i32
    %dma_wait3A_1190 = tpu.memref_slice %arg4[%dma_wait3A_1188, %dma_wait3A_1189] : memref<100001x128xf32, #tpu.memory_space<hbm>> -> memref<100001x128xf32, #tpu.memory_space<hbm>>
    tpu.wait_indirect_dma semaphore(%arg25 : memref<!tpu.dma_semaphore, #tpu.memory_space<semaphore_mem>>) src(%dma_wait3A_1190 : memref<100001x128xf32, #tpu.memory_space<hbm>>) dst(%dma_wait3A_1185 : memref<128x128xf32, #tpu.memory_space<vmem>>)
    %dma_wait3A_1191 = arith.constant 0 : i32
    %dma_wait3A_1192 = arith.constant 0 : i32
    %dma_wait3A_1193 = arith.constant 0 : i32
    %dma_wait3A_1194 = tpu.memref_slice %arg15[%dma_wait3A_1191, %dma_wait3A_1192, %dma_wait3A_1193] : memref<3x128x128xf32, #tpu.memory_space<vmem>> -> memref<1x128x128xf32, #tpu.memory_space<vmem>>
    %dma_wait3A_1195 = tpu.memref_squeeze %dma_wait3A_1194 : memref<1x128x128xf32, #tpu.memory_space<vmem>> -> memref<128x128xf32, #tpu.memory_space<vmem>>
    %dma_wait3A_1196 = arith.constant 384 : i32
    %dma_wait3A_1197 = tpu.memref_slice %arg8[%dma_wait3A_1196] : memref<1152xi32, #tpu.memory_space<vmem>> -> memref<128xi32, #tpu.memory_space<vmem>>
    %dma_wait3A_1198 = arith.constant 0 : i32
    %dma_wait3A_1199 = arith.constant 0 : i32
    %dma_wait3A_1200 = tpu.memref_slice %arg4[%dma_wait3A_1198, %dma_wait3A_1199] : memref<100001x128xf32, #tpu.memory_space<hbm>> -> memref<100001x128xf32, #tpu.memory_space<hbm>>
    tpu.wait_indirect_dma semaphore(%arg25 : memref<!tpu.dma_semaphore, #tpu.memory_space<semaphore_mem>>) src(%dma_wait3A_1200 : memref<100001x128xf32, #tpu.memory_space<hbm>>) dst(%dma_wait3A_1195 : memref<128x128xf32, #tpu.memory_space<vmem>>)
    %dma_wait3A_1201 = arith.constant 0 : i32
    %dma_wait3A_1202 = arith.constant 0 : i32
    %dma_wait3A_1203 = arith.constant 0 : i32
    %dma_wait3A_1204 = tpu.memref_slice %arg15[%dma_wait3A_1201, %dma_wait3A_1202, %dma_wait3A_1203] : memref<3x128x128xf32, #tpu.memory_space<vmem>> -> memref<1x128x128xf32, #tpu.memory_space<vmem>>
    %dma_wait3A_1205 = tpu.memref_squeeze %dma_wait3A_1204 : memref<1x128x128xf32, #tpu.memory_space<vmem>> -> memref<128x128xf32, #tpu.memory_space<vmem>>
    %dma_wait3A_1206 = arith.constant 512 : i32
    %dma_wait3A_1207 = tpu.memref_slice %arg8[%dma_wait3A_1206] : memref<1152xi32, #tpu.memory_space<vmem>> -> memref<128xi32, #tpu.memory_space<vmem>>
    %dma_wait3A_1208 = arith.constant 0 : i32
    %dma_wait3A_1209 = arith.constant 0 : i32
    %dma_wait3A_1210 = tpu.memref_slice %arg4[%dma_wait3A_1208, %dma_wait3A_1209] : memref<100001x128xf32, #tpu.memory_space<hbm>> -> memref<100001x128xf32, #tpu.memory_space<hbm>>
    tpu.wait_indirect_dma semaphore(%arg25 : memref<!tpu.dma_semaphore, #tpu.memory_space<semaphore_mem>>) src(%dma_wait3A_1210 : memref<100001x128xf32, #tpu.memory_space<hbm>>) dst(%dma_wait3A_1205 : memref<128x128xf32, #tpu.memory_space<vmem>>)
    %dma_wait3A_1211 = arith.constant 0 : i32
    %dma_wait3A_1212 = arith.constant 0 : i32
    %dma_wait3A_1213 = arith.constant 0 : i32
    %dma_wait3A_1214 = tpu.memref_slice %arg15[%dma_wait3A_1211, %dma_wait3A_1212, %dma_wait3A_1213] : memref<3x128x128xf32, #tpu.memory_space<vmem>> -> memref<1x128x128xf32, #tpu.memory_space<vmem>>
    %dma_wait3A_1215 = tpu.memref_squeeze %dma_wait3A_1214 : memref<1x128x128xf32, #tpu.memory_space<vmem>> -> memref<128x128xf32, #tpu.memory_space<vmem>>
    %dma_wait3A_1216 = arith.constant 640 : i32
    %dma_wait3A_1217 = tpu.memref_slice %arg8[%dma_wait3A_1216] : memref<1152xi32, #tpu.memory_space<vmem>> -> memref<128xi32, #tpu.memory_space<vmem>>
    %dma_wait3A_1218 = arith.constant 0 : i32
    %dma_wait3A_1219 = arith.constant 0 : i32
    %dma_wait3A_1220 = tpu.memref_slice %arg4[%dma_wait3A_1218, %dma_wait3A_1219] : memref<100001x128xf32, #tpu.memory_space<hbm>> -> memref<100001x128xf32, #tpu.memory_space<hbm>>
    tpu.wait_indirect_dma semaphore(%arg25 : memref<!tpu.dma_semaphore, #tpu.memory_space<semaphore_mem>>) src(%dma_wait3A_1220 : memref<100001x128xf32, #tpu.memory_space<hbm>>) dst(%dma_wait3A_1215 : memref<128x128xf32, #tpu.memory_space<vmem>>)
    %dma_wait3A_1221 = arith.constant 0 : i32
    %dma_wait3A_1222 = arith.constant 0 : i32
    %dma_wait3A_1223 = arith.constant 0 : i32
    %dma_wait3A_1224 = tpu.memref_slice %arg15[%dma_wait3A_1221, %dma_wait3A_1222, %dma_wait3A_1223] : memref<3x128x128xf32, #tpu.memory_space<vmem>> -> memref<1x128x128xf32, #tpu.memory_space<vmem>>
    %dma_wait3A_1225 = tpu.memref_squeeze %dma_wait3A_1224 : memref<1x128x128xf32, #tpu.memory_space<vmem>> -> memref<128x128xf32, #tpu.memory_space<vmem>>
    %dma_wait3A_1226 = arith.constant 768 : i32
    %dma_wait3A_1227 = tpu.memref_slice %arg8[%dma_wait3A_1226] : memref<1152xi32, #tpu.memory_space<vmem>> -> memref<128xi32, #tpu.memory_space<vmem>>
    %dma_wait3A_1228 = arith.constant 0 : i32
    %dma_wait3A_1229 = arith.constant 0 : i32
    %dma_wait3A_1230 = tpu.memref_slice %arg4[%dma_wait3A_1228, %dma_wait3A_1229] : memref<100001x128xf32, #tpu.memory_space<hbm>> -> memref<100001x128xf32, #tpu.memory_space<hbm>>
    tpu.wait_indirect_dma semaphore(%arg25 : memref<!tpu.dma_semaphore, #tpu.memory_space<semaphore_mem>>) src(%dma_wait3A_1230 : memref<100001x128xf32, #tpu.memory_space<hbm>>) dst(%dma_wait3A_1225 : memref<128x128xf32, #tpu.memory_space<vmem>>)
    %dma_wait3A_1231 = arith.constant 0 : i32
    %dma_wait3A_1232 = arith.constant 0 : i32
    %dma_wait3A_1233 = arith.constant 0 : i32
    %dma_wait3A_1234 = tpu.memref_slice %arg15[%dma_wait3A_1231, %dma_wait3A_1232, %dma_wait3A_1233] : memref<3x128x128xf32, #tpu.memory_space<vmem>> -> memref<1x128x128xf32, #tpu.memory_space<vmem>>
    %dma_wait3A_1235 = tpu.memref_squeeze %dma_wait3A_1234 : memref<1x128x128xf32, #tpu.memory_space<vmem>> -> memref<128x128xf32, #tpu.memory_space<vmem>>
    %dma_wait3A_1236 = arith.constant 896 : i32
    %dma_wait3A_1237 = tpu.memref_slice %arg8[%dma_wait3A_1236] : memref<1152xi32, #tpu.memory_space<vmem>> -> memref<128xi32, #tpu.memory_space<vmem>>
    %dma_wait3A_1238 = arith.constant 0 : i32
    %dma_wait3A_1239 = arith.constant 0 : i32
    %dma_wait3A_1240 = tpu.memref_slice %arg4[%dma_wait3A_1238, %dma_wait3A_1239] : memref<100001x128xf32, #tpu.memory_space<hbm>> -> memref<100001x128xf32, #tpu.memory_space<hbm>>
    tpu.wait_indirect_dma semaphore(%arg25 : memref<!tpu.dma_semaphore, #tpu.memory_space<semaphore_mem>>) src(%dma_wait3A_1240 : memref<100001x128xf32, #tpu.memory_space<hbm>>) dst(%dma_wait3A_1235 : memref<128x128xf32, #tpu.memory_space<vmem>>)
    %dma_wait3A_1241 = arith.constant 0 : i32
    %dma_wait3A_1242 = arith.constant 0 : i32
    %dma_wait3A_1243 = arith.constant 0 : i32
    %dma_wait3A_1244 = tpu.memref_slice %arg15[%dma_wait3A_1241, %dma_wait3A_1242, %dma_wait3A_1243] : memref<3x128x128xf32, #tpu.memory_space<vmem>> -> memref<1x128x128xf32, #tpu.memory_space<vmem>>
    %dma_wait3A_1245 = tpu.memref_squeeze %dma_wait3A_1244 : memref<1x128x128xf32, #tpu.memory_space<vmem>> -> memref<128x128xf32, #tpu.memory_space<vmem>>
    %dma_wait3A_1246 = arith.constant 1024 : i32
    %dma_wait3A_1247 = tpu.memref_slice %arg8[%dma_wait3A_1246] : memref<1152xi32, #tpu.memory_space<vmem>> -> memref<128xi32, #tpu.memory_space<vmem>>
    %dma_wait3A_1248 = arith.constant 0 : i32
    %dma_wait3A_1249 = arith.constant 0 : i32
    %dma_wait3A_1250 = tpu.memref_slice %arg4[%dma_wait3A_1248, %dma_wait3A_1249] : memref<100001x128xf32, #tpu.memory_space<hbm>> -> memref<100001x128xf32, #tpu.memory_space<hbm>>
    tpu.wait_indirect_dma semaphore(%arg25 : memref<!tpu.dma_semaphore, #tpu.memory_space<semaphore_mem>>) src(%dma_wait3A_1250 : memref<100001x128xf32, #tpu.memory_space<hbm>>) dst(%dma_wait3A_1245 : memref<128x128xf32, #tpu.memory_space<vmem>>)
    %mul3A_1251 = arith.constant 8 : i32
    %mul3A_1252 = arith.muli %add3A, %mul3A_1251 : i32
    %add3A_1253 = arith.constant 0 : i32
    %add3A_1254 = arith.addi %mul3A_1252, %add3A_1253 : i32
    %dma_start3A_1255 = arith.constant 0 : i32
    %dma_start3A_1256 = arith.constant 0 : i32
    %dma_start3A_1257 = arith.constant 0 : i32
    %dma_start3A_1258 = tpu.memref_slice %arg15[%dma_start3A_1255, %dma_start3A_1256, %dma_start3A_1257] : memref<3x128x128xf32, #tpu.memory_space<vmem>> -> memref<1x128x128xf32, #tpu.memory_space<vmem>>
    %dma_start3A_1259 = tpu.memref_squeeze %dma_start3A_1258 : memref<1x128x128xf32, #tpu.memory_space<vmem>> -> memref<128x128xf32, #tpu.memory_space<vmem>>
    %dma_start3A_1260 = arith.constant 0 : i32
    %dma_start3A_1261 = arith.constant 0 : i32
    %dma_start3A_1262 = tpu.memref_slice %arg7[%add3A_1254, %dma_start3A_1260, %dma_start3A_1261] : memref<256x129x128xf32, #tpu.memory_space<hbm>> -> memref<1x129x128xf32, #tpu.memory_space<hbm>>
    %dma_start3A_1263 = tpu.memref_squeeze %dma_start3A_1262 : memref<1x129x128xf32, #tpu.memory_space<hbm>> -> memref<129x128xf32, #tpu.memory_space<hbm>>
    %dma_start3A_1264 = arith.constant 0 : i32
    %dma_start3A_1265 = arith.constant 0 : i32
    %dma_start3A_1266 = tpu.memref_slice %dma_start3A_1263[%dma_start3A_1264, %dma_start3A_1265] : memref<129x128xf32, #tpu.memory_space<hbm>> -> memref<129x128xf32, #tpu.memory_space<hbm>>
    tpu.enqueue_indirect_dma source(%dma_start3A_1259 : memref<128x128xf32, #tpu.memory_space<vmem>>) target(%dma_start3A_1266 : memref<129x128xf32, #tpu.memory_space<hbm>>) offsets(%arg14 : memref<128xi32, #tpu.memory_space<vmem>>) semaphore(%arg28 : memref<!tpu.dma_semaphore, #tpu.memory_space<semaphore_mem>>)
    %dma_wait3A_1267 = arith.constant 1 : i32
    %dma_wait3A_1268 = arith.constant 0 : i32
    %dma_wait3A_1269 = arith.constant 0 : i32
    %dma_wait3A_1270 = tpu.memref_slice %arg15[%dma_wait3A_1267, %dma_wait3A_1268, %dma_wait3A_1269] : memref<3x128x128xf32, #tpu.memory_space<vmem>> -> memref<1x128x128xf32, #tpu.memory_space<vmem>>
    %dma_wait3A_1271 = tpu.memref_squeeze %dma_wait3A_1270 : memref<1x128x128xf32, #tpu.memory_space<vmem>> -> memref<128x128xf32, #tpu.memory_space<vmem>>
    %dma_wait3A_1272 = arith.constant 0 : i32
    %dma_wait3A_1273 = arith.constant 0 : i32
    %dma_wait3A_1274 = tpu.memref_slice %arg16[%dma_wait3A_1272, %dma_wait3A_1273] : memref<512x128xf32, #tpu.memory_space<vmem_shared>> -> memref<512x128xf32, #tpu.memory_space<vmem_shared>>
    tpu.wait_indirect_dma semaphore(%arg23 : memref<!tpu.dma_semaphore, #tpu.memory_space<semaphore_mem>>) src(%dma_wait3A_1274 : memref<512x128xf32, #tpu.memory_space<vmem_shared>>) dst(%dma_wait3A_1271 : memref<128x128xf32, #tpu.memory_space<vmem>>)
    %dma_start3A_1275 = arith.constant 1 : i32
    %dma_start3A_1276 = arith.constant 0 : i32
    %dma_start3A_1277 = arith.constant 0 : i32
    %dma_start3A_1278 = tpu.memref_slice %arg15[%dma_start3A_1275, %dma_start3A_1276, %dma_start3A_1277] : memref<3x128x128xf32, #tpu.memory_space<vmem>> -> memref<1x128x128xf32, #tpu.memory_space<vmem>>
    %dma_start3A_1279 = tpu.memref_squeeze %dma_start3A_1278 : memref<1x128x128xf32, #tpu.memory_space<vmem>> -> memref<128x128xf32, #tpu.memory_space<vmem>>
    %dma_start3A_1280 = arith.constant 0 : i32
    %dma_start3A_1281 = tpu.memref_slice %arg9[%dma_start3A_1280] : memref<1152xi32, #tpu.memory_space<vmem>> -> memref<128xi32, #tpu.memory_space<vmem>>
    %dma_start3A_1282 = arith.constant 0 : i32
    %dma_start3A_1283 = arith.constant 0 : i32
    %dma_start3A_1284 = tpu.memref_slice %arg4[%dma_start3A_1282, %dma_start3A_1283] : memref<100001x128xf32, #tpu.memory_space<hbm>> -> memref<100001x128xf32, #tpu.memory_space<hbm>>
    tpu.enqueue_indirect_dma source(%dma_start3A_1284 : memref<100001x128xf32, #tpu.memory_space<hbm>>) target(%dma_start3A_1279 : memref<128x128xf32, #tpu.memory_space<vmem>>) offsets(%dma_start3A_1281 : memref<128xi32, #tpu.memory_space<vmem>>) semaphore(%arg26 : memref<!tpu.dma_semaphore, #tpu.memory_space<semaphore_mem>>) {add = true}
    %dma_start3A_1285 = arith.constant 1 : i32
    %dma_start3A_1286 = arith.constant 0 : i32
    %dma_start3A_1287 = arith.constant 0 : i32
    %dma_start3A_1288 = tpu.memref_slice %arg15[%dma_start3A_1285, %dma_start3A_1286, %dma_start3A_1287] : memref<3x128x128xf32, #tpu.memory_space<vmem>> -> memref<1x128x128xf32, #tpu.memory_space<vmem>>
    %dma_start3A_1289 = tpu.memref_squeeze %dma_start3A_1288 : memref<1x128x128xf32, #tpu.memory_space<vmem>> -> memref<128x128xf32, #tpu.memory_space<vmem>>
    %dma_start3A_1290 = arith.constant 128 : i32
    %dma_start3A_1291 = tpu.memref_slice %arg9[%dma_start3A_1290] : memref<1152xi32, #tpu.memory_space<vmem>> -> memref<128xi32, #tpu.memory_space<vmem>>
    %dma_start3A_1292 = arith.constant 0 : i32
    %dma_start3A_1293 = arith.constant 0 : i32
    %dma_start3A_1294 = tpu.memref_slice %arg4[%dma_start3A_1292, %dma_start3A_1293] : memref<100001x128xf32, #tpu.memory_space<hbm>> -> memref<100001x128xf32, #tpu.memory_space<hbm>>
    tpu.enqueue_indirect_dma source(%dma_start3A_1294 : memref<100001x128xf32, #tpu.memory_space<hbm>>) target(%dma_start3A_1289 : memref<128x128xf32, #tpu.memory_space<vmem>>) offsets(%dma_start3A_1291 : memref<128xi32, #tpu.memory_space<vmem>>) semaphore(%arg26 : memref<!tpu.dma_semaphore, #tpu.memory_space<semaphore_mem>>) {add = true}
    %dma_start3A_1295 = arith.constant 1 : i32
    %dma_start3A_1296 = arith.constant 0 : i32
    %dma_start3A_1297 = arith.constant 0 : i32
    %dma_start3A_1298 = tpu.memref_slice %arg15[%dma_start3A_1295, %dma_start3A_1296, %dma_start3A_1297] : memref<3x128x128xf32, #tpu.memory_space<vmem>> -> memref<1x128x128xf32, #tpu.memory_space<vmem>>
    %dma_start3A_1299 = tpu.memref_squeeze %dma_start3A_1298 : memref<1x128x128xf32, #tpu.memory_space<vmem>> -> memref<128x128xf32, #tpu.memory_space<vmem>>
    %dma_start3A_1300 = arith.constant 256 : i32
    %dma_start3A_1301 = tpu.memref_slice %arg9[%dma_start3A_1300] : memref<1152xi32, #tpu.memory_space<vmem>> -> memref<128xi32, #tpu.memory_space<vmem>>
    %dma_start3A_1302 = arith.constant 0 : i32
    %dma_start3A_1303 = arith.constant 0 : i32
    %dma_start3A_1304 = tpu.memref_slice %arg4[%dma_start3A_1302, %dma_start3A_1303] : memref<100001x128xf32, #tpu.memory_space<hbm>> -> memref<100001x128xf32, #tpu.memory_space<hbm>>
    tpu.enqueue_indirect_dma source(%dma_start3A_1304 : memref<100001x128xf32, #tpu.memory_space<hbm>>) target(%dma_start3A_1299 : memref<128x128xf32, #tpu.memory_space<vmem>>) offsets(%dma_start3A_1301 : memref<128xi32, #tpu.memory_space<vmem>>) semaphore(%arg26 : memref<!tpu.dma_semaphore, #tpu.memory_space<semaphore_mem>>) {add = true}
    %dma_start3A_1305 = arith.constant 1 : i32
    %dma_start3A_1306 = arith.constant 0 : i32
    %dma_start3A_1307 = arith.constant 0 : i32
    %dma_start3A_1308 = tpu.memref_slice %arg15[%dma_start3A_1305, %dma_start3A_1306, %dma_start3A_1307] : memref<3x128x128xf32, #tpu.memory_space<vmem>> -> memref<1x128x128xf32, #tpu.memory_space<vmem>>
    %dma_start3A_1309 = tpu.memref_squeeze %dma_start3A_1308 : memref<1x128x128xf32, #tpu.memory_space<vmem>> -> memref<128x128xf32, #tpu.memory_space<vmem>>
    %dma_start3A_1310 = arith.constant 384 : i32
    %dma_start3A_1311 = tpu.memref_slice %arg9[%dma_start3A_1310] : memref<1152xi32, #tpu.memory_space<vmem>> -> memref<128xi32, #tpu.memory_space<vmem>>
    %dma_start3A_1312 = arith.constant 0 : i32
    %dma_start3A_1313 = arith.constant 0 : i32
    %dma_start3A_1314 = tpu.memref_slice %arg4[%dma_start3A_1312, %dma_start3A_1313] : memref<100001x128xf32, #tpu.memory_space<hbm>> -> memref<100001x128xf32, #tpu.memory_space<hbm>>
    tpu.enqueue_indirect_dma source(%dma_start3A_1314 : memref<100001x128xf32, #tpu.memory_space<hbm>>) target(%dma_start3A_1309 : memref<128x128xf32, #tpu.memory_space<vmem>>) offsets(%dma_start3A_1311 : memref<128xi32, #tpu.memory_space<vmem>>) semaphore(%arg26 : memref<!tpu.dma_semaphore, #tpu.memory_space<semaphore_mem>>) {add = true}
    %dma_start3A_1315 = arith.constant 1 : i32
    %dma_start3A_1316 = arith.constant 0 : i32
    %dma_start3A_1317 = arith.constant 0 : i32
    %dma_start3A_1318 = tpu.memref_slice %arg15[%dma_start3A_1315, %dma_start3A_1316, %dma_start3A_1317] : memref<3x128x128xf32, #tpu.memory_space<vmem>> -> memref<1x128x128xf32, #tpu.memory_space<vmem>>
    %dma_start3A_1319 = tpu.memref_squeeze %dma_start3A_1318 : memref<1x128x128xf32, #tpu.memory_space<vmem>> -> memref<128x128xf32, #tpu.memory_space<vmem>>
    %dma_start3A_1320 = arith.constant 512 : i32
    %dma_start3A_1321 = tpu.memref_slice %arg9[%dma_start3A_1320] : memref<1152xi32, #tpu.memory_space<vmem>> -> memref<128xi32, #tpu.memory_space<vmem>>
    %dma_start3A_1322 = arith.constant 0 : i32
    %dma_start3A_1323 = arith.constant 0 : i32
    %dma_start3A_1324 = tpu.memref_slice %arg4[%dma_start3A_1322, %dma_start3A_1323] : memref<100001x128xf32, #tpu.memory_space<hbm>> -> memref<100001x128xf32, #tpu.memory_space<hbm>>
    tpu.enqueue_indirect_dma source(%dma_start3A_1324 : memref<100001x128xf32, #tpu.memory_space<hbm>>) target(%dma_start3A_1319 : memref<128x128xf32, #tpu.memory_space<vmem>>) offsets(%dma_start3A_1321 : memref<128xi32, #tpu.memory_space<vmem>>) semaphore(%arg26 : memref<!tpu.dma_semaphore, #tpu.memory_space<semaphore_mem>>) {add = true}
    %dma_start3A_1325 = arith.constant 1 : i32
    %dma_start3A_1326 = arith.constant 0 : i32
    %dma_start3A_1327 = arith.constant 0 : i32
    %dma_start3A_1328 = tpu.memref_slice %arg15[%dma_start3A_1325, %dma_start3A_1326, %dma_start3A_1327] : memref<3x128x128xf32, #tpu.memory_space<vmem>> -> memref<1x128x128xf32, #tpu.memory_space<vmem>>
    %dma_start3A_1329 = tpu.memref_squeeze %dma_start3A_1328 : memref<1x128x128xf32, #tpu.memory_space<vmem>> -> memref<128x128xf32, #tpu.memory_space<vmem>>
    %dma_start3A_1330 = arith.constant 640 : i32
    %dma_start3A_1331 = tpu.memref_slice %arg9[%dma_start3A_1330] : memref<1152xi32, #tpu.memory_space<vmem>> -> memref<128xi32, #tpu.memory_space<vmem>>
    %dma_start3A_1332 = arith.constant 0 : i32
    %dma_start3A_1333 = arith.constant 0 : i32
    %dma_start3A_1334 = tpu.memref_slice %arg4[%dma_start3A_1332, %dma_start3A_1333] : memref<100001x128xf32, #tpu.memory_space<hbm>> -> memref<100001x128xf32, #tpu.memory_space<hbm>>
    tpu.enqueue_indirect_dma source(%dma_start3A_1334 : memref<100001x128xf32, #tpu.memory_space<hbm>>) target(%dma_start3A_1329 : memref<128x128xf32, #tpu.memory_space<vmem>>) offsets(%dma_start3A_1331 : memref<128xi32, #tpu.memory_space<vmem>>) semaphore(%arg26 : memref<!tpu.dma_semaphore, #tpu.memory_space<semaphore_mem>>) {add = true}
    %dma_start3A_1335 = arith.constant 1 : i32
    %dma_start3A_1336 = arith.constant 0 : i32
    %dma_start3A_1337 = arith.constant 0 : i32
    %dma_start3A_1338 = tpu.memref_slice %arg15[%dma_start3A_1335, %dma_start3A_1336, %dma_start3A_1337] : memref<3x128x128xf32, #tpu.memory_space<vmem>> -> memref<1x128x128xf32, #tpu.memory_space<vmem>>
    %dma_start3A_1339 = tpu.memref_squeeze %dma_start3A_1338 : memref<1x128x128xf32, #tpu.memory_space<vmem>> -> memref<128x128xf32, #tpu.memory_space<vmem>>
    %dma_start3A_1340 = arith.constant 768 : i32
    %dma_start3A_1341 = tpu.memref_slice %arg9[%dma_start3A_1340] : memref<1152xi32, #tpu.memory_space<vmem>> -> memref<128xi32, #tpu.memory_space<vmem>>
    %dma_start3A_1342 = arith.constant 0 : i32
    %dma_start3A_1343 = arith.constant 0 : i32
    %dma_start3A_1344 = tpu.memref_slice %arg4[%dma_start3A_1342, %dma_start3A_1343] : memref<100001x128xf32, #tpu.memory_space<hbm>> -> memref<100001x128xf32, #tpu.memory_space<hbm>>
    tpu.enqueue_indirect_dma source(%dma_start3A_1344 : memref<100001x128xf32, #tpu.memory_space<hbm>>) target(%dma_start3A_1339 : memref<128x128xf32, #tpu.memory_space<vmem>>) offsets(%dma_start3A_1341 : memref<128xi32, #tpu.memory_space<vmem>>) semaphore(%arg26 : memref<!tpu.dma_semaphore, #tpu.memory_space<semaphore_mem>>) {add = true}
    %dma_start3A_1345 = arith.constant 1 : i32
    %dma_start3A_1346 = arith.constant 0 : i32
    %dma_start3A_1347 = arith.constant 0 : i32
    %dma_start3A_1348 = tpu.memref_slice %arg15[%dma_start3A_1345, %dma_start3A_1346, %dma_start3A_1347] : memref<3x128x128xf32, #tpu.memory_space<vmem>> -> memref<1x128x128xf32, #tpu.memory_space<vmem>>
    %dma_start3A_1349 = tpu.memref_squeeze %dma_start3A_1348 : memref<1x128x128xf32, #tpu.memory_space<vmem>> -> memref<128x128xf32, #tpu.memory_space<vmem>>
    %dma_start3A_1350 = arith.constant 896 : i32
    %dma_start3A_1351 = tpu.memref_slice %arg9[%dma_start3A_1350] : memref<1152xi32, #tpu.memory_space<vmem>> -> memref<128xi32, #tpu.memory_space<vmem>>
    %dma_start3A_1352 = arith.constant 0 : i32
    %dma_start3A_1353 = arith.constant 0 : i32
    %dma_start3A_1354 = tpu.memref_slice %arg4[%dma_start3A_1352, %dma_start3A_1353] : memref<100001x128xf32, #tpu.memory_space<hbm>> -> memref<100001x128xf32, #tpu.memory_space<hbm>>
    tpu.enqueue_indirect_dma source(%dma_start3A_1354 : memref<100001x128xf32, #tpu.memory_space<hbm>>) target(%dma_start3A_1349 : memref<128x128xf32, #tpu.memory_space<vmem>>) offsets(%dma_start3A_1351 : memref<128xi32, #tpu.memory_space<vmem>>) semaphore(%arg26 : memref<!tpu.dma_semaphore, #tpu.memory_space<semaphore_mem>>) {add = true}
    %dma_start3A_1355 = arith.constant 1 : i32
    %dma_start3A_1356 = arith.constant 0 : i32
    %dma_start3A_1357 = arith.constant 0 : i32
    %dma_start3A_1358 = tpu.memref_slice %arg15[%dma_start3A_1355, %dma_start3A_1356, %dma_start3A_1357] : memref<3x128x128xf32, #tpu.memory_space<vmem>> -> memref<1x128x128xf32, #tpu.memory_space<vmem>>
    %dma_start3A_1359 = tpu.memref_squeeze %dma_start3A_1358 : memref<1x128x128xf32, #tpu.memory_space<vmem>> -> memref<128x128xf32, #tpu.memory_space<vmem>>
    %dma_start3A_1360 = arith.constant 1024 : i32
    %dma_start3A_1361 = tpu.memref_slice %arg9[%dma_start3A_1360] : memref<1152xi32, #tpu.memory_space<vmem>> -> memref<128xi32, #tpu.memory_space<vmem>>
    %dma_start3A_1362 = arith.constant 0 : i32
    %dma_start3A_1363 = arith.constant 0 : i32
    %dma_start3A_1364 = tpu.memref_slice %arg4[%dma_start3A_1362, %dma_start3A_1363] : memref<100001x128xf32, #tpu.memory_space<hbm>> -> memref<100001x128xf32, #tpu.memory_space<hbm>>
    tpu.enqueue_indirect_dma source(%dma_start3A_1364 : memref<100001x128xf32, #tpu.memory_space<hbm>>) target(%dma_start3A_1359 : memref<128x128xf32, #tpu.memory_space<vmem>>) offsets(%dma_start3A_1361 : memref<128xi32, #tpu.memory_space<vmem>>) semaphore(%arg26 : memref<!tpu.dma_semaphore, #tpu.memory_space<semaphore_mem>>) {add = true}
    %mul3A_1365 = arith.constant 8 : i32
    %mul3A_1366 = arith.muli %add3A, %mul3A_1365 : i32
    %add3A_1367 = arith.constant 0 : i32
    %add3A_1368 = arith.addi %mul3A_1366, %add3A_1367 : i32
    %dma_wait3A_1369 = arith.constant 0 : i32
    %dma_wait3A_1370 = arith.constant 0 : i32
    %dma_wait3A_1371 = arith.constant 0 : i32
    %dma_wait3A_1372 = tpu.memref_slice %arg15[%dma_wait3A_1369, %dma_wait3A_1370, %dma_wait3A_1371] : memref<3x128x128xf32, #tpu.memory_space<vmem>> -> memref<1x128x128xf32, #tpu.memory_space<vmem>>
    %dma_wait3A_1373 = tpu.memref_squeeze %dma_wait3A_1372 : memref<1x128x128xf32, #tpu.memory_space<vmem>> -> memref<128x128xf32, #tpu.memory_space<vmem>>
    %dma_wait3A_1374 = arith.constant 0 : i32
    %dma_wait3A_1375 = arith.constant 0 : i32
    %dma_wait3A_1376 = tpu.memref_slice %arg7[%add3A_1368, %dma_wait3A_1374, %dma_wait3A_1375] : memref<256x129x128xf32, #tpu.memory_space<hbm>> -> memref<1x129x128xf32, #tpu.memory_space<hbm>>
    %dma_wait3A_1377 = tpu.memref_squeeze %dma_wait3A_1376 : memref<1x129x128xf32, #tpu.memory_space<hbm>> -> memref<129x128xf32, #tpu.memory_space<hbm>>
    %dma_wait3A_1378 = arith.constant 0 : i32
    %dma_wait3A_1379 = arith.constant 0 : i32
    %dma_wait3A_1380 = tpu.memref_slice %dma_wait3A_1377[%dma_wait3A_1378, %dma_wait3A_1379] : memref<129x128xf32, #tpu.memory_space<hbm>> -> memref<129x128xf32, #tpu.memory_space<hbm>>
    tpu.wait_indirect_dma semaphore(%arg28 : memref<!tpu.dma_semaphore, #tpu.memory_space<semaphore_mem>>) src(%dma_wait3A_1373 : memref<128x128xf32, #tpu.memory_space<vmem>>) dst(%dma_wait3A_1380 : memref<129x128xf32, #tpu.memory_space<hbm>>)
    %mul3A_1381 = arith.constant 8 : i32
    %mul3A_1382 = arith.muli %add3A, %mul3A_1381 : i32
    %add3A_1383 = arith.constant 3 : i32
    %add3A_1384 = arith.addi %mul3A_1382, %add3A_1383 : i32
    %mul3A_1385 = arith.constant 1152 : i32
    %mul3A_1386 = arith.muli %add3A_1384, %mul3A_1385 : i32
    %dma_start3A_1387 = tpu.memref_slice %arg2[%mul3A_1386] : memref<294912xi32, #tpu.memory_space<hbm>> -> memref<1152xi32, #tpu.memory_space<hbm>>
    %dma_start3A_1388 = tpu.memref_slice %arg2[%mul3A_1386] : memref<294912xi32, #tpu.memory_space<hbm>> -> memref<1152xi32, #tpu.memory_space<hbm>>
    tpu.enqueue_dma source(%dma_start3A_1388 : memref<1152xi32, #tpu.memory_space<hbm>>) target(%arg8 : memref<1152xi32, #tpu.memory_space<vmem>>) target_semaphore(%arg19 : memref<!tpu.dma_semaphore, #tpu.memory_space<semaphore_mem>>)
    %mul3A_1389 = arith.constant 128 : i32
    %mul3A_1390 = arith.muli %add3A_1384, %mul3A_1389 : i32
    %dma_start3A_1391 = tpu.memref_slice %arg3[%mul3A_1390] : memref<32768xi32, #tpu.memory_space<hbm>> -> memref<128xi32, #tpu.memory_space<hbm>>
    %dma_start3A_1392 = tpu.memref_slice %arg3[%mul3A_1390] : memref<32768xi32, #tpu.memory_space<hbm>> -> memref<128xi32, #tpu.memory_space<hbm>>
    tpu.enqueue_dma source(%dma_start3A_1392 : memref<128xi32, #tpu.memory_space<hbm>>) target(%arg11 : memref<128xi32, #tpu.memory_space<vmem>>) target_semaphore(%arg19 : memref<!tpu.dma_semaphore, #tpu.memory_space<semaphore_mem>>)
    %dma_wait3A_1393 = arith.constant 0 : i32
    %dma_wait3A_1394 = tpu.memref_slice %arg2[%dma_wait3A_1393] : memref<294912xi32, #tpu.memory_space<hbm>> -> memref<1152xi32, #tpu.memory_space<hbm>>
    %dma_wait3A_1395 = arith.constant 0 : i32
    %dma_wait3A_1396 = tpu.memref_slice %arg2[%dma_wait3A_1395] : memref<294912xi32, #tpu.memory_space<hbm>> -> memref<1152xi32, #tpu.memory_space<hbm>>
    tpu.wait_dma2 semaphore(%arg21 : memref<!tpu.dma_semaphore, #tpu.memory_space<semaphore_mem>>) src(%dma_wait3A_1396 : memref<1152xi32, #tpu.memory_space<hbm>>) dst(%arg10 : memref<1152xi32, #tpu.memory_space<vmem>>)
    %dma_wait3A_1397 = arith.constant 0 : i32
    %dma_wait3A_1398 = tpu.memref_slice %arg3[%dma_wait3A_1397] : memref<32768xi32, #tpu.memory_space<hbm>> -> memref<128xi32, #tpu.memory_space<hbm>>
    %dma_wait3A_1399 = arith.constant 0 : i32
    %dma_wait3A_1400 = tpu.memref_slice %arg3[%dma_wait3A_1399] : memref<32768xi32, #tpu.memory_space<hbm>> -> memref<128xi32, #tpu.memory_space<hbm>>
    tpu.wait_dma2 semaphore(%arg21 : memref<!tpu.dma_semaphore, #tpu.memory_space<semaphore_mem>>) src(%dma_wait3A_1400 : memref<128xi32, #tpu.memory_space<hbm>>) dst(%arg13 : memref<128xi32, #tpu.memory_space<vmem>>)
    %dma_start3A_1401 = arith.constant 2 : i32
    %dma_start3A_1402 = arith.constant 0 : i32
    %dma_start3A_1403 = arith.constant 0 : i32
    %dma_start3A_1404 = tpu.memref_slice %arg15[%dma_start3A_1401, %dma_start3A_1402, %dma_start3A_1403] : memref<3x128x128xf32, #tpu.memory_space<vmem>> -> memref<1x128x128xf32, #tpu.memory_space<vmem>>
    %dma_start3A_1405 = tpu.memref_squeeze %dma_start3A_1404 : memref<1x128x128xf32, #tpu.memory_space<vmem>> -> memref<128x128xf32, #tpu.memory_space<vmem>>
    %dma_start3A_1406 = arith.constant 0 : i32
    %dma_start3A_1407 = arith.constant 0 : i32
    %dma_start3A_1408 = tpu.memref_slice %arg16[%dma_start3A_1406, %dma_start3A_1407] : memref<512x128xf32, #tpu.memory_space<vmem_shared>> -> memref<512x128xf32, #tpu.memory_space<vmem_shared>>
    tpu.enqueue_indirect_dma source(%dma_start3A_1408 : memref<512x128xf32, #tpu.memory_space<vmem_shared>>) target(%dma_start3A_1405 : memref<128x128xf32, #tpu.memory_space<vmem>>) offsets(%arg13 : memref<128xi32, #tpu.memory_space<vmem>>) semaphore(%arg24 : memref<!tpu.dma_semaphore, #tpu.memory_space<semaphore_mem>>)
    %dma_wait3A_1409 = arith.constant 1 : i32
    %dma_wait3A_1410 = arith.constant 0 : i32
    %dma_wait3A_1411 = arith.constant 0 : i32
    %dma_wait3A_1412 = tpu.memref_slice %arg15[%dma_wait3A_1409, %dma_wait3A_1410, %dma_wait3A_1411] : memref<3x128x128xf32, #tpu.memory_space<vmem>> -> memref<1x128x128xf32, #tpu.memory_space<vmem>>
    %dma_wait3A_1413 = tpu.memref_squeeze %dma_wait3A_1412 : memref<1x128x128xf32, #tpu.memory_space<vmem>> -> memref<128x128xf32, #tpu.memory_space<vmem>>
    %dma_wait3A_1414 = arith.constant 0 : i32
    %dma_wait3A_1415 = tpu.memref_slice %arg9[%dma_wait3A_1414] : memref<1152xi32, #tpu.memory_space<vmem>> -> memref<128xi32, #tpu.memory_space<vmem>>
    %dma_wait3A_1416 = arith.constant 0 : i32
    %dma_wait3A_1417 = arith.constant 0 : i32
    %dma_wait3A_1418 = tpu.memref_slice %arg4[%dma_wait3A_1416, %dma_wait3A_1417] : memref<100001x128xf32, #tpu.memory_space<hbm>> -> memref<100001x128xf32, #tpu.memory_space<hbm>>
    tpu.wait_indirect_dma semaphore(%arg26 : memref<!tpu.dma_semaphore, #tpu.memory_space<semaphore_mem>>) src(%dma_wait3A_1418 : memref<100001x128xf32, #tpu.memory_space<hbm>>) dst(%dma_wait3A_1413 : memref<128x128xf32, #tpu.memory_space<vmem>>)
    %dma_wait3A_1419 = arith.constant 1 : i32
    %dma_wait3A_1420 = arith.constant 0 : i32
    %dma_wait3A_1421 = arith.constant 0 : i32
    %dma_wait3A_1422 = tpu.memref_slice %arg15[%dma_wait3A_1419, %dma_wait3A_1420, %dma_wait3A_1421] : memref<3x128x128xf32, #tpu.memory_space<vmem>> -> memref<1x128x128xf32, #tpu.memory_space<vmem>>
    %dma_wait3A_1423 = tpu.memref_squeeze %dma_wait3A_1422 : memref<1x128x128xf32, #tpu.memory_space<vmem>> -> memref<128x128xf32, #tpu.memory_space<vmem>>
    %dma_wait3A_1424 = arith.constant 128 : i32
    %dma_wait3A_1425 = tpu.memref_slice %arg9[%dma_wait3A_1424] : memref<1152xi32, #tpu.memory_space<vmem>> -> memref<128xi32, #tpu.memory_space<vmem>>
    %dma_wait3A_1426 = arith.constant 0 : i32
    %dma_wait3A_1427 = arith.constant 0 : i32
    %dma_wait3A_1428 = tpu.memref_slice %arg4[%dma_wait3A_1426, %dma_wait3A_1427] : memref<100001x128xf32, #tpu.memory_space<hbm>> -> memref<100001x128xf32, #tpu.memory_space<hbm>>
    tpu.wait_indirect_dma semaphore(%arg26 : memref<!tpu.dma_semaphore, #tpu.memory_space<semaphore_mem>>) src(%dma_wait3A_1428 : memref<100001x128xf32, #tpu.memory_space<hbm>>) dst(%dma_wait3A_1423 : memref<128x128xf32, #tpu.memory_space<vmem>>)
    %dma_wait3A_1429 = arith.constant 1 : i32
    %dma_wait3A_1430 = arith.constant 0 : i32
    %dma_wait3A_1431 = arith.constant 0 : i32
    %dma_wait3A_1432 = tpu.memref_slice %arg15[%dma_wait3A_1429, %dma_wait3A_1430, %dma_wait3A_1431] : memref<3x128x128xf32, #tpu.memory_space<vmem>> -> memref<1x128x128xf32, #tpu.memory_space<vmem>>
    %dma_wait3A_1433 = tpu.memref_squeeze %dma_wait3A_1432 : memref<1x128x128xf32, #tpu.memory_space<vmem>> -> memref<128x128xf32, #tpu.memory_space<vmem>>
    %dma_wait3A_1434 = arith.constant 256 : i32
    %dma_wait3A_1435 = tpu.memref_slice %arg9[%dma_wait3A_1434] : memref<1152xi32, #tpu.memory_space<vmem>> -> memref<128xi32, #tpu.memory_space<vmem>>
    %dma_wait3A_1436 = arith.constant 0 : i32
    %dma_wait3A_1437 = arith.constant 0 : i32
    %dma_wait3A_1438 = tpu.memref_slice %arg4[%dma_wait3A_1436, %dma_wait3A_1437] : memref<100001x128xf32, #tpu.memory_space<hbm>> -> memref<100001x128xf32, #tpu.memory_space<hbm>>
    tpu.wait_indirect_dma semaphore(%arg26 : memref<!tpu.dma_semaphore, #tpu.memory_space<semaphore_mem>>) src(%dma_wait3A_1438 : memref<100001x128xf32, #tpu.memory_space<hbm>>) dst(%dma_wait3A_1433 : memref<128x128xf32, #tpu.memory_space<vmem>>)
    %dma_wait3A_1439 = arith.constant 1 : i32
    %dma_wait3A_1440 = arith.constant 0 : i32
    %dma_wait3A_1441 = arith.constant 0 : i32
    %dma_wait3A_1442 = tpu.memref_slice %arg15[%dma_wait3A_1439, %dma_wait3A_1440, %dma_wait3A_1441] : memref<3x128x128xf32, #tpu.memory_space<vmem>> -> memref<1x128x128xf32, #tpu.memory_space<vmem>>
    %dma_wait3A_1443 = tpu.memref_squeeze %dma_wait3A_1442 : memref<1x128x128xf32, #tpu.memory_space<vmem>> -> memref<128x128xf32, #tpu.memory_space<vmem>>
    %dma_wait3A_1444 = arith.constant 384 : i32
    %dma_wait3A_1445 = tpu.memref_slice %arg9[%dma_wait3A_1444] : memref<1152xi32, #tpu.memory_space<vmem>> -> memref<128xi32, #tpu.memory_space<vmem>>
    %dma_wait3A_1446 = arith.constant 0 : i32
    %dma_wait3A_1447 = arith.constant 0 : i32
    %dma_wait3A_1448 = tpu.memref_slice %arg4[%dma_wait3A_1446, %dma_wait3A_1447] : memref<100001x128xf32, #tpu.memory_space<hbm>> -> memref<100001x128xf32, #tpu.memory_space<hbm>>
    tpu.wait_indirect_dma semaphore(%arg26 : memref<!tpu.dma_semaphore, #tpu.memory_space<semaphore_mem>>) src(%dma_wait3A_1448 : memref<100001x128xf32, #tpu.memory_space<hbm>>) dst(%dma_wait3A_1443 : memref<128x128xf32, #tpu.memory_space<vmem>>)
    %dma_wait3A_1449 = arith.constant 1 : i32
    %dma_wait3A_1450 = arith.constant 0 : i32
    %dma_wait3A_1451 = arith.constant 0 : i32
    %dma_wait3A_1452 = tpu.memref_slice %arg15[%dma_wait3A_1449, %dma_wait3A_1450, %dma_wait3A_1451] : memref<3x128x128xf32, #tpu.memory_space<vmem>> -> memref<1x128x128xf32, #tpu.memory_space<vmem>>
    %dma_wait3A_1453 = tpu.memref_squeeze %dma_wait3A_1452 : memref<1x128x128xf32, #tpu.memory_space<vmem>> -> memref<128x128xf32, #tpu.memory_space<vmem>>
    %dma_wait3A_1454 = arith.constant 512 : i32
    %dma_wait3A_1455 = tpu.memref_slice %arg9[%dma_wait3A_1454] : memref<1152xi32, #tpu.memory_space<vmem>> -> memref<128xi32, #tpu.memory_space<vmem>>
    %dma_wait3A_1456 = arith.constant 0 : i32
    %dma_wait3A_1457 = arith.constant 0 : i32
    %dma_wait3A_1458 = tpu.memref_slice %arg4[%dma_wait3A_1456, %dma_wait3A_1457] : memref<100001x128xf32, #tpu.memory_space<hbm>> -> memref<100001x128xf32, #tpu.memory_space<hbm>>
    tpu.wait_indirect_dma semaphore(%arg26 : memref<!tpu.dma_semaphore, #tpu.memory_space<semaphore_mem>>) src(%dma_wait3A_1458 : memref<100001x128xf32, #tpu.memory_space<hbm>>) dst(%dma_wait3A_1453 : memref<128x128xf32, #tpu.memory_space<vmem>>)
    %dma_wait3A_1459 = arith.constant 1 : i32
    %dma_wait3A_1460 = arith.constant 0 : i32
    %dma_wait3A_1461 = arith.constant 0 : i32
    %dma_wait3A_1462 = tpu.memref_slice %arg15[%dma_wait3A_1459, %dma_wait3A_1460, %dma_wait3A_1461] : memref<3x128x128xf32, #tpu.memory_space<vmem>> -> memref<1x128x128xf32, #tpu.memory_space<vmem>>
    %dma_wait3A_1463 = tpu.memref_squeeze %dma_wait3A_1462 : memref<1x128x128xf32, #tpu.memory_space<vmem>> -> memref<128x128xf32, #tpu.memory_space<vmem>>
    %dma_wait3A_1464 = arith.constant 640 : i32
    %dma_wait3A_1465 = tpu.memref_slice %arg9[%dma_wait3A_1464] : memref<1152xi32, #tpu.memory_space<vmem>> -> memref<128xi32, #tpu.memory_space<vmem>>
    %dma_wait3A_1466 = arith.constant 0 : i32
    %dma_wait3A_1467 = arith.constant 0 : i32
    %dma_wait3A_1468 = tpu.memref_slice %arg4[%dma_wait3A_1466, %dma_wait3A_1467] : memref<100001x128xf32, #tpu.memory_space<hbm>> -> memref<100001x128xf32, #tpu.memory_space<hbm>>
    tpu.wait_indirect_dma semaphore(%arg26 : memref<!tpu.dma_semaphore, #tpu.memory_space<semaphore_mem>>) src(%dma_wait3A_1468 : memref<100001x128xf32, #tpu.memory_space<hbm>>) dst(%dma_wait3A_1463 : memref<128x128xf32, #tpu.memory_space<vmem>>)
    %dma_wait3A_1469 = arith.constant 1 : i32
    %dma_wait3A_1470 = arith.constant 0 : i32
    %dma_wait3A_1471 = arith.constant 0 : i32
    %dma_wait3A_1472 = tpu.memref_slice %arg15[%dma_wait3A_1469, %dma_wait3A_1470, %dma_wait3A_1471] : memref<3x128x128xf32, #tpu.memory_space<vmem>> -> memref<1x128x128xf32, #tpu.memory_space<vmem>>
    %dma_wait3A_1473 = tpu.memref_squeeze %dma_wait3A_1472 : memref<1x128x128xf32, #tpu.memory_space<vmem>> -> memref<128x128xf32, #tpu.memory_space<vmem>>
    %dma_wait3A_1474 = arith.constant 768 : i32
    %dma_wait3A_1475 = tpu.memref_slice %arg9[%dma_wait3A_1474] : memref<1152xi32, #tpu.memory_space<vmem>> -> memref<128xi32, #tpu.memory_space<vmem>>
    %dma_wait3A_1476 = arith.constant 0 : i32
    %dma_wait3A_1477 = arith.constant 0 : i32
    %dma_wait3A_1478 = tpu.memref_slice %arg4[%dma_wait3A_1476, %dma_wait3A_1477] : memref<100001x128xf32, #tpu.memory_space<hbm>> -> memref<100001x128xf32, #tpu.memory_space<hbm>>
    tpu.wait_indirect_dma semaphore(%arg26 : memref<!tpu.dma_semaphore, #tpu.memory_space<semaphore_mem>>) src(%dma_wait3A_1478 : memref<100001x128xf32, #tpu.memory_space<hbm>>) dst(%dma_wait3A_1473 : memref<128x128xf32, #tpu.memory_space<vmem>>)
    %dma_wait3A_1479 = arith.constant 1 : i32
    %dma_wait3A_1480 = arith.constant 0 : i32
    %dma_wait3A_1481 = arith.constant 0 : i32
    %dma_wait3A_1482 = tpu.memref_slice %arg15[%dma_wait3A_1479, %dma_wait3A_1480, %dma_wait3A_1481] : memref<3x128x128xf32, #tpu.memory_space<vmem>> -> memref<1x128x128xf32, #tpu.memory_space<vmem>>
    %dma_wait3A_1483 = tpu.memref_squeeze %dma_wait3A_1482 : memref<1x128x128xf32, #tpu.memory_space<vmem>> -> memref<128x128xf32, #tpu.memory_space<vmem>>
    %dma_wait3A_1484 = arith.constant 896 : i32
    %dma_wait3A_1485 = tpu.memref_slice %arg9[%dma_wait3A_1484] : memref<1152xi32, #tpu.memory_space<vmem>> -> memref<128xi32, #tpu.memory_space<vmem>>
    %dma_wait3A_1486 = arith.constant 0 : i32
    %dma_wait3A_1487 = arith.constant 0 : i32
    %dma_wait3A_1488 = tpu.memref_slice %arg4[%dma_wait3A_1486, %dma_wait3A_1487] : memref<100001x128xf32, #tpu.memory_space<hbm>> -> memref<100001x128xf32, #tpu.memory_space<hbm>>
    tpu.wait_indirect_dma semaphore(%arg26 : memref<!tpu.dma_semaphore, #tpu.memory_space<semaphore_mem>>) src(%dma_wait3A_1488 : memref<100001x128xf32, #tpu.memory_space<hbm>>) dst(%dma_wait3A_1483 : memref<128x128xf32, #tpu.memory_space<vmem>>)
    %dma_wait3A_1489 = arith.constant 1 : i32
    %dma_wait3A_1490 = arith.constant 0 : i32
    %dma_wait3A_1491 = arith.constant 0 : i32
    %dma_wait3A_1492 = tpu.memref_slice %arg15[%dma_wait3A_1489, %dma_wait3A_1490, %dma_wait3A_1491] : memref<3x128x128xf32, #tpu.memory_space<vmem>> -> memref<1x128x128xf32, #tpu.memory_space<vmem>>
    %dma_wait3A_1493 = tpu.memref_squeeze %dma_wait3A_1492 : memref<1x128x128xf32, #tpu.memory_space<vmem>> -> memref<128x128xf32, #tpu.memory_space<vmem>>
    %dma_wait3A_1494 = arith.constant 1024 : i32
    %dma_wait3A_1495 = tpu.memref_slice %arg9[%dma_wait3A_1494] : memref<1152xi32, #tpu.memory_space<vmem>> -> memref<128xi32, #tpu.memory_space<vmem>>
    %dma_wait3A_1496 = arith.constant 0 : i32
    %dma_wait3A_1497 = arith.constant 0 : i32
    %dma_wait3A_1498 = tpu.memref_slice %arg4[%dma_wait3A_1496, %dma_wait3A_1497] : memref<100001x128xf32, #tpu.memory_space<hbm>> -> memref<100001x128xf32, #tpu.memory_space<hbm>>
    tpu.wait_indirect_dma semaphore(%arg26 : memref<!tpu.dma_semaphore, #tpu.memory_space<semaphore_mem>>) src(%dma_wait3A_1498 : memref<100001x128xf32, #tpu.memory_space<hbm>>) dst(%dma_wait3A_1493 : memref<128x128xf32, #tpu.memory_space<vmem>>)
    %mul3A_1499 = arith.constant 8 : i32
    %mul3A_1500 = arith.muli %add3A, %mul3A_1499 : i32
    %add3A_1501 = arith.constant 1 : i32
    %add3A_1502 = arith.addi %mul3A_1500, %add3A_1501 : i32
    %dma_start3A_1503 = arith.constant 1 : i32
    %dma_start3A_1504 = arith.constant 0 : i32
    %dma_start3A_1505 = arith.constant 0 : i32
    %dma_start3A_1506 = tpu.memref_slice %arg15[%dma_start3A_1503, %dma_start3A_1504, %dma_start3A_1505] : memref<3x128x128xf32, #tpu.memory_space<vmem>> -> memref<1x128x128xf32, #tpu.memory_space<vmem>>
    %dma_start3A_1507 = tpu.memref_squeeze %dma_start3A_1506 : memref<1x128x128xf32, #tpu.memory_space<vmem>> -> memref<128x128xf32, #tpu.memory_space<vmem>>
    %dma_start3A_1508 = arith.constant 0 : i32
    %dma_start3A_1509 = arith.constant 0 : i32
    %dma_start3A_1510 = tpu.memref_slice %arg7[%add3A_1502, %dma_start3A_1508, %dma_start3A_1509] : memref<256x129x128xf32, #tpu.memory_space<hbm>> -> memref<1x129x128xf32, #tpu.memory_space<hbm>>
    %dma_start3A_1511 = tpu.memref_squeeze %dma_start3A_1510 : memref<1x129x128xf32, #tpu.memory_space<hbm>> -> memref<129x128xf32, #tpu.memory_space<hbm>>
    %dma_start3A_1512 = arith.constant 0 : i32
    %dma_start3A_1513 = arith.constant 0 : i32
    %dma_start3A_1514 = tpu.memref_slice %dma_start3A_1511[%dma_start3A_1512, %dma_start3A_1513] : memref<129x128xf32, #tpu.memory_space<hbm>> -> memref<129x128xf32, #tpu.memory_space<hbm>>
    tpu.enqueue_indirect_dma source(%dma_start3A_1507 : memref<128x128xf32, #tpu.memory_space<vmem>>) target(%dma_start3A_1514 : memref<129x128xf32, #tpu.memory_space<hbm>>) offsets(%arg14 : memref<128xi32, #tpu.memory_space<vmem>>) semaphore(%arg29 : memref<!tpu.dma_semaphore, #tpu.memory_space<semaphore_mem>>)
    %dma_wait3A_1515 = arith.constant 2 : i32
    %dma_wait3A_1516 = arith.constant 0 : i32
    %dma_wait3A_1517 = arith.constant 0 : i32
    %dma_wait3A_1518 = tpu.memref_slice %arg15[%dma_wait3A_1515, %dma_wait3A_1516, %dma_wait3A_1517] : memref<3x128x128xf32, #tpu.memory_space<vmem>> -> memref<1x128x128xf32, #tpu.memory_space<vmem>>
    %dma_wait3A_1519 = tpu.memref_squeeze %dma_wait3A_1518 : memref<1x128x128xf32, #tpu.memory_space<vmem>> -> memref<128x128xf32, #tpu.memory_space<vmem>>
    %dma_wait3A_1520 = arith.constant 0 : i32
    %dma_wait3A_1521 = arith.constant 0 : i32
    %dma_wait3A_1522 = tpu.memref_slice %arg16[%dma_wait3A_1520, %dma_wait3A_1521] : memref<512x128xf32, #tpu.memory_space<vmem_shared>> -> memref<512x128xf32, #tpu.memory_space<vmem_shared>>
    tpu.wait_indirect_dma semaphore(%arg24 : memref<!tpu.dma_semaphore, #tpu.memory_space<semaphore_mem>>) src(%dma_wait3A_1522 : memref<512x128xf32, #tpu.memory_space<vmem_shared>>) dst(%dma_wait3A_1519 : memref<128x128xf32, #tpu.memory_space<vmem>>)
    %dma_start3A_1523 = arith.constant 2 : i32
    %dma_start3A_1524 = arith.constant 0 : i32
    %dma_start3A_1525 = arith.constant 0 : i32
    %dma_start3A_1526 = tpu.memref_slice %arg15[%dma_start3A_1523, %dma_start3A_1524, %dma_start3A_1525] : memref<3x128x128xf32, #tpu.memory_space<vmem>> -> memref<1x128x128xf32, #tpu.memory_space<vmem>>
    %dma_start3A_1527 = tpu.memref_squeeze %dma_start3A_1526 : memref<1x128x128xf32, #tpu.memory_space<vmem>> -> memref<128x128xf32, #tpu.memory_space<vmem>>
    %dma_start3A_1528 = arith.constant 0 : i32
    %dma_start3A_1529 = tpu.memref_slice %arg10[%dma_start3A_1528] : memref<1152xi32, #tpu.memory_space<vmem>> -> memref<128xi32, #tpu.memory_space<vmem>>
    %dma_start3A_1530 = arith.constant 0 : i32
    %dma_start3A_1531 = arith.constant 0 : i32
    %dma_start3A_1532 = tpu.memref_slice %arg4[%dma_start3A_1530, %dma_start3A_1531] : memref<100001x128xf32, #tpu.memory_space<hbm>> -> memref<100001x128xf32, #tpu.memory_space<hbm>>
    tpu.enqueue_indirect_dma source(%dma_start3A_1532 : memref<100001x128xf32, #tpu.memory_space<hbm>>) target(%dma_start3A_1527 : memref<128x128xf32, #tpu.memory_space<vmem>>) offsets(%dma_start3A_1529 : memref<128xi32, #tpu.memory_space<vmem>>) semaphore(%arg27 : memref<!tpu.dma_semaphore, #tpu.memory_space<semaphore_mem>>) {add = true}
    %dma_start3A_1533 = arith.constant 2 : i32
    %dma_start3A_1534 = arith.constant 0 : i32
    %dma_start3A_1535 = arith.constant 0 : i32
    %dma_start3A_1536 = tpu.memref_slice %arg15[%dma_start3A_1533, %dma_start3A_1534, %dma_start3A_1535] : memref<3x128x128xf32, #tpu.memory_space<vmem>> -> memref<1x128x128xf32, #tpu.memory_space<vmem>>
    %dma_start3A_1537 = tpu.memref_squeeze %dma_start3A_1536 : memref<1x128x128xf32, #tpu.memory_space<vmem>> -> memref<128x128xf32, #tpu.memory_space<vmem>>
    %dma_start3A_1538 = arith.constant 128 : i32
    %dma_start3A_1539 = tpu.memref_slice %arg10[%dma_start3A_1538] : memref<1152xi32, #tpu.memory_space<vmem>> -> memref<128xi32, #tpu.memory_space<vmem>>
    %dma_start3A_1540 = arith.constant 0 : i32
    %dma_start3A_1541 = arith.constant 0 : i32
    %dma_start3A_1542 = tpu.memref_slice %arg4[%dma_start3A_1540, %dma_start3A_1541] : memref<100001x128xf32, #tpu.memory_space<hbm>> -> memref<100001x128xf32, #tpu.memory_space<hbm>>
    tpu.enqueue_indirect_dma source(%dma_start3A_1542 : memref<100001x128xf32, #tpu.memory_space<hbm>>) target(%dma_start3A_1537 : memref<128x128xf32, #tpu.memory_space<vmem>>) offsets(%dma_start3A_1539 : memref<128xi32, #tpu.memory_space<vmem>>) semaphore(%arg27 : memref<!tpu.dma_semaphore, #tpu.memory_space<semaphore_mem>>) {add = true}
    %dma_start3A_1543 = arith.constant 2 : i32
    %dma_start3A_1544 = arith.constant 0 : i32
    %dma_start3A_1545 = arith.constant 0 : i32
    %dma_start3A_1546 = tpu.memref_slice %arg15[%dma_start3A_1543, %dma_start3A_1544, %dma_start3A_1545] : memref<3x128x128xf32, #tpu.memory_space<vmem>> -> memref<1x128x128xf32, #tpu.memory_space<vmem>>
    %dma_start3A_1547 = tpu.memref_squeeze %dma_start3A_1546 : memref<1x128x128xf32, #tpu.memory_space<vmem>> -> memref<128x128xf32, #tpu.memory_space<vmem>>
    %dma_start3A_1548 = arith.constant 256 : i32
    %dma_start3A_1549 = tpu.memref_slice %arg10[%dma_start3A_1548] : memref<1152xi32, #tpu.memory_space<vmem>> -> memref<128xi32, #tpu.memory_space<vmem>>
    %dma_start3A_1550 = arith.constant 0 : i32
    %dma_start3A_1551 = arith.constant 0 : i32
    %dma_start3A_1552 = tpu.memref_slice %arg4[%dma_start3A_1550, %dma_start3A_1551] : memref<100001x128xf32, #tpu.memory_space<hbm>> -> memref<100001x128xf32, #tpu.memory_space<hbm>>
    tpu.enqueue_indirect_dma source(%dma_start3A_1552 : memref<100001x128xf32, #tpu.memory_space<hbm>>) target(%dma_start3A_1547 : memref<128x128xf32, #tpu.memory_space<vmem>>) offsets(%dma_start3A_1549 : memref<128xi32, #tpu.memory_space<vmem>>) semaphore(%arg27 : memref<!tpu.dma_semaphore, #tpu.memory_space<semaphore_mem>>) {add = true}
    %dma_start3A_1553 = arith.constant 2 : i32
    %dma_start3A_1554 = arith.constant 0 : i32
    %dma_start3A_1555 = arith.constant 0 : i32
    %dma_start3A_1556 = tpu.memref_slice %arg15[%dma_start3A_1553, %dma_start3A_1554, %dma_start3A_1555] : memref<3x128x128xf32, #tpu.memory_space<vmem>> -> memref<1x128x128xf32, #tpu.memory_space<vmem>>
    %dma_start3A_1557 = tpu.memref_squeeze %dma_start3A_1556 : memref<1x128x128xf32, #tpu.memory_space<vmem>> -> memref<128x128xf32, #tpu.memory_space<vmem>>
    %dma_start3A_1558 = arith.constant 384 : i32
    %dma_start3A_1559 = tpu.memref_slice %arg10[%dma_start3A_1558] : memref<1152xi32, #tpu.memory_space<vmem>> -> memref<128xi32, #tpu.memory_space<vmem>>
    %dma_start3A_1560 = arith.constant 0 : i32
    %dma_start3A_1561 = arith.constant 0 : i32
    %dma_start3A_1562 = tpu.memref_slice %arg4[%dma_start3A_1560, %dma_start3A_1561] : memref<100001x128xf32, #tpu.memory_space<hbm>> -> memref<100001x128xf32, #tpu.memory_space<hbm>>
    tpu.enqueue_indirect_dma source(%dma_start3A_1562 : memref<100001x128xf32, #tpu.memory_space<hbm>>) target(%dma_start3A_1557 : memref<128x128xf32, #tpu.memory_space<vmem>>) offsets(%dma_start3A_1559 : memref<128xi32, #tpu.memory_space<vmem>>) semaphore(%arg27 : memref<!tpu.dma_semaphore, #tpu.memory_space<semaphore_mem>>) {add = true}
    %dma_start3A_1563 = arith.constant 2 : i32
    %dma_start3A_1564 = arith.constant 0 : i32
    %dma_start3A_1565 = arith.constant 0 : i32
    %dma_start3A_1566 = tpu.memref_slice %arg15[%dma_start3A_1563, %dma_start3A_1564, %dma_start3A_1565] : memref<3x128x128xf32, #tpu.memory_space<vmem>> -> memref<1x128x128xf32, #tpu.memory_space<vmem>>
    %dma_start3A_1567 = tpu.memref_squeeze %dma_start3A_1566 : memref<1x128x128xf32, #tpu.memory_space<vmem>> -> memref<128x128xf32, #tpu.memory_space<vmem>>
    %dma_start3A_1568 = arith.constant 512 : i32
    %dma_start3A_1569 = tpu.memref_slice %arg10[%dma_start3A_1568] : memref<1152xi32, #tpu.memory_space<vmem>> -> memref<128xi32, #tpu.memory_space<vmem>>
    %dma_start3A_1570 = arith.constant 0 : i32
    %dma_start3A_1571 = arith.constant 0 : i32
    %dma_start3A_1572 = tpu.memref_slice %arg4[%dma_start3A_1570, %dma_start3A_1571] : memref<100001x128xf32, #tpu.memory_space<hbm>> -> memref<100001x128xf32, #tpu.memory_space<hbm>>
    tpu.enqueue_indirect_dma source(%dma_start3A_1572 : memref<100001x128xf32, #tpu.memory_space<hbm>>) target(%dma_start3A_1567 : memref<128x128xf32, #tpu.memory_space<vmem>>) offsets(%dma_start3A_1569 : memref<128xi32, #tpu.memory_space<vmem>>) semaphore(%arg27 : memref<!tpu.dma_semaphore, #tpu.memory_space<semaphore_mem>>) {add = true}
    %dma_start3A_1573 = arith.constant 2 : i32
    %dma_start3A_1574 = arith.constant 0 : i32
    %dma_start3A_1575 = arith.constant 0 : i32
    %dma_start3A_1576 = tpu.memref_slice %arg15[%dma_start3A_1573, %dma_start3A_1574, %dma_start3A_1575] : memref<3x128x128xf32, #tpu.memory_space<vmem>> -> memref<1x128x128xf32, #tpu.memory_space<vmem>>
    %dma_start3A_1577 = tpu.memref_squeeze %dma_start3A_1576 : memref<1x128x128xf32, #tpu.memory_space<vmem>> -> memref<128x128xf32, #tpu.memory_space<vmem>>
    %dma_start3A_1578 = arith.constant 640 : i32
    %dma_start3A_1579 = tpu.memref_slice %arg10[%dma_start3A_1578] : memref<1152xi32, #tpu.memory_space<vmem>> -> memref<128xi32, #tpu.memory_space<vmem>>
    %dma_start3A_1580 = arith.constant 0 : i32
    %dma_start3A_1581 = arith.constant 0 : i32
    %dma_start3A_1582 = tpu.memref_slice %arg4[%dma_start3A_1580, %dma_start3A_1581] : memref<100001x128xf32, #tpu.memory_space<hbm>> -> memref<100001x128xf32, #tpu.memory_space<hbm>>
    tpu.enqueue_indirect_dma source(%dma_start3A_1582 : memref<100001x128xf32, #tpu.memory_space<hbm>>) target(%dma_start3A_1577 : memref<128x128xf32, #tpu.memory_space<vmem>>) offsets(%dma_start3A_1579 : memref<128xi32, #tpu.memory_space<vmem>>) semaphore(%arg27 : memref<!tpu.dma_semaphore, #tpu.memory_space<semaphore_mem>>) {add = true}
    %dma_start3A_1583 = arith.constant 2 : i32
    %dma_start3A_1584 = arith.constant 0 : i32
    %dma_start3A_1585 = arith.constant 0 : i32
    %dma_start3A_1586 = tpu.memref_slice %arg15[%dma_start3A_1583, %dma_start3A_1584, %dma_start3A_1585] : memref<3x128x128xf32, #tpu.memory_space<vmem>> -> memref<1x128x128xf32, #tpu.memory_space<vmem>>
    %dma_start3A_1587 = tpu.memref_squeeze %dma_start3A_1586 : memref<1x128x128xf32, #tpu.memory_space<vmem>> -> memref<128x128xf32, #tpu.memory_space<vmem>>
    %dma_start3A_1588 = arith.constant 768 : i32
    %dma_start3A_1589 = tpu.memref_slice %arg10[%dma_start3A_1588] : memref<1152xi32, #tpu.memory_space<vmem>> -> memref<128xi32, #tpu.memory_space<vmem>>
    %dma_start3A_1590 = arith.constant 0 : i32
    %dma_start3A_1591 = arith.constant 0 : i32
    %dma_start3A_1592 = tpu.memref_slice %arg4[%dma_start3A_1590, %dma_start3A_1591] : memref<100001x128xf32, #tpu.memory_space<hbm>> -> memref<100001x128xf32, #tpu.memory_space<hbm>>
    tpu.enqueue_indirect_dma source(%dma_start3A_1592 : memref<100001x128xf32, #tpu.memory_space<hbm>>) target(%dma_start3A_1587 : memref<128x128xf32, #tpu.memory_space<vmem>>) offsets(%dma_start3A_1589 : memref<128xi32, #tpu.memory_space<vmem>>) semaphore(%arg27 : memref<!tpu.dma_semaphore, #tpu.memory_space<semaphore_mem>>) {add = true}
    %dma_start3A_1593 = arith.constant 2 : i32
    %dma_start3A_1594 = arith.constant 0 : i32
    %dma_start3A_1595 = arith.constant 0 : i32
    %dma_start3A_1596 = tpu.memref_slice %arg15[%dma_start3A_1593, %dma_start3A_1594, %dma_start3A_1595] : memref<3x128x128xf32, #tpu.memory_space<vmem>> -> memref<1x128x128xf32, #tpu.memory_space<vmem>>
    %dma_start3A_1597 = tpu.memref_squeeze %dma_start3A_1596 : memref<1x128x128xf32, #tpu.memory_space<vmem>> -> memref<128x128xf32, #tpu.memory_space<vmem>>
    %dma_start3A_1598 = arith.constant 896 : i32
    %dma_start3A_1599 = tpu.memref_slice %arg10[%dma_start3A_1598] : memref<1152xi32, #tpu.memory_space<vmem>> -> memref<128xi32, #tpu.memory_space<vmem>>
    %dma_start3A_1600 = arith.constant 0 : i32
    %dma_start3A_1601 = arith.constant 0 : i32
    %dma_start3A_1602 = tpu.memref_slice %arg4[%dma_start3A_1600, %dma_start3A_1601] : memref<100001x128xf32, #tpu.memory_space<hbm>> -> memref<100001x128xf32, #tpu.memory_space<hbm>>
    tpu.enqueue_indirect_dma source(%dma_start3A_1602 : memref<100001x128xf32, #tpu.memory_space<hbm>>) target(%dma_start3A_1597 : memref<128x128xf32, #tpu.memory_space<vmem>>) offsets(%dma_start3A_1599 : memref<128xi32, #tpu.memory_space<vmem>>) semaphore(%arg27 : memref<!tpu.dma_semaphore, #tpu.memory_space<semaphore_mem>>) {add = true}
    %dma_start3A_1603 = arith.constant 2 : i32
    %dma_start3A_1604 = arith.constant 0 : i32
    %dma_start3A_1605 = arith.constant 0 : i32
    %dma_start3A_1606 = tpu.memref_slice %arg15[%dma_start3A_1603, %dma_start3A_1604, %dma_start3A_1605] : memref<3x128x128xf32, #tpu.memory_space<vmem>> -> memref<1x128x128xf32, #tpu.memory_space<vmem>>
    %dma_start3A_1607 = tpu.memref_squeeze %dma_start3A_1606 : memref<1x128x128xf32, #tpu.memory_space<vmem>> -> memref<128x128xf32, #tpu.memory_space<vmem>>
    %dma_start3A_1608 = arith.constant 1024 : i32
    %dma_start3A_1609 = tpu.memref_slice %arg10[%dma_start3A_1608] : memref<1152xi32, #tpu.memory_space<vmem>> -> memref<128xi32, #tpu.memory_space<vmem>>
    %dma_start3A_1610 = arith.constant 0 : i32
    %dma_start3A_1611 = arith.constant 0 : i32
    %dma_start3A_1612 = tpu.memref_slice %arg4[%dma_start3A_1610, %dma_start3A_1611] : memref<100001x128xf32, #tpu.memory_space<hbm>> -> memref<100001x128xf32, #tpu.memory_space<hbm>>
    tpu.enqueue_indirect_dma source(%dma_start3A_1612 : memref<100001x128xf32, #tpu.memory_space<hbm>>) target(%dma_start3A_1607 : memref<128x128xf32, #tpu.memory_space<vmem>>) offsets(%dma_start3A_1609 : memref<128xi32, #tpu.memory_space<vmem>>) semaphore(%arg27 : memref<!tpu.dma_semaphore, #tpu.memory_space<semaphore_mem>>) {add = true}
    %mul3A_1613 = arith.constant 8 : i32
    %mul3A_1614 = arith.muli %add3A, %mul3A_1613 : i32
    %add3A_1615 = arith.constant 1 : i32
    %add3A_1616 = arith.addi %mul3A_1614, %add3A_1615 : i32
    %dma_wait3A_1617 = arith.constant 1 : i32
    %dma_wait3A_1618 = arith.constant 0 : i32
    %dma_wait3A_1619 = arith.constant 0 : i32
    %dma_wait3A_1620 = tpu.memref_slice %arg15[%dma_wait3A_1617, %dma_wait3A_1618, %dma_wait3A_1619] : memref<3x128x128xf32, #tpu.memory_space<vmem>> -> memref<1x128x128xf32, #tpu.memory_space<vmem>>
    %dma_wait3A_1621 = tpu.memref_squeeze %dma_wait3A_1620 : memref<1x128x128xf32, #tpu.memory_space<vmem>> -> memref<128x128xf32, #tpu.memory_space<vmem>>
    %dma_wait3A_1622 = arith.constant 0 : i32
    %dma_wait3A_1623 = arith.constant 0 : i32
    %dma_wait3A_1624 = tpu.memref_slice %arg7[%add3A_1616, %dma_wait3A_1622, %dma_wait3A_1623] : memref<256x129x128xf32, #tpu.memory_space<hbm>> -> memref<1x129x128xf32, #tpu.memory_space<hbm>>
    %dma_wait3A_1625 = tpu.memref_squeeze %dma_wait3A_1624 : memref<1x129x128xf32, #tpu.memory_space<hbm>> -> memref<129x128xf32, #tpu.memory_space<hbm>>
    %dma_wait3A_1626 = arith.constant 0 : i32
    %dma_wait3A_1627 = arith.constant 0 : i32
    %dma_wait3A_1628 = tpu.memref_slice %dma_wait3A_1625[%dma_wait3A_1626, %dma_wait3A_1627] : memref<129x128xf32, #tpu.memory_space<hbm>> -> memref<129x128xf32, #tpu.memory_space<hbm>>
    tpu.wait_indirect_dma semaphore(%arg29 : memref<!tpu.dma_semaphore, #tpu.memory_space<semaphore_mem>>) src(%dma_wait3A_1621 : memref<128x128xf32, #tpu.memory_space<vmem>>) dst(%dma_wait3A_1628 : memref<129x128xf32, #tpu.memory_space<hbm>>)
    %mul3A_1629 = arith.constant 8 : i32
    %mul3A_1630 = arith.muli %add3A, %mul3A_1629 : i32
    %add3A_1631 = arith.constant 4 : i32
    %add3A_1632 = arith.addi %mul3A_1630, %add3A_1631 : i32
    %mul3A_1633 = arith.constant 1152 : i32
    %mul3A_1634 = arith.muli %add3A_1632, %mul3A_1633 : i32
    %dma_start3A_1635 = tpu.memref_slice %arg2[%mul3A_1634] : memref<294912xi32, #tpu.memory_space<hbm>> -> memref<1152xi32, #tpu.memory_space<hbm>>
    %dma_start3A_1636 = tpu.memref_slice %arg2[%mul3A_1634] : memref<294912xi32, #tpu.memory_space<hbm>> -> memref<1152xi32, #tpu.memory_space<hbm>>
    tpu.enqueue_dma source(%dma_start3A_1636 : memref<1152xi32, #tpu.memory_space<hbm>>) target(%arg9 : memref<1152xi32, #tpu.memory_space<vmem>>) target_semaphore(%arg20 : memref<!tpu.dma_semaphore, #tpu.memory_space<semaphore_mem>>)
    %mul3A_1637 = arith.constant 128 : i32
    %mul3A_1638 = arith.muli %add3A_1632, %mul3A_1637 : i32
    %dma_start3A_1639 = tpu.memref_slice %arg3[%mul3A_1638] : memref<32768xi32, #tpu.memory_space<hbm>> -> memref<128xi32, #tpu.memory_space<hbm>>
    %dma_start3A_1640 = tpu.memref_slice %arg3[%mul3A_1638] : memref<32768xi32, #tpu.memory_space<hbm>> -> memref<128xi32, #tpu.memory_space<hbm>>
    tpu.enqueue_dma source(%dma_start3A_1640 : memref<128xi32, #tpu.memory_space<hbm>>) target(%arg12 : memref<128xi32, #tpu.memory_space<vmem>>) target_semaphore(%arg20 : memref<!tpu.dma_semaphore, #tpu.memory_space<semaphore_mem>>)
    %dma_wait3A_1641 = arith.constant 0 : i32
    %dma_wait3A_1642 = tpu.memref_slice %arg2[%dma_wait3A_1641] : memref<294912xi32, #tpu.memory_space<hbm>> -> memref<1152xi32, #tpu.memory_space<hbm>>
    %dma_wait3A_1643 = arith.constant 0 : i32
    %dma_wait3A_1644 = tpu.memref_slice %arg2[%dma_wait3A_1643] : memref<294912xi32, #tpu.memory_space<hbm>> -> memref<1152xi32, #tpu.memory_space<hbm>>
    tpu.wait_dma2 semaphore(%arg19 : memref<!tpu.dma_semaphore, #tpu.memory_space<semaphore_mem>>) src(%dma_wait3A_1644 : memref<1152xi32, #tpu.memory_space<hbm>>) dst(%arg8 : memref<1152xi32, #tpu.memory_space<vmem>>)
    %dma_wait3A_1645 = arith.constant 0 : i32
    %dma_wait3A_1646 = tpu.memref_slice %arg3[%dma_wait3A_1645] : memref<32768xi32, #tpu.memory_space<hbm>> -> memref<128xi32, #tpu.memory_space<hbm>>
    %dma_wait3A_1647 = arith.constant 0 : i32
    %dma_wait3A_1648 = tpu.memref_slice %arg3[%dma_wait3A_1647] : memref<32768xi32, #tpu.memory_space<hbm>> -> memref<128xi32, #tpu.memory_space<hbm>>
    tpu.wait_dma2 semaphore(%arg19 : memref<!tpu.dma_semaphore, #tpu.memory_space<semaphore_mem>>) src(%dma_wait3A_1648 : memref<128xi32, #tpu.memory_space<hbm>>) dst(%arg11 : memref<128xi32, #tpu.memory_space<vmem>>)
    %dma_start3A_1649 = arith.constant 0 : i32
    %dma_start3A_1650 = arith.constant 0 : i32
    %dma_start3A_1651 = arith.constant 0 : i32
    %dma_start3A_1652 = tpu.memref_slice %arg15[%dma_start3A_1649, %dma_start3A_1650, %dma_start3A_1651] : memref<3x128x128xf32, #tpu.memory_space<vmem>> -> memref<1x128x128xf32, #tpu.memory_space<vmem>>
    %dma_start3A_1653 = tpu.memref_squeeze %dma_start3A_1652 : memref<1x128x128xf32, #tpu.memory_space<vmem>> -> memref<128x128xf32, #tpu.memory_space<vmem>>
    %dma_start3A_1654 = arith.constant 0 : i32
    %dma_start3A_1655 = arith.constant 0 : i32
    %dma_start3A_1656 = tpu.memref_slice %arg16[%dma_start3A_1654, %dma_start3A_1655] : memref<512x128xf32, #tpu.memory_space<vmem_shared>> -> memref<512x128xf32, #tpu.memory_space<vmem_shared>>
    tpu.enqueue_indirect_dma source(%dma_start3A_1656 : memref<512x128xf32, #tpu.memory_space<vmem_shared>>) target(%dma_start3A_1653 : memref<128x128xf32, #tpu.memory_space<vmem>>) offsets(%arg11 : memref<128xi32, #tpu.memory_space<vmem>>) semaphore(%arg22 : memref<!tpu.dma_semaphore, #tpu.memory_space<semaphore_mem>>)
    %dma_wait3A_1657 = arith.constant 2 : i32
    %dma_wait3A_1658 = arith.constant 0 : i32
    %dma_wait3A_1659 = arith.constant 0 : i32
    %dma_wait3A_1660 = tpu.memref_slice %arg15[%dma_wait3A_1657, %dma_wait3A_1658, %dma_wait3A_1659] : memref<3x128x128xf32, #tpu.memory_space<vmem>> -> memref<1x128x128xf32, #tpu.memory_space<vmem>>
    %dma_wait3A_1661 = tpu.memref_squeeze %dma_wait3A_1660 : memref<1x128x128xf32, #tpu.memory_space<vmem>> -> memref<128x128xf32, #tpu.memory_space<vmem>>
    %dma_wait3A_1662 = arith.constant 0 : i32
    %dma_wait3A_1663 = tpu.memref_slice %arg10[%dma_wait3A_1662] : memref<1152xi32, #tpu.memory_space<vmem>> -> memref<128xi32, #tpu.memory_space<vmem>>
    %dma_wait3A_1664 = arith.constant 0 : i32
    %dma_wait3A_1665 = arith.constant 0 : i32
    %dma_wait3A_1666 = tpu.memref_slice %arg4[%dma_wait3A_1664, %dma_wait3A_1665] : memref<100001x128xf32, #tpu.memory_space<hbm>> -> memref<100001x128xf32, #tpu.memory_space<hbm>>
    tpu.wait_indirect_dma semaphore(%arg27 : memref<!tpu.dma_semaphore, #tpu.memory_space<semaphore_mem>>) src(%dma_wait3A_1666 : memref<100001x128xf32, #tpu.memory_space<hbm>>) dst(%dma_wait3A_1661 : memref<128x128xf32, #tpu.memory_space<vmem>>)
    %dma_wait3A_1667 = arith.constant 2 : i32
    %dma_wait3A_1668 = arith.constant 0 : i32
    %dma_wait3A_1669 = arith.constant 0 : i32
    %dma_wait3A_1670 = tpu.memref_slice %arg15[%dma_wait3A_1667, %dma_wait3A_1668, %dma_wait3A_1669] : memref<3x128x128xf32, #tpu.memory_space<vmem>> -> memref<1x128x128xf32, #tpu.memory_space<vmem>>
    %dma_wait3A_1671 = tpu.memref_squeeze %dma_wait3A_1670 : memref<1x128x128xf32, #tpu.memory_space<vmem>> -> memref<128x128xf32, #tpu.memory_space<vmem>>
    %dma_wait3A_1672 = arith.constant 128 : i32
    %dma_wait3A_1673 = tpu.memref_slice %arg10[%dma_wait3A_1672] : memref<1152xi32, #tpu.memory_space<vmem>> -> memref<128xi32, #tpu.memory_space<vmem>>
    %dma_wait3A_1674 = arith.constant 0 : i32
    %dma_wait3A_1675 = arith.constant 0 : i32
    %dma_wait3A_1676 = tpu.memref_slice %arg4[%dma_wait3A_1674, %dma_wait3A_1675] : memref<100001x128xf32, #tpu.memory_space<hbm>> -> memref<100001x128xf32, #tpu.memory_space<hbm>>
    tpu.wait_indirect_dma semaphore(%arg27 : memref<!tpu.dma_semaphore, #tpu.memory_space<semaphore_mem>>) src(%dma_wait3A_1676 : memref<100001x128xf32, #tpu.memory_space<hbm>>) dst(%dma_wait3A_1671 : memref<128x128xf32, #tpu.memory_space<vmem>>)
    %dma_wait3A_1677 = arith.constant 2 : i32
    %dma_wait3A_1678 = arith.constant 0 : i32
    %dma_wait3A_1679 = arith.constant 0 : i32
    %dma_wait3A_1680 = tpu.memref_slice %arg15[%dma_wait3A_1677, %dma_wait3A_1678, %dma_wait3A_1679] : memref<3x128x128xf32, #tpu.memory_space<vmem>> -> memref<1x128x128xf32, #tpu.memory_space<vmem>>
    %dma_wait3A_1681 = tpu.memref_squeeze %dma_wait3A_1680 : memref<1x128x128xf32, #tpu.memory_space<vmem>> -> memref<128x128xf32, #tpu.memory_space<vmem>>
    %dma_wait3A_1682 = arith.constant 256 : i32
    %dma_wait3A_1683 = tpu.memref_slice %arg10[%dma_wait3A_1682] : memref<1152xi32, #tpu.memory_space<vmem>> -> memref<128xi32, #tpu.memory_space<vmem>>
    %dma_wait3A_1684 = arith.constant 0 : i32
    %dma_wait3A_1685 = arith.constant 0 : i32
    %dma_wait3A_1686 = tpu.memref_slice %arg4[%dma_wait3A_1684, %dma_wait3A_1685] : memref<100001x128xf32, #tpu.memory_space<hbm>> -> memref<100001x128xf32, #tpu.memory_space<hbm>>
    tpu.wait_indirect_dma semaphore(%arg27 : memref<!tpu.dma_semaphore, #tpu.memory_space<semaphore_mem>>) src(%dma_wait3A_1686 : memref<100001x128xf32, #tpu.memory_space<hbm>>) dst(%dma_wait3A_1681 : memref<128x128xf32, #tpu.memory_space<vmem>>)
    %dma_wait3A_1687 = arith.constant 2 : i32
    %dma_wait3A_1688 = arith.constant 0 : i32
    %dma_wait3A_1689 = arith.constant 0 : i32
    %dma_wait3A_1690 = tpu.memref_slice %arg15[%dma_wait3A_1687, %dma_wait3A_1688, %dma_wait3A_1689] : memref<3x128x128xf32, #tpu.memory_space<vmem>> -> memref<1x128x128xf32, #tpu.memory_space<vmem>>
    %dma_wait3A_1691 = tpu.memref_squeeze %dma_wait3A_1690 : memref<1x128x128xf32, #tpu.memory_space<vmem>> -> memref<128x128xf32, #tpu.memory_space<vmem>>
    %dma_wait3A_1692 = arith.constant 384 : i32
    %dma_wait3A_1693 = tpu.memref_slice %arg10[%dma_wait3A_1692] : memref<1152xi32, #tpu.memory_space<vmem>> -> memref<128xi32, #tpu.memory_space<vmem>>
    %dma_wait3A_1694 = arith.constant 0 : i32
    %dma_wait3A_1695 = arith.constant 0 : i32
    %dma_wait3A_1696 = tpu.memref_slice %arg4[%dma_wait3A_1694, %dma_wait3A_1695] : memref<100001x128xf32, #tpu.memory_space<hbm>> -> memref<100001x128xf32, #tpu.memory_space<hbm>>
    tpu.wait_indirect_dma semaphore(%arg27 : memref<!tpu.dma_semaphore, #tpu.memory_space<semaphore_mem>>) src(%dma_wait3A_1696 : memref<100001x128xf32, #tpu.memory_space<hbm>>) dst(%dma_wait3A_1691 : memref<128x128xf32, #tpu.memory_space<vmem>>)
    %dma_wait3A_1697 = arith.constant 2 : i32
    %dma_wait3A_1698 = arith.constant 0 : i32
    %dma_wait3A_1699 = arith.constant 0 : i32
    %dma_wait3A_1700 = tpu.memref_slice %arg15[%dma_wait3A_1697, %dma_wait3A_1698, %dma_wait3A_1699] : memref<3x128x128xf32, #tpu.memory_space<vmem>> -> memref<1x128x128xf32, #tpu.memory_space<vmem>>
    %dma_wait3A_1701 = tpu.memref_squeeze %dma_wait3A_1700 : memref<1x128x128xf32, #tpu.memory_space<vmem>> -> memref<128x128xf32, #tpu.memory_space<vmem>>
    %dma_wait3A_1702 = arith.constant 512 : i32
    %dma_wait3A_1703 = tpu.memref_slice %arg10[%dma_wait3A_1702] : memref<1152xi32, #tpu.memory_space<vmem>> -> memref<128xi32, #tpu.memory_space<vmem>>
    %dma_wait3A_1704 = arith.constant 0 : i32
    %dma_wait3A_1705 = arith.constant 0 : i32
    %dma_wait3A_1706 = tpu.memref_slice %arg4[%dma_wait3A_1704, %dma_wait3A_1705] : memref<100001x128xf32, #tpu.memory_space<hbm>> -> memref<100001x128xf32, #tpu.memory_space<hbm>>
    tpu.wait_indirect_dma semaphore(%arg27 : memref<!tpu.dma_semaphore, #tpu.memory_space<semaphore_mem>>) src(%dma_wait3A_1706 : memref<100001x128xf32, #tpu.memory_space<hbm>>) dst(%dma_wait3A_1701 : memref<128x128xf32, #tpu.memory_space<vmem>>)
    %dma_wait3A_1707 = arith.constant 2 : i32
    %dma_wait3A_1708 = arith.constant 0 : i32
    %dma_wait3A_1709 = arith.constant 0 : i32
    %dma_wait3A_1710 = tpu.memref_slice %arg15[%dma_wait3A_1707, %dma_wait3A_1708, %dma_wait3A_1709] : memref<3x128x128xf32, #tpu.memory_space<vmem>> -> memref<1x128x128xf32, #tpu.memory_space<vmem>>
    %dma_wait3A_1711 = tpu.memref_squeeze %dma_wait3A_1710 : memref<1x128x128xf32, #tpu.memory_space<vmem>> -> memref<128x128xf32, #tpu.memory_space<vmem>>
    %dma_wait3A_1712 = arith.constant 640 : i32
    %dma_wait3A_1713 = tpu.memref_slice %arg10[%dma_wait3A_1712] : memref<1152xi32, #tpu.memory_space<vmem>> -> memref<128xi32, #tpu.memory_space<vmem>>
    %dma_wait3A_1714 = arith.constant 0 : i32
    %dma_wait3A_1715 = arith.constant 0 : i32
    %dma_wait3A_1716 = tpu.memref_slice %arg4[%dma_wait3A_1714, %dma_wait3A_1715] : memref<100001x128xf32, #tpu.memory_space<hbm>> -> memref<100001x128xf32, #tpu.memory_space<hbm>>
    tpu.wait_indirect_dma semaphore(%arg27 : memref<!tpu.dma_semaphore, #tpu.memory_space<semaphore_mem>>) src(%dma_wait3A_1716 : memref<100001x128xf32, #tpu.memory_space<hbm>>) dst(%dma_wait3A_1711 : memref<128x128xf32, #tpu.memory_space<vmem>>)
    %dma_wait3A_1717 = arith.constant 2 : i32
    %dma_wait3A_1718 = arith.constant 0 : i32
    %dma_wait3A_1719 = arith.constant 0 : i32
    %dma_wait3A_1720 = tpu.memref_slice %arg15[%dma_wait3A_1717, %dma_wait3A_1718, %dma_wait3A_1719] : memref<3x128x128xf32, #tpu.memory_space<vmem>> -> memref<1x128x128xf32, #tpu.memory_space<vmem>>
    %dma_wait3A_1721 = tpu.memref_squeeze %dma_wait3A_1720 : memref<1x128x128xf32, #tpu.memory_space<vmem>> -> memref<128x128xf32, #tpu.memory_space<vmem>>
    %dma_wait3A_1722 = arith.constant 768 : i32
    %dma_wait3A_1723 = tpu.memref_slice %arg10[%dma_wait3A_1722] : memref<1152xi32, #tpu.memory_space<vmem>> -> memref<128xi32, #tpu.memory_space<vmem>>
    %dma_wait3A_1724 = arith.constant 0 : i32
    %dma_wait3A_1725 = arith.constant 0 : i32
    %dma_wait3A_1726 = tpu.memref_slice %arg4[%dma_wait3A_1724, %dma_wait3A_1725] : memref<100001x128xf32, #tpu.memory_space<hbm>> -> memref<100001x128xf32, #tpu.memory_space<hbm>>
    tpu.wait_indirect_dma semaphore(%arg27 : memref<!tpu.dma_semaphore, #tpu.memory_space<semaphore_mem>>) src(%dma_wait3A_1726 : memref<100001x128xf32, #tpu.memory_space<hbm>>) dst(%dma_wait3A_1721 : memref<128x128xf32, #tpu.memory_space<vmem>>)
    %dma_wait3A_1727 = arith.constant 2 : i32
    %dma_wait3A_1728 = arith.constant 0 : i32
    %dma_wait3A_1729 = arith.constant 0 : i32
    %dma_wait3A_1730 = tpu.memref_slice %arg15[%dma_wait3A_1727, %dma_wait3A_1728, %dma_wait3A_1729] : memref<3x128x128xf32, #tpu.memory_space<vmem>> -> memref<1x128x128xf32, #tpu.memory_space<vmem>>
    %dma_wait3A_1731 = tpu.memref_squeeze %dma_wait3A_1730 : memref<1x128x128xf32, #tpu.memory_space<vmem>> -> memref<128x128xf32, #tpu.memory_space<vmem>>
    %dma_wait3A_1732 = arith.constant 896 : i32
    %dma_wait3A_1733 = tpu.memref_slice %arg10[%dma_wait3A_1732] : memref<1152xi32, #tpu.memory_space<vmem>> -> memref<128xi32, #tpu.memory_space<vmem>>
    %dma_wait3A_1734 = arith.constant 0 : i32
    %dma_wait3A_1735 = arith.constant 0 : i32
    %dma_wait3A_1736 = tpu.memref_slice %arg4[%dma_wait3A_1734, %dma_wait3A_1735] : memref<100001x128xf32, #tpu.memory_space<hbm>> -> memref<100001x128xf32, #tpu.memory_space<hbm>>
    tpu.wait_indirect_dma semaphore(%arg27 : memref<!tpu.dma_semaphore, #tpu.memory_space<semaphore_mem>>) src(%dma_wait3A_1736 : memref<100001x128xf32, #tpu.memory_space<hbm>>) dst(%dma_wait3A_1731 : memref<128x128xf32, #tpu.memory_space<vmem>>)
    %dma_wait3A_1737 = arith.constant 2 : i32
    %dma_wait3A_1738 = arith.constant 0 : i32
    %dma_wait3A_1739 = arith.constant 0 : i32
    %dma_wait3A_1740 = tpu.memref_slice %arg15[%dma_wait3A_1737, %dma_wait3A_1738, %dma_wait3A_1739] : memref<3x128x128xf32, #tpu.memory_space<vmem>> -> memref<1x128x128xf32, #tpu.memory_space<vmem>>
    %dma_wait3A_1741 = tpu.memref_squeeze %dma_wait3A_1740 : memref<1x128x128xf32, #tpu.memory_space<vmem>> -> memref<128x128xf32, #tpu.memory_space<vmem>>
    %dma_wait3A_1742 = arith.constant 1024 : i32
    %dma_wait3A_1743 = tpu.memref_slice %arg10[%dma_wait3A_1742] : memref<1152xi32, #tpu.memory_space<vmem>> -> memref<128xi32, #tpu.memory_space<vmem>>
    %dma_wait3A_1744 = arith.constant 0 : i32
    %dma_wait3A_1745 = arith.constant 0 : i32
    %dma_wait3A_1746 = tpu.memref_slice %arg4[%dma_wait3A_1744, %dma_wait3A_1745] : memref<100001x128xf32, #tpu.memory_space<hbm>> -> memref<100001x128xf32, #tpu.memory_space<hbm>>
    tpu.wait_indirect_dma semaphore(%arg27 : memref<!tpu.dma_semaphore, #tpu.memory_space<semaphore_mem>>) src(%dma_wait3A_1746 : memref<100001x128xf32, #tpu.memory_space<hbm>>) dst(%dma_wait3A_1741 : memref<128x128xf32, #tpu.memory_space<vmem>>)
    %mul3A_1747 = arith.constant 8 : i32
    %mul3A_1748 = arith.muli %add3A, %mul3A_1747 : i32
    %add3A_1749 = arith.constant 2 : i32
    %add3A_1750 = arith.addi %mul3A_1748, %add3A_1749 : i32
    %dma_start3A_1751 = arith.constant 2 : i32
    %dma_start3A_1752 = arith.constant 0 : i32
    %dma_start3A_1753 = arith.constant 0 : i32
    %dma_start3A_1754 = tpu.memref_slice %arg15[%dma_start3A_1751, %dma_start3A_1752, %dma_start3A_1753] : memref<3x128x128xf32, #tpu.memory_space<vmem>> -> memref<1x128x128xf32, #tpu.memory_space<vmem>>
    %dma_start3A_1755 = tpu.memref_squeeze %dma_start3A_1754 : memref<1x128x128xf32, #tpu.memory_space<vmem>> -> memref<128x128xf32, #tpu.memory_space<vmem>>
    %dma_start3A_1756 = arith.constant 0 : i32
    %dma_start3A_1757 = arith.constant 0 : i32
    %dma_start3A_1758 = tpu.memref_slice %arg7[%add3A_1750, %dma_start3A_1756, %dma_start3A_1757] : memref<256x129x128xf32, #tpu.memory_space<hbm>> -> memref<1x129x128xf32, #tpu.memory_space<hbm>>
    %dma_start3A_1759 = tpu.memref_squeeze %dma_start3A_1758 : memref<1x129x128xf32, #tpu.memory_space<hbm>> -> memref<129x128xf32, #tpu.memory_space<hbm>>
    %dma_start3A_1760 = arith.constant 0 : i32
    %dma_start3A_1761 = arith.constant 0 : i32
    %dma_start3A_1762 = tpu.memref_slice %dma_start3A_1759[%dma_start3A_1760, %dma_start3A_1761] : memref<129x128xf32, #tpu.memory_space<hbm>> -> memref<129x128xf32, #tpu.memory_space<hbm>>
    tpu.enqueue_indirect_dma source(%dma_start3A_1755 : memref<128x128xf32, #tpu.memory_space<vmem>>) target(%dma_start3A_1762 : memref<129x128xf32, #tpu.memory_space<hbm>>) offsets(%arg14 : memref<128xi32, #tpu.memory_space<vmem>>) semaphore(%arg30 : memref<!tpu.dma_semaphore, #tpu.memory_space<semaphore_mem>>)
    %dma_wait3A_1763 = arith.constant 0 : i32
    %dma_wait3A_1764 = arith.constant 0 : i32
    %dma_wait3A_1765 = arith.constant 0 : i32
    %dma_wait3A_1766 = tpu.memref_slice %arg15[%dma_wait3A_1763, %dma_wait3A_1764, %dma_wait3A_1765] : memref<3x128x128xf32, #tpu.memory_space<vmem>> -> memref<1x128x128xf32, #tpu.memory_space<vmem>>
    %dma_wait3A_1767 = tpu.memref_squeeze %dma_wait3A_1766 : memref<1x128x128xf32, #tpu.memory_space<vmem>> -> memref<128x128xf32, #tpu.memory_space<vmem>>
    %dma_wait3A_1768 = arith.constant 0 : i32
    %dma_wait3A_1769 = arith.constant 0 : i32
    %dma_wait3A_1770 = tpu.memref_slice %arg16[%dma_wait3A_1768, %dma_wait3A_1769] : memref<512x128xf32, #tpu.memory_space<vmem_shared>> -> memref<512x128xf32, #tpu.memory_space<vmem_shared>>
    tpu.wait_indirect_dma semaphore(%arg22 : memref<!tpu.dma_semaphore, #tpu.memory_space<semaphore_mem>>) src(%dma_wait3A_1770 : memref<512x128xf32, #tpu.memory_space<vmem_shared>>) dst(%dma_wait3A_1767 : memref<128x128xf32, #tpu.memory_space<vmem>>)
    %dma_start3A_1771 = arith.constant 0 : i32
    %dma_start3A_1772 = arith.constant 0 : i32
    %dma_start3A_1773 = arith.constant 0 : i32
    %dma_start3A_1774 = tpu.memref_slice %arg15[%dma_start3A_1771, %dma_start3A_1772, %dma_start3A_1773] : memref<3x128x128xf32, #tpu.memory_space<vmem>> -> memref<1x128x128xf32, #tpu.memory_space<vmem>>
    %dma_start3A_1775 = tpu.memref_squeeze %dma_start3A_1774 : memref<1x128x128xf32, #tpu.memory_space<vmem>> -> memref<128x128xf32, #tpu.memory_space<vmem>>
    %dma_start3A_1776 = arith.constant 0 : i32
    %dma_start3A_1777 = tpu.memref_slice %arg8[%dma_start3A_1776] : memref<1152xi32, #tpu.memory_space<vmem>> -> memref<128xi32, #tpu.memory_space<vmem>>
    %dma_start3A_1778 = arith.constant 0 : i32
    %dma_start3A_1779 = arith.constant 0 : i32
    %dma_start3A_1780 = tpu.memref_slice %arg4[%dma_start3A_1778, %dma_start3A_1779] : memref<100001x128xf32, #tpu.memory_space<hbm>> -> memref<100001x128xf32, #tpu.memory_space<hbm>>
    tpu.enqueue_indirect_dma source(%dma_start3A_1780 : memref<100001x128xf32, #tpu.memory_space<hbm>>) target(%dma_start3A_1775 : memref<128x128xf32, #tpu.memory_space<vmem>>) offsets(%dma_start3A_1777 : memref<128xi32, #tpu.memory_space<vmem>>) semaphore(%arg25 : memref<!tpu.dma_semaphore, #tpu.memory_space<semaphore_mem>>) {add = true}
    %dma_start3A_1781 = arith.constant 0 : i32
    %dma_start3A_1782 = arith.constant 0 : i32
    %dma_start3A_1783 = arith.constant 0 : i32
    %dma_start3A_1784 = tpu.memref_slice %arg15[%dma_start3A_1781, %dma_start3A_1782, %dma_start3A_1783] : memref<3x128x128xf32, #tpu.memory_space<vmem>> -> memref<1x128x128xf32, #tpu.memory_space<vmem>>
    %dma_start3A_1785 = tpu.memref_squeeze %dma_start3A_1784 : memref<1x128x128xf32, #tpu.memory_space<vmem>> -> memref<128x128xf32, #tpu.memory_space<vmem>>
    %dma_start3A_1786 = arith.constant 128 : i32
    %dma_start3A_1787 = tpu.memref_slice %arg8[%dma_start3A_1786] : memref<1152xi32, #tpu.memory_space<vmem>> -> memref<128xi32, #tpu.memory_space<vmem>>
    %dma_start3A_1788 = arith.constant 0 : i32
    %dma_start3A_1789 = arith.constant 0 : i32
    %dma_start3A_1790 = tpu.memref_slice %arg4[%dma_start3A_1788, %dma_start3A_1789] : memref<100001x128xf32, #tpu.memory_space<hbm>> -> memref<100001x128xf32, #tpu.memory_space<hbm>>
    tpu.enqueue_indirect_dma source(%dma_start3A_1790 : memref<100001x128xf32, #tpu.memory_space<hbm>>) target(%dma_start3A_1785 : memref<128x128xf32, #tpu.memory_space<vmem>>) offsets(%dma_start3A_1787 : memref<128xi32, #tpu.memory_space<vmem>>) semaphore(%arg25 : memref<!tpu.dma_semaphore, #tpu.memory_space<semaphore_mem>>) {add = true}
    %dma_start3A_1791 = arith.constant 0 : i32
    %dma_start3A_1792 = arith.constant 0 : i32
    %dma_start3A_1793 = arith.constant 0 : i32
    %dma_start3A_1794 = tpu.memref_slice %arg15[%dma_start3A_1791, %dma_start3A_1792, %dma_start3A_1793] : memref<3x128x128xf32, #tpu.memory_space<vmem>> -> memref<1x128x128xf32, #tpu.memory_space<vmem>>
    %dma_start3A_1795 = tpu.memref_squeeze %dma_start3A_1794 : memref<1x128x128xf32, #tpu.memory_space<vmem>> -> memref<128x128xf32, #tpu.memory_space<vmem>>
    %dma_start3A_1796 = arith.constant 256 : i32
    %dma_start3A_1797 = tpu.memref_slice %arg8[%dma_start3A_1796] : memref<1152xi32, #tpu.memory_space<vmem>> -> memref<128xi32, #tpu.memory_space<vmem>>
    %dma_start3A_1798 = arith.constant 0 : i32
    %dma_start3A_1799 = arith.constant 0 : i32
    %dma_start3A_1800 = tpu.memref_slice %arg4[%dma_start3A_1798, %dma_start3A_1799] : memref<100001x128xf32, #tpu.memory_space<hbm>> -> memref<100001x128xf32, #tpu.memory_space<hbm>>
    tpu.enqueue_indirect_dma source(%dma_start3A_1800 : memref<100001x128xf32, #tpu.memory_space<hbm>>) target(%dma_start3A_1795 : memref<128x128xf32, #tpu.memory_space<vmem>>) offsets(%dma_start3A_1797 : memref<128xi32, #tpu.memory_space<vmem>>) semaphore(%arg25 : memref<!tpu.dma_semaphore, #tpu.memory_space<semaphore_mem>>) {add = true}
    %dma_start3A_1801 = arith.constant 0 : i32
    %dma_start3A_1802 = arith.constant 0 : i32
    %dma_start3A_1803 = arith.constant 0 : i32
    %dma_start3A_1804 = tpu.memref_slice %arg15[%dma_start3A_1801, %dma_start3A_1802, %dma_start3A_1803] : memref<3x128x128xf32, #tpu.memory_space<vmem>> -> memref<1x128x128xf32, #tpu.memory_space<vmem>>
    %dma_start3A_1805 = tpu.memref_squeeze %dma_start3A_1804 : memref<1x128x128xf32, #tpu.memory_space<vmem>> -> memref<128x128xf32, #tpu.memory_space<vmem>>
    %dma_start3A_1806 = arith.constant 384 : i32
    %dma_start3A_1807 = tpu.memref_slice %arg8[%dma_start3A_1806] : memref<1152xi32, #tpu.memory_space<vmem>> -> memref<128xi32, #tpu.memory_space<vmem>>
    %dma_start3A_1808 = arith.constant 0 : i32
    %dma_start3A_1809 = arith.constant 0 : i32
    %dma_start3A_1810 = tpu.memref_slice %arg4[%dma_start3A_1808, %dma_start3A_1809] : memref<100001x128xf32, #tpu.memory_space<hbm>> -> memref<100001x128xf32, #tpu.memory_space<hbm>>
    tpu.enqueue_indirect_dma source(%dma_start3A_1810 : memref<100001x128xf32, #tpu.memory_space<hbm>>) target(%dma_start3A_1805 : memref<128x128xf32, #tpu.memory_space<vmem>>) offsets(%dma_start3A_1807 : memref<128xi32, #tpu.memory_space<vmem>>) semaphore(%arg25 : memref<!tpu.dma_semaphore, #tpu.memory_space<semaphore_mem>>) {add = true}
    %dma_start3A_1811 = arith.constant 0 : i32
    %dma_start3A_1812 = arith.constant 0 : i32
    %dma_start3A_1813 = arith.constant 0 : i32
    %dma_start3A_1814 = tpu.memref_slice %arg15[%dma_start3A_1811, %dma_start3A_1812, %dma_start3A_1813] : memref<3x128x128xf32, #tpu.memory_space<vmem>> -> memref<1x128x128xf32, #tpu.memory_space<vmem>>
    %dma_start3A_1815 = tpu.memref_squeeze %dma_start3A_1814 : memref<1x128x128xf32, #tpu.memory_space<vmem>> -> memref<128x128xf32, #tpu.memory_space<vmem>>
    %dma_start3A_1816 = arith.constant 512 : i32
    %dma_start3A_1817 = tpu.memref_slice %arg8[%dma_start3A_1816] : memref<1152xi32, #tpu.memory_space<vmem>> -> memref<128xi32, #tpu.memory_space<vmem>>
    %dma_start3A_1818 = arith.constant 0 : i32
    %dma_start3A_1819 = arith.constant 0 : i32
    %dma_start3A_1820 = tpu.memref_slice %arg4[%dma_start3A_1818, %dma_start3A_1819] : memref<100001x128xf32, #tpu.memory_space<hbm>> -> memref<100001x128xf32, #tpu.memory_space<hbm>>
    tpu.enqueue_indirect_dma source(%dma_start3A_1820 : memref<100001x128xf32, #tpu.memory_space<hbm>>) target(%dma_start3A_1815 : memref<128x128xf32, #tpu.memory_space<vmem>>) offsets(%dma_start3A_1817 : memref<128xi32, #tpu.memory_space<vmem>>) semaphore(%arg25 : memref<!tpu.dma_semaphore, #tpu.memory_space<semaphore_mem>>) {add = true}
    %dma_start3A_1821 = arith.constant 0 : i32
    %dma_start3A_1822 = arith.constant 0 : i32
    %dma_start3A_1823 = arith.constant 0 : i32
    %dma_start3A_1824 = tpu.memref_slice %arg15[%dma_start3A_1821, %dma_start3A_1822, %dma_start3A_1823] : memref<3x128x128xf32, #tpu.memory_space<vmem>> -> memref<1x128x128xf32, #tpu.memory_space<vmem>>
    %dma_start3A_1825 = tpu.memref_squeeze %dma_start3A_1824 : memref<1x128x128xf32, #tpu.memory_space<vmem>> -> memref<128x128xf32, #tpu.memory_space<vmem>>
    %dma_start3A_1826 = arith.constant 640 : i32
    %dma_start3A_1827 = tpu.memref_slice %arg8[%dma_start3A_1826] : memref<1152xi32, #tpu.memory_space<vmem>> -> memref<128xi32, #tpu.memory_space<vmem>>
    %dma_start3A_1828 = arith.constant 0 : i32
    %dma_start3A_1829 = arith.constant 0 : i32
    %dma_start3A_1830 = tpu.memref_slice %arg4[%dma_start3A_1828, %dma_start3A_1829] : memref<100001x128xf32, #tpu.memory_space<hbm>> -> memref<100001x128xf32, #tpu.memory_space<hbm>>
    tpu.enqueue_indirect_dma source(%dma_start3A_1830 : memref<100001x128xf32, #tpu.memory_space<hbm>>) target(%dma_start3A_1825 : memref<128x128xf32, #tpu.memory_space<vmem>>) offsets(%dma_start3A_1827 : memref<128xi32, #tpu.memory_space<vmem>>) semaphore(%arg25 : memref<!tpu.dma_semaphore, #tpu.memory_space<semaphore_mem>>) {add = true}
    %dma_start3A_1831 = arith.constant 0 : i32
    %dma_start3A_1832 = arith.constant 0 : i32
    %dma_start3A_1833 = arith.constant 0 : i32
    %dma_start3A_1834 = tpu.memref_slice %arg15[%dma_start3A_1831, %dma_start3A_1832, %dma_start3A_1833] : memref<3x128x128xf32, #tpu.memory_space<vmem>> -> memref<1x128x128xf32, #tpu.memory_space<vmem>>
    %dma_start3A_1835 = tpu.memref_squeeze %dma_start3A_1834 : memref<1x128x128xf32, #tpu.memory_space<vmem>> -> memref<128x128xf32, #tpu.memory_space<vmem>>
    %dma_start3A_1836 = arith.constant 768 : i32
    %dma_start3A_1837 = tpu.memref_slice %arg8[%dma_start3A_1836] : memref<1152xi32, #tpu.memory_space<vmem>> -> memref<128xi32, #tpu.memory_space<vmem>>
    %dma_start3A_1838 = arith.constant 0 : i32
    %dma_start3A_1839 = arith.constant 0 : i32
    %dma_start3A_1840 = tpu.memref_slice %arg4[%dma_start3A_1838, %dma_start3A_1839] : memref<100001x128xf32, #tpu.memory_space<hbm>> -> memref<100001x128xf32, #tpu.memory_space<hbm>>
    tpu.enqueue_indirect_dma source(%dma_start3A_1840 : memref<100001x128xf32, #tpu.memory_space<hbm>>) target(%dma_start3A_1835 : memref<128x128xf32, #tpu.memory_space<vmem>>) offsets(%dma_start3A_1837 : memref<128xi32, #tpu.memory_space<vmem>>) semaphore(%arg25 : memref<!tpu.dma_semaphore, #tpu.memory_space<semaphore_mem>>) {add = true}
    %dma_start3A_1841 = arith.constant 0 : i32
    %dma_start3A_1842 = arith.constant 0 : i32
    %dma_start3A_1843 = arith.constant 0 : i32
    %dma_start3A_1844 = tpu.memref_slice %arg15[%dma_start3A_1841, %dma_start3A_1842, %dma_start3A_1843] : memref<3x128x128xf32, #tpu.memory_space<vmem>> -> memref<1x128x128xf32, #tpu.memory_space<vmem>>
    %dma_start3A_1845 = tpu.memref_squeeze %dma_start3A_1844 : memref<1x128x128xf32, #tpu.memory_space<vmem>> -> memref<128x128xf32, #tpu.memory_space<vmem>>
    %dma_start3A_1846 = arith.constant 896 : i32
    %dma_start3A_1847 = tpu.memref_slice %arg8[%dma_start3A_1846] : memref<1152xi32, #tpu.memory_space<vmem>> -> memref<128xi32, #tpu.memory_space<vmem>>
    %dma_start3A_1848 = arith.constant 0 : i32
    %dma_start3A_1849 = arith.constant 0 : i32
    %dma_start3A_1850 = tpu.memref_slice %arg4[%dma_start3A_1848, %dma_start3A_1849] : memref<100001x128xf32, #tpu.memory_space<hbm>> -> memref<100001x128xf32, #tpu.memory_space<hbm>>
    tpu.enqueue_indirect_dma source(%dma_start3A_1850 : memref<100001x128xf32, #tpu.memory_space<hbm>>) target(%dma_start3A_1845 : memref<128x128xf32, #tpu.memory_space<vmem>>) offsets(%dma_start3A_1847 : memref<128xi32, #tpu.memory_space<vmem>>) semaphore(%arg25 : memref<!tpu.dma_semaphore, #tpu.memory_space<semaphore_mem>>) {add = true}
    %dma_start3A_1851 = arith.constant 0 : i32
    %dma_start3A_1852 = arith.constant 0 : i32
    %dma_start3A_1853 = arith.constant 0 : i32
    %dma_start3A_1854 = tpu.memref_slice %arg15[%dma_start3A_1851, %dma_start3A_1852, %dma_start3A_1853] : memref<3x128x128xf32, #tpu.memory_space<vmem>> -> memref<1x128x128xf32, #tpu.memory_space<vmem>>
    %dma_start3A_1855 = tpu.memref_squeeze %dma_start3A_1854 : memref<1x128x128xf32, #tpu.memory_space<vmem>> -> memref<128x128xf32, #tpu.memory_space<vmem>>
    %dma_start3A_1856 = arith.constant 1024 : i32
    %dma_start3A_1857 = tpu.memref_slice %arg8[%dma_start3A_1856] : memref<1152xi32, #tpu.memory_space<vmem>> -> memref<128xi32, #tpu.memory_space<vmem>>
    %dma_start3A_1858 = arith.constant 0 : i32
    %dma_start3A_1859 = arith.constant 0 : i32
    %dma_start3A_1860 = tpu.memref_slice %arg4[%dma_start3A_1858, %dma_start3A_1859] : memref<100001x128xf32, #tpu.memory_space<hbm>> -> memref<100001x128xf32, #tpu.memory_space<hbm>>
    tpu.enqueue_indirect_dma source(%dma_start3A_1860 : memref<100001x128xf32, #tpu.memory_space<hbm>>) target(%dma_start3A_1855 : memref<128x128xf32, #tpu.memory_space<vmem>>) offsets(%dma_start3A_1857 : memref<128xi32, #tpu.memory_space<vmem>>) semaphore(%arg25 : memref<!tpu.dma_semaphore, #tpu.memory_space<semaphore_mem>>) {add = true}
    %mul3A_1861 = arith.constant 8 : i32
    %mul3A_1862 = arith.muli %add3A, %mul3A_1861 : i32
    %add3A_1863 = arith.constant 2 : i32
    %add3A_1864 = arith.addi %mul3A_1862, %add3A_1863 : i32
    %dma_wait3A_1865 = arith.constant 2 : i32
    %dma_wait3A_1866 = arith.constant 0 : i32
    %dma_wait3A_1867 = arith.constant 0 : i32
    %dma_wait3A_1868 = tpu.memref_slice %arg15[%dma_wait3A_1865, %dma_wait3A_1866, %dma_wait3A_1867] : memref<3x128x128xf32, #tpu.memory_space<vmem>> -> memref<1x128x128xf32, #tpu.memory_space<vmem>>
    %dma_wait3A_1869 = tpu.memref_squeeze %dma_wait3A_1868 : memref<1x128x128xf32, #tpu.memory_space<vmem>> -> memref<128x128xf32, #tpu.memory_space<vmem>>
    %dma_wait3A_1870 = arith.constant 0 : i32
    %dma_wait3A_1871 = arith.constant 0 : i32
    %dma_wait3A_1872 = tpu.memref_slice %arg7[%add3A_1864, %dma_wait3A_1870, %dma_wait3A_1871] : memref<256x129x128xf32, #tpu.memory_space<hbm>> -> memref<1x129x128xf32, #tpu.memory_space<hbm>>
    %dma_wait3A_1873 = tpu.memref_squeeze %dma_wait3A_1872 : memref<1x129x128xf32, #tpu.memory_space<hbm>> -> memref<129x128xf32, #tpu.memory_space<hbm>>
    %dma_wait3A_1874 = arith.constant 0 : i32
    %dma_wait3A_1875 = arith.constant 0 : i32
    %dma_wait3A_1876 = tpu.memref_slice %dma_wait3A_1873[%dma_wait3A_1874, %dma_wait3A_1875] : memref<129x128xf32, #tpu.memory_space<hbm>> -> memref<129x128xf32, #tpu.memory_space<hbm>>
    tpu.wait_indirect_dma semaphore(%arg30 : memref<!tpu.dma_semaphore, #tpu.memory_space<semaphore_mem>>) src(%dma_wait3A_1869 : memref<128x128xf32, #tpu.memory_space<vmem>>) dst(%dma_wait3A_1876 : memref<129x128xf32, #tpu.memory_space<hbm>>)
    %mul3A_1877 = arith.constant 8 : i32
    %mul3A_1878 = arith.muli %add3A, %mul3A_1877 : i32
    %add3A_1879 = arith.constant 5 : i32
    %add3A_1880 = arith.addi %mul3A_1878, %add3A_1879 : i32
    %mul3A_1881 = arith.constant 1152 : i32
    %mul3A_1882 = arith.muli %add3A_1880, %mul3A_1881 : i32
    %dma_start3A_1883 = tpu.memref_slice %arg2[%mul3A_1882] : memref<294912xi32, #tpu.memory_space<hbm>> -> memref<1152xi32, #tpu.memory_space<hbm>>
    %dma_start3A_1884 = tpu.memref_slice %arg2[%mul3A_1882] : memref<294912xi32, #tpu.memory_space<hbm>> -> memref<1152xi32, #tpu.memory_space<hbm>>
    tpu.enqueue_dma source(%dma_start3A_1884 : memref<1152xi32, #tpu.memory_space<hbm>>) target(%arg10 : memref<1152xi32, #tpu.memory_space<vmem>>) target_semaphore(%arg21 : memref<!tpu.dma_semaphore, #tpu.memory_space<semaphore_mem>>)
    %mul3A_1885 = arith.constant 128 : i32
    %mul3A_1886 = arith.muli %add3A_1880, %mul3A_1885 : i32
    %dma_start3A_1887 = tpu.memref_slice %arg3[%mul3A_1886] : memref<32768xi32, #tpu.memory_space<hbm>> -> memref<128xi32, #tpu.memory_space<hbm>>
    %dma_start3A_1888 = tpu.memref_slice %arg3[%mul3A_1886] : memref<32768xi32, #tpu.memory_space<hbm>> -> memref<128xi32, #tpu.memory_space<hbm>>
    tpu.enqueue_dma source(%dma_start3A_1888 : memref<128xi32, #tpu.memory_space<hbm>>) target(%arg13 : memref<128xi32, #tpu.memory_space<vmem>>) target_semaphore(%arg21 : memref<!tpu.dma_semaphore, #tpu.memory_space<semaphore_mem>>)
    %dma_wait3A_1889 = arith.constant 0 : i32
    %dma_wait3A_1890 = tpu.memref_slice %arg2[%dma_wait3A_1889] : memref<294912xi32, #tpu.memory_space<hbm>> -> memref<1152xi32, #tpu.memory_space<hbm>>
    %dma_wait3A_1891 = arith.constant 0 : i32
    %dma_wait3A_1892 = tpu.memref_slice %arg2[%dma_wait3A_1891] : memref<294912xi32, #tpu.memory_space<hbm>> -> memref<1152xi32, #tpu.memory_space<hbm>>
    tpu.wait_dma2 semaphore(%arg20 : memref<!tpu.dma_semaphore, #tpu.memory_space<semaphore_mem>>) src(%dma_wait3A_1892 : memref<1152xi32, #tpu.memory_space<hbm>>) dst(%arg9 : memref<1152xi32, #tpu.memory_space<vmem>>)
    %dma_wait3A_1893 = arith.constant 0 : i32
    %dma_wait3A_1894 = tpu.memref_slice %arg3[%dma_wait3A_1893] : memref<32768xi32, #tpu.memory_space<hbm>> -> memref<128xi32, #tpu.memory_space<hbm>>
    %dma_wait3A_1895 = arith.constant 0 : i32
    %dma_wait3A_1896 = tpu.memref_slice %arg3[%dma_wait3A_1895] : memref<32768xi32, #tpu.memory_space<hbm>> -> memref<128xi32, #tpu.memory_space<hbm>>
    tpu.wait_dma2 semaphore(%arg20 : memref<!tpu.dma_semaphore, #tpu.memory_space<semaphore_mem>>) src(%dma_wait3A_1896 : memref<128xi32, #tpu.memory_space<hbm>>) dst(%arg12 : memref<128xi32, #tpu.memory_space<vmem>>)
    %dma_start3A_1897 = arith.constant 1 : i32
    %dma_start3A_1898 = arith.constant 0 : i32
    %dma_start3A_1899 = arith.constant 0 : i32
    %dma_start3A_1900 = tpu.memref_slice %arg15[%dma_start3A_1897, %dma_start3A_1898, %dma_start3A_1899] : memref<3x128x128xf32, #tpu.memory_space<vmem>> -> memref<1x128x128xf32, #tpu.memory_space<vmem>>
    %dma_start3A_1901 = tpu.memref_squeeze %dma_start3A_1900 : memref<1x128x128xf32, #tpu.memory_space<vmem>> -> memref<128x128xf32, #tpu.memory_space<vmem>>
    %dma_start3A_1902 = arith.constant 0 : i32
    %dma_start3A_1903 = arith.constant 0 : i32
    %dma_start3A_1904 = tpu.memref_slice %arg16[%dma_start3A_1902, %dma_start3A_1903] : memref<512x128xf32, #tpu.memory_space<vmem_shared>> -> memref<512x128xf32, #tpu.memory_space<vmem_shared>>
    tpu.enqueue_indirect_dma source(%dma_start3A_1904 : memref<512x128xf32, #tpu.memory_space<vmem_shared>>) target(%dma_start3A_1901 : memref<128x128xf32, #tpu.memory_space<vmem>>) offsets(%arg12 : memref<128xi32, #tpu.memory_space<vmem>>) semaphore(%arg23 : memref<!tpu.dma_semaphore, #tpu.memory_space<semaphore_mem>>)
    %dma_wait3A_1905 = arith.constant 0 : i32
    %dma_wait3A_1906 = arith.constant 0 : i32
    %dma_wait3A_1907 = arith.constant 0 : i32
    %dma_wait3A_1908 = tpu.memref_slice %arg15[%dma_wait3A_1905, %dma_wait3A_1906, %dma_wait3A_1907] : memref<3x128x128xf32, #tpu.memory_space<vmem>> -> memref<1x128x128xf32, #tpu.memory_space<vmem>>
    %dma_wait3A_1909 = tpu.memref_squeeze %dma_wait3A_1908 : memref<1x128x128xf32, #tpu.memory_space<vmem>> -> memref<128x128xf32, #tpu.memory_space<vmem>>
    %dma_wait3A_1910 = arith.constant 0 : i32
    %dma_wait3A_1911 = tpu.memref_slice %arg8[%dma_wait3A_1910] : memref<1152xi32, #tpu.memory_space<vmem>> -> memref<128xi32, #tpu.memory_space<vmem>>
    %dma_wait3A_1912 = arith.constant 0 : i32
    %dma_wait3A_1913 = arith.constant 0 : i32
    %dma_wait3A_1914 = tpu.memref_slice %arg4[%dma_wait3A_1912, %dma_wait3A_1913] : memref<100001x128xf32, #tpu.memory_space<hbm>> -> memref<100001x128xf32, #tpu.memory_space<hbm>>
    tpu.wait_indirect_dma semaphore(%arg25 : memref<!tpu.dma_semaphore, #tpu.memory_space<semaphore_mem>>) src(%dma_wait3A_1914 : memref<100001x128xf32, #tpu.memory_space<hbm>>) dst(%dma_wait3A_1909 : memref<128x128xf32, #tpu.memory_space<vmem>>)
    %dma_wait3A_1915 = arith.constant 0 : i32
    %dma_wait3A_1916 = arith.constant 0 : i32
    %dma_wait3A_1917 = arith.constant 0 : i32
    %dma_wait3A_1918 = tpu.memref_slice %arg15[%dma_wait3A_1915, %dma_wait3A_1916, %dma_wait3A_1917] : memref<3x128x128xf32, #tpu.memory_space<vmem>> -> memref<1x128x128xf32, #tpu.memory_space<vmem>>
    %dma_wait3A_1919 = tpu.memref_squeeze %dma_wait3A_1918 : memref<1x128x128xf32, #tpu.memory_space<vmem>> -> memref<128x128xf32, #tpu.memory_space<vmem>>
    %dma_wait3A_1920 = arith.constant 128 : i32
    %dma_wait3A_1921 = tpu.memref_slice %arg8[%dma_wait3A_1920] : memref<1152xi32, #tpu.memory_space<vmem>> -> memref<128xi32, #tpu.memory_space<vmem>>
    %dma_wait3A_1922 = arith.constant 0 : i32
    %dma_wait3A_1923 = arith.constant 0 : i32
    %dma_wait3A_1924 = tpu.memref_slice %arg4[%dma_wait3A_1922, %dma_wait3A_1923] : memref<100001x128xf32, #tpu.memory_space<hbm>> -> memref<100001x128xf32, #tpu.memory_space<hbm>>
    tpu.wait_indirect_dma semaphore(%arg25 : memref<!tpu.dma_semaphore, #tpu.memory_space<semaphore_mem>>) src(%dma_wait3A_1924 : memref<100001x128xf32, #tpu.memory_space<hbm>>) dst(%dma_wait3A_1919 : memref<128x128xf32, #tpu.memory_space<vmem>>)
    %dma_wait3A_1925 = arith.constant 0 : i32
    %dma_wait3A_1926 = arith.constant 0 : i32
    %dma_wait3A_1927 = arith.constant 0 : i32
    %dma_wait3A_1928 = tpu.memref_slice %arg15[%dma_wait3A_1925, %dma_wait3A_1926, %dma_wait3A_1927] : memref<3x128x128xf32, #tpu.memory_space<vmem>> -> memref<1x128x128xf32, #tpu.memory_space<vmem>>
    %dma_wait3A_1929 = tpu.memref_squeeze %dma_wait3A_1928 : memref<1x128x128xf32, #tpu.memory_space<vmem>> -> memref<128x128xf32, #tpu.memory_space<vmem>>
    %dma_wait3A_1930 = arith.constant 256 : i32
    %dma_wait3A_1931 = tpu.memref_slice %arg8[%dma_wait3A_1930] : memref<1152xi32, #tpu.memory_space<vmem>> -> memref<128xi32, #tpu.memory_space<vmem>>
    %dma_wait3A_1932 = arith.constant 0 : i32
    %dma_wait3A_1933 = arith.constant 0 : i32
    %dma_wait3A_1934 = tpu.memref_slice %arg4[%dma_wait3A_1932, %dma_wait3A_1933] : memref<100001x128xf32, #tpu.memory_space<hbm>> -> memref<100001x128xf32, #tpu.memory_space<hbm>>
    tpu.wait_indirect_dma semaphore(%arg25 : memref<!tpu.dma_semaphore, #tpu.memory_space<semaphore_mem>>) src(%dma_wait3A_1934 : memref<100001x128xf32, #tpu.memory_space<hbm>>) dst(%dma_wait3A_1929 : memref<128x128xf32, #tpu.memory_space<vmem>>)
    %dma_wait3A_1935 = arith.constant 0 : i32
    %dma_wait3A_1936 = arith.constant 0 : i32
    %dma_wait3A_1937 = arith.constant 0 : i32
    %dma_wait3A_1938 = tpu.memref_slice %arg15[%dma_wait3A_1935, %dma_wait3A_1936, %dma_wait3A_1937] : memref<3x128x128xf32, #tpu.memory_space<vmem>> -> memref<1x128x128xf32, #tpu.memory_space<vmem>>
    %dma_wait3A_1939 = tpu.memref_squeeze %dma_wait3A_1938 : memref<1x128x128xf32, #tpu.memory_space<vmem>> -> memref<128x128xf32, #tpu.memory_space<vmem>>
    %dma_wait3A_1940 = arith.constant 384 : i32
    %dma_wait3A_1941 = tpu.memref_slice %arg8[%dma_wait3A_1940] : memref<1152xi32, #tpu.memory_space<vmem>> -> memref<128xi32, #tpu.memory_space<vmem>>
    %dma_wait3A_1942 = arith.constant 0 : i32
    %dma_wait3A_1943 = arith.constant 0 : i32
    %dma_wait3A_1944 = tpu.memref_slice %arg4[%dma_wait3A_1942, %dma_wait3A_1943] : memref<100001x128xf32, #tpu.memory_space<hbm>> -> memref<100001x128xf32, #tpu.memory_space<hbm>>
    tpu.wait_indirect_dma semaphore(%arg25 : memref<!tpu.dma_semaphore, #tpu.memory_space<semaphore_mem>>) src(%dma_wait3A_1944 : memref<100001x128xf32, #tpu.memory_space<hbm>>) dst(%dma_wait3A_1939 : memref<128x128xf32, #tpu.memory_space<vmem>>)
    %dma_wait3A_1945 = arith.constant 0 : i32
    %dma_wait3A_1946 = arith.constant 0 : i32
    %dma_wait3A_1947 = arith.constant 0 : i32
    %dma_wait3A_1948 = tpu.memref_slice %arg15[%dma_wait3A_1945, %dma_wait3A_1946, %dma_wait3A_1947] : memref<3x128x128xf32, #tpu.memory_space<vmem>> -> memref<1x128x128xf32, #tpu.memory_space<vmem>>
    %dma_wait3A_1949 = tpu.memref_squeeze %dma_wait3A_1948 : memref<1x128x128xf32, #tpu.memory_space<vmem>> -> memref<128x128xf32, #tpu.memory_space<vmem>>
    %dma_wait3A_1950 = arith.constant 512 : i32
    %dma_wait3A_1951 = tpu.memref_slice %arg8[%dma_wait3A_1950] : memref<1152xi32, #tpu.memory_space<vmem>> -> memref<128xi32, #tpu.memory_space<vmem>>
    %dma_wait3A_1952 = arith.constant 0 : i32
    %dma_wait3A_1953 = arith.constant 0 : i32
    %dma_wait3A_1954 = tpu.memref_slice %arg4[%dma_wait3A_1952, %dma_wait3A_1953] : memref<100001x128xf32, #tpu.memory_space<hbm>> -> memref<100001x128xf32, #tpu.memory_space<hbm>>
    tpu.wait_indirect_dma semaphore(%arg25 : memref<!tpu.dma_semaphore, #tpu.memory_space<semaphore_mem>>) src(%dma_wait3A_1954 : memref<100001x128xf32, #tpu.memory_space<hbm>>) dst(%dma_wait3A_1949 : memref<128x128xf32, #tpu.memory_space<vmem>>)
    %dma_wait3A_1955 = arith.constant 0 : i32
    %dma_wait3A_1956 = arith.constant 0 : i32
    %dma_wait3A_1957 = arith.constant 0 : i32
    %dma_wait3A_1958 = tpu.memref_slice %arg15[%dma_wait3A_1955, %dma_wait3A_1956, %dma_wait3A_1957] : memref<3x128x128xf32, #tpu.memory_space<vmem>> -> memref<1x128x128xf32, #tpu.memory_space<vmem>>
    %dma_wait3A_1959 = tpu.memref_squeeze %dma_wait3A_1958 : memref<1x128x128xf32, #tpu.memory_space<vmem>> -> memref<128x128xf32, #tpu.memory_space<vmem>>
    %dma_wait3A_1960 = arith.constant 640 : i32
    %dma_wait3A_1961 = tpu.memref_slice %arg8[%dma_wait3A_1960] : memref<1152xi32, #tpu.memory_space<vmem>> -> memref<128xi32, #tpu.memory_space<vmem>>
    %dma_wait3A_1962 = arith.constant 0 : i32
    %dma_wait3A_1963 = arith.constant 0 : i32
    %dma_wait3A_1964 = tpu.memref_slice %arg4[%dma_wait3A_1962, %dma_wait3A_1963] : memref<100001x128xf32, #tpu.memory_space<hbm>> -> memref<100001x128xf32, #tpu.memory_space<hbm>>
    tpu.wait_indirect_dma semaphore(%arg25 : memref<!tpu.dma_semaphore, #tpu.memory_space<semaphore_mem>>) src(%dma_wait3A_1964 : memref<100001x128xf32, #tpu.memory_space<hbm>>) dst(%dma_wait3A_1959 : memref<128x128xf32, #tpu.memory_space<vmem>>)
    %dma_wait3A_1965 = arith.constant 0 : i32
    %dma_wait3A_1966 = arith.constant 0 : i32
    %dma_wait3A_1967 = arith.constant 0 : i32
    %dma_wait3A_1968 = tpu.memref_slice %arg15[%dma_wait3A_1965, %dma_wait3A_1966, %dma_wait3A_1967] : memref<3x128x128xf32, #tpu.memory_space<vmem>> -> memref<1x128x128xf32, #tpu.memory_space<vmem>>
    %dma_wait3A_1969 = tpu.memref_squeeze %dma_wait3A_1968 : memref<1x128x128xf32, #tpu.memory_space<vmem>> -> memref<128x128xf32, #tpu.memory_space<vmem>>
    %dma_wait3A_1970 = arith.constant 768 : i32
    %dma_wait3A_1971 = tpu.memref_slice %arg8[%dma_wait3A_1970] : memref<1152xi32, #tpu.memory_space<vmem>> -> memref<128xi32, #tpu.memory_space<vmem>>
    %dma_wait3A_1972 = arith.constant 0 : i32
    %dma_wait3A_1973 = arith.constant 0 : i32
    %dma_wait3A_1974 = tpu.memref_slice %arg4[%dma_wait3A_1972, %dma_wait3A_1973] : memref<100001x128xf32, #tpu.memory_space<hbm>> -> memref<100001x128xf32, #tpu.memory_space<hbm>>
    tpu.wait_indirect_dma semaphore(%arg25 : memref<!tpu.dma_semaphore, #tpu.memory_space<semaphore_mem>>) src(%dma_wait3A_1974 : memref<100001x128xf32, #tpu.memory_space<hbm>>) dst(%dma_wait3A_1969 : memref<128x128xf32, #tpu.memory_space<vmem>>)
    %dma_wait3A_1975 = arith.constant 0 : i32
    %dma_wait3A_1976 = arith.constant 0 : i32
    %dma_wait3A_1977 = arith.constant 0 : i32
    %dma_wait3A_1978 = tpu.memref_slice %arg15[%dma_wait3A_1975, %dma_wait3A_1976, %dma_wait3A_1977] : memref<3x128x128xf32, #tpu.memory_space<vmem>> -> memref<1x128x128xf32, #tpu.memory_space<vmem>>
    %dma_wait3A_1979 = tpu.memref_squeeze %dma_wait3A_1978 : memref<1x128x128xf32, #tpu.memory_space<vmem>> -> memref<128x128xf32, #tpu.memory_space<vmem>>
    %dma_wait3A_1980 = arith.constant 896 : i32
    %dma_wait3A_1981 = tpu.memref_slice %arg8[%dma_wait3A_1980] : memref<1152xi32, #tpu.memory_space<vmem>> -> memref<128xi32, #tpu.memory_space<vmem>>
    %dma_wait3A_1982 = arith.constant 0 : i32
    %dma_wait3A_1983 = arith.constant 0 : i32
    %dma_wait3A_1984 = tpu.memref_slice %arg4[%dma_wait3A_1982, %dma_wait3A_1983] : memref<100001x128xf32, #tpu.memory_space<hbm>> -> memref<100001x128xf32, #tpu.memory_space<hbm>>
    tpu.wait_indirect_dma semaphore(%arg25 : memref<!tpu.dma_semaphore, #tpu.memory_space<semaphore_mem>>) src(%dma_wait3A_1984 : memref<100001x128xf32, #tpu.memory_space<hbm>>) dst(%dma_wait3A_1979 : memref<128x128xf32, #tpu.memory_space<vmem>>)
    %dma_wait3A_1985 = arith.constant 0 : i32
    %dma_wait3A_1986 = arith.constant 0 : i32
    %dma_wait3A_1987 = arith.constant 0 : i32
    %dma_wait3A_1988 = tpu.memref_slice %arg15[%dma_wait3A_1985, %dma_wait3A_1986, %dma_wait3A_1987] : memref<3x128x128xf32, #tpu.memory_space<vmem>> -> memref<1x128x128xf32, #tpu.memory_space<vmem>>
    %dma_wait3A_1989 = tpu.memref_squeeze %dma_wait3A_1988 : memref<1x128x128xf32, #tpu.memory_space<vmem>> -> memref<128x128xf32, #tpu.memory_space<vmem>>
    %dma_wait3A_1990 = arith.constant 1024 : i32
    %dma_wait3A_1991 = tpu.memref_slice %arg8[%dma_wait3A_1990] : memref<1152xi32, #tpu.memory_space<vmem>> -> memref<128xi32, #tpu.memory_space<vmem>>
    %dma_wait3A_1992 = arith.constant 0 : i32
    %dma_wait3A_1993 = arith.constant 0 : i32
    %dma_wait3A_1994 = tpu.memref_slice %arg4[%dma_wait3A_1992, %dma_wait3A_1993] : memref<100001x128xf32, #tpu.memory_space<hbm>> -> memref<100001x128xf32, #tpu.memory_space<hbm>>
    tpu.wait_indirect_dma semaphore(%arg25 : memref<!tpu.dma_semaphore, #tpu.memory_space<semaphore_mem>>) src(%dma_wait3A_1994 : memref<100001x128xf32, #tpu.memory_space<hbm>>) dst(%dma_wait3A_1989 : memref<128x128xf32, #tpu.memory_space<vmem>>)
    %mul3A_1995 = arith.constant 8 : i32
    %mul3A_1996 = arith.muli %add3A, %mul3A_1995 : i32
    %add3A_1997 = arith.constant 3 : i32
    %add3A_1998 = arith.addi %mul3A_1996, %add3A_1997 : i32
    %dma_start3A_1999 = arith.constant 0 : i32
    %dma_start3A_2000 = arith.constant 0 : i32
    %dma_start3A_2001 = arith.constant 0 : i32
    %dma_start3A_2002 = tpu.memref_slice %arg15[%dma_start3A_1999, %dma_start3A_2000, %dma_start3A_2001] : memref<3x128x128xf32, #tpu.memory_space<vmem>> -> memref<1x128x128xf32, #tpu.memory_space<vmem>>
    %dma_start3A_2003 = tpu.memref_squeeze %dma_start3A_2002 : memref<1x128x128xf32, #tpu.memory_space<vmem>> -> memref<128x128xf32, #tpu.memory_space<vmem>>
    %dma_start3A_2004 = arith.constant 0 : i32
    %dma_start3A_2005 = arith.constant 0 : i32
    %dma_start3A_2006 = tpu.memref_slice %arg7[%add3A_1998, %dma_start3A_2004, %dma_start3A_2005] : memref<256x129x128xf32, #tpu.memory_space<hbm>> -> memref<1x129x128xf32, #tpu.memory_space<hbm>>
    %dma_start3A_2007 = tpu.memref_squeeze %dma_start3A_2006 : memref<1x129x128xf32, #tpu.memory_space<hbm>> -> memref<129x128xf32, #tpu.memory_space<hbm>>
    %dma_start3A_2008 = arith.constant 0 : i32
    %dma_start3A_2009 = arith.constant 0 : i32
    %dma_start3A_2010 = tpu.memref_slice %dma_start3A_2007[%dma_start3A_2008, %dma_start3A_2009] : memref<129x128xf32, #tpu.memory_space<hbm>> -> memref<129x128xf32, #tpu.memory_space<hbm>>
    tpu.enqueue_indirect_dma source(%dma_start3A_2003 : memref<128x128xf32, #tpu.memory_space<vmem>>) target(%dma_start3A_2010 : memref<129x128xf32, #tpu.memory_space<hbm>>) offsets(%arg14 : memref<128xi32, #tpu.memory_space<vmem>>) semaphore(%arg28 : memref<!tpu.dma_semaphore, #tpu.memory_space<semaphore_mem>>)
    %dma_wait3A_2011 = arith.constant 1 : i32
    %dma_wait3A_2012 = arith.constant 0 : i32
    %dma_wait3A_2013 = arith.constant 0 : i32
    %dma_wait3A_2014 = tpu.memref_slice %arg15[%dma_wait3A_2011, %dma_wait3A_2012, %dma_wait3A_2013] : memref<3x128x128xf32, #tpu.memory_space<vmem>> -> memref<1x128x128xf32, #tpu.memory_space<vmem>>
    %dma_wait3A_2015 = tpu.memref_squeeze %dma_wait3A_2014 : memref<1x128x128xf32, #tpu.memory_space<vmem>> -> memref<128x128xf32, #tpu.memory_space<vmem>>
    %dma_wait3A_2016 = arith.constant 0 : i32
    %dma_wait3A_2017 = arith.constant 0 : i32
    %dma_wait3A_2018 = tpu.memref_slice %arg16[%dma_wait3A_2016, %dma_wait3A_2017] : memref<512x128xf32, #tpu.memory_space<vmem_shared>> -> memref<512x128xf32, #tpu.memory_space<vmem_shared>>
    tpu.wait_indirect_dma semaphore(%arg23 : memref<!tpu.dma_semaphore, #tpu.memory_space<semaphore_mem>>) src(%dma_wait3A_2018 : memref<512x128xf32, #tpu.memory_space<vmem_shared>>) dst(%dma_wait3A_2015 : memref<128x128xf32, #tpu.memory_space<vmem>>)
    %dma_start3A_2019 = arith.constant 1 : i32
    %dma_start3A_2020 = arith.constant 0 : i32
    %dma_start3A_2021 = arith.constant 0 : i32
    %dma_start3A_2022 = tpu.memref_slice %arg15[%dma_start3A_2019, %dma_start3A_2020, %dma_start3A_2021] : memref<3x128x128xf32, #tpu.memory_space<vmem>> -> memref<1x128x128xf32, #tpu.memory_space<vmem>>
    %dma_start3A_2023 = tpu.memref_squeeze %dma_start3A_2022 : memref<1x128x128xf32, #tpu.memory_space<vmem>> -> memref<128x128xf32, #tpu.memory_space<vmem>>
    %dma_start3A_2024 = arith.constant 0 : i32
    %dma_start3A_2025 = tpu.memref_slice %arg9[%dma_start3A_2024] : memref<1152xi32, #tpu.memory_space<vmem>> -> memref<128xi32, #tpu.memory_space<vmem>>
    %dma_start3A_2026 = arith.constant 0 : i32
    %dma_start3A_2027 = arith.constant 0 : i32
    %dma_start3A_2028 = tpu.memref_slice %arg4[%dma_start3A_2026, %dma_start3A_2027] : memref<100001x128xf32, #tpu.memory_space<hbm>> -> memref<100001x128xf32, #tpu.memory_space<hbm>>
    tpu.enqueue_indirect_dma source(%dma_start3A_2028 : memref<100001x128xf32, #tpu.memory_space<hbm>>) target(%dma_start3A_2023 : memref<128x128xf32, #tpu.memory_space<vmem>>) offsets(%dma_start3A_2025 : memref<128xi32, #tpu.memory_space<vmem>>) semaphore(%arg26 : memref<!tpu.dma_semaphore, #tpu.memory_space<semaphore_mem>>) {add = true}
    %dma_start3A_2029 = arith.constant 1 : i32
    %dma_start3A_2030 = arith.constant 0 : i32
    %dma_start3A_2031 = arith.constant 0 : i32
    %dma_start3A_2032 = tpu.memref_slice %arg15[%dma_start3A_2029, %dma_start3A_2030, %dma_start3A_2031] : memref<3x128x128xf32, #tpu.memory_space<vmem>> -> memref<1x128x128xf32, #tpu.memory_space<vmem>>
    %dma_start3A_2033 = tpu.memref_squeeze %dma_start3A_2032 : memref<1x128x128xf32, #tpu.memory_space<vmem>> -> memref<128x128xf32, #tpu.memory_space<vmem>>
    %dma_start3A_2034 = arith.constant 128 : i32
    %dma_start3A_2035 = tpu.memref_slice %arg9[%dma_start3A_2034] : memref<1152xi32, #tpu.memory_space<vmem>> -> memref<128xi32, #tpu.memory_space<vmem>>
    %dma_start3A_2036 = arith.constant 0 : i32
    %dma_start3A_2037 = arith.constant 0 : i32
    %dma_start3A_2038 = tpu.memref_slice %arg4[%dma_start3A_2036, %dma_start3A_2037] : memref<100001x128xf32, #tpu.memory_space<hbm>> -> memref<100001x128xf32, #tpu.memory_space<hbm>>
    tpu.enqueue_indirect_dma source(%dma_start3A_2038 : memref<100001x128xf32, #tpu.memory_space<hbm>>) target(%dma_start3A_2033 : memref<128x128xf32, #tpu.memory_space<vmem>>) offsets(%dma_start3A_2035 : memref<128xi32, #tpu.memory_space<vmem>>) semaphore(%arg26 : memref<!tpu.dma_semaphore, #tpu.memory_space<semaphore_mem>>) {add = true}
    %dma_start3A_2039 = arith.constant 1 : i32
    %dma_start3A_2040 = arith.constant 0 : i32
    %dma_start3A_2041 = arith.constant 0 : i32
    %dma_start3A_2042 = tpu.memref_slice %arg15[%dma_start3A_2039, %dma_start3A_2040, %dma_start3A_2041] : memref<3x128x128xf32, #tpu.memory_space<vmem>> -> memref<1x128x128xf32, #tpu.memory_space<vmem>>
    %dma_start3A_2043 = tpu.memref_squeeze %dma_start3A_2042 : memref<1x128x128xf32, #tpu.memory_space<vmem>> -> memref<128x128xf32, #tpu.memory_space<vmem>>
    %dma_start3A_2044 = arith.constant 256 : i32
    %dma_start3A_2045 = tpu.memref_slice %arg9[%dma_start3A_2044] : memref<1152xi32, #tpu.memory_space<vmem>> -> memref<128xi32, #tpu.memory_space<vmem>>
    %dma_start3A_2046 = arith.constant 0 : i32
    %dma_start3A_2047 = arith.constant 0 : i32
    %dma_start3A_2048 = tpu.memref_slice %arg4[%dma_start3A_2046, %dma_start3A_2047] : memref<100001x128xf32, #tpu.memory_space<hbm>> -> memref<100001x128xf32, #tpu.memory_space<hbm>>
    tpu.enqueue_indirect_dma source(%dma_start3A_2048 : memref<100001x128xf32, #tpu.memory_space<hbm>>) target(%dma_start3A_2043 : memref<128x128xf32, #tpu.memory_space<vmem>>) offsets(%dma_start3A_2045 : memref<128xi32, #tpu.memory_space<vmem>>) semaphore(%arg26 : memref<!tpu.dma_semaphore, #tpu.memory_space<semaphore_mem>>) {add = true}
    %dma_start3A_2049 = arith.constant 1 : i32
    %dma_start3A_2050 = arith.constant 0 : i32
    %dma_start3A_2051 = arith.constant 0 : i32
    %dma_start3A_2052 = tpu.memref_slice %arg15[%dma_start3A_2049, %dma_start3A_2050, %dma_start3A_2051] : memref<3x128x128xf32, #tpu.memory_space<vmem>> -> memref<1x128x128xf32, #tpu.memory_space<vmem>>
    %dma_start3A_2053 = tpu.memref_squeeze %dma_start3A_2052 : memref<1x128x128xf32, #tpu.memory_space<vmem>> -> memref<128x128xf32, #tpu.memory_space<vmem>>
    %dma_start3A_2054 = arith.constant 384 : i32
    %dma_start3A_2055 = tpu.memref_slice %arg9[%dma_start3A_2054] : memref<1152xi32, #tpu.memory_space<vmem>> -> memref<128xi32, #tpu.memory_space<vmem>>
    %dma_start3A_2056 = arith.constant 0 : i32
    %dma_start3A_2057 = arith.constant 0 : i32
    %dma_start3A_2058 = tpu.memref_slice %arg4[%dma_start3A_2056, %dma_start3A_2057] : memref<100001x128xf32, #tpu.memory_space<hbm>> -> memref<100001x128xf32, #tpu.memory_space<hbm>>
    tpu.enqueue_indirect_dma source(%dma_start3A_2058 : memref<100001x128xf32, #tpu.memory_space<hbm>>) target(%dma_start3A_2053 : memref<128x128xf32, #tpu.memory_space<vmem>>) offsets(%dma_start3A_2055 : memref<128xi32, #tpu.memory_space<vmem>>) semaphore(%arg26 : memref<!tpu.dma_semaphore, #tpu.memory_space<semaphore_mem>>) {add = true}
    %dma_start3A_2059 = arith.constant 1 : i32
    %dma_start3A_2060 = arith.constant 0 : i32
    %dma_start3A_2061 = arith.constant 0 : i32
    %dma_start3A_2062 = tpu.memref_slice %arg15[%dma_start3A_2059, %dma_start3A_2060, %dma_start3A_2061] : memref<3x128x128xf32, #tpu.memory_space<vmem>> -> memref<1x128x128xf32, #tpu.memory_space<vmem>>
    %dma_start3A_2063 = tpu.memref_squeeze %dma_start3A_2062 : memref<1x128x128xf32, #tpu.memory_space<vmem>> -> memref<128x128xf32, #tpu.memory_space<vmem>>
    %dma_start3A_2064 = arith.constant 512 : i32
    %dma_start3A_2065 = tpu.memref_slice %arg9[%dma_start3A_2064] : memref<1152xi32, #tpu.memory_space<vmem>> -> memref<128xi32, #tpu.memory_space<vmem>>
    %dma_start3A_2066 = arith.constant 0 : i32
    %dma_start3A_2067 = arith.constant 0 : i32
    %dma_start3A_2068 = tpu.memref_slice %arg4[%dma_start3A_2066, %dma_start3A_2067] : memref<100001x128xf32, #tpu.memory_space<hbm>> -> memref<100001x128xf32, #tpu.memory_space<hbm>>
    tpu.enqueue_indirect_dma source(%dma_start3A_2068 : memref<100001x128xf32, #tpu.memory_space<hbm>>) target(%dma_start3A_2063 : memref<128x128xf32, #tpu.memory_space<vmem>>) offsets(%dma_start3A_2065 : memref<128xi32, #tpu.memory_space<vmem>>) semaphore(%arg26 : memref<!tpu.dma_semaphore, #tpu.memory_space<semaphore_mem>>) {add = true}
    %dma_start3A_2069 = arith.constant 1 : i32
    %dma_start3A_2070 = arith.constant 0 : i32
    %dma_start3A_2071 = arith.constant 0 : i32
    %dma_start3A_2072 = tpu.memref_slice %arg15[%dma_start3A_2069, %dma_start3A_2070, %dma_start3A_2071] : memref<3x128x128xf32, #tpu.memory_space<vmem>> -> memref<1x128x128xf32, #tpu.memory_space<vmem>>
    %dma_start3A_2073 = tpu.memref_squeeze %dma_start3A_2072 : memref<1x128x128xf32, #tpu.memory_space<vmem>> -> memref<128x128xf32, #tpu.memory_space<vmem>>
    %dma_start3A_2074 = arith.constant 640 : i32
    %dma_start3A_2075 = tpu.memref_slice %arg9[%dma_start3A_2074] : memref<1152xi32, #tpu.memory_space<vmem>> -> memref<128xi32, #tpu.memory_space<vmem>>
    %dma_start3A_2076 = arith.constant 0 : i32
    %dma_start3A_2077 = arith.constant 0 : i32
    %dma_start3A_2078 = tpu.memref_slice %arg4[%dma_start3A_2076, %dma_start3A_2077] : memref<100001x128xf32, #tpu.memory_space<hbm>> -> memref<100001x128xf32, #tpu.memory_space<hbm>>
    tpu.enqueue_indirect_dma source(%dma_start3A_2078 : memref<100001x128xf32, #tpu.memory_space<hbm>>) target(%dma_start3A_2073 : memref<128x128xf32, #tpu.memory_space<vmem>>) offsets(%dma_start3A_2075 : memref<128xi32, #tpu.memory_space<vmem>>) semaphore(%arg26 : memref<!tpu.dma_semaphore, #tpu.memory_space<semaphore_mem>>) {add = true}
    %dma_start3A_2079 = arith.constant 1 : i32
    %dma_start3A_2080 = arith.constant 0 : i32
    %dma_start3A_2081 = arith.constant 0 : i32
    %dma_start3A_2082 = tpu.memref_slice %arg15[%dma_start3A_2079, %dma_start3A_2080, %dma_start3A_2081] : memref<3x128x128xf32, #tpu.memory_space<vmem>> -> memref<1x128x128xf32, #tpu.memory_space<vmem>>
    %dma_start3A_2083 = tpu.memref_squeeze %dma_start3A_2082 : memref<1x128x128xf32, #tpu.memory_space<vmem>> -> memref<128x128xf32, #tpu.memory_space<vmem>>
    %dma_start3A_2084 = arith.constant 768 : i32
    %dma_start3A_2085 = tpu.memref_slice %arg9[%dma_start3A_2084] : memref<1152xi32, #tpu.memory_space<vmem>> -> memref<128xi32, #tpu.memory_space<vmem>>
    %dma_start3A_2086 = arith.constant 0 : i32
    %dma_start3A_2087 = arith.constant 0 : i32
    %dma_start3A_2088 = tpu.memref_slice %arg4[%dma_start3A_2086, %dma_start3A_2087] : memref<100001x128xf32, #tpu.memory_space<hbm>> -> memref<100001x128xf32, #tpu.memory_space<hbm>>
    tpu.enqueue_indirect_dma source(%dma_start3A_2088 : memref<100001x128xf32, #tpu.memory_space<hbm>>) target(%dma_start3A_2083 : memref<128x128xf32, #tpu.memory_space<vmem>>) offsets(%dma_start3A_2085 : memref<128xi32, #tpu.memory_space<vmem>>) semaphore(%arg26 : memref<!tpu.dma_semaphore, #tpu.memory_space<semaphore_mem>>) {add = true}
    %dma_start3A_2089 = arith.constant 1 : i32
    %dma_start3A_2090 = arith.constant 0 : i32
    %dma_start3A_2091 = arith.constant 0 : i32
    %dma_start3A_2092 = tpu.memref_slice %arg15[%dma_start3A_2089, %dma_start3A_2090, %dma_start3A_2091] : memref<3x128x128xf32, #tpu.memory_space<vmem>> -> memref<1x128x128xf32, #tpu.memory_space<vmem>>
    %dma_start3A_2093 = tpu.memref_squeeze %dma_start3A_2092 : memref<1x128x128xf32, #tpu.memory_space<vmem>> -> memref<128x128xf32, #tpu.memory_space<vmem>>
    %dma_start3A_2094 = arith.constant 896 : i32
    %dma_start3A_2095 = tpu.memref_slice %arg9[%dma_start3A_2094] : memref<1152xi32, #tpu.memory_space<vmem>> -> memref<128xi32, #tpu.memory_space<vmem>>
    %dma_start3A_2096 = arith.constant 0 : i32
    %dma_start3A_2097 = arith.constant 0 : i32
    %dma_start3A_2098 = tpu.memref_slice %arg4[%dma_start3A_2096, %dma_start3A_2097] : memref<100001x128xf32, #tpu.memory_space<hbm>> -> memref<100001x128xf32, #tpu.memory_space<hbm>>
    tpu.enqueue_indirect_dma source(%dma_start3A_2098 : memref<100001x128xf32, #tpu.memory_space<hbm>>) target(%dma_start3A_2093 : memref<128x128xf32, #tpu.memory_space<vmem>>) offsets(%dma_start3A_2095 : memref<128xi32, #tpu.memory_space<vmem>>) semaphore(%arg26 : memref<!tpu.dma_semaphore, #tpu.memory_space<semaphore_mem>>) {add = true}
    %dma_start3A_2099 = arith.constant 1 : i32
    %dma_start3A_2100 = arith.constant 0 : i32
    %dma_start3A_2101 = arith.constant 0 : i32
    %dma_start3A_2102 = tpu.memref_slice %arg15[%dma_start3A_2099, %dma_start3A_2100, %dma_start3A_2101] : memref<3x128x128xf32, #tpu.memory_space<vmem>> -> memref<1x128x128xf32, #tpu.memory_space<vmem>>
    %dma_start3A_2103 = tpu.memref_squeeze %dma_start3A_2102 : memref<1x128x128xf32, #tpu.memory_space<vmem>> -> memref<128x128xf32, #tpu.memory_space<vmem>>
    %dma_start3A_2104 = arith.constant 1024 : i32
    %dma_start3A_2105 = tpu.memref_slice %arg9[%dma_start3A_2104] : memref<1152xi32, #tpu.memory_space<vmem>> -> memref<128xi32, #tpu.memory_space<vmem>>
    %dma_start3A_2106 = arith.constant 0 : i32
    %dma_start3A_2107 = arith.constant 0 : i32
    %dma_start3A_2108 = tpu.memref_slice %arg4[%dma_start3A_2106, %dma_start3A_2107] : memref<100001x128xf32, #tpu.memory_space<hbm>> -> memref<100001x128xf32, #tpu.memory_space<hbm>>
    tpu.enqueue_indirect_dma source(%dma_start3A_2108 : memref<100001x128xf32, #tpu.memory_space<hbm>>) target(%dma_start3A_2103 : memref<128x128xf32, #tpu.memory_space<vmem>>) offsets(%dma_start3A_2105 : memref<128xi32, #tpu.memory_space<vmem>>) semaphore(%arg26 : memref<!tpu.dma_semaphore, #tpu.memory_space<semaphore_mem>>) {add = true}
    %mul3A_2109 = arith.constant 8 : i32
    %mul3A_2110 = arith.muli %add3A, %mul3A_2109 : i32
    %add3A_2111 = arith.constant 3 : i32
    %add3A_2112 = arith.addi %mul3A_2110, %add3A_2111 : i32
    %dma_wait3A_2113 = arith.constant 0 : i32
    %dma_wait3A_2114 = arith.constant 0 : i32
    %dma_wait3A_2115 = arith.constant 0 : i32
    %dma_wait3A_2116 = tpu.memref_slice %arg15[%dma_wait3A_2113, %dma_wait3A_2114, %dma_wait3A_2115] : memref<3x128x128xf32, #tpu.memory_space<vmem>> -> memref<1x128x128xf32, #tpu.memory_space<vmem>>
    %dma_wait3A_2117 = tpu.memref_squeeze %dma_wait3A_2116 : memref<1x128x128xf32, #tpu.memory_space<vmem>> -> memref<128x128xf32, #tpu.memory_space<vmem>>
    %dma_wait3A_2118 = arith.constant 0 : i32
    %dma_wait3A_2119 = arith.constant 0 : i32
    %dma_wait3A_2120 = tpu.memref_slice %arg7[%add3A_2112, %dma_wait3A_2118, %dma_wait3A_2119] : memref<256x129x128xf32, #tpu.memory_space<hbm>> -> memref<1x129x128xf32, #tpu.memory_space<hbm>>
    %dma_wait3A_2121 = tpu.memref_squeeze %dma_wait3A_2120 : memref<1x129x128xf32, #tpu.memory_space<hbm>> -> memref<129x128xf32, #tpu.memory_space<hbm>>
    %dma_wait3A_2122 = arith.constant 0 : i32
    %dma_wait3A_2123 = arith.constant 0 : i32
    %dma_wait3A_2124 = tpu.memref_slice %dma_wait3A_2121[%dma_wait3A_2122, %dma_wait3A_2123] : memref<129x128xf32, #tpu.memory_space<hbm>> -> memref<129x128xf32, #tpu.memory_space<hbm>>
    tpu.wait_indirect_dma semaphore(%arg28 : memref<!tpu.dma_semaphore, #tpu.memory_space<semaphore_mem>>) src(%dma_wait3A_2117 : memref<128x128xf32, #tpu.memory_space<vmem>>) dst(%dma_wait3A_2124 : memref<129x128xf32, #tpu.memory_space<hbm>>)
    %mul3A_2125 = arith.constant 8 : i32
    %mul3A_2126 = arith.muli %add3A, %mul3A_2125 : i32
    %add3A_2127 = arith.constant 6 : i32
    %add3A_2128 = arith.addi %mul3A_2126, %add3A_2127 : i32
    %mul3A_2129 = arith.constant 1152 : i32
    %mul3A_2130 = arith.muli %add3A_2128, %mul3A_2129 : i32
    %dma_start3A_2131 = tpu.memref_slice %arg2[%mul3A_2130] : memref<294912xi32, #tpu.memory_space<hbm>> -> memref<1152xi32, #tpu.memory_space<hbm>>
    %dma_start3A_2132 = tpu.memref_slice %arg2[%mul3A_2130] : memref<294912xi32, #tpu.memory_space<hbm>> -> memref<1152xi32, #tpu.memory_space<hbm>>
    tpu.enqueue_dma source(%dma_start3A_2132 : memref<1152xi32, #tpu.memory_space<hbm>>) target(%arg8 : memref<1152xi32, #tpu.memory_space<vmem>>) target_semaphore(%arg19 : memref<!tpu.dma_semaphore, #tpu.memory_space<semaphore_mem>>)
    %mul3A_2133 = arith.constant 128 : i32
    %mul3A_2134 = arith.muli %add3A_2128, %mul3A_2133 : i32
    %dma_start3A_2135 = tpu.memref_slice %arg3[%mul3A_2134] : memref<32768xi32, #tpu.memory_space<hbm>> -> memref<128xi32, #tpu.memory_space<hbm>>
    %dma_start3A_2136 = tpu.memref_slice %arg3[%mul3A_2134] : memref<32768xi32, #tpu.memory_space<hbm>> -> memref<128xi32, #tpu.memory_space<hbm>>
    tpu.enqueue_dma source(%dma_start3A_2136 : memref<128xi32, #tpu.memory_space<hbm>>) target(%arg11 : memref<128xi32, #tpu.memory_space<vmem>>) target_semaphore(%arg19 : memref<!tpu.dma_semaphore, #tpu.memory_space<semaphore_mem>>)
    %dma_wait3A_2137 = arith.constant 0 : i32
    %dma_wait3A_2138 = tpu.memref_slice %arg2[%dma_wait3A_2137] : memref<294912xi32, #tpu.memory_space<hbm>> -> memref<1152xi32, #tpu.memory_space<hbm>>
    %dma_wait3A_2139 = arith.constant 0 : i32
    %dma_wait3A_2140 = tpu.memref_slice %arg2[%dma_wait3A_2139] : memref<294912xi32, #tpu.memory_space<hbm>> -> memref<1152xi32, #tpu.memory_space<hbm>>
    tpu.wait_dma2 semaphore(%arg21 : memref<!tpu.dma_semaphore, #tpu.memory_space<semaphore_mem>>) src(%dma_wait3A_2140 : memref<1152xi32, #tpu.memory_space<hbm>>) dst(%arg10 : memref<1152xi32, #tpu.memory_space<vmem>>)
    %dma_wait3A_2141 = arith.constant 0 : i32
    %dma_wait3A_2142 = tpu.memref_slice %arg3[%dma_wait3A_2141] : memref<32768xi32, #tpu.memory_space<hbm>> -> memref<128xi32, #tpu.memory_space<hbm>>
    %dma_wait3A_2143 = arith.constant 0 : i32
    %dma_wait3A_2144 = tpu.memref_slice %arg3[%dma_wait3A_2143] : memref<32768xi32, #tpu.memory_space<hbm>> -> memref<128xi32, #tpu.memory_space<hbm>>
    tpu.wait_dma2 semaphore(%arg21 : memref<!tpu.dma_semaphore, #tpu.memory_space<semaphore_mem>>) src(%dma_wait3A_2144 : memref<128xi32, #tpu.memory_space<hbm>>) dst(%arg13 : memref<128xi32, #tpu.memory_space<vmem>>)
    %dma_start3A_2145 = arith.constant 2 : i32
    %dma_start3A_2146 = arith.constant 0 : i32
    %dma_start3A_2147 = arith.constant 0 : i32
    %dma_start3A_2148 = tpu.memref_slice %arg15[%dma_start3A_2145, %dma_start3A_2146, %dma_start3A_2147] : memref<3x128x128xf32, #tpu.memory_space<vmem>> -> memref<1x128x128xf32, #tpu.memory_space<vmem>>
    %dma_start3A_2149 = tpu.memref_squeeze %dma_start3A_2148 : memref<1x128x128xf32, #tpu.memory_space<vmem>> -> memref<128x128xf32, #tpu.memory_space<vmem>>
    %dma_start3A_2150 = arith.constant 0 : i32
    %dma_start3A_2151 = arith.constant 0 : i32
    %dma_start3A_2152 = tpu.memref_slice %arg16[%dma_start3A_2150, %dma_start3A_2151] : memref<512x128xf32, #tpu.memory_space<vmem_shared>> -> memref<512x128xf32, #tpu.memory_space<vmem_shared>>
    tpu.enqueue_indirect_dma source(%dma_start3A_2152 : memref<512x128xf32, #tpu.memory_space<vmem_shared>>) target(%dma_start3A_2149 : memref<128x128xf32, #tpu.memory_space<vmem>>) offsets(%arg13 : memref<128xi32, #tpu.memory_space<vmem>>) semaphore(%arg24 : memref<!tpu.dma_semaphore, #tpu.memory_space<semaphore_mem>>)
    %dma_wait3A_2153 = arith.constant 1 : i32
    %dma_wait3A_2154 = arith.constant 0 : i32
    %dma_wait3A_2155 = arith.constant 0 : i32
    %dma_wait3A_2156 = tpu.memref_slice %arg15[%dma_wait3A_2153, %dma_wait3A_2154, %dma_wait3A_2155] : memref<3x128x128xf32, #tpu.memory_space<vmem>> -> memref<1x128x128xf32, #tpu.memory_space<vmem>>
    %dma_wait3A_2157 = tpu.memref_squeeze %dma_wait3A_2156 : memref<1x128x128xf32, #tpu.memory_space<vmem>> -> memref<128x128xf32, #tpu.memory_space<vmem>>
    %dma_wait3A_2158 = arith.constant 0 : i32
    %dma_wait3A_2159 = tpu.memref_slice %arg9[%dma_wait3A_2158] : memref<1152xi32, #tpu.memory_space<vmem>> -> memref<128xi32, #tpu.memory_space<vmem>>
    %dma_wait3A_2160 = arith.constant 0 : i32
    %dma_wait3A_2161 = arith.constant 0 : i32
    %dma_wait3A_2162 = tpu.memref_slice %arg4[%dma_wait3A_2160, %dma_wait3A_2161] : memref<100001x128xf32, #tpu.memory_space<hbm>> -> memref<100001x128xf32, #tpu.memory_space<hbm>>
    tpu.wait_indirect_dma semaphore(%arg26 : memref<!tpu.dma_semaphore, #tpu.memory_space<semaphore_mem>>) src(%dma_wait3A_2162 : memref<100001x128xf32, #tpu.memory_space<hbm>>) dst(%dma_wait3A_2157 : memref<128x128xf32, #tpu.memory_space<vmem>>)
    %dma_wait3A_2163 = arith.constant 1 : i32
    %dma_wait3A_2164 = arith.constant 0 : i32
    %dma_wait3A_2165 = arith.constant 0 : i32
    %dma_wait3A_2166 = tpu.memref_slice %arg15[%dma_wait3A_2163, %dma_wait3A_2164, %dma_wait3A_2165] : memref<3x128x128xf32, #tpu.memory_space<vmem>> -> memref<1x128x128xf32, #tpu.memory_space<vmem>>
    %dma_wait3A_2167 = tpu.memref_squeeze %dma_wait3A_2166 : memref<1x128x128xf32, #tpu.memory_space<vmem>> -> memref<128x128xf32, #tpu.memory_space<vmem>>
    %dma_wait3A_2168 = arith.constant 128 : i32
    %dma_wait3A_2169 = tpu.memref_slice %arg9[%dma_wait3A_2168] : memref<1152xi32, #tpu.memory_space<vmem>> -> memref<128xi32, #tpu.memory_space<vmem>>
    %dma_wait3A_2170 = arith.constant 0 : i32
    %dma_wait3A_2171 = arith.constant 0 : i32
    %dma_wait3A_2172 = tpu.memref_slice %arg4[%dma_wait3A_2170, %dma_wait3A_2171] : memref<100001x128xf32, #tpu.memory_space<hbm>> -> memref<100001x128xf32, #tpu.memory_space<hbm>>
    tpu.wait_indirect_dma semaphore(%arg26 : memref<!tpu.dma_semaphore, #tpu.memory_space<semaphore_mem>>) src(%dma_wait3A_2172 : memref<100001x128xf32, #tpu.memory_space<hbm>>) dst(%dma_wait3A_2167 : memref<128x128xf32, #tpu.memory_space<vmem>>)
    %dma_wait3A_2173 = arith.constant 1 : i32
    %dma_wait3A_2174 = arith.constant 0 : i32
    %dma_wait3A_2175 = arith.constant 0 : i32
    %dma_wait3A_2176 = tpu.memref_slice %arg15[%dma_wait3A_2173, %dma_wait3A_2174, %dma_wait3A_2175] : memref<3x128x128xf32, #tpu.memory_space<vmem>> -> memref<1x128x128xf32, #tpu.memory_space<vmem>>
    %dma_wait3A_2177 = tpu.memref_squeeze %dma_wait3A_2176 : memref<1x128x128xf32, #tpu.memory_space<vmem>> -> memref<128x128xf32, #tpu.memory_space<vmem>>
    %dma_wait3A_2178 = arith.constant 256 : i32
    %dma_wait3A_2179 = tpu.memref_slice %arg9[%dma_wait3A_2178] : memref<1152xi32, #tpu.memory_space<vmem>> -> memref<128xi32, #tpu.memory_space<vmem>>
    %dma_wait3A_2180 = arith.constant 0 : i32
    %dma_wait3A_2181 = arith.constant 0 : i32
    %dma_wait3A_2182 = tpu.memref_slice %arg4[%dma_wait3A_2180, %dma_wait3A_2181] : memref<100001x128xf32, #tpu.memory_space<hbm>> -> memref<100001x128xf32, #tpu.memory_space<hbm>>
    tpu.wait_indirect_dma semaphore(%arg26 : memref<!tpu.dma_semaphore, #tpu.memory_space<semaphore_mem>>) src(%dma_wait3A_2182 : memref<100001x128xf32, #tpu.memory_space<hbm>>) dst(%dma_wait3A_2177 : memref<128x128xf32, #tpu.memory_space<vmem>>)
    %dma_wait3A_2183 = arith.constant 1 : i32
    %dma_wait3A_2184 = arith.constant 0 : i32
    %dma_wait3A_2185 = arith.constant 0 : i32
    %dma_wait3A_2186 = tpu.memref_slice %arg15[%dma_wait3A_2183, %dma_wait3A_2184, %dma_wait3A_2185] : memref<3x128x128xf32, #tpu.memory_space<vmem>> -> memref<1x128x128xf32, #tpu.memory_space<vmem>>
    %dma_wait3A_2187 = tpu.memref_squeeze %dma_wait3A_2186 : memref<1x128x128xf32, #tpu.memory_space<vmem>> -> memref<128x128xf32, #tpu.memory_space<vmem>>
    %dma_wait3A_2188 = arith.constant 384 : i32
    %dma_wait3A_2189 = tpu.memref_slice %arg9[%dma_wait3A_2188] : memref<1152xi32, #tpu.memory_space<vmem>> -> memref<128xi32, #tpu.memory_space<vmem>>
    %dma_wait3A_2190 = arith.constant 0 : i32
    %dma_wait3A_2191 = arith.constant 0 : i32
    %dma_wait3A_2192 = tpu.memref_slice %arg4[%dma_wait3A_2190, %dma_wait3A_2191] : memref<100001x128xf32, #tpu.memory_space<hbm>> -> memref<100001x128xf32, #tpu.memory_space<hbm>>
    tpu.wait_indirect_dma semaphore(%arg26 : memref<!tpu.dma_semaphore, #tpu.memory_space<semaphore_mem>>) src(%dma_wait3A_2192 : memref<100001x128xf32, #tpu.memory_space<hbm>>) dst(%dma_wait3A_2187 : memref<128x128xf32, #tpu.memory_space<vmem>>)
    %dma_wait3A_2193 = arith.constant 1 : i32
    %dma_wait3A_2194 = arith.constant 0 : i32
    %dma_wait3A_2195 = arith.constant 0 : i32
    %dma_wait3A_2196 = tpu.memref_slice %arg15[%dma_wait3A_2193, %dma_wait3A_2194, %dma_wait3A_2195] : memref<3x128x128xf32, #tpu.memory_space<vmem>> -> memref<1x128x128xf32, #tpu.memory_space<vmem>>
    %dma_wait3A_2197 = tpu.memref_squeeze %dma_wait3A_2196 : memref<1x128x128xf32, #tpu.memory_space<vmem>> -> memref<128x128xf32, #tpu.memory_space<vmem>>
    %dma_wait3A_2198 = arith.constant 512 : i32
    %dma_wait3A_2199 = tpu.memref_slice %arg9[%dma_wait3A_2198] : memref<1152xi32, #tpu.memory_space<vmem>> -> memref<128xi32, #tpu.memory_space<vmem>>
    %dma_wait3A_2200 = arith.constant 0 : i32
    %dma_wait3A_2201 = arith.constant 0 : i32
    %dma_wait3A_2202 = tpu.memref_slice %arg4[%dma_wait3A_2200, %dma_wait3A_2201] : memref<100001x128xf32, #tpu.memory_space<hbm>> -> memref<100001x128xf32, #tpu.memory_space<hbm>>
    tpu.wait_indirect_dma semaphore(%arg26 : memref<!tpu.dma_semaphore, #tpu.memory_space<semaphore_mem>>) src(%dma_wait3A_2202 : memref<100001x128xf32, #tpu.memory_space<hbm>>) dst(%dma_wait3A_2197 : memref<128x128xf32, #tpu.memory_space<vmem>>)
    %dma_wait3A_2203 = arith.constant 1 : i32
    %dma_wait3A_2204 = arith.constant 0 : i32
    %dma_wait3A_2205 = arith.constant 0 : i32
    %dma_wait3A_2206 = tpu.memref_slice %arg15[%dma_wait3A_2203, %dma_wait3A_2204, %dma_wait3A_2205] : memref<3x128x128xf32, #tpu.memory_space<vmem>> -> memref<1x128x128xf32, #tpu.memory_space<vmem>>
    %dma_wait3A_2207 = tpu.memref_squeeze %dma_wait3A_2206 : memref<1x128x128xf32, #tpu.memory_space<vmem>> -> memref<128x128xf32, #tpu.memory_space<vmem>>
    %dma_wait3A_2208 = arith.constant 640 : i32
    %dma_wait3A_2209 = tpu.memref_slice %arg9[%dma_wait3A_2208] : memref<1152xi32, #tpu.memory_space<vmem>> -> memref<128xi32, #tpu.memory_space<vmem>>
    %dma_wait3A_2210 = arith.constant 0 : i32
    %dma_wait3A_2211 = arith.constant 0 : i32
    %dma_wait3A_2212 = tpu.memref_slice %arg4[%dma_wait3A_2210, %dma_wait3A_2211] : memref<100001x128xf32, #tpu.memory_space<hbm>> -> memref<100001x128xf32, #tpu.memory_space<hbm>>
    tpu.wait_indirect_dma semaphore(%arg26 : memref<!tpu.dma_semaphore, #tpu.memory_space<semaphore_mem>>) src(%dma_wait3A_2212 : memref<100001x128xf32, #tpu.memory_space<hbm>>) dst(%dma_wait3A_2207 : memref<128x128xf32, #tpu.memory_space<vmem>>)
    %dma_wait3A_2213 = arith.constant 1 : i32
    %dma_wait3A_2214 = arith.constant 0 : i32
    %dma_wait3A_2215 = arith.constant 0 : i32
    %dma_wait3A_2216 = tpu.memref_slice %arg15[%dma_wait3A_2213, %dma_wait3A_2214, %dma_wait3A_2215] : memref<3x128x128xf32, #tpu.memory_space<vmem>> -> memref<1x128x128xf32, #tpu.memory_space<vmem>>
    %dma_wait3A_2217 = tpu.memref_squeeze %dma_wait3A_2216 : memref<1x128x128xf32, #tpu.memory_space<vmem>> -> memref<128x128xf32, #tpu.memory_space<vmem>>
    %dma_wait3A_2218 = arith.constant 768 : i32
    %dma_wait3A_2219 = tpu.memref_slice %arg9[%dma_wait3A_2218] : memref<1152xi32, #tpu.memory_space<vmem>> -> memref<128xi32, #tpu.memory_space<vmem>>
    %dma_wait3A_2220 = arith.constant 0 : i32
    %dma_wait3A_2221 = arith.constant 0 : i32
    %dma_wait3A_2222 = tpu.memref_slice %arg4[%dma_wait3A_2220, %dma_wait3A_2221] : memref<100001x128xf32, #tpu.memory_space<hbm>> -> memref<100001x128xf32, #tpu.memory_space<hbm>>
    tpu.wait_indirect_dma semaphore(%arg26 : memref<!tpu.dma_semaphore, #tpu.memory_space<semaphore_mem>>) src(%dma_wait3A_2222 : memref<100001x128xf32, #tpu.memory_space<hbm>>) dst(%dma_wait3A_2217 : memref<128x128xf32, #tpu.memory_space<vmem>>)
    %dma_wait3A_2223 = arith.constant 1 : i32
    %dma_wait3A_2224 = arith.constant 0 : i32
    %dma_wait3A_2225 = arith.constant 0 : i32
    %dma_wait3A_2226 = tpu.memref_slice %arg15[%dma_wait3A_2223, %dma_wait3A_2224, %dma_wait3A_2225] : memref<3x128x128xf32, #tpu.memory_space<vmem>> -> memref<1x128x128xf32, #tpu.memory_space<vmem>>
    %dma_wait3A_2227 = tpu.memref_squeeze %dma_wait3A_2226 : memref<1x128x128xf32, #tpu.memory_space<vmem>> -> memref<128x128xf32, #tpu.memory_space<vmem>>
    %dma_wait3A_2228 = arith.constant 896 : i32
    %dma_wait3A_2229 = tpu.memref_slice %arg9[%dma_wait3A_2228] : memref<1152xi32, #tpu.memory_space<vmem>> -> memref<128xi32, #tpu.memory_space<vmem>>
    %dma_wait3A_2230 = arith.constant 0 : i32
    %dma_wait3A_2231 = arith.constant 0 : i32
    %dma_wait3A_2232 = tpu.memref_slice %arg4[%dma_wait3A_2230, %dma_wait3A_2231] : memref<100001x128xf32, #tpu.memory_space<hbm>> -> memref<100001x128xf32, #tpu.memory_space<hbm>>
    tpu.wait_indirect_dma semaphore(%arg26 : memref<!tpu.dma_semaphore, #tpu.memory_space<semaphore_mem>>) src(%dma_wait3A_2232 : memref<100001x128xf32, #tpu.memory_space<hbm>>) dst(%dma_wait3A_2227 : memref<128x128xf32, #tpu.memory_space<vmem>>)
    %dma_wait3A_2233 = arith.constant 1 : i32
    %dma_wait3A_2234 = arith.constant 0 : i32
    %dma_wait3A_2235 = arith.constant 0 : i32
    %dma_wait3A_2236 = tpu.memref_slice %arg15[%dma_wait3A_2233, %dma_wait3A_2234, %dma_wait3A_2235] : memref<3x128x128xf32, #tpu.memory_space<vmem>> -> memref<1x128x128xf32, #tpu.memory_space<vmem>>
    %dma_wait3A_2237 = tpu.memref_squeeze %dma_wait3A_2236 : memref<1x128x128xf32, #tpu.memory_space<vmem>> -> memref<128x128xf32, #tpu.memory_space<vmem>>
    %dma_wait3A_2238 = arith.constant 1024 : i32
    %dma_wait3A_2239 = tpu.memref_slice %arg9[%dma_wait3A_2238] : memref<1152xi32, #tpu.memory_space<vmem>> -> memref<128xi32, #tpu.memory_space<vmem>>
    %dma_wait3A_2240 = arith.constant 0 : i32
    %dma_wait3A_2241 = arith.constant 0 : i32
    %dma_wait3A_2242 = tpu.memref_slice %arg4[%dma_wait3A_2240, %dma_wait3A_2241] : memref<100001x128xf32, #tpu.memory_space<hbm>> -> memref<100001x128xf32, #tpu.memory_space<hbm>>
    tpu.wait_indirect_dma semaphore(%arg26 : memref<!tpu.dma_semaphore, #tpu.memory_space<semaphore_mem>>) src(%dma_wait3A_2242 : memref<100001x128xf32, #tpu.memory_space<hbm>>) dst(%dma_wait3A_2237 : memref<128x128xf32, #tpu.memory_space<vmem>>)
    %mul3A_2243 = arith.constant 8 : i32
    %mul3A_2244 = arith.muli %add3A, %mul3A_2243 : i32
    %add3A_2245 = arith.constant 4 : i32
    %add3A_2246 = arith.addi %mul3A_2244, %add3A_2245 : i32
    %dma_start3A_2247 = arith.constant 1 : i32
    %dma_start3A_2248 = arith.constant 0 : i32
    %dma_start3A_2249 = arith.constant 0 : i32
    %dma_start3A_2250 = tpu.memref_slice %arg15[%dma_start3A_2247, %dma_start3A_2248, %dma_start3A_2249] : memref<3x128x128xf32, #tpu.memory_space<vmem>> -> memref<1x128x128xf32, #tpu.memory_space<vmem>>
    %dma_start3A_2251 = tpu.memref_squeeze %dma_start3A_2250 : memref<1x128x128xf32, #tpu.memory_space<vmem>> -> memref<128x128xf32, #tpu.memory_space<vmem>>
    %dma_start3A_2252 = arith.constant 0 : i32
    %dma_start3A_2253 = arith.constant 0 : i32
    %dma_start3A_2254 = tpu.memref_slice %arg7[%add3A_2246, %dma_start3A_2252, %dma_start3A_2253] : memref<256x129x128xf32, #tpu.memory_space<hbm>> -> memref<1x129x128xf32, #tpu.memory_space<hbm>>
    %dma_start3A_2255 = tpu.memref_squeeze %dma_start3A_2254 : memref<1x129x128xf32, #tpu.memory_space<hbm>> -> memref<129x128xf32, #tpu.memory_space<hbm>>
    %dma_start3A_2256 = arith.constant 0 : i32
    %dma_start3A_2257 = arith.constant 0 : i32
    %dma_start3A_2258 = tpu.memref_slice %dma_start3A_2255[%dma_start3A_2256, %dma_start3A_2257] : memref<129x128xf32, #tpu.memory_space<hbm>> -> memref<129x128xf32, #tpu.memory_space<hbm>>
    tpu.enqueue_indirect_dma source(%dma_start3A_2251 : memref<128x128xf32, #tpu.memory_space<vmem>>) target(%dma_start3A_2258 : memref<129x128xf32, #tpu.memory_space<hbm>>) offsets(%arg14 : memref<128xi32, #tpu.memory_space<vmem>>) semaphore(%arg29 : memref<!tpu.dma_semaphore, #tpu.memory_space<semaphore_mem>>)
    %dma_wait3A_2259 = arith.constant 2 : i32
    %dma_wait3A_2260 = arith.constant 0 : i32
    %dma_wait3A_2261 = arith.constant 0 : i32
    %dma_wait3A_2262 = tpu.memref_slice %arg15[%dma_wait3A_2259, %dma_wait3A_2260, %dma_wait3A_2261] : memref<3x128x128xf32, #tpu.memory_space<vmem>> -> memref<1x128x128xf32, #tpu.memory_space<vmem>>
    %dma_wait3A_2263 = tpu.memref_squeeze %dma_wait3A_2262 : memref<1x128x128xf32, #tpu.memory_space<vmem>> -> memref<128x128xf32, #tpu.memory_space<vmem>>
    %dma_wait3A_2264 = arith.constant 0 : i32
    %dma_wait3A_2265 = arith.constant 0 : i32
    %dma_wait3A_2266 = tpu.memref_slice %arg16[%dma_wait3A_2264, %dma_wait3A_2265] : memref<512x128xf32, #tpu.memory_space<vmem_shared>> -> memref<512x128xf32, #tpu.memory_space<vmem_shared>>
    tpu.wait_indirect_dma semaphore(%arg24 : memref<!tpu.dma_semaphore, #tpu.memory_space<semaphore_mem>>) src(%dma_wait3A_2266 : memref<512x128xf32, #tpu.memory_space<vmem_shared>>) dst(%dma_wait3A_2263 : memref<128x128xf32, #tpu.memory_space<vmem>>)
    %dma_start3A_2267 = arith.constant 2 : i32
    %dma_start3A_2268 = arith.constant 0 : i32
    %dma_start3A_2269 = arith.constant 0 : i32
    %dma_start3A_2270 = tpu.memref_slice %arg15[%dma_start3A_2267, %dma_start3A_2268, %dma_start3A_2269] : memref<3x128x128xf32, #tpu.memory_space<vmem>> -> memref<1x128x128xf32, #tpu.memory_space<vmem>>
    %dma_start3A_2271 = tpu.memref_squeeze %dma_start3A_2270 : memref<1x128x128xf32, #tpu.memory_space<vmem>> -> memref<128x128xf32, #tpu.memory_space<vmem>>
    %dma_start3A_2272 = arith.constant 0 : i32
    %dma_start3A_2273 = tpu.memref_slice %arg10[%dma_start3A_2272] : memref<1152xi32, #tpu.memory_space<vmem>> -> memref<128xi32, #tpu.memory_space<vmem>>
    %dma_start3A_2274 = arith.constant 0 : i32
    %dma_start3A_2275 = arith.constant 0 : i32
    %dma_start3A_2276 = tpu.memref_slice %arg4[%dma_start3A_2274, %dma_start3A_2275] : memref<100001x128xf32, #tpu.memory_space<hbm>> -> memref<100001x128xf32, #tpu.memory_space<hbm>>
    tpu.enqueue_indirect_dma source(%dma_start3A_2276 : memref<100001x128xf32, #tpu.memory_space<hbm>>) target(%dma_start3A_2271 : memref<128x128xf32, #tpu.memory_space<vmem>>) offsets(%dma_start3A_2273 : memref<128xi32, #tpu.memory_space<vmem>>) semaphore(%arg27 : memref<!tpu.dma_semaphore, #tpu.memory_space<semaphore_mem>>) {add = true}
    %dma_start3A_2277 = arith.constant 2 : i32
    %dma_start3A_2278 = arith.constant 0 : i32
    %dma_start3A_2279 = arith.constant 0 : i32
    %dma_start3A_2280 = tpu.memref_slice %arg15[%dma_start3A_2277, %dma_start3A_2278, %dma_start3A_2279] : memref<3x128x128xf32, #tpu.memory_space<vmem>> -> memref<1x128x128xf32, #tpu.memory_space<vmem>>
    %dma_start3A_2281 = tpu.memref_squeeze %dma_start3A_2280 : memref<1x128x128xf32, #tpu.memory_space<vmem>> -> memref<128x128xf32, #tpu.memory_space<vmem>>
    %dma_start3A_2282 = arith.constant 128 : i32
    %dma_start3A_2283 = tpu.memref_slice %arg10[%dma_start3A_2282] : memref<1152xi32, #tpu.memory_space<vmem>> -> memref<128xi32, #tpu.memory_space<vmem>>
    %dma_start3A_2284 = arith.constant 0 : i32
    %dma_start3A_2285 = arith.constant 0 : i32
    %dma_start3A_2286 = tpu.memref_slice %arg4[%dma_start3A_2284, %dma_start3A_2285] : memref<100001x128xf32, #tpu.memory_space<hbm>> -> memref<100001x128xf32, #tpu.memory_space<hbm>>
    tpu.enqueue_indirect_dma source(%dma_start3A_2286 : memref<100001x128xf32, #tpu.memory_space<hbm>>) target(%dma_start3A_2281 : memref<128x128xf32, #tpu.memory_space<vmem>>) offsets(%dma_start3A_2283 : memref<128xi32, #tpu.memory_space<vmem>>) semaphore(%arg27 : memref<!tpu.dma_semaphore, #tpu.memory_space<semaphore_mem>>) {add = true}
    %dma_start3A_2287 = arith.constant 2 : i32
    %dma_start3A_2288 = arith.constant 0 : i32
    %dma_start3A_2289 = arith.constant 0 : i32
    %dma_start3A_2290 = tpu.memref_slice %arg15[%dma_start3A_2287, %dma_start3A_2288, %dma_start3A_2289] : memref<3x128x128xf32, #tpu.memory_space<vmem>> -> memref<1x128x128xf32, #tpu.memory_space<vmem>>
    %dma_start3A_2291 = tpu.memref_squeeze %dma_start3A_2290 : memref<1x128x128xf32, #tpu.memory_space<vmem>> -> memref<128x128xf32, #tpu.memory_space<vmem>>
    %dma_start3A_2292 = arith.constant 256 : i32
    %dma_start3A_2293 = tpu.memref_slice %arg10[%dma_start3A_2292] : memref<1152xi32, #tpu.memory_space<vmem>> -> memref<128xi32, #tpu.memory_space<vmem>>
    %dma_start3A_2294 = arith.constant 0 : i32
    %dma_start3A_2295 = arith.constant 0 : i32
    %dma_start3A_2296 = tpu.memref_slice %arg4[%dma_start3A_2294, %dma_start3A_2295] : memref<100001x128xf32, #tpu.memory_space<hbm>> -> memref<100001x128xf32, #tpu.memory_space<hbm>>
    tpu.enqueue_indirect_dma source(%dma_start3A_2296 : memref<100001x128xf32, #tpu.memory_space<hbm>>) target(%dma_start3A_2291 : memref<128x128xf32, #tpu.memory_space<vmem>>) offsets(%dma_start3A_2293 : memref<128xi32, #tpu.memory_space<vmem>>) semaphore(%arg27 : memref<!tpu.dma_semaphore, #tpu.memory_space<semaphore_mem>>) {add = true}
    %dma_start3A_2297 = arith.constant 2 : i32
    %dma_start3A_2298 = arith.constant 0 : i32
    %dma_start3A_2299 = arith.constant 0 : i32
    %dma_start3A_2300 = tpu.memref_slice %arg15[%dma_start3A_2297, %dma_start3A_2298, %dma_start3A_2299] : memref<3x128x128xf32, #tpu.memory_space<vmem>> -> memref<1x128x128xf32, #tpu.memory_space<vmem>>
    %dma_start3A_2301 = tpu.memref_squeeze %dma_start3A_2300 : memref<1x128x128xf32, #tpu.memory_space<vmem>> -> memref<128x128xf32, #tpu.memory_space<vmem>>
    %dma_start3A_2302 = arith.constant 384 : i32
    %dma_start3A_2303 = tpu.memref_slice %arg10[%dma_start3A_2302] : memref<1152xi32, #tpu.memory_space<vmem>> -> memref<128xi32, #tpu.memory_space<vmem>>
    %dma_start3A_2304 = arith.constant 0 : i32
    %dma_start3A_2305 = arith.constant 0 : i32
    %dma_start3A_2306 = tpu.memref_slice %arg4[%dma_start3A_2304, %dma_start3A_2305] : memref<100001x128xf32, #tpu.memory_space<hbm>> -> memref<100001x128xf32, #tpu.memory_space<hbm>>
    tpu.enqueue_indirect_dma source(%dma_start3A_2306 : memref<100001x128xf32, #tpu.memory_space<hbm>>) target(%dma_start3A_2301 : memref<128x128xf32, #tpu.memory_space<vmem>>) offsets(%dma_start3A_2303 : memref<128xi32, #tpu.memory_space<vmem>>) semaphore(%arg27 : memref<!tpu.dma_semaphore, #tpu.memory_space<semaphore_mem>>) {add = true}
    %dma_start3A_2307 = arith.constant 2 : i32
    %dma_start3A_2308 = arith.constant 0 : i32
    %dma_start3A_2309 = arith.constant 0 : i32
    %dma_start3A_2310 = tpu.memref_slice %arg15[%dma_start3A_2307, %dma_start3A_2308, %dma_start3A_2309] : memref<3x128x128xf32, #tpu.memory_space<vmem>> -> memref<1x128x128xf32, #tpu.memory_space<vmem>>
    %dma_start3A_2311 = tpu.memref_squeeze %dma_start3A_2310 : memref<1x128x128xf32, #tpu.memory_space<vmem>> -> memref<128x128xf32, #tpu.memory_space<vmem>>
    %dma_start3A_2312 = arith.constant 512 : i32
    %dma_start3A_2313 = tpu.memref_slice %arg10[%dma_start3A_2312] : memref<1152xi32, #tpu.memory_space<vmem>> -> memref<128xi32, #tpu.memory_space<vmem>>
    %dma_start3A_2314 = arith.constant 0 : i32
    %dma_start3A_2315 = arith.constant 0 : i32
    %dma_start3A_2316 = tpu.memref_slice %arg4[%dma_start3A_2314, %dma_start3A_2315] : memref<100001x128xf32, #tpu.memory_space<hbm>> -> memref<100001x128xf32, #tpu.memory_space<hbm>>
    tpu.enqueue_indirect_dma source(%dma_start3A_2316 : memref<100001x128xf32, #tpu.memory_space<hbm>>) target(%dma_start3A_2311 : memref<128x128xf32, #tpu.memory_space<vmem>>) offsets(%dma_start3A_2313 : memref<128xi32, #tpu.memory_space<vmem>>) semaphore(%arg27 : memref<!tpu.dma_semaphore, #tpu.memory_space<semaphore_mem>>) {add = true}
    %dma_start3A_2317 = arith.constant 2 : i32
    %dma_start3A_2318 = arith.constant 0 : i32
    %dma_start3A_2319 = arith.constant 0 : i32
    %dma_start3A_2320 = tpu.memref_slice %arg15[%dma_start3A_2317, %dma_start3A_2318, %dma_start3A_2319] : memref<3x128x128xf32, #tpu.memory_space<vmem>> -> memref<1x128x128xf32, #tpu.memory_space<vmem>>
    %dma_start3A_2321 = tpu.memref_squeeze %dma_start3A_2320 : memref<1x128x128xf32, #tpu.memory_space<vmem>> -> memref<128x128xf32, #tpu.memory_space<vmem>>
    %dma_start3A_2322 = arith.constant 640 : i32
    %dma_start3A_2323 = tpu.memref_slice %arg10[%dma_start3A_2322] : memref<1152xi32, #tpu.memory_space<vmem>> -> memref<128xi32, #tpu.memory_space<vmem>>
    %dma_start3A_2324 = arith.constant 0 : i32
    %dma_start3A_2325 = arith.constant 0 : i32
    %dma_start3A_2326 = tpu.memref_slice %arg4[%dma_start3A_2324, %dma_start3A_2325] : memref<100001x128xf32, #tpu.memory_space<hbm>> -> memref<100001x128xf32, #tpu.memory_space<hbm>>
    tpu.enqueue_indirect_dma source(%dma_start3A_2326 : memref<100001x128xf32, #tpu.memory_space<hbm>>) target(%dma_start3A_2321 : memref<128x128xf32, #tpu.memory_space<vmem>>) offsets(%dma_start3A_2323 : memref<128xi32, #tpu.memory_space<vmem>>) semaphore(%arg27 : memref<!tpu.dma_semaphore, #tpu.memory_space<semaphore_mem>>) {add = true}
    %dma_start3A_2327 = arith.constant 2 : i32
    %dma_start3A_2328 = arith.constant 0 : i32
    %dma_start3A_2329 = arith.constant 0 : i32
    %dma_start3A_2330 = tpu.memref_slice %arg15[%dma_start3A_2327, %dma_start3A_2328, %dma_start3A_2329] : memref<3x128x128xf32, #tpu.memory_space<vmem>> -> memref<1x128x128xf32, #tpu.memory_space<vmem>>
    %dma_start3A_2331 = tpu.memref_squeeze %dma_start3A_2330 : memref<1x128x128xf32, #tpu.memory_space<vmem>> -> memref<128x128xf32, #tpu.memory_space<vmem>>
    %dma_start3A_2332 = arith.constant 768 : i32
    %dma_start3A_2333 = tpu.memref_slice %arg10[%dma_start3A_2332] : memref<1152xi32, #tpu.memory_space<vmem>> -> memref<128xi32, #tpu.memory_space<vmem>>
    %dma_start3A_2334 = arith.constant 0 : i32
    %dma_start3A_2335 = arith.constant 0 : i32
    %dma_start3A_2336 = tpu.memref_slice %arg4[%dma_start3A_2334, %dma_start3A_2335] : memref<100001x128xf32, #tpu.memory_space<hbm>> -> memref<100001x128xf32, #tpu.memory_space<hbm>>
    tpu.enqueue_indirect_dma source(%dma_start3A_2336 : memref<100001x128xf32, #tpu.memory_space<hbm>>) target(%dma_start3A_2331 : memref<128x128xf32, #tpu.memory_space<vmem>>) offsets(%dma_start3A_2333 : memref<128xi32, #tpu.memory_space<vmem>>) semaphore(%arg27 : memref<!tpu.dma_semaphore, #tpu.memory_space<semaphore_mem>>) {add = true}
    %dma_start3A_2337 = arith.constant 2 : i32
    %dma_start3A_2338 = arith.constant 0 : i32
    %dma_start3A_2339 = arith.constant 0 : i32
    %dma_start3A_2340 = tpu.memref_slice %arg15[%dma_start3A_2337, %dma_start3A_2338, %dma_start3A_2339] : memref<3x128x128xf32, #tpu.memory_space<vmem>> -> memref<1x128x128xf32, #tpu.memory_space<vmem>>
    %dma_start3A_2341 = tpu.memref_squeeze %dma_start3A_2340 : memref<1x128x128xf32, #tpu.memory_space<vmem>> -> memref<128x128xf32, #tpu.memory_space<vmem>>
    %dma_start3A_2342 = arith.constant 896 : i32
    %dma_start3A_2343 = tpu.memref_slice %arg10[%dma_start3A_2342] : memref<1152xi32, #tpu.memory_space<vmem>> -> memref<128xi32, #tpu.memory_space<vmem>>
    %dma_start3A_2344 = arith.constant 0 : i32
    %dma_start3A_2345 = arith.constant 0 : i32
    %dma_start3A_2346 = tpu.memref_slice %arg4[%dma_start3A_2344, %dma_start3A_2345] : memref<100001x128xf32, #tpu.memory_space<hbm>> -> memref<100001x128xf32, #tpu.memory_space<hbm>>
    tpu.enqueue_indirect_dma source(%dma_start3A_2346 : memref<100001x128xf32, #tpu.memory_space<hbm>>) target(%dma_start3A_2341 : memref<128x128xf32, #tpu.memory_space<vmem>>) offsets(%dma_start3A_2343 : memref<128xi32, #tpu.memory_space<vmem>>) semaphore(%arg27 : memref<!tpu.dma_semaphore, #tpu.memory_space<semaphore_mem>>) {add = true}
    %dma_start3A_2347 = arith.constant 2 : i32
    %dma_start3A_2348 = arith.constant 0 : i32
    %dma_start3A_2349 = arith.constant 0 : i32
    %dma_start3A_2350 = tpu.memref_slice %arg15[%dma_start3A_2347, %dma_start3A_2348, %dma_start3A_2349] : memref<3x128x128xf32, #tpu.memory_space<vmem>> -> memref<1x128x128xf32, #tpu.memory_space<vmem>>
    %dma_start3A_2351 = tpu.memref_squeeze %dma_start3A_2350 : memref<1x128x128xf32, #tpu.memory_space<vmem>> -> memref<128x128xf32, #tpu.memory_space<vmem>>
    %dma_start3A_2352 = arith.constant 1024 : i32
    %dma_start3A_2353 = tpu.memref_slice %arg10[%dma_start3A_2352] : memref<1152xi32, #tpu.memory_space<vmem>> -> memref<128xi32, #tpu.memory_space<vmem>>
    %dma_start3A_2354 = arith.constant 0 : i32
    %dma_start3A_2355 = arith.constant 0 : i32
    %dma_start3A_2356 = tpu.memref_slice %arg4[%dma_start3A_2354, %dma_start3A_2355] : memref<100001x128xf32, #tpu.memory_space<hbm>> -> memref<100001x128xf32, #tpu.memory_space<hbm>>
    tpu.enqueue_indirect_dma source(%dma_start3A_2356 : memref<100001x128xf32, #tpu.memory_space<hbm>>) target(%dma_start3A_2351 : memref<128x128xf32, #tpu.memory_space<vmem>>) offsets(%dma_start3A_2353 : memref<128xi32, #tpu.memory_space<vmem>>) semaphore(%arg27 : memref<!tpu.dma_semaphore, #tpu.memory_space<semaphore_mem>>) {add = true}
    %mul3A_2357 = arith.constant 8 : i32
    %mul3A_2358 = arith.muli %add3A, %mul3A_2357 : i32
    %add3A_2359 = arith.constant 4 : i32
    %add3A_2360 = arith.addi %mul3A_2358, %add3A_2359 : i32
    %dma_wait3A_2361 = arith.constant 1 : i32
    %dma_wait3A_2362 = arith.constant 0 : i32
    %dma_wait3A_2363 = arith.constant 0 : i32
    %dma_wait3A_2364 = tpu.memref_slice %arg15[%dma_wait3A_2361, %dma_wait3A_2362, %dma_wait3A_2363] : memref<3x128x128xf32, #tpu.memory_space<vmem>> -> memref<1x128x128xf32, #tpu.memory_space<vmem>>
    %dma_wait3A_2365 = tpu.memref_squeeze %dma_wait3A_2364 : memref<1x128x128xf32, #tpu.memory_space<vmem>> -> memref<128x128xf32, #tpu.memory_space<vmem>>
    %dma_wait3A_2366 = arith.constant 0 : i32
    %dma_wait3A_2367 = arith.constant 0 : i32
    %dma_wait3A_2368 = tpu.memref_slice %arg7[%add3A_2360, %dma_wait3A_2366, %dma_wait3A_2367] : memref<256x129x128xf32, #tpu.memory_space<hbm>> -> memref<1x129x128xf32, #tpu.memory_space<hbm>>
    %dma_wait3A_2369 = tpu.memref_squeeze %dma_wait3A_2368 : memref<1x129x128xf32, #tpu.memory_space<hbm>> -> memref<129x128xf32, #tpu.memory_space<hbm>>
    %dma_wait3A_2370 = arith.constant 0 : i32
    %dma_wait3A_2371 = arith.constant 0 : i32
    %dma_wait3A_2372 = tpu.memref_slice %dma_wait3A_2369[%dma_wait3A_2370, %dma_wait3A_2371] : memref<129x128xf32, #tpu.memory_space<hbm>> -> memref<129x128xf32, #tpu.memory_space<hbm>>
    tpu.wait_indirect_dma semaphore(%arg29 : memref<!tpu.dma_semaphore, #tpu.memory_space<semaphore_mem>>) src(%dma_wait3A_2365 : memref<128x128xf32, #tpu.memory_space<vmem>>) dst(%dma_wait3A_2372 : memref<129x128xf32, #tpu.memory_space<hbm>>)
    %mul3A_2373 = arith.constant 8 : i32
    %mul3A_2374 = arith.muli %add3A, %mul3A_2373 : i32
    %add3A_2375 = arith.constant 7 : i32
    %add3A_2376 = arith.addi %mul3A_2374, %add3A_2375 : i32
    %mul3A_2377 = arith.constant 1152 : i32
    %mul3A_2378 = arith.muli %add3A_2376, %mul3A_2377 : i32
    %dma_start3A_2379 = tpu.memref_slice %arg2[%mul3A_2378] : memref<294912xi32, #tpu.memory_space<hbm>> -> memref<1152xi32, #tpu.memory_space<hbm>>
    %dma_start3A_2380 = tpu.memref_slice %arg2[%mul3A_2378] : memref<294912xi32, #tpu.memory_space<hbm>> -> memref<1152xi32, #tpu.memory_space<hbm>>
    tpu.enqueue_dma source(%dma_start3A_2380 : memref<1152xi32, #tpu.memory_space<hbm>>) target(%arg9 : memref<1152xi32, #tpu.memory_space<vmem>>) target_semaphore(%arg20 : memref<!tpu.dma_semaphore, #tpu.memory_space<semaphore_mem>>)
    %mul3A_2381 = arith.constant 128 : i32
    %mul3A_2382 = arith.muli %add3A_2376, %mul3A_2381 : i32
    %dma_start3A_2383 = tpu.memref_slice %arg3[%mul3A_2382] : memref<32768xi32, #tpu.memory_space<hbm>> -> memref<128xi32, #tpu.memory_space<hbm>>
    %dma_start3A_2384 = tpu.memref_slice %arg3[%mul3A_2382] : memref<32768xi32, #tpu.memory_space<hbm>> -> memref<128xi32, #tpu.memory_space<hbm>>
    tpu.enqueue_dma source(%dma_start3A_2384 : memref<128xi32, #tpu.memory_space<hbm>>) target(%arg12 : memref<128xi32, #tpu.memory_space<vmem>>) target_semaphore(%arg20 : memref<!tpu.dma_semaphore, #tpu.memory_space<semaphore_mem>>)
    %dma_wait3A_2385 = arith.constant 0 : i32
    %dma_wait3A_2386 = tpu.memref_slice %arg2[%dma_wait3A_2385] : memref<294912xi32, #tpu.memory_space<hbm>> -> memref<1152xi32, #tpu.memory_space<hbm>>
    %dma_wait3A_2387 = arith.constant 0 : i32
    %dma_wait3A_2388 = tpu.memref_slice %arg2[%dma_wait3A_2387] : memref<294912xi32, #tpu.memory_space<hbm>> -> memref<1152xi32, #tpu.memory_space<hbm>>
    tpu.wait_dma2 semaphore(%arg19 : memref<!tpu.dma_semaphore, #tpu.memory_space<semaphore_mem>>) src(%dma_wait3A_2388 : memref<1152xi32, #tpu.memory_space<hbm>>) dst(%arg8 : memref<1152xi32, #tpu.memory_space<vmem>>)
    %dma_wait3A_2389 = arith.constant 0 : i32
    %dma_wait3A_2390 = tpu.memref_slice %arg3[%dma_wait3A_2389] : memref<32768xi32, #tpu.memory_space<hbm>> -> memref<128xi32, #tpu.memory_space<hbm>>
    %dma_wait3A_2391 = arith.constant 0 : i32
    %dma_wait3A_2392 = tpu.memref_slice %arg3[%dma_wait3A_2391] : memref<32768xi32, #tpu.memory_space<hbm>> -> memref<128xi32, #tpu.memory_space<hbm>>
    tpu.wait_dma2 semaphore(%arg19 : memref<!tpu.dma_semaphore, #tpu.memory_space<semaphore_mem>>) src(%dma_wait3A_2392 : memref<128xi32, #tpu.memory_space<hbm>>) dst(%arg11 : memref<128xi32, #tpu.memory_space<vmem>>)
    %dma_start3A_2393 = arith.constant 0 : i32
    %dma_start3A_2394 = arith.constant 0 : i32
    %dma_start3A_2395 = arith.constant 0 : i32
    %dma_start3A_2396 = tpu.memref_slice %arg15[%dma_start3A_2393, %dma_start3A_2394, %dma_start3A_2395] : memref<3x128x128xf32, #tpu.memory_space<vmem>> -> memref<1x128x128xf32, #tpu.memory_space<vmem>>
    %dma_start3A_2397 = tpu.memref_squeeze %dma_start3A_2396 : memref<1x128x128xf32, #tpu.memory_space<vmem>> -> memref<128x128xf32, #tpu.memory_space<vmem>>
    %dma_start3A_2398 = arith.constant 0 : i32
    %dma_start3A_2399 = arith.constant 0 : i32
    %dma_start3A_2400 = tpu.memref_slice %arg16[%dma_start3A_2398, %dma_start3A_2399] : memref<512x128xf32, #tpu.memory_space<vmem_shared>> -> memref<512x128xf32, #tpu.memory_space<vmem_shared>>
    tpu.enqueue_indirect_dma source(%dma_start3A_2400 : memref<512x128xf32, #tpu.memory_space<vmem_shared>>) target(%dma_start3A_2397 : memref<128x128xf32, #tpu.memory_space<vmem>>) offsets(%arg11 : memref<128xi32, #tpu.memory_space<vmem>>) semaphore(%arg22 : memref<!tpu.dma_semaphore, #tpu.memory_space<semaphore_mem>>)
    %dma_wait3A_2401 = arith.constant 2 : i32
    %dma_wait3A_2402 = arith.constant 0 : i32
    %dma_wait3A_2403 = arith.constant 0 : i32
    %dma_wait3A_2404 = tpu.memref_slice %arg15[%dma_wait3A_2401, %dma_wait3A_2402, %dma_wait3A_2403] : memref<3x128x128xf32, #tpu.memory_space<vmem>> -> memref<1x128x128xf32, #tpu.memory_space<vmem>>
    %dma_wait3A_2405 = tpu.memref_squeeze %dma_wait3A_2404 : memref<1x128x128xf32, #tpu.memory_space<vmem>> -> memref<128x128xf32, #tpu.memory_space<vmem>>
    %dma_wait3A_2406 = arith.constant 0 : i32
    %dma_wait3A_2407 = tpu.memref_slice %arg10[%dma_wait3A_2406] : memref<1152xi32, #tpu.memory_space<vmem>> -> memref<128xi32, #tpu.memory_space<vmem>>
    %dma_wait3A_2408 = arith.constant 0 : i32
    %dma_wait3A_2409 = arith.constant 0 : i32
    %dma_wait3A_2410 = tpu.memref_slice %arg4[%dma_wait3A_2408, %dma_wait3A_2409] : memref<100001x128xf32, #tpu.memory_space<hbm>> -> memref<100001x128xf32, #tpu.memory_space<hbm>>
    tpu.wait_indirect_dma semaphore(%arg27 : memref<!tpu.dma_semaphore, #tpu.memory_space<semaphore_mem>>) src(%dma_wait3A_2410 : memref<100001x128xf32, #tpu.memory_space<hbm>>) dst(%dma_wait3A_2405 : memref<128x128xf32, #tpu.memory_space<vmem>>)
    %dma_wait3A_2411 = arith.constant 2 : i32
    %dma_wait3A_2412 = arith.constant 0 : i32
    %dma_wait3A_2413 = arith.constant 0 : i32
    %dma_wait3A_2414 = tpu.memref_slice %arg15[%dma_wait3A_2411, %dma_wait3A_2412, %dma_wait3A_2413] : memref<3x128x128xf32, #tpu.memory_space<vmem>> -> memref<1x128x128xf32, #tpu.memory_space<vmem>>
    %dma_wait3A_2415 = tpu.memref_squeeze %dma_wait3A_2414 : memref<1x128x128xf32, #tpu.memory_space<vmem>> -> memref<128x128xf32, #tpu.memory_space<vmem>>
    %dma_wait3A_2416 = arith.constant 128 : i32
    %dma_wait3A_2417 = tpu.memref_slice %arg10[%dma_wait3A_2416] : memref<1152xi32, #tpu.memory_space<vmem>> -> memref<128xi32, #tpu.memory_space<vmem>>
    %dma_wait3A_2418 = arith.constant 0 : i32
    %dma_wait3A_2419 = arith.constant 0 : i32
    %dma_wait3A_2420 = tpu.memref_slice %arg4[%dma_wait3A_2418, %dma_wait3A_2419] : memref<100001x128xf32, #tpu.memory_space<hbm>> -> memref<100001x128xf32, #tpu.memory_space<hbm>>
    tpu.wait_indirect_dma semaphore(%arg27 : memref<!tpu.dma_semaphore, #tpu.memory_space<semaphore_mem>>) src(%dma_wait3A_2420 : memref<100001x128xf32, #tpu.memory_space<hbm>>) dst(%dma_wait3A_2415 : memref<128x128xf32, #tpu.memory_space<vmem>>)
    %dma_wait3A_2421 = arith.constant 2 : i32
    %dma_wait3A_2422 = arith.constant 0 : i32
    %dma_wait3A_2423 = arith.constant 0 : i32
    %dma_wait3A_2424 = tpu.memref_slice %arg15[%dma_wait3A_2421, %dma_wait3A_2422, %dma_wait3A_2423] : memref<3x128x128xf32, #tpu.memory_space<vmem>> -> memref<1x128x128xf32, #tpu.memory_space<vmem>>
    %dma_wait3A_2425 = tpu.memref_squeeze %dma_wait3A_2424 : memref<1x128x128xf32, #tpu.memory_space<vmem>> -> memref<128x128xf32, #tpu.memory_space<vmem>>
    %dma_wait3A_2426 = arith.constant 256 : i32
    %dma_wait3A_2427 = tpu.memref_slice %arg10[%dma_wait3A_2426] : memref<1152xi32, #tpu.memory_space<vmem>> -> memref<128xi32, #tpu.memory_space<vmem>>
    %dma_wait3A_2428 = arith.constant 0 : i32
    %dma_wait3A_2429 = arith.constant 0 : i32
    %dma_wait3A_2430 = tpu.memref_slice %arg4[%dma_wait3A_2428, %dma_wait3A_2429] : memref<100001x128xf32, #tpu.memory_space<hbm>> -> memref<100001x128xf32, #tpu.memory_space<hbm>>
    tpu.wait_indirect_dma semaphore(%arg27 : memref<!tpu.dma_semaphore, #tpu.memory_space<semaphore_mem>>) src(%dma_wait3A_2430 : memref<100001x128xf32, #tpu.memory_space<hbm>>) dst(%dma_wait3A_2425 : memref<128x128xf32, #tpu.memory_space<vmem>>)
    %dma_wait3A_2431 = arith.constant 2 : i32
    %dma_wait3A_2432 = arith.constant 0 : i32
    %dma_wait3A_2433 = arith.constant 0 : i32
    %dma_wait3A_2434 = tpu.memref_slice %arg15[%dma_wait3A_2431, %dma_wait3A_2432, %dma_wait3A_2433] : memref<3x128x128xf32, #tpu.memory_space<vmem>> -> memref<1x128x128xf32, #tpu.memory_space<vmem>>
    %dma_wait3A_2435 = tpu.memref_squeeze %dma_wait3A_2434 : memref<1x128x128xf32, #tpu.memory_space<vmem>> -> memref<128x128xf32, #tpu.memory_space<vmem>>
    %dma_wait3A_2436 = arith.constant 384 : i32
    %dma_wait3A_2437 = tpu.memref_slice %arg10[%dma_wait3A_2436] : memref<1152xi32, #tpu.memory_space<vmem>> -> memref<128xi32, #tpu.memory_space<vmem>>
    %dma_wait3A_2438 = arith.constant 0 : i32
    %dma_wait3A_2439 = arith.constant 0 : i32
    %dma_wait3A_2440 = tpu.memref_slice %arg4[%dma_wait3A_2438, %dma_wait3A_2439] : memref<100001x128xf32, #tpu.memory_space<hbm>> -> memref<100001x128xf32, #tpu.memory_space<hbm>>
    tpu.wait_indirect_dma semaphore(%arg27 : memref<!tpu.dma_semaphore, #tpu.memory_space<semaphore_mem>>) src(%dma_wait3A_2440 : memref<100001x128xf32, #tpu.memory_space<hbm>>) dst(%dma_wait3A_2435 : memref<128x128xf32, #tpu.memory_space<vmem>>)
    %dma_wait3A_2441 = arith.constant 2 : i32
    %dma_wait3A_2442 = arith.constant 0 : i32
    %dma_wait3A_2443 = arith.constant 0 : i32
    %dma_wait3A_2444 = tpu.memref_slice %arg15[%dma_wait3A_2441, %dma_wait3A_2442, %dma_wait3A_2443] : memref<3x128x128xf32, #tpu.memory_space<vmem>> -> memref<1x128x128xf32, #tpu.memory_space<vmem>>
    %dma_wait3A_2445 = tpu.memref_squeeze %dma_wait3A_2444 : memref<1x128x128xf32, #tpu.memory_space<vmem>> -> memref<128x128xf32, #tpu.memory_space<vmem>>
    %dma_wait3A_2446 = arith.constant 512 : i32
    %dma_wait3A_2447 = tpu.memref_slice %arg10[%dma_wait3A_2446] : memref<1152xi32, #tpu.memory_space<vmem>> -> memref<128xi32, #tpu.memory_space<vmem>>
    %dma_wait3A_2448 = arith.constant 0 : i32
    %dma_wait3A_2449 = arith.constant 0 : i32
    %dma_wait3A_2450 = tpu.memref_slice %arg4[%dma_wait3A_2448, %dma_wait3A_2449] : memref<100001x128xf32, #tpu.memory_space<hbm>> -> memref<100001x128xf32, #tpu.memory_space<hbm>>
    tpu.wait_indirect_dma semaphore(%arg27 : memref<!tpu.dma_semaphore, #tpu.memory_space<semaphore_mem>>) src(%dma_wait3A_2450 : memref<100001x128xf32, #tpu.memory_space<hbm>>) dst(%dma_wait3A_2445 : memref<128x128xf32, #tpu.memory_space<vmem>>)
    %dma_wait3A_2451 = arith.constant 2 : i32
    %dma_wait3A_2452 = arith.constant 0 : i32
    %dma_wait3A_2453 = arith.constant 0 : i32
    %dma_wait3A_2454 = tpu.memref_slice %arg15[%dma_wait3A_2451, %dma_wait3A_2452, %dma_wait3A_2453] : memref<3x128x128xf32, #tpu.memory_space<vmem>> -> memref<1x128x128xf32, #tpu.memory_space<vmem>>
    %dma_wait3A_2455 = tpu.memref_squeeze %dma_wait3A_2454 : memref<1x128x128xf32, #tpu.memory_space<vmem>> -> memref<128x128xf32, #tpu.memory_space<vmem>>
    %dma_wait3A_2456 = arith.constant 640 : i32
    %dma_wait3A_2457 = tpu.memref_slice %arg10[%dma_wait3A_2456] : memref<1152xi32, #tpu.memory_space<vmem>> -> memref<128xi32, #tpu.memory_space<vmem>>
    %dma_wait3A_2458 = arith.constant 0 : i32
    %dma_wait3A_2459 = arith.constant 0 : i32
    %dma_wait3A_2460 = tpu.memref_slice %arg4[%dma_wait3A_2458, %dma_wait3A_2459] : memref<100001x128xf32, #tpu.memory_space<hbm>> -> memref<100001x128xf32, #tpu.memory_space<hbm>>
    tpu.wait_indirect_dma semaphore(%arg27 : memref<!tpu.dma_semaphore, #tpu.memory_space<semaphore_mem>>) src(%dma_wait3A_2460 : memref<100001x128xf32, #tpu.memory_space<hbm>>) dst(%dma_wait3A_2455 : memref<128x128xf32, #tpu.memory_space<vmem>>)
    %dma_wait3A_2461 = arith.constant 2 : i32
    %dma_wait3A_2462 = arith.constant 0 : i32
    %dma_wait3A_2463 = arith.constant 0 : i32
    %dma_wait3A_2464 = tpu.memref_slice %arg15[%dma_wait3A_2461, %dma_wait3A_2462, %dma_wait3A_2463] : memref<3x128x128xf32, #tpu.memory_space<vmem>> -> memref<1x128x128xf32, #tpu.memory_space<vmem>>
    %dma_wait3A_2465 = tpu.memref_squeeze %dma_wait3A_2464 : memref<1x128x128xf32, #tpu.memory_space<vmem>> -> memref<128x128xf32, #tpu.memory_space<vmem>>
    %dma_wait3A_2466 = arith.constant 768 : i32
    %dma_wait3A_2467 = tpu.memref_slice %arg10[%dma_wait3A_2466] : memref<1152xi32, #tpu.memory_space<vmem>> -> memref<128xi32, #tpu.memory_space<vmem>>
    %dma_wait3A_2468 = arith.constant 0 : i32
    %dma_wait3A_2469 = arith.constant 0 : i32
    %dma_wait3A_2470 = tpu.memref_slice %arg4[%dma_wait3A_2468, %dma_wait3A_2469] : memref<100001x128xf32, #tpu.memory_space<hbm>> -> memref<100001x128xf32, #tpu.memory_space<hbm>>
    tpu.wait_indirect_dma semaphore(%arg27 : memref<!tpu.dma_semaphore, #tpu.memory_space<semaphore_mem>>) src(%dma_wait3A_2470 : memref<100001x128xf32, #tpu.memory_space<hbm>>) dst(%dma_wait3A_2465 : memref<128x128xf32, #tpu.memory_space<vmem>>)
    %dma_wait3A_2471 = arith.constant 2 : i32
    %dma_wait3A_2472 = arith.constant 0 : i32
    %dma_wait3A_2473 = arith.constant 0 : i32
    %dma_wait3A_2474 = tpu.memref_slice %arg15[%dma_wait3A_2471, %dma_wait3A_2472, %dma_wait3A_2473] : memref<3x128x128xf32, #tpu.memory_space<vmem>> -> memref<1x128x128xf32, #tpu.memory_space<vmem>>
    %dma_wait3A_2475 = tpu.memref_squeeze %dma_wait3A_2474 : memref<1x128x128xf32, #tpu.memory_space<vmem>> -> memref<128x128xf32, #tpu.memory_space<vmem>>
    %dma_wait3A_2476 = arith.constant 896 : i32
    %dma_wait3A_2477 = tpu.memref_slice %arg10[%dma_wait3A_2476] : memref<1152xi32, #tpu.memory_space<vmem>> -> memref<128xi32, #tpu.memory_space<vmem>>
    %dma_wait3A_2478 = arith.constant 0 : i32
    %dma_wait3A_2479 = arith.constant 0 : i32
    %dma_wait3A_2480 = tpu.memref_slice %arg4[%dma_wait3A_2478, %dma_wait3A_2479] : memref<100001x128xf32, #tpu.memory_space<hbm>> -> memref<100001x128xf32, #tpu.memory_space<hbm>>
    tpu.wait_indirect_dma semaphore(%arg27 : memref<!tpu.dma_semaphore, #tpu.memory_space<semaphore_mem>>) src(%dma_wait3A_2480 : memref<100001x128xf32, #tpu.memory_space<hbm>>) dst(%dma_wait3A_2475 : memref<128x128xf32, #tpu.memory_space<vmem>>)
    %dma_wait3A_2481 = arith.constant 2 : i32
    %dma_wait3A_2482 = arith.constant 0 : i32
    %dma_wait3A_2483 = arith.constant 0 : i32
    %dma_wait3A_2484 = tpu.memref_slice %arg15[%dma_wait3A_2481, %dma_wait3A_2482, %dma_wait3A_2483] : memref<3x128x128xf32, #tpu.memory_space<vmem>> -> memref<1x128x128xf32, #tpu.memory_space<vmem>>
    %dma_wait3A_2485 = tpu.memref_squeeze %dma_wait3A_2484 : memref<1x128x128xf32, #tpu.memory_space<vmem>> -> memref<128x128xf32, #tpu.memory_space<vmem>>
    %dma_wait3A_2486 = arith.constant 1024 : i32
    %dma_wait3A_2487 = tpu.memref_slice %arg10[%dma_wait3A_2486] : memref<1152xi32, #tpu.memory_space<vmem>> -> memref<128xi32, #tpu.memory_space<vmem>>
    %dma_wait3A_2488 = arith.constant 0 : i32
    %dma_wait3A_2489 = arith.constant 0 : i32
    %dma_wait3A_2490 = tpu.memref_slice %arg4[%dma_wait3A_2488, %dma_wait3A_2489] : memref<100001x128xf32, #tpu.memory_space<hbm>> -> memref<100001x128xf32, #tpu.memory_space<hbm>>
    tpu.wait_indirect_dma semaphore(%arg27 : memref<!tpu.dma_semaphore, #tpu.memory_space<semaphore_mem>>) src(%dma_wait3A_2490 : memref<100001x128xf32, #tpu.memory_space<hbm>>) dst(%dma_wait3A_2485 : memref<128x128xf32, #tpu.memory_space<vmem>>)
    %mul3A_2491 = arith.constant 8 : i32
    %mul3A_2492 = arith.muli %add3A, %mul3A_2491 : i32
    %add3A_2493 = arith.constant 5 : i32
    %add3A_2494 = arith.addi %mul3A_2492, %add3A_2493 : i32
    %dma_start3A_2495 = arith.constant 2 : i32
    %dma_start3A_2496 = arith.constant 0 : i32
    %dma_start3A_2497 = arith.constant 0 : i32
    %dma_start3A_2498 = tpu.memref_slice %arg15[%dma_start3A_2495, %dma_start3A_2496, %dma_start3A_2497] : memref<3x128x128xf32, #tpu.memory_space<vmem>> -> memref<1x128x128xf32, #tpu.memory_space<vmem>>
    %dma_start3A_2499 = tpu.memref_squeeze %dma_start3A_2498 : memref<1x128x128xf32, #tpu.memory_space<vmem>> -> memref<128x128xf32, #tpu.memory_space<vmem>>
    %dma_start3A_2500 = arith.constant 0 : i32
    %dma_start3A_2501 = arith.constant 0 : i32
    %dma_start3A_2502 = tpu.memref_slice %arg7[%add3A_2494, %dma_start3A_2500, %dma_start3A_2501] : memref<256x129x128xf32, #tpu.memory_space<hbm>> -> memref<1x129x128xf32, #tpu.memory_space<hbm>>
    %dma_start3A_2503 = tpu.memref_squeeze %dma_start3A_2502 : memref<1x129x128xf32, #tpu.memory_space<hbm>> -> memref<129x128xf32, #tpu.memory_space<hbm>>
    %dma_start3A_2504 = arith.constant 0 : i32
    %dma_start3A_2505 = arith.constant 0 : i32
    %dma_start3A_2506 = tpu.memref_slice %dma_start3A_2503[%dma_start3A_2504, %dma_start3A_2505] : memref<129x128xf32, #tpu.memory_space<hbm>> -> memref<129x128xf32, #tpu.memory_space<hbm>>
    tpu.enqueue_indirect_dma source(%dma_start3A_2499 : memref<128x128xf32, #tpu.memory_space<vmem>>) target(%dma_start3A_2506 : memref<129x128xf32, #tpu.memory_space<hbm>>) offsets(%arg14 : memref<128xi32, #tpu.memory_space<vmem>>) semaphore(%arg30 : memref<!tpu.dma_semaphore, #tpu.memory_space<semaphore_mem>>)
    %dma_wait3A_2507 = arith.constant 0 : i32
    %dma_wait3A_2508 = arith.constant 0 : i32
    %dma_wait3A_2509 = arith.constant 0 : i32
    %dma_wait3A_2510 = tpu.memref_slice %arg15[%dma_wait3A_2507, %dma_wait3A_2508, %dma_wait3A_2509] : memref<3x128x128xf32, #tpu.memory_space<vmem>> -> memref<1x128x128xf32, #tpu.memory_space<vmem>>
    %dma_wait3A_2511 = tpu.memref_squeeze %dma_wait3A_2510 : memref<1x128x128xf32, #tpu.memory_space<vmem>> -> memref<128x128xf32, #tpu.memory_space<vmem>>
    %dma_wait3A_2512 = arith.constant 0 : i32
    %dma_wait3A_2513 = arith.constant 0 : i32
    %dma_wait3A_2514 = tpu.memref_slice %arg16[%dma_wait3A_2512, %dma_wait3A_2513] : memref<512x128xf32, #tpu.memory_space<vmem_shared>> -> memref<512x128xf32, #tpu.memory_space<vmem_shared>>
    tpu.wait_indirect_dma semaphore(%arg22 : memref<!tpu.dma_semaphore, #tpu.memory_space<semaphore_mem>>) src(%dma_wait3A_2514 : memref<512x128xf32, #tpu.memory_space<vmem_shared>>) dst(%dma_wait3A_2511 : memref<128x128xf32, #tpu.memory_space<vmem>>)
    %dma_start3A_2515 = arith.constant 0 : i32
    %dma_start3A_2516 = arith.constant 0 : i32
    %dma_start3A_2517 = arith.constant 0 : i32
    %dma_start3A_2518 = tpu.memref_slice %arg15[%dma_start3A_2515, %dma_start3A_2516, %dma_start3A_2517] : memref<3x128x128xf32, #tpu.memory_space<vmem>> -> memref<1x128x128xf32, #tpu.memory_space<vmem>>
    %dma_start3A_2519 = tpu.memref_squeeze %dma_start3A_2518 : memref<1x128x128xf32, #tpu.memory_space<vmem>> -> memref<128x128xf32, #tpu.memory_space<vmem>>
    %dma_start3A_2520 = arith.constant 0 : i32
    %dma_start3A_2521 = tpu.memref_slice %arg8[%dma_start3A_2520] : memref<1152xi32, #tpu.memory_space<vmem>> -> memref<128xi32, #tpu.memory_space<vmem>>
    %dma_start3A_2522 = arith.constant 0 : i32
    %dma_start3A_2523 = arith.constant 0 : i32
    %dma_start3A_2524 = tpu.memref_slice %arg4[%dma_start3A_2522, %dma_start3A_2523] : memref<100001x128xf32, #tpu.memory_space<hbm>> -> memref<100001x128xf32, #tpu.memory_space<hbm>>
    tpu.enqueue_indirect_dma source(%dma_start3A_2524 : memref<100001x128xf32, #tpu.memory_space<hbm>>) target(%dma_start3A_2519 : memref<128x128xf32, #tpu.memory_space<vmem>>) offsets(%dma_start3A_2521 : memref<128xi32, #tpu.memory_space<vmem>>) semaphore(%arg25 : memref<!tpu.dma_semaphore, #tpu.memory_space<semaphore_mem>>) {add = true}
    %dma_start3A_2525 = arith.constant 0 : i32
    %dma_start3A_2526 = arith.constant 0 : i32
    %dma_start3A_2527 = arith.constant 0 : i32
    %dma_start3A_2528 = tpu.memref_slice %arg15[%dma_start3A_2525, %dma_start3A_2526, %dma_start3A_2527] : memref<3x128x128xf32, #tpu.memory_space<vmem>> -> memref<1x128x128xf32, #tpu.memory_space<vmem>>
    %dma_start3A_2529 = tpu.memref_squeeze %dma_start3A_2528 : memref<1x128x128xf32, #tpu.memory_space<vmem>> -> memref<128x128xf32, #tpu.memory_space<vmem>>
    %dma_start3A_2530 = arith.constant 128 : i32
    %dma_start3A_2531 = tpu.memref_slice %arg8[%dma_start3A_2530] : memref<1152xi32, #tpu.memory_space<vmem>> -> memref<128xi32, #tpu.memory_space<vmem>>
    %dma_start3A_2532 = arith.constant 0 : i32
    %dma_start3A_2533 = arith.constant 0 : i32
    %dma_start3A_2534 = tpu.memref_slice %arg4[%dma_start3A_2532, %dma_start3A_2533] : memref<100001x128xf32, #tpu.memory_space<hbm>> -> memref<100001x128xf32, #tpu.memory_space<hbm>>
    tpu.enqueue_indirect_dma source(%dma_start3A_2534 : memref<100001x128xf32, #tpu.memory_space<hbm>>) target(%dma_start3A_2529 : memref<128x128xf32, #tpu.memory_space<vmem>>) offsets(%dma_start3A_2531 : memref<128xi32, #tpu.memory_space<vmem>>) semaphore(%arg25 : memref<!tpu.dma_semaphore, #tpu.memory_space<semaphore_mem>>) {add = true}
    %dma_start3A_2535 = arith.constant 0 : i32
    %dma_start3A_2536 = arith.constant 0 : i32
    %dma_start3A_2537 = arith.constant 0 : i32
    %dma_start3A_2538 = tpu.memref_slice %arg15[%dma_start3A_2535, %dma_start3A_2536, %dma_start3A_2537] : memref<3x128x128xf32, #tpu.memory_space<vmem>> -> memref<1x128x128xf32, #tpu.memory_space<vmem>>
    %dma_start3A_2539 = tpu.memref_squeeze %dma_start3A_2538 : memref<1x128x128xf32, #tpu.memory_space<vmem>> -> memref<128x128xf32, #tpu.memory_space<vmem>>
    %dma_start3A_2540 = arith.constant 256 : i32
    %dma_start3A_2541 = tpu.memref_slice %arg8[%dma_start3A_2540] : memref<1152xi32, #tpu.memory_space<vmem>> -> memref<128xi32, #tpu.memory_space<vmem>>
    %dma_start3A_2542 = arith.constant 0 : i32
    %dma_start3A_2543 = arith.constant 0 : i32
    %dma_start3A_2544 = tpu.memref_slice %arg4[%dma_start3A_2542, %dma_start3A_2543] : memref<100001x128xf32, #tpu.memory_space<hbm>> -> memref<100001x128xf32, #tpu.memory_space<hbm>>
    tpu.enqueue_indirect_dma source(%dma_start3A_2544 : memref<100001x128xf32, #tpu.memory_space<hbm>>) target(%dma_start3A_2539 : memref<128x128xf32, #tpu.memory_space<vmem>>) offsets(%dma_start3A_2541 : memref<128xi32, #tpu.memory_space<vmem>>) semaphore(%arg25 : memref<!tpu.dma_semaphore, #tpu.memory_space<semaphore_mem>>) {add = true}
    %dma_start3A_2545 = arith.constant 0 : i32
    %dma_start3A_2546 = arith.constant 0 : i32
    %dma_start3A_2547 = arith.constant 0 : i32
    %dma_start3A_2548 = tpu.memref_slice %arg15[%dma_start3A_2545, %dma_start3A_2546, %dma_start3A_2547] : memref<3x128x128xf32, #tpu.memory_space<vmem>> -> memref<1x128x128xf32, #tpu.memory_space<vmem>>
    %dma_start3A_2549 = tpu.memref_squeeze %dma_start3A_2548 : memref<1x128x128xf32, #tpu.memory_space<vmem>> -> memref<128x128xf32, #tpu.memory_space<vmem>>
    %dma_start3A_2550 = arith.constant 384 : i32
    %dma_start3A_2551 = tpu.memref_slice %arg8[%dma_start3A_2550] : memref<1152xi32, #tpu.memory_space<vmem>> -> memref<128xi32, #tpu.memory_space<vmem>>
    %dma_start3A_2552 = arith.constant 0 : i32
    %dma_start3A_2553 = arith.constant 0 : i32
    %dma_start3A_2554 = tpu.memref_slice %arg4[%dma_start3A_2552, %dma_start3A_2553] : memref<100001x128xf32, #tpu.memory_space<hbm>> -> memref<100001x128xf32, #tpu.memory_space<hbm>>
    tpu.enqueue_indirect_dma source(%dma_start3A_2554 : memref<100001x128xf32, #tpu.memory_space<hbm>>) target(%dma_start3A_2549 : memref<128x128xf32, #tpu.memory_space<vmem>>) offsets(%dma_start3A_2551 : memref<128xi32, #tpu.memory_space<vmem>>) semaphore(%arg25 : memref<!tpu.dma_semaphore, #tpu.memory_space<semaphore_mem>>) {add = true}
    %dma_start3A_2555 = arith.constant 0 : i32
    %dma_start3A_2556 = arith.constant 0 : i32
    %dma_start3A_2557 = arith.constant 0 : i32
    %dma_start3A_2558 = tpu.memref_slice %arg15[%dma_start3A_2555, %dma_start3A_2556, %dma_start3A_2557] : memref<3x128x128xf32, #tpu.memory_space<vmem>> -> memref<1x128x128xf32, #tpu.memory_space<vmem>>
    %dma_start3A_2559 = tpu.memref_squeeze %dma_start3A_2558 : memref<1x128x128xf32, #tpu.memory_space<vmem>> -> memref<128x128xf32, #tpu.memory_space<vmem>>
    %dma_start3A_2560 = arith.constant 512 : i32
    %dma_start3A_2561 = tpu.memref_slice %arg8[%dma_start3A_2560] : memref<1152xi32, #tpu.memory_space<vmem>> -> memref<128xi32, #tpu.memory_space<vmem>>
    %dma_start3A_2562 = arith.constant 0 : i32
    %dma_start3A_2563 = arith.constant 0 : i32
    %dma_start3A_2564 = tpu.memref_slice %arg4[%dma_start3A_2562, %dma_start3A_2563] : memref<100001x128xf32, #tpu.memory_space<hbm>> -> memref<100001x128xf32, #tpu.memory_space<hbm>>
    tpu.enqueue_indirect_dma source(%dma_start3A_2564 : memref<100001x128xf32, #tpu.memory_space<hbm>>) target(%dma_start3A_2559 : memref<128x128xf32, #tpu.memory_space<vmem>>) offsets(%dma_start3A_2561 : memref<128xi32, #tpu.memory_space<vmem>>) semaphore(%arg25 : memref<!tpu.dma_semaphore, #tpu.memory_space<semaphore_mem>>) {add = true}
    %dma_start3A_2565 = arith.constant 0 : i32
    %dma_start3A_2566 = arith.constant 0 : i32
    %dma_start3A_2567 = arith.constant 0 : i32
    %dma_start3A_2568 = tpu.memref_slice %arg15[%dma_start3A_2565, %dma_start3A_2566, %dma_start3A_2567] : memref<3x128x128xf32, #tpu.memory_space<vmem>> -> memref<1x128x128xf32, #tpu.memory_space<vmem>>
    %dma_start3A_2569 = tpu.memref_squeeze %dma_start3A_2568 : memref<1x128x128xf32, #tpu.memory_space<vmem>> -> memref<128x128xf32, #tpu.memory_space<vmem>>
    %dma_start3A_2570 = arith.constant 640 : i32
    %dma_start3A_2571 = tpu.memref_slice %arg8[%dma_start3A_2570] : memref<1152xi32, #tpu.memory_space<vmem>> -> memref<128xi32, #tpu.memory_space<vmem>>
    %dma_start3A_2572 = arith.constant 0 : i32
    %dma_start3A_2573 = arith.constant 0 : i32
    %dma_start3A_2574 = tpu.memref_slice %arg4[%dma_start3A_2572, %dma_start3A_2573] : memref<100001x128xf32, #tpu.memory_space<hbm>> -> memref<100001x128xf32, #tpu.memory_space<hbm>>
    tpu.enqueue_indirect_dma source(%dma_start3A_2574 : memref<100001x128xf32, #tpu.memory_space<hbm>>) target(%dma_start3A_2569 : memref<128x128xf32, #tpu.memory_space<vmem>>) offsets(%dma_start3A_2571 : memref<128xi32, #tpu.memory_space<vmem>>) semaphore(%arg25 : memref<!tpu.dma_semaphore, #tpu.memory_space<semaphore_mem>>) {add = true}
    %dma_start3A_2575 = arith.constant 0 : i32
    %dma_start3A_2576 = arith.constant 0 : i32
    %dma_start3A_2577 = arith.constant 0 : i32
    %dma_start3A_2578 = tpu.memref_slice %arg15[%dma_start3A_2575, %dma_start3A_2576, %dma_start3A_2577] : memref<3x128x128xf32, #tpu.memory_space<vmem>> -> memref<1x128x128xf32, #tpu.memory_space<vmem>>
    %dma_start3A_2579 = tpu.memref_squeeze %dma_start3A_2578 : memref<1x128x128xf32, #tpu.memory_space<vmem>> -> memref<128x128xf32, #tpu.memory_space<vmem>>
    %dma_start3A_2580 = arith.constant 768 : i32
    %dma_start3A_2581 = tpu.memref_slice %arg8[%dma_start3A_2580] : memref<1152xi32, #tpu.memory_space<vmem>> -> memref<128xi32, #tpu.memory_space<vmem>>
    %dma_start3A_2582 = arith.constant 0 : i32
    %dma_start3A_2583 = arith.constant 0 : i32
    %dma_start3A_2584 = tpu.memref_slice %arg4[%dma_start3A_2582, %dma_start3A_2583] : memref<100001x128xf32, #tpu.memory_space<hbm>> -> memref<100001x128xf32, #tpu.memory_space<hbm>>
    tpu.enqueue_indirect_dma source(%dma_start3A_2584 : memref<100001x128xf32, #tpu.memory_space<hbm>>) target(%dma_start3A_2579 : memref<128x128xf32, #tpu.memory_space<vmem>>) offsets(%dma_start3A_2581 : memref<128xi32, #tpu.memory_space<vmem>>) semaphore(%arg25 : memref<!tpu.dma_semaphore, #tpu.memory_space<semaphore_mem>>) {add = true}
    %dma_start3A_2585 = arith.constant 0 : i32
    %dma_start3A_2586 = arith.constant 0 : i32
    %dma_start3A_2587 = arith.constant 0 : i32
    %dma_start3A_2588 = tpu.memref_slice %arg15[%dma_start3A_2585, %dma_start3A_2586, %dma_start3A_2587] : memref<3x128x128xf32, #tpu.memory_space<vmem>> -> memref<1x128x128xf32, #tpu.memory_space<vmem>>
    %dma_start3A_2589 = tpu.memref_squeeze %dma_start3A_2588 : memref<1x128x128xf32, #tpu.memory_space<vmem>> -> memref<128x128xf32, #tpu.memory_space<vmem>>
    %dma_start3A_2590 = arith.constant 896 : i32
    %dma_start3A_2591 = tpu.memref_slice %arg8[%dma_start3A_2590] : memref<1152xi32, #tpu.memory_space<vmem>> -> memref<128xi32, #tpu.memory_space<vmem>>
    %dma_start3A_2592 = arith.constant 0 : i32
    %dma_start3A_2593 = arith.constant 0 : i32
    %dma_start3A_2594 = tpu.memref_slice %arg4[%dma_start3A_2592, %dma_start3A_2593] : memref<100001x128xf32, #tpu.memory_space<hbm>> -> memref<100001x128xf32, #tpu.memory_space<hbm>>
    tpu.enqueue_indirect_dma source(%dma_start3A_2594 : memref<100001x128xf32, #tpu.memory_space<hbm>>) target(%dma_start3A_2589 : memref<128x128xf32, #tpu.memory_space<vmem>>) offsets(%dma_start3A_2591 : memref<128xi32, #tpu.memory_space<vmem>>) semaphore(%arg25 : memref<!tpu.dma_semaphore, #tpu.memory_space<semaphore_mem>>) {add = true}
    %dma_start3A_2595 = arith.constant 0 : i32
    %dma_start3A_2596 = arith.constant 0 : i32
    %dma_start3A_2597 = arith.constant 0 : i32
    %dma_start3A_2598 = tpu.memref_slice %arg15[%dma_start3A_2595, %dma_start3A_2596, %dma_start3A_2597] : memref<3x128x128xf32, #tpu.memory_space<vmem>> -> memref<1x128x128xf32, #tpu.memory_space<vmem>>
    %dma_start3A_2599 = tpu.memref_squeeze %dma_start3A_2598 : memref<1x128x128xf32, #tpu.memory_space<vmem>> -> memref<128x128xf32, #tpu.memory_space<vmem>>
    %dma_start3A_2600 = arith.constant 1024 : i32
    %dma_start3A_2601 = tpu.memref_slice %arg8[%dma_start3A_2600] : memref<1152xi32, #tpu.memory_space<vmem>> -> memref<128xi32, #tpu.memory_space<vmem>>
    %dma_start3A_2602 = arith.constant 0 : i32
    %dma_start3A_2603 = arith.constant 0 : i32
    %dma_start3A_2604 = tpu.memref_slice %arg4[%dma_start3A_2602, %dma_start3A_2603] : memref<100001x128xf32, #tpu.memory_space<hbm>> -> memref<100001x128xf32, #tpu.memory_space<hbm>>
    tpu.enqueue_indirect_dma source(%dma_start3A_2604 : memref<100001x128xf32, #tpu.memory_space<hbm>>) target(%dma_start3A_2599 : memref<128x128xf32, #tpu.memory_space<vmem>>) offsets(%dma_start3A_2601 : memref<128xi32, #tpu.memory_space<vmem>>) semaphore(%arg25 : memref<!tpu.dma_semaphore, #tpu.memory_space<semaphore_mem>>) {add = true}
    %mul3A_2605 = arith.constant 8 : i32
    %mul3A_2606 = arith.muli %add3A, %mul3A_2605 : i32
    %add3A_2607 = arith.constant 5 : i32
    %add3A_2608 = arith.addi %mul3A_2606, %add3A_2607 : i32
    %dma_wait3A_2609 = arith.constant 2 : i32
    %dma_wait3A_2610 = arith.constant 0 : i32
    %dma_wait3A_2611 = arith.constant 0 : i32
    %dma_wait3A_2612 = tpu.memref_slice %arg15[%dma_wait3A_2609, %dma_wait3A_2610, %dma_wait3A_2611] : memref<3x128x128xf32, #tpu.memory_space<vmem>> -> memref<1x128x128xf32, #tpu.memory_space<vmem>>
    %dma_wait3A_2613 = tpu.memref_squeeze %dma_wait3A_2612 : memref<1x128x128xf32, #tpu.memory_space<vmem>> -> memref<128x128xf32, #tpu.memory_space<vmem>>
    %dma_wait3A_2614 = arith.constant 0 : i32
    %dma_wait3A_2615 = arith.constant 0 : i32
    %dma_wait3A_2616 = tpu.memref_slice %arg7[%add3A_2608, %dma_wait3A_2614, %dma_wait3A_2615] : memref<256x129x128xf32, #tpu.memory_space<hbm>> -> memref<1x129x128xf32, #tpu.memory_space<hbm>>
    %dma_wait3A_2617 = tpu.memref_squeeze %dma_wait3A_2616 : memref<1x129x128xf32, #tpu.memory_space<hbm>> -> memref<129x128xf32, #tpu.memory_space<hbm>>
    %dma_wait3A_2618 = arith.constant 0 : i32
    %dma_wait3A_2619 = arith.constant 0 : i32
    %dma_wait3A_2620 = tpu.memref_slice %dma_wait3A_2617[%dma_wait3A_2618, %dma_wait3A_2619] : memref<129x128xf32, #tpu.memory_space<hbm>> -> memref<129x128xf32, #tpu.memory_space<hbm>>
    tpu.wait_indirect_dma semaphore(%arg30 : memref<!tpu.dma_semaphore, #tpu.memory_space<semaphore_mem>>) src(%dma_wait3A_2613 : memref<128x128xf32, #tpu.memory_space<vmem>>) dst(%dma_wait3A_2620 : memref<129x128xf32, #tpu.memory_space<hbm>>)
    %dma_wait3A_2621 = arith.constant 0 : i32
    %dma_wait3A_2622 = tpu.memref_slice %arg2[%dma_wait3A_2621] : memref<294912xi32, #tpu.memory_space<hbm>> -> memref<1152xi32, #tpu.memory_space<hbm>>
    %dma_wait3A_2623 = arith.constant 0 : i32
    %dma_wait3A_2624 = tpu.memref_slice %arg2[%dma_wait3A_2623] : memref<294912xi32, #tpu.memory_space<hbm>> -> memref<1152xi32, #tpu.memory_space<hbm>>
    tpu.wait_dma2 semaphore(%arg20 : memref<!tpu.dma_semaphore, #tpu.memory_space<semaphore_mem>>) src(%dma_wait3A_2624 : memref<1152xi32, #tpu.memory_space<hbm>>) dst(%arg9 : memref<1152xi32, #tpu.memory_space<vmem>>)
    %dma_wait3A_2625 = arith.constant 0 : i32
    %dma_wait3A_2626 = tpu.memref_slice %arg3[%dma_wait3A_2625] : memref<32768xi32, #tpu.memory_space<hbm>> -> memref<128xi32, #tpu.memory_space<hbm>>
    %dma_wait3A_2627 = arith.constant 0 : i32
    %dma_wait3A_2628 = tpu.memref_slice %arg3[%dma_wait3A_2627] : memref<32768xi32, #tpu.memory_space<hbm>> -> memref<128xi32, #tpu.memory_space<hbm>>
    tpu.wait_dma2 semaphore(%arg20 : memref<!tpu.dma_semaphore, #tpu.memory_space<semaphore_mem>>) src(%dma_wait3A_2628 : memref<128xi32, #tpu.memory_space<hbm>>) dst(%arg12 : memref<128xi32, #tpu.memory_space<vmem>>)
    %dma_start3A_2629 = arith.constant 1 : i32
    %dma_start3A_2630 = arith.constant 0 : i32
    %dma_start3A_2631 = arith.constant 0 : i32
    %dma_start3A_2632 = tpu.memref_slice %arg15[%dma_start3A_2629, %dma_start3A_2630, %dma_start3A_2631] : memref<3x128x128xf32, #tpu.memory_space<vmem>> -> memref<1x128x128xf32, #tpu.memory_space<vmem>>
    %dma_start3A_2633 = tpu.memref_squeeze %dma_start3A_2632 : memref<1x128x128xf32, #tpu.memory_space<vmem>> -> memref<128x128xf32, #tpu.memory_space<vmem>>
    %dma_start3A_2634 = arith.constant 0 : i32
    %dma_start3A_2635 = arith.constant 0 : i32
    %dma_start3A_2636 = tpu.memref_slice %arg16[%dma_start3A_2634, %dma_start3A_2635] : memref<512x128xf32, #tpu.memory_space<vmem_shared>> -> memref<512x128xf32, #tpu.memory_space<vmem_shared>>
    tpu.enqueue_indirect_dma source(%dma_start3A_2636 : memref<512x128xf32, #tpu.memory_space<vmem_shared>>) target(%dma_start3A_2633 : memref<128x128xf32, #tpu.memory_space<vmem>>) offsets(%arg12 : memref<128xi32, #tpu.memory_space<vmem>>) semaphore(%arg23 : memref<!tpu.dma_semaphore, #tpu.memory_space<semaphore_mem>>)
    %dma_wait3A_2637 = arith.constant 0 : i32
    %dma_wait3A_2638 = arith.constant 0 : i32
    %dma_wait3A_2639 = arith.constant 0 : i32
    %dma_wait3A_2640 = tpu.memref_slice %arg15[%dma_wait3A_2637, %dma_wait3A_2638, %dma_wait3A_2639] : memref<3x128x128xf32, #tpu.memory_space<vmem>> -> memref<1x128x128xf32, #tpu.memory_space<vmem>>
    %dma_wait3A_2641 = tpu.memref_squeeze %dma_wait3A_2640 : memref<1x128x128xf32, #tpu.memory_space<vmem>> -> memref<128x128xf32, #tpu.memory_space<vmem>>
    %dma_wait3A_2642 = arith.constant 0 : i32
    %dma_wait3A_2643 = tpu.memref_slice %arg8[%dma_wait3A_2642] : memref<1152xi32, #tpu.memory_space<vmem>> -> memref<128xi32, #tpu.memory_space<vmem>>
    %dma_wait3A_2644 = arith.constant 0 : i32
    %dma_wait3A_2645 = arith.constant 0 : i32
    %dma_wait3A_2646 = tpu.memref_slice %arg4[%dma_wait3A_2644, %dma_wait3A_2645] : memref<100001x128xf32, #tpu.memory_space<hbm>> -> memref<100001x128xf32, #tpu.memory_space<hbm>>
    tpu.wait_indirect_dma semaphore(%arg25 : memref<!tpu.dma_semaphore, #tpu.memory_space<semaphore_mem>>) src(%dma_wait3A_2646 : memref<100001x128xf32, #tpu.memory_space<hbm>>) dst(%dma_wait3A_2641 : memref<128x128xf32, #tpu.memory_space<vmem>>)
    %dma_wait3A_2647 = arith.constant 0 : i32
    %dma_wait3A_2648 = arith.constant 0 : i32
    %dma_wait3A_2649 = arith.constant 0 : i32
    %dma_wait3A_2650 = tpu.memref_slice %arg15[%dma_wait3A_2647, %dma_wait3A_2648, %dma_wait3A_2649] : memref<3x128x128xf32, #tpu.memory_space<vmem>> -> memref<1x128x128xf32, #tpu.memory_space<vmem>>
    %dma_wait3A_2651 = tpu.memref_squeeze %dma_wait3A_2650 : memref<1x128x128xf32, #tpu.memory_space<vmem>> -> memref<128x128xf32, #tpu.memory_space<vmem>>
    %dma_wait3A_2652 = arith.constant 128 : i32
    %dma_wait3A_2653 = tpu.memref_slice %arg8[%dma_wait3A_2652] : memref<1152xi32, #tpu.memory_space<vmem>> -> memref<128xi32, #tpu.memory_space<vmem>>
    %dma_wait3A_2654 = arith.constant 0 : i32
    %dma_wait3A_2655 = arith.constant 0 : i32
    %dma_wait3A_2656 = tpu.memref_slice %arg4[%dma_wait3A_2654, %dma_wait3A_2655] : memref<100001x128xf32, #tpu.memory_space<hbm>> -> memref<100001x128xf32, #tpu.memory_space<hbm>>
    tpu.wait_indirect_dma semaphore(%arg25 : memref<!tpu.dma_semaphore, #tpu.memory_space<semaphore_mem>>) src(%dma_wait3A_2656 : memref<100001x128xf32, #tpu.memory_space<hbm>>) dst(%dma_wait3A_2651 : memref<128x128xf32, #tpu.memory_space<vmem>>)
    %dma_wait3A_2657 = arith.constant 0 : i32
    %dma_wait3A_2658 = arith.constant 0 : i32
    %dma_wait3A_2659 = arith.constant 0 : i32
    %dma_wait3A_2660 = tpu.memref_slice %arg15[%dma_wait3A_2657, %dma_wait3A_2658, %dma_wait3A_2659] : memref<3x128x128xf32, #tpu.memory_space<vmem>> -> memref<1x128x128xf32, #tpu.memory_space<vmem>>
    %dma_wait3A_2661 = tpu.memref_squeeze %dma_wait3A_2660 : memref<1x128x128xf32, #tpu.memory_space<vmem>> -> memref<128x128xf32, #tpu.memory_space<vmem>>
    %dma_wait3A_2662 = arith.constant 256 : i32
    %dma_wait3A_2663 = tpu.memref_slice %arg8[%dma_wait3A_2662] : memref<1152xi32, #tpu.memory_space<vmem>> -> memref<128xi32, #tpu.memory_space<vmem>>
    %dma_wait3A_2664 = arith.constant 0 : i32
    %dma_wait3A_2665 = arith.constant 0 : i32
    %dma_wait3A_2666 = tpu.memref_slice %arg4[%dma_wait3A_2664, %dma_wait3A_2665] : memref<100001x128xf32, #tpu.memory_space<hbm>> -> memref<100001x128xf32, #tpu.memory_space<hbm>>
    tpu.wait_indirect_dma semaphore(%arg25 : memref<!tpu.dma_semaphore, #tpu.memory_space<semaphore_mem>>) src(%dma_wait3A_2666 : memref<100001x128xf32, #tpu.memory_space<hbm>>) dst(%dma_wait3A_2661 : memref<128x128xf32, #tpu.memory_space<vmem>>)
    %dma_wait3A_2667 = arith.constant 0 : i32
    %dma_wait3A_2668 = arith.constant 0 : i32
    %dma_wait3A_2669 = arith.constant 0 : i32
    %dma_wait3A_2670 = tpu.memref_slice %arg15[%dma_wait3A_2667, %dma_wait3A_2668, %dma_wait3A_2669] : memref<3x128x128xf32, #tpu.memory_space<vmem>> -> memref<1x128x128xf32, #tpu.memory_space<vmem>>
    %dma_wait3A_2671 = tpu.memref_squeeze %dma_wait3A_2670 : memref<1x128x128xf32, #tpu.memory_space<vmem>> -> memref<128x128xf32, #tpu.memory_space<vmem>>
    %dma_wait3A_2672 = arith.constant 384 : i32
    %dma_wait3A_2673 = tpu.memref_slice %arg8[%dma_wait3A_2672] : memref<1152xi32, #tpu.memory_space<vmem>> -> memref<128xi32, #tpu.memory_space<vmem>>
    %dma_wait3A_2674 = arith.constant 0 : i32
    %dma_wait3A_2675 = arith.constant 0 : i32
    %dma_wait3A_2676 = tpu.memref_slice %arg4[%dma_wait3A_2674, %dma_wait3A_2675] : memref<100001x128xf32, #tpu.memory_space<hbm>> -> memref<100001x128xf32, #tpu.memory_space<hbm>>
    tpu.wait_indirect_dma semaphore(%arg25 : memref<!tpu.dma_semaphore, #tpu.memory_space<semaphore_mem>>) src(%dma_wait3A_2676 : memref<100001x128xf32, #tpu.memory_space<hbm>>) dst(%dma_wait3A_2671 : memref<128x128xf32, #tpu.memory_space<vmem>>)
    %dma_wait3A_2677 = arith.constant 0 : i32
    %dma_wait3A_2678 = arith.constant 0 : i32
    %dma_wait3A_2679 = arith.constant 0 : i32
    %dma_wait3A_2680 = tpu.memref_slice %arg15[%dma_wait3A_2677, %dma_wait3A_2678, %dma_wait3A_2679] : memref<3x128x128xf32, #tpu.memory_space<vmem>> -> memref<1x128x128xf32, #tpu.memory_space<vmem>>
    %dma_wait3A_2681 = tpu.memref_squeeze %dma_wait3A_2680 : memref<1x128x128xf32, #tpu.memory_space<vmem>> -> memref<128x128xf32, #tpu.memory_space<vmem>>
    %dma_wait3A_2682 = arith.constant 512 : i32
    %dma_wait3A_2683 = tpu.memref_slice %arg8[%dma_wait3A_2682] : memref<1152xi32, #tpu.memory_space<vmem>> -> memref<128xi32, #tpu.memory_space<vmem>>
    %dma_wait3A_2684 = arith.constant 0 : i32
    %dma_wait3A_2685 = arith.constant 0 : i32
    %dma_wait3A_2686 = tpu.memref_slice %arg4[%dma_wait3A_2684, %dma_wait3A_2685] : memref<100001x128xf32, #tpu.memory_space<hbm>> -> memref<100001x128xf32, #tpu.memory_space<hbm>>
    tpu.wait_indirect_dma semaphore(%arg25 : memref<!tpu.dma_semaphore, #tpu.memory_space<semaphore_mem>>) src(%dma_wait3A_2686 : memref<100001x128xf32, #tpu.memory_space<hbm>>) dst(%dma_wait3A_2681 : memref<128x128xf32, #tpu.memory_space<vmem>>)
    %dma_wait3A_2687 = arith.constant 0 : i32
    %dma_wait3A_2688 = arith.constant 0 : i32
    %dma_wait3A_2689 = arith.constant 0 : i32
    %dma_wait3A_2690 = tpu.memref_slice %arg15[%dma_wait3A_2687, %dma_wait3A_2688, %dma_wait3A_2689] : memref<3x128x128xf32, #tpu.memory_space<vmem>> -> memref<1x128x128xf32, #tpu.memory_space<vmem>>
    %dma_wait3A_2691 = tpu.memref_squeeze %dma_wait3A_2690 : memref<1x128x128xf32, #tpu.memory_space<vmem>> -> memref<128x128xf32, #tpu.memory_space<vmem>>
    %dma_wait3A_2692 = arith.constant 640 : i32
    %dma_wait3A_2693 = tpu.memref_slice %arg8[%dma_wait3A_2692] : memref<1152xi32, #tpu.memory_space<vmem>> -> memref<128xi32, #tpu.memory_space<vmem>>
    %dma_wait3A_2694 = arith.constant 0 : i32
    %dma_wait3A_2695 = arith.constant 0 : i32
    %dma_wait3A_2696 = tpu.memref_slice %arg4[%dma_wait3A_2694, %dma_wait3A_2695] : memref<100001x128xf32, #tpu.memory_space<hbm>> -> memref<100001x128xf32, #tpu.memory_space<hbm>>
    tpu.wait_indirect_dma semaphore(%arg25 : memref<!tpu.dma_semaphore, #tpu.memory_space<semaphore_mem>>) src(%dma_wait3A_2696 : memref<100001x128xf32, #tpu.memory_space<hbm>>) dst(%dma_wait3A_2691 : memref<128x128xf32, #tpu.memory_space<vmem>>)
    %dma_wait3A_2697 = arith.constant 0 : i32
    %dma_wait3A_2698 = arith.constant 0 : i32
    %dma_wait3A_2699 = arith.constant 0 : i32
    %dma_wait3A_2700 = tpu.memref_slice %arg15[%dma_wait3A_2697, %dma_wait3A_2698, %dma_wait3A_2699] : memref<3x128x128xf32, #tpu.memory_space<vmem>> -> memref<1x128x128xf32, #tpu.memory_space<vmem>>
    %dma_wait3A_2701 = tpu.memref_squeeze %dma_wait3A_2700 : memref<1x128x128xf32, #tpu.memory_space<vmem>> -> memref<128x128xf32, #tpu.memory_space<vmem>>
    %dma_wait3A_2702 = arith.constant 768 : i32
    %dma_wait3A_2703 = tpu.memref_slice %arg8[%dma_wait3A_2702] : memref<1152xi32, #tpu.memory_space<vmem>> -> memref<128xi32, #tpu.memory_space<vmem>>
    %dma_wait3A_2704 = arith.constant 0 : i32
    %dma_wait3A_2705 = arith.constant 0 : i32
    %dma_wait3A_2706 = tpu.memref_slice %arg4[%dma_wait3A_2704, %dma_wait3A_2705] : memref<100001x128xf32, #tpu.memory_space<hbm>> -> memref<100001x128xf32, #tpu.memory_space<hbm>>
    tpu.wait_indirect_dma semaphore(%arg25 : memref<!tpu.dma_semaphore, #tpu.memory_space<semaphore_mem>>) src(%dma_wait3A_2706 : memref<100001x128xf32, #tpu.memory_space<hbm>>) dst(%dma_wait3A_2701 : memref<128x128xf32, #tpu.memory_space<vmem>>)
    %dma_wait3A_2707 = arith.constant 0 : i32
    %dma_wait3A_2708 = arith.constant 0 : i32
    %dma_wait3A_2709 = arith.constant 0 : i32
    %dma_wait3A_2710 = tpu.memref_slice %arg15[%dma_wait3A_2707, %dma_wait3A_2708, %dma_wait3A_2709] : memref<3x128x128xf32, #tpu.memory_space<vmem>> -> memref<1x128x128xf32, #tpu.memory_space<vmem>>
    %dma_wait3A_2711 = tpu.memref_squeeze %dma_wait3A_2710 : memref<1x128x128xf32, #tpu.memory_space<vmem>> -> memref<128x128xf32, #tpu.memory_space<vmem>>
    %dma_wait3A_2712 = arith.constant 896 : i32
    %dma_wait3A_2713 = tpu.memref_slice %arg8[%dma_wait3A_2712] : memref<1152xi32, #tpu.memory_space<vmem>> -> memref<128xi32, #tpu.memory_space<vmem>>
    %dma_wait3A_2714 = arith.constant 0 : i32
    %dma_wait3A_2715 = arith.constant 0 : i32
    %dma_wait3A_2716 = tpu.memref_slice %arg4[%dma_wait3A_2714, %dma_wait3A_2715] : memref<100001x128xf32, #tpu.memory_space<hbm>> -> memref<100001x128xf32, #tpu.memory_space<hbm>>
    tpu.wait_indirect_dma semaphore(%arg25 : memref<!tpu.dma_semaphore, #tpu.memory_space<semaphore_mem>>) src(%dma_wait3A_2716 : memref<100001x128xf32, #tpu.memory_space<hbm>>) dst(%dma_wait3A_2711 : memref<128x128xf32, #tpu.memory_space<vmem>>)
    %dma_wait3A_2717 = arith.constant 0 : i32
    %dma_wait3A_2718 = arith.constant 0 : i32
    %dma_wait3A_2719 = arith.constant 0 : i32
    %dma_wait3A_2720 = tpu.memref_slice %arg15[%dma_wait3A_2717, %dma_wait3A_2718, %dma_wait3A_2719] : memref<3x128x128xf32, #tpu.memory_space<vmem>> -> memref<1x128x128xf32, #tpu.memory_space<vmem>>
    %dma_wait3A_2721 = tpu.memref_squeeze %dma_wait3A_2720 : memref<1x128x128xf32, #tpu.memory_space<vmem>> -> memref<128x128xf32, #tpu.memory_space<vmem>>
    %dma_wait3A_2722 = arith.constant 1024 : i32
    %dma_wait3A_2723 = tpu.memref_slice %arg8[%dma_wait3A_2722] : memref<1152xi32, #tpu.memory_space<vmem>> -> memref<128xi32, #tpu.memory_space<vmem>>
    %dma_wait3A_2724 = arith.constant 0 : i32
    %dma_wait3A_2725 = arith.constant 0 : i32
    %dma_wait3A_2726 = tpu.memref_slice %arg4[%dma_wait3A_2724, %dma_wait3A_2725] : memref<100001x128xf32, #tpu.memory_space<hbm>> -> memref<100001x128xf32, #tpu.memory_space<hbm>>
    tpu.wait_indirect_dma semaphore(%arg25 : memref<!tpu.dma_semaphore, #tpu.memory_space<semaphore_mem>>) src(%dma_wait3A_2726 : memref<100001x128xf32, #tpu.memory_space<hbm>>) dst(%dma_wait3A_2721 : memref<128x128xf32, #tpu.memory_space<vmem>>)
    %mul3A_2727 = arith.constant 8 : i32
    %mul3A_2728 = arith.muli %add3A, %mul3A_2727 : i32
    %add3A_2729 = arith.constant 6 : i32
    %add3A_2730 = arith.addi %mul3A_2728, %add3A_2729 : i32
    %dma_start3A_2731 = arith.constant 0 : i32
    %dma_start3A_2732 = arith.constant 0 : i32
    %dma_start3A_2733 = arith.constant 0 : i32
    %dma_start3A_2734 = tpu.memref_slice %arg15[%dma_start3A_2731, %dma_start3A_2732, %dma_start3A_2733] : memref<3x128x128xf32, #tpu.memory_space<vmem>> -> memref<1x128x128xf32, #tpu.memory_space<vmem>>
    %dma_start3A_2735 = tpu.memref_squeeze %dma_start3A_2734 : memref<1x128x128xf32, #tpu.memory_space<vmem>> -> memref<128x128xf32, #tpu.memory_space<vmem>>
    %dma_start3A_2736 = arith.constant 0 : i32
    %dma_start3A_2737 = arith.constant 0 : i32
    %dma_start3A_2738 = tpu.memref_slice %arg7[%add3A_2730, %dma_start3A_2736, %dma_start3A_2737] : memref<256x129x128xf32, #tpu.memory_space<hbm>> -> memref<1x129x128xf32, #tpu.memory_space<hbm>>
    %dma_start3A_2739 = tpu.memref_squeeze %dma_start3A_2738 : memref<1x129x128xf32, #tpu.memory_space<hbm>> -> memref<129x128xf32, #tpu.memory_space<hbm>>
    %dma_start3A_2740 = arith.constant 0 : i32
    %dma_start3A_2741 = arith.constant 0 : i32
    %dma_start3A_2742 = tpu.memref_slice %dma_start3A_2739[%dma_start3A_2740, %dma_start3A_2741] : memref<129x128xf32, #tpu.memory_space<hbm>> -> memref<129x128xf32, #tpu.memory_space<hbm>>
    tpu.enqueue_indirect_dma source(%dma_start3A_2735 : memref<128x128xf32, #tpu.memory_space<vmem>>) target(%dma_start3A_2742 : memref<129x128xf32, #tpu.memory_space<hbm>>) offsets(%arg14 : memref<128xi32, #tpu.memory_space<vmem>>) semaphore(%arg28 : memref<!tpu.dma_semaphore, #tpu.memory_space<semaphore_mem>>)
    %dma_wait3A_2743 = arith.constant 1 : i32
    %dma_wait3A_2744 = arith.constant 0 : i32
    %dma_wait3A_2745 = arith.constant 0 : i32
    %dma_wait3A_2746 = tpu.memref_slice %arg15[%dma_wait3A_2743, %dma_wait3A_2744, %dma_wait3A_2745] : memref<3x128x128xf32, #tpu.memory_space<vmem>> -> memref<1x128x128xf32, #tpu.memory_space<vmem>>
    %dma_wait3A_2747 = tpu.memref_squeeze %dma_wait3A_2746 : memref<1x128x128xf32, #tpu.memory_space<vmem>> -> memref<128x128xf32, #tpu.memory_space<vmem>>
    %dma_wait3A_2748 = arith.constant 0 : i32
    %dma_wait3A_2749 = arith.constant 0 : i32
    %dma_wait3A_2750 = tpu.memref_slice %arg16[%dma_wait3A_2748, %dma_wait3A_2749] : memref<512x128xf32, #tpu.memory_space<vmem_shared>> -> memref<512x128xf32, #tpu.memory_space<vmem_shared>>
    tpu.wait_indirect_dma semaphore(%arg23 : memref<!tpu.dma_semaphore, #tpu.memory_space<semaphore_mem>>) src(%dma_wait3A_2750 : memref<512x128xf32, #tpu.memory_space<vmem_shared>>) dst(%dma_wait3A_2747 : memref<128x128xf32, #tpu.memory_space<vmem>>)
    %dma_start3A_2751 = arith.constant 1 : i32
    %dma_start3A_2752 = arith.constant 0 : i32
    %dma_start3A_2753 = arith.constant 0 : i32
    %dma_start3A_2754 = tpu.memref_slice %arg15[%dma_start3A_2751, %dma_start3A_2752, %dma_start3A_2753] : memref<3x128x128xf32, #tpu.memory_space<vmem>> -> memref<1x128x128xf32, #tpu.memory_space<vmem>>
    %dma_start3A_2755 = tpu.memref_squeeze %dma_start3A_2754 : memref<1x128x128xf32, #tpu.memory_space<vmem>> -> memref<128x128xf32, #tpu.memory_space<vmem>>
    %dma_start3A_2756 = arith.constant 0 : i32
    %dma_start3A_2757 = tpu.memref_slice %arg9[%dma_start3A_2756] : memref<1152xi32, #tpu.memory_space<vmem>> -> memref<128xi32, #tpu.memory_space<vmem>>
    %dma_start3A_2758 = arith.constant 0 : i32
    %dma_start3A_2759 = arith.constant 0 : i32
    %dma_start3A_2760 = tpu.memref_slice %arg4[%dma_start3A_2758, %dma_start3A_2759] : memref<100001x128xf32, #tpu.memory_space<hbm>> -> memref<100001x128xf32, #tpu.memory_space<hbm>>
    tpu.enqueue_indirect_dma source(%dma_start3A_2760 : memref<100001x128xf32, #tpu.memory_space<hbm>>) target(%dma_start3A_2755 : memref<128x128xf32, #tpu.memory_space<vmem>>) offsets(%dma_start3A_2757 : memref<128xi32, #tpu.memory_space<vmem>>) semaphore(%arg26 : memref<!tpu.dma_semaphore, #tpu.memory_space<semaphore_mem>>) {add = true}
    %dma_start3A_2761 = arith.constant 1 : i32
    %dma_start3A_2762 = arith.constant 0 : i32
    %dma_start3A_2763 = arith.constant 0 : i32
    %dma_start3A_2764 = tpu.memref_slice %arg15[%dma_start3A_2761, %dma_start3A_2762, %dma_start3A_2763] : memref<3x128x128xf32, #tpu.memory_space<vmem>> -> memref<1x128x128xf32, #tpu.memory_space<vmem>>
    %dma_start3A_2765 = tpu.memref_squeeze %dma_start3A_2764 : memref<1x128x128xf32, #tpu.memory_space<vmem>> -> memref<128x128xf32, #tpu.memory_space<vmem>>
    %dma_start3A_2766 = arith.constant 128 : i32
    %dma_start3A_2767 = tpu.memref_slice %arg9[%dma_start3A_2766] : memref<1152xi32, #tpu.memory_space<vmem>> -> memref<128xi32, #tpu.memory_space<vmem>>
    %dma_start3A_2768 = arith.constant 0 : i32
    %dma_start3A_2769 = arith.constant 0 : i32
    %dma_start3A_2770 = tpu.memref_slice %arg4[%dma_start3A_2768, %dma_start3A_2769] : memref<100001x128xf32, #tpu.memory_space<hbm>> -> memref<100001x128xf32, #tpu.memory_space<hbm>>
    tpu.enqueue_indirect_dma source(%dma_start3A_2770 : memref<100001x128xf32, #tpu.memory_space<hbm>>) target(%dma_start3A_2765 : memref<128x128xf32, #tpu.memory_space<vmem>>) offsets(%dma_start3A_2767 : memref<128xi32, #tpu.memory_space<vmem>>) semaphore(%arg26 : memref<!tpu.dma_semaphore, #tpu.memory_space<semaphore_mem>>) {add = true}
    %dma_start3A_2771 = arith.constant 1 : i32
    %dma_start3A_2772 = arith.constant 0 : i32
    %dma_start3A_2773 = arith.constant 0 : i32
    %dma_start3A_2774 = tpu.memref_slice %arg15[%dma_start3A_2771, %dma_start3A_2772, %dma_start3A_2773] : memref<3x128x128xf32, #tpu.memory_space<vmem>> -> memref<1x128x128xf32, #tpu.memory_space<vmem>>
    %dma_start3A_2775 = tpu.memref_squeeze %dma_start3A_2774 : memref<1x128x128xf32, #tpu.memory_space<vmem>> -> memref<128x128xf32, #tpu.memory_space<vmem>>
    %dma_start3A_2776 = arith.constant 256 : i32
    %dma_start3A_2777 = tpu.memref_slice %arg9[%dma_start3A_2776] : memref<1152xi32, #tpu.memory_space<vmem>> -> memref<128xi32, #tpu.memory_space<vmem>>
    %dma_start3A_2778 = arith.constant 0 : i32
    %dma_start3A_2779 = arith.constant 0 : i32
    %dma_start3A_2780 = tpu.memref_slice %arg4[%dma_start3A_2778, %dma_start3A_2779] : memref<100001x128xf32, #tpu.memory_space<hbm>> -> memref<100001x128xf32, #tpu.memory_space<hbm>>
    tpu.enqueue_indirect_dma source(%dma_start3A_2780 : memref<100001x128xf32, #tpu.memory_space<hbm>>) target(%dma_start3A_2775 : memref<128x128xf32, #tpu.memory_space<vmem>>) offsets(%dma_start3A_2777 : memref<128xi32, #tpu.memory_space<vmem>>) semaphore(%arg26 : memref<!tpu.dma_semaphore, #tpu.memory_space<semaphore_mem>>) {add = true}
    %dma_start3A_2781 = arith.constant 1 : i32
    %dma_start3A_2782 = arith.constant 0 : i32
    %dma_start3A_2783 = arith.constant 0 : i32
    %dma_start3A_2784 = tpu.memref_slice %arg15[%dma_start3A_2781, %dma_start3A_2782, %dma_start3A_2783] : memref<3x128x128xf32, #tpu.memory_space<vmem>> -> memref<1x128x128xf32, #tpu.memory_space<vmem>>
    %dma_start3A_2785 = tpu.memref_squeeze %dma_start3A_2784 : memref<1x128x128xf32, #tpu.memory_space<vmem>> -> memref<128x128xf32, #tpu.memory_space<vmem>>
    %dma_start3A_2786 = arith.constant 384 : i32
    %dma_start3A_2787 = tpu.memref_slice %arg9[%dma_start3A_2786] : memref<1152xi32, #tpu.memory_space<vmem>> -> memref<128xi32, #tpu.memory_space<vmem>>
    %dma_start3A_2788 = arith.constant 0 : i32
    %dma_start3A_2789 = arith.constant 0 : i32
    %dma_start3A_2790 = tpu.memref_slice %arg4[%dma_start3A_2788, %dma_start3A_2789] : memref<100001x128xf32, #tpu.memory_space<hbm>> -> memref<100001x128xf32, #tpu.memory_space<hbm>>
    tpu.enqueue_indirect_dma source(%dma_start3A_2790 : memref<100001x128xf32, #tpu.memory_space<hbm>>) target(%dma_start3A_2785 : memref<128x128xf32, #tpu.memory_space<vmem>>) offsets(%dma_start3A_2787 : memref<128xi32, #tpu.memory_space<vmem>>) semaphore(%arg26 : memref<!tpu.dma_semaphore, #tpu.memory_space<semaphore_mem>>) {add = true}
    %dma_start3A_2791 = arith.constant 1 : i32
    %dma_start3A_2792 = arith.constant 0 : i32
    %dma_start3A_2793 = arith.constant 0 : i32
    %dma_start3A_2794 = tpu.memref_slice %arg15[%dma_start3A_2791, %dma_start3A_2792, %dma_start3A_2793] : memref<3x128x128xf32, #tpu.memory_space<vmem>> -> memref<1x128x128xf32, #tpu.memory_space<vmem>>
    %dma_start3A_2795 = tpu.memref_squeeze %dma_start3A_2794 : memref<1x128x128xf32, #tpu.memory_space<vmem>> -> memref<128x128xf32, #tpu.memory_space<vmem>>
    %dma_start3A_2796 = arith.constant 512 : i32
    %dma_start3A_2797 = tpu.memref_slice %arg9[%dma_start3A_2796] : memref<1152xi32, #tpu.memory_space<vmem>> -> memref<128xi32, #tpu.memory_space<vmem>>
    %dma_start3A_2798 = arith.constant 0 : i32
    %dma_start3A_2799 = arith.constant 0 : i32
    %dma_start3A_2800 = tpu.memref_slice %arg4[%dma_start3A_2798, %dma_start3A_2799] : memref<100001x128xf32, #tpu.memory_space<hbm>> -> memref<100001x128xf32, #tpu.memory_space<hbm>>
    tpu.enqueue_indirect_dma source(%dma_start3A_2800 : memref<100001x128xf32, #tpu.memory_space<hbm>>) target(%dma_start3A_2795 : memref<128x128xf32, #tpu.memory_space<vmem>>) offsets(%dma_start3A_2797 : memref<128xi32, #tpu.memory_space<vmem>>) semaphore(%arg26 : memref<!tpu.dma_semaphore, #tpu.memory_space<semaphore_mem>>) {add = true}
    %dma_start3A_2801 = arith.constant 1 : i32
    %dma_start3A_2802 = arith.constant 0 : i32
    %dma_start3A_2803 = arith.constant 0 : i32
    %dma_start3A_2804 = tpu.memref_slice %arg15[%dma_start3A_2801, %dma_start3A_2802, %dma_start3A_2803] : memref<3x128x128xf32, #tpu.memory_space<vmem>> -> memref<1x128x128xf32, #tpu.memory_space<vmem>>
    %dma_start3A_2805 = tpu.memref_squeeze %dma_start3A_2804 : memref<1x128x128xf32, #tpu.memory_space<vmem>> -> memref<128x128xf32, #tpu.memory_space<vmem>>
    %dma_start3A_2806 = arith.constant 640 : i32
    %dma_start3A_2807 = tpu.memref_slice %arg9[%dma_start3A_2806] : memref<1152xi32, #tpu.memory_space<vmem>> -> memref<128xi32, #tpu.memory_space<vmem>>
    %dma_start3A_2808 = arith.constant 0 : i32
    %dma_start3A_2809 = arith.constant 0 : i32
    %dma_start3A_2810 = tpu.memref_slice %arg4[%dma_start3A_2808, %dma_start3A_2809] : memref<100001x128xf32, #tpu.memory_space<hbm>> -> memref<100001x128xf32, #tpu.memory_space<hbm>>
    tpu.enqueue_indirect_dma source(%dma_start3A_2810 : memref<100001x128xf32, #tpu.memory_space<hbm>>) target(%dma_start3A_2805 : memref<128x128xf32, #tpu.memory_space<vmem>>) offsets(%dma_start3A_2807 : memref<128xi32, #tpu.memory_space<vmem>>) semaphore(%arg26 : memref<!tpu.dma_semaphore, #tpu.memory_space<semaphore_mem>>) {add = true}
    %dma_start3A_2811 = arith.constant 1 : i32
    %dma_start3A_2812 = arith.constant 0 : i32
    %dma_start3A_2813 = arith.constant 0 : i32
    %dma_start3A_2814 = tpu.memref_slice %arg15[%dma_start3A_2811, %dma_start3A_2812, %dma_start3A_2813] : memref<3x128x128xf32, #tpu.memory_space<vmem>> -> memref<1x128x128xf32, #tpu.memory_space<vmem>>
    %dma_start3A_2815 = tpu.memref_squeeze %dma_start3A_2814 : memref<1x128x128xf32, #tpu.memory_space<vmem>> -> memref<128x128xf32, #tpu.memory_space<vmem>>
    %dma_start3A_2816 = arith.constant 768 : i32
    %dma_start3A_2817 = tpu.memref_slice %arg9[%dma_start3A_2816] : memref<1152xi32, #tpu.memory_space<vmem>> -> memref<128xi32, #tpu.memory_space<vmem>>
    %dma_start3A_2818 = arith.constant 0 : i32
    %dma_start3A_2819 = arith.constant 0 : i32
    %dma_start3A_2820 = tpu.memref_slice %arg4[%dma_start3A_2818, %dma_start3A_2819] : memref<100001x128xf32, #tpu.memory_space<hbm>> -> memref<100001x128xf32, #tpu.memory_space<hbm>>
    tpu.enqueue_indirect_dma source(%dma_start3A_2820 : memref<100001x128xf32, #tpu.memory_space<hbm>>) target(%dma_start3A_2815 : memref<128x128xf32, #tpu.memory_space<vmem>>) offsets(%dma_start3A_2817 : memref<128xi32, #tpu.memory_space<vmem>>) semaphore(%arg26 : memref<!tpu.dma_semaphore, #tpu.memory_space<semaphore_mem>>) {add = true}
    %dma_start3A_2821 = arith.constant 1 : i32
    %dma_start3A_2822 = arith.constant 0 : i32
    %dma_start3A_2823 = arith.constant 0 : i32
    %dma_start3A_2824 = tpu.memref_slice %arg15[%dma_start3A_2821, %dma_start3A_2822, %dma_start3A_2823] : memref<3x128x128xf32, #tpu.memory_space<vmem>> -> memref<1x128x128xf32, #tpu.memory_space<vmem>>
    %dma_start3A_2825 = tpu.memref_squeeze %dma_start3A_2824 : memref<1x128x128xf32, #tpu.memory_space<vmem>> -> memref<128x128xf32, #tpu.memory_space<vmem>>
    %dma_start3A_2826 = arith.constant 896 : i32
    %dma_start3A_2827 = tpu.memref_slice %arg9[%dma_start3A_2826] : memref<1152xi32, #tpu.memory_space<vmem>> -> memref<128xi32, #tpu.memory_space<vmem>>
    %dma_start3A_2828 = arith.constant 0 : i32
    %dma_start3A_2829 = arith.constant 0 : i32
    %dma_start3A_2830 = tpu.memref_slice %arg4[%dma_start3A_2828, %dma_start3A_2829] : memref<100001x128xf32, #tpu.memory_space<hbm>> -> memref<100001x128xf32, #tpu.memory_space<hbm>>
    tpu.enqueue_indirect_dma source(%dma_start3A_2830 : memref<100001x128xf32, #tpu.memory_space<hbm>>) target(%dma_start3A_2825 : memref<128x128xf32, #tpu.memory_space<vmem>>) offsets(%dma_start3A_2827 : memref<128xi32, #tpu.memory_space<vmem>>) semaphore(%arg26 : memref<!tpu.dma_semaphore, #tpu.memory_space<semaphore_mem>>) {add = true}
    %dma_start3A_2831 = arith.constant 1 : i32
    %dma_start3A_2832 = arith.constant 0 : i32
    %dma_start3A_2833 = arith.constant 0 : i32
    %dma_start3A_2834 = tpu.memref_slice %arg15[%dma_start3A_2831, %dma_start3A_2832, %dma_start3A_2833] : memref<3x128x128xf32, #tpu.memory_space<vmem>> -> memref<1x128x128xf32, #tpu.memory_space<vmem>>
    %dma_start3A_2835 = tpu.memref_squeeze %dma_start3A_2834 : memref<1x128x128xf32, #tpu.memory_space<vmem>> -> memref<128x128xf32, #tpu.memory_space<vmem>>
    %dma_start3A_2836 = arith.constant 1024 : i32
    %dma_start3A_2837 = tpu.memref_slice %arg9[%dma_start3A_2836] : memref<1152xi32, #tpu.memory_space<vmem>> -> memref<128xi32, #tpu.memory_space<vmem>>
    %dma_start3A_2838 = arith.constant 0 : i32
    %dma_start3A_2839 = arith.constant 0 : i32
    %dma_start3A_2840 = tpu.memref_slice %arg4[%dma_start3A_2838, %dma_start3A_2839] : memref<100001x128xf32, #tpu.memory_space<hbm>> -> memref<100001x128xf32, #tpu.memory_space<hbm>>
    tpu.enqueue_indirect_dma source(%dma_start3A_2840 : memref<100001x128xf32, #tpu.memory_space<hbm>>) target(%dma_start3A_2835 : memref<128x128xf32, #tpu.memory_space<vmem>>) offsets(%dma_start3A_2837 : memref<128xi32, #tpu.memory_space<vmem>>) semaphore(%arg26 : memref<!tpu.dma_semaphore, #tpu.memory_space<semaphore_mem>>) {add = true}
    %mul3A_2841 = arith.constant 8 : i32
    %mul3A_2842 = arith.muli %add3A, %mul3A_2841 : i32
    %add3A_2843 = arith.constant 6 : i32
    %add3A_2844 = arith.addi %mul3A_2842, %add3A_2843 : i32
    %dma_wait3A_2845 = arith.constant 0 : i32
    %dma_wait3A_2846 = arith.constant 0 : i32
    %dma_wait3A_2847 = arith.constant 0 : i32
    %dma_wait3A_2848 = tpu.memref_slice %arg15[%dma_wait3A_2845, %dma_wait3A_2846, %dma_wait3A_2847] : memref<3x128x128xf32, #tpu.memory_space<vmem>> -> memref<1x128x128xf32, #tpu.memory_space<vmem>>
    %dma_wait3A_2849 = tpu.memref_squeeze %dma_wait3A_2848 : memref<1x128x128xf32, #tpu.memory_space<vmem>> -> memref<128x128xf32, #tpu.memory_space<vmem>>
    %dma_wait3A_2850 = arith.constant 0 : i32
    %dma_wait3A_2851 = arith.constant 0 : i32
    %dma_wait3A_2852 = tpu.memref_slice %arg7[%add3A_2844, %dma_wait3A_2850, %dma_wait3A_2851] : memref<256x129x128xf32, #tpu.memory_space<hbm>> -> memref<1x129x128xf32, #tpu.memory_space<hbm>>
    %dma_wait3A_2853 = tpu.memref_squeeze %dma_wait3A_2852 : memref<1x129x128xf32, #tpu.memory_space<hbm>> -> memref<129x128xf32, #tpu.memory_space<hbm>>
    %dma_wait3A_2854 = arith.constant 0 : i32
    %dma_wait3A_2855 = arith.constant 0 : i32
    %dma_wait3A_2856 = tpu.memref_slice %dma_wait3A_2853[%dma_wait3A_2854, %dma_wait3A_2855] : memref<129x128xf32, #tpu.memory_space<hbm>> -> memref<129x128xf32, #tpu.memory_space<hbm>>
    tpu.wait_indirect_dma semaphore(%arg28 : memref<!tpu.dma_semaphore, #tpu.memory_space<semaphore_mem>>) src(%dma_wait3A_2849 : memref<128x128xf32, #tpu.memory_space<vmem>>) dst(%dma_wait3A_2856 : memref<129x128xf32, #tpu.memory_space<hbm>>)
    %dma_wait3A_2857 = arith.constant 1 : i32
    %dma_wait3A_2858 = arith.constant 0 : i32
    %dma_wait3A_2859 = arith.constant 0 : i32
    %dma_wait3A_2860 = tpu.memref_slice %arg15[%dma_wait3A_2857, %dma_wait3A_2858, %dma_wait3A_2859] : memref<3x128x128xf32, #tpu.memory_space<vmem>> -> memref<1x128x128xf32, #tpu.memory_space<vmem>>
    %dma_wait3A_2861 = tpu.memref_squeeze %dma_wait3A_2860 : memref<1x128x128xf32, #tpu.memory_space<vmem>> -> memref<128x128xf32, #tpu.memory_space<vmem>>
    %dma_wait3A_2862 = arith.constant 0 : i32
    %dma_wait3A_2863 = tpu.memref_slice %arg9[%dma_wait3A_2862] : memref<1152xi32, #tpu.memory_space<vmem>> -> memref<128xi32, #tpu.memory_space<vmem>>
    %dma_wait3A_2864 = arith.constant 0 : i32
    %dma_wait3A_2865 = arith.constant 0 : i32
    %dma_wait3A_2866 = tpu.memref_slice %arg4[%dma_wait3A_2864, %dma_wait3A_2865] : memref<100001x128xf32, #tpu.memory_space<hbm>> -> memref<100001x128xf32, #tpu.memory_space<hbm>>
    tpu.wait_indirect_dma semaphore(%arg26 : memref<!tpu.dma_semaphore, #tpu.memory_space<semaphore_mem>>) src(%dma_wait3A_2866 : memref<100001x128xf32, #tpu.memory_space<hbm>>) dst(%dma_wait3A_2861 : memref<128x128xf32, #tpu.memory_space<vmem>>)
    %dma_wait3A_2867 = arith.constant 1 : i32
    %dma_wait3A_2868 = arith.constant 0 : i32
    %dma_wait3A_2869 = arith.constant 0 : i32
    %dma_wait3A_2870 = tpu.memref_slice %arg15[%dma_wait3A_2867, %dma_wait3A_2868, %dma_wait3A_2869] : memref<3x128x128xf32, #tpu.memory_space<vmem>> -> memref<1x128x128xf32, #tpu.memory_space<vmem>>
    %dma_wait3A_2871 = tpu.memref_squeeze %dma_wait3A_2870 : memref<1x128x128xf32, #tpu.memory_space<vmem>> -> memref<128x128xf32, #tpu.memory_space<vmem>>
    %dma_wait3A_2872 = arith.constant 128 : i32
    %dma_wait3A_2873 = tpu.memref_slice %arg9[%dma_wait3A_2872] : memref<1152xi32, #tpu.memory_space<vmem>> -> memref<128xi32, #tpu.memory_space<vmem>>
    %dma_wait3A_2874 = arith.constant 0 : i32
    %dma_wait3A_2875 = arith.constant 0 : i32
    %dma_wait3A_2876 = tpu.memref_slice %arg4[%dma_wait3A_2874, %dma_wait3A_2875] : memref<100001x128xf32, #tpu.memory_space<hbm>> -> memref<100001x128xf32, #tpu.memory_space<hbm>>
    tpu.wait_indirect_dma semaphore(%arg26 : memref<!tpu.dma_semaphore, #tpu.memory_space<semaphore_mem>>) src(%dma_wait3A_2876 : memref<100001x128xf32, #tpu.memory_space<hbm>>) dst(%dma_wait3A_2871 : memref<128x128xf32, #tpu.memory_space<vmem>>)
    %dma_wait3A_2877 = arith.constant 1 : i32
    %dma_wait3A_2878 = arith.constant 0 : i32
    %dma_wait3A_2879 = arith.constant 0 : i32
    %dma_wait3A_2880 = tpu.memref_slice %arg15[%dma_wait3A_2877, %dma_wait3A_2878, %dma_wait3A_2879] : memref<3x128x128xf32, #tpu.memory_space<vmem>> -> memref<1x128x128xf32, #tpu.memory_space<vmem>>
    %dma_wait3A_2881 = tpu.memref_squeeze %dma_wait3A_2880 : memref<1x128x128xf32, #tpu.memory_space<vmem>> -> memref<128x128xf32, #tpu.memory_space<vmem>>
    %dma_wait3A_2882 = arith.constant 256 : i32
    %dma_wait3A_2883 = tpu.memref_slice %arg9[%dma_wait3A_2882] : memref<1152xi32, #tpu.memory_space<vmem>> -> memref<128xi32, #tpu.memory_space<vmem>>
    %dma_wait3A_2884 = arith.constant 0 : i32
    %dma_wait3A_2885 = arith.constant 0 : i32
    %dma_wait3A_2886 = tpu.memref_slice %arg4[%dma_wait3A_2884, %dma_wait3A_2885] : memref<100001x128xf32, #tpu.memory_space<hbm>> -> memref<100001x128xf32, #tpu.memory_space<hbm>>
    tpu.wait_indirect_dma semaphore(%arg26 : memref<!tpu.dma_semaphore, #tpu.memory_space<semaphore_mem>>) src(%dma_wait3A_2886 : memref<100001x128xf32, #tpu.memory_space<hbm>>) dst(%dma_wait3A_2881 : memref<128x128xf32, #tpu.memory_space<vmem>>)
    %dma_wait3A_2887 = arith.constant 1 : i32
    %dma_wait3A_2888 = arith.constant 0 : i32
    %dma_wait3A_2889 = arith.constant 0 : i32
    %dma_wait3A_2890 = tpu.memref_slice %arg15[%dma_wait3A_2887, %dma_wait3A_2888, %dma_wait3A_2889] : memref<3x128x128xf32, #tpu.memory_space<vmem>> -> memref<1x128x128xf32, #tpu.memory_space<vmem>>
    %dma_wait3A_2891 = tpu.memref_squeeze %dma_wait3A_2890 : memref<1x128x128xf32, #tpu.memory_space<vmem>> -> memref<128x128xf32, #tpu.memory_space<vmem>>
    %dma_wait3A_2892 = arith.constant 384 : i32
    %dma_wait3A_2893 = tpu.memref_slice %arg9[%dma_wait3A_2892] : memref<1152xi32, #tpu.memory_space<vmem>> -> memref<128xi32, #tpu.memory_space<vmem>>
    %dma_wait3A_2894 = arith.constant 0 : i32
    %dma_wait3A_2895 = arith.constant 0 : i32
    %dma_wait3A_2896 = tpu.memref_slice %arg4[%dma_wait3A_2894, %dma_wait3A_2895] : memref<100001x128xf32, #tpu.memory_space<hbm>> -> memref<100001x128xf32, #tpu.memory_space<hbm>>
    tpu.wait_indirect_dma semaphore(%arg26 : memref<!tpu.dma_semaphore, #tpu.memory_space<semaphore_mem>>) src(%dma_wait3A_2896 : memref<100001x128xf32, #tpu.memory_space<hbm>>) dst(%dma_wait3A_2891 : memref<128x128xf32, #tpu.memory_space<vmem>>)
    %dma_wait3A_2897 = arith.constant 1 : i32
    %dma_wait3A_2898 = arith.constant 0 : i32
    %dma_wait3A_2899 = arith.constant 0 : i32
    %dma_wait3A_2900 = tpu.memref_slice %arg15[%dma_wait3A_2897, %dma_wait3A_2898, %dma_wait3A_2899] : memref<3x128x128xf32, #tpu.memory_space<vmem>> -> memref<1x128x128xf32, #tpu.memory_space<vmem>>
    %dma_wait3A_2901 = tpu.memref_squeeze %dma_wait3A_2900 : memref<1x128x128xf32, #tpu.memory_space<vmem>> -> memref<128x128xf32, #tpu.memory_space<vmem>>
    %dma_wait3A_2902 = arith.constant 512 : i32
    %dma_wait3A_2903 = tpu.memref_slice %arg9[%dma_wait3A_2902] : memref<1152xi32, #tpu.memory_space<vmem>> -> memref<128xi32, #tpu.memory_space<vmem>>
    %dma_wait3A_2904 = arith.constant 0 : i32
    %dma_wait3A_2905 = arith.constant 0 : i32
    %dma_wait3A_2906 = tpu.memref_slice %arg4[%dma_wait3A_2904, %dma_wait3A_2905] : memref<100001x128xf32, #tpu.memory_space<hbm>> -> memref<100001x128xf32, #tpu.memory_space<hbm>>
    tpu.wait_indirect_dma semaphore(%arg26 : memref<!tpu.dma_semaphore, #tpu.memory_space<semaphore_mem>>) src(%dma_wait3A_2906 : memref<100001x128xf32, #tpu.memory_space<hbm>>) dst(%dma_wait3A_2901 : memref<128x128xf32, #tpu.memory_space<vmem>>)
    %dma_wait3A_2907 = arith.constant 1 : i32
    %dma_wait3A_2908 = arith.constant 0 : i32
    %dma_wait3A_2909 = arith.constant 0 : i32
    %dma_wait3A_2910 = tpu.memref_slice %arg15[%dma_wait3A_2907, %dma_wait3A_2908, %dma_wait3A_2909] : memref<3x128x128xf32, #tpu.memory_space<vmem>> -> memref<1x128x128xf32, #tpu.memory_space<vmem>>
    %dma_wait3A_2911 = tpu.memref_squeeze %dma_wait3A_2910 : memref<1x128x128xf32, #tpu.memory_space<vmem>> -> memref<128x128xf32, #tpu.memory_space<vmem>>
    %dma_wait3A_2912 = arith.constant 640 : i32
    %dma_wait3A_2913 = tpu.memref_slice %arg9[%dma_wait3A_2912] : memref<1152xi32, #tpu.memory_space<vmem>> -> memref<128xi32, #tpu.memory_space<vmem>>
    %dma_wait3A_2914 = arith.constant 0 : i32
    %dma_wait3A_2915 = arith.constant 0 : i32
    %dma_wait3A_2916 = tpu.memref_slice %arg4[%dma_wait3A_2914, %dma_wait3A_2915] : memref<100001x128xf32, #tpu.memory_space<hbm>> -> memref<100001x128xf32, #tpu.memory_space<hbm>>
    tpu.wait_indirect_dma semaphore(%arg26 : memref<!tpu.dma_semaphore, #tpu.memory_space<semaphore_mem>>) src(%dma_wait3A_2916 : memref<100001x128xf32, #tpu.memory_space<hbm>>) dst(%dma_wait3A_2911 : memref<128x128xf32, #tpu.memory_space<vmem>>)
    %dma_wait3A_2917 = arith.constant 1 : i32
    %dma_wait3A_2918 = arith.constant 0 : i32
    %dma_wait3A_2919 = arith.constant 0 : i32
    %dma_wait3A_2920 = tpu.memref_slice %arg15[%dma_wait3A_2917, %dma_wait3A_2918, %dma_wait3A_2919] : memref<3x128x128xf32, #tpu.memory_space<vmem>> -> memref<1x128x128xf32, #tpu.memory_space<vmem>>
    %dma_wait3A_2921 = tpu.memref_squeeze %dma_wait3A_2920 : memref<1x128x128xf32, #tpu.memory_space<vmem>> -> memref<128x128xf32, #tpu.memory_space<vmem>>
    %dma_wait3A_2922 = arith.constant 768 : i32
    %dma_wait3A_2923 = tpu.memref_slice %arg9[%dma_wait3A_2922] : memref<1152xi32, #tpu.memory_space<vmem>> -> memref<128xi32, #tpu.memory_space<vmem>>
    %dma_wait3A_2924 = arith.constant 0 : i32
    %dma_wait3A_2925 = arith.constant 0 : i32
    %dma_wait3A_2926 = tpu.memref_slice %arg4[%dma_wait3A_2924, %dma_wait3A_2925] : memref<100001x128xf32, #tpu.memory_space<hbm>> -> memref<100001x128xf32, #tpu.memory_space<hbm>>
    tpu.wait_indirect_dma semaphore(%arg26 : memref<!tpu.dma_semaphore, #tpu.memory_space<semaphore_mem>>) src(%dma_wait3A_2926 : memref<100001x128xf32, #tpu.memory_space<hbm>>) dst(%dma_wait3A_2921 : memref<128x128xf32, #tpu.memory_space<vmem>>)
    %dma_wait3A_2927 = arith.constant 1 : i32
    %dma_wait3A_2928 = arith.constant 0 : i32
    %dma_wait3A_2929 = arith.constant 0 : i32
    %dma_wait3A_2930 = tpu.memref_slice %arg15[%dma_wait3A_2927, %dma_wait3A_2928, %dma_wait3A_2929] : memref<3x128x128xf32, #tpu.memory_space<vmem>> -> memref<1x128x128xf32, #tpu.memory_space<vmem>>
    %dma_wait3A_2931 = tpu.memref_squeeze %dma_wait3A_2930 : memref<1x128x128xf32, #tpu.memory_space<vmem>> -> memref<128x128xf32, #tpu.memory_space<vmem>>
    %dma_wait3A_2932 = arith.constant 896 : i32
    %dma_wait3A_2933 = tpu.memref_slice %arg9[%dma_wait3A_2932] : memref<1152xi32, #tpu.memory_space<vmem>> -> memref<128xi32, #tpu.memory_space<vmem>>
    %dma_wait3A_2934 = arith.constant 0 : i32
    %dma_wait3A_2935 = arith.constant 0 : i32
    %dma_wait3A_2936 = tpu.memref_slice %arg4[%dma_wait3A_2934, %dma_wait3A_2935] : memref<100001x128xf32, #tpu.memory_space<hbm>> -> memref<100001x128xf32, #tpu.memory_space<hbm>>
    tpu.wait_indirect_dma semaphore(%arg26 : memref<!tpu.dma_semaphore, #tpu.memory_space<semaphore_mem>>) src(%dma_wait3A_2936 : memref<100001x128xf32, #tpu.memory_space<hbm>>) dst(%dma_wait3A_2931 : memref<128x128xf32, #tpu.memory_space<vmem>>)
    %dma_wait3A_2937 = arith.constant 1 : i32
    %dma_wait3A_2938 = arith.constant 0 : i32
    %dma_wait3A_2939 = arith.constant 0 : i32
    %dma_wait3A_2940 = tpu.memref_slice %arg15[%dma_wait3A_2937, %dma_wait3A_2938, %dma_wait3A_2939] : memref<3x128x128xf32, #tpu.memory_space<vmem>> -> memref<1x128x128xf32, #tpu.memory_space<vmem>>
    %dma_wait3A_2941 = tpu.memref_squeeze %dma_wait3A_2940 : memref<1x128x128xf32, #tpu.memory_space<vmem>> -> memref<128x128xf32, #tpu.memory_space<vmem>>
    %dma_wait3A_2942 = arith.constant 1024 : i32
    %dma_wait3A_2943 = tpu.memref_slice %arg9[%dma_wait3A_2942] : memref<1152xi32, #tpu.memory_space<vmem>> -> memref<128xi32, #tpu.memory_space<vmem>>
    %dma_wait3A_2944 = arith.constant 0 : i32
    %dma_wait3A_2945 = arith.constant 0 : i32
    %dma_wait3A_2946 = tpu.memref_slice %arg4[%dma_wait3A_2944, %dma_wait3A_2945] : memref<100001x128xf32, #tpu.memory_space<hbm>> -> memref<100001x128xf32, #tpu.memory_space<hbm>>
    tpu.wait_indirect_dma semaphore(%arg26 : memref<!tpu.dma_semaphore, #tpu.memory_space<semaphore_mem>>) src(%dma_wait3A_2946 : memref<100001x128xf32, #tpu.memory_space<hbm>>) dst(%dma_wait3A_2941 : memref<128x128xf32, #tpu.memory_space<vmem>>)
    %mul3A_2947 = arith.constant 8 : i32
    %mul3A_2948 = arith.muli %add3A, %mul3A_2947 : i32
    %add3A_2949 = arith.constant 7 : i32
    %add3A_2950 = arith.addi %mul3A_2948, %add3A_2949 : i32
    %dma_start3A_2951 = arith.constant 1 : i32
    %dma_start3A_2952 = arith.constant 0 : i32
    %dma_start3A_2953 = arith.constant 0 : i32
    %dma_start3A_2954 = tpu.memref_slice %arg15[%dma_start3A_2951, %dma_start3A_2952, %dma_start3A_2953] : memref<3x128x128xf32, #tpu.memory_space<vmem>> -> memref<1x128x128xf32, #tpu.memory_space<vmem>>
    %dma_start3A_2955 = tpu.memref_squeeze %dma_start3A_2954 : memref<1x128x128xf32, #tpu.memory_space<vmem>> -> memref<128x128xf32, #tpu.memory_space<vmem>>
    %dma_start3A_2956 = arith.constant 0 : i32
    %dma_start3A_2957 = arith.constant 0 : i32
    %dma_start3A_2958 = tpu.memref_slice %arg7[%add3A_2950, %dma_start3A_2956, %dma_start3A_2957] : memref<256x129x128xf32, #tpu.memory_space<hbm>> -> memref<1x129x128xf32, #tpu.memory_space<hbm>>
    %dma_start3A_2959 = tpu.memref_squeeze %dma_start3A_2958 : memref<1x129x128xf32, #tpu.memory_space<hbm>> -> memref<129x128xf32, #tpu.memory_space<hbm>>
    %dma_start3A_2960 = arith.constant 0 : i32
    %dma_start3A_2961 = arith.constant 0 : i32
    %dma_start3A_2962 = tpu.memref_slice %dma_start3A_2959[%dma_start3A_2960, %dma_start3A_2961] : memref<129x128xf32, #tpu.memory_space<hbm>> -> memref<129x128xf32, #tpu.memory_space<hbm>>
    tpu.enqueue_indirect_dma source(%dma_start3A_2955 : memref<128x128xf32, #tpu.memory_space<vmem>>) target(%dma_start3A_2962 : memref<129x128xf32, #tpu.memory_space<hbm>>) offsets(%arg14 : memref<128xi32, #tpu.memory_space<vmem>>) semaphore(%arg29 : memref<!tpu.dma_semaphore, #tpu.memory_space<semaphore_mem>>)
    %mul3A_2963 = arith.constant 8 : i32
    %mul3A_2964 = arith.muli %add3A, %mul3A_2963 : i32
    %add3A_2965 = arith.constant 7 : i32
    %add3A_2966 = arith.addi %mul3A_2964, %add3A_2965 : i32
    %dma_wait3A_2967 = arith.constant 1 : i32
    %dma_wait3A_2968 = arith.constant 0 : i32
    %dma_wait3A_2969 = arith.constant 0 : i32
    %dma_wait3A_2970 = tpu.memref_slice %arg15[%dma_wait3A_2967, %dma_wait3A_2968, %dma_wait3A_2969] : memref<3x128x128xf32, #tpu.memory_space<vmem>> -> memref<1x128x128xf32, #tpu.memory_space<vmem>>
    %dma_wait3A_2971 = tpu.memref_squeeze %dma_wait3A_2970 : memref<1x128x128xf32, #tpu.memory_space<vmem>> -> memref<128x128xf32, #tpu.memory_space<vmem>>
    %dma_wait3A_2972 = arith.constant 0 : i32
    %dma_wait3A_2973 = arith.constant 0 : i32
    %dma_wait3A_2974 = tpu.memref_slice %arg7[%add3A_2966, %dma_wait3A_2972, %dma_wait3A_2973] : memref<256x129x128xf32, #tpu.memory_space<hbm>> -> memref<1x129x128xf32, #tpu.memory_space<hbm>>
    %dma_wait3A_2975 = tpu.memref_squeeze %dma_wait3A_2974 : memref<1x129x128xf32, #tpu.memory_space<hbm>> -> memref<129x128xf32, #tpu.memory_space<hbm>>
    %dma_wait3A_2976 = arith.constant 0 : i32
    %dma_wait3A_2977 = arith.constant 0 : i32
    %dma_wait3A_2978 = tpu.memref_slice %dma_wait3A_2975[%dma_wait3A_2976, %dma_wait3A_2977] : memref<129x128xf32, #tpu.memory_space<hbm>> -> memref<129x128xf32, #tpu.memory_space<hbm>>
    tpu.wait_indirect_dma semaphore(%arg29 : memref<!tpu.dma_semaphore, #tpu.memory_space<semaphore_mem>>) src(%dma_wait3A_2971 : memref<128x128xf32, #tpu.memory_space<vmem>>) dst(%dma_wait3A_2978 : memref<129x128xf32, #tpu.memory_space<hbm>>)
    return
  }
}

</mosaic_0001>

<sc_bundles>
// kernel: _graph_node_features.3.cloned.1.call-start
scs
__scs_entry_jumppad:
0x0: {  	(pc) =	sbr.rel $0x88, $3  }
0x1: {  	(tag) =	ssettag $0x0;
	lr =	simm.s32 $0x1  }
0x2: {  	[smem:$0x3F9C] =	sst lr;
	_ =	strace $0xD0000000  }
0x3: {  	_ = 	snop  }
0x4: {  	_ = 	snop  }
0x5: {  	_ = 	snop  }
0x6: {  	_ = 	snop  }
0x7: {  	_ = 	snop  }
__scs_overlays_trampoline_lowered:
0x8: {  	[smem:$0x3FAB] =	sst s0  }
0x9: {  	[smem:$0x3FAC] =	sst s1  }
0xa: {  	[smem:$0x3FAD] =	sst s2  }
0xb: {  	[smem:$0x3FAE] =	sst s3  }
0xc: {  	[smem:$0x3FAF] =	sst s4  }
0xd: {  	[smem:$0x3FB0] =	sst s5  }
0xe: {  	[smem:$0x3FB1] =	sst s6  }
0xf: {  	[smem:$0x3FB2] =	sst s7  }
0x10: {  	[smem:$0x3FB3] =	sst s8  }
0x11: {  	[smem:$0x3FB4] =	sst s9;
	s0 =	simm.s32 @!p0 $0x0  }
0x12: {  	s1 =	sld [smem:$0x3F9A];
	s0 =	simm.s32 @p0 $0x1  }
0x13: {  	[smem:$0x3FB5] =	sst s0;
	s0 =	simm.s32 @!p1 $0x0  }
0x14: {  	s2 =	sld [smem:$0x3F99];
	s0 =	simm.s32 @p1 $0x1  }
0x15: {  	[smem:$0x3FB6] =	sst s0;
	s0 =	simm.s32 @!p2 $0x0  }
0x16: {  	s3 =	sld [smem:$0x3FDB];
	s0 =	simm.s32 @p2 $0x1  }
0x17: {  	s4 =	simm.s32 $0x1BF5;
	[smem:$0x3FB8] =	sst s0  }
0x18: {  	s0 =	sld [smem:$0x3F9B];
	_ =	swait.ge [sflag:s4], $0x0  }
0x19: {  	s7 =	sld [smem:$0x3F9C]  }
0x1a: {  	s8 =	sadd.s32 $0xFFFFE003, lr  }
0x1b: {  	s9 =	sadd.s32 $0xFFFFFEF7, lr;
	s5 =	simm.s32 $0xFFFFFFFF;
	p2 =	slt.u32 s8, $0xFFFFF086  }
0x1c: {  	p1 =	slt.u32 s9, $0xF7A;
	s5 =	simm.s32 @!p2 $0x0  }
0x1d: {  	s5 =	simm.s32 @p1 $0x1;
	p0 =	seq.s32 s7, s2  }
0x1e: {  	s7 =	smul.u32 @!p0 $0xF7A, s2;
	p2 =	seq.s32 @!p0 s5, $0x0  }
0x1f: {  	s9 =	smul.u32 $0xF7A, s1;
	s8 =	simm.s32 @!p0 $0x1BF5;
	p2 =	por !p2, p0  }
0x20: {  	[sflag:s8] =	ssyncset.s32 @!p0 $0xFFFFF086;
	s6 =	sadd.s32 @!p0 s3, s7;
	s7 =	simm.s32 @!p0 $0x108  }
0x21: {  	s3 =	sadd.s32 s3, s9;
	s6 =	sadd.s32 @!p0 $0x88, s6;
	s7 =	simm.s32 @p2 $0x1082  }
0x22: {  	[simem:s7], [sflag:s8] =	dma.local @!p0 [hbm:s6], $0xF7A  }
0x23: {  	s9 =	sor.u32 $0xD0000000, s2;
	s6 =	simm.s32 $0x108;
	_ =	swait.ge @!p0 [sflag:s8], $0x0  }
0x24: {  	s3 =	sadd.s32 $0x88, s3;
	s6 =	simm.s32 @!p1 $0x1082;
	[sflag:s4] =	ssyncset.s32 $0xFFFFF086  }
0x25: {  	[simem:s6], [sflag:s4] =	dma.local [hbm:s3], $0xF7A  }
0x26: {  	[smem:$0x3F9C] =	sst s1;
	(tag) =	ssettag s2;
	_ =	strace s9  }
0x27: {  	s1 =	sld [smem:$0x3FAC]  }
0x28: {  	s2 =	sld [smem:$0x3FAD]  }
0x29: {  	s4 =	sld [smem:$0x3FAF]  }
0x2a: {  	p0 =	seq.s32 s5, $0x0;
	s5 =	sld [smem:$0x3FB0]  }
0x2b: {  	s6 =	sld [smem:$0x3FB1]  }
0x2c: {  	s7 =	sld [smem:$0x3FB2]  }
0x2d: {  	s3 =	simm.s32 $0x108;
	s8 =	sld [smem:$0x3FB3]  }
0x2e: {  	s3 =	simm.s32 @!p0 $0x1082;
	s9 =	sld [smem:$0x3FB4]  }
0x2f: {  	lr =	sadd.s32 s0, s3;
	s0 =	sld [smem:$0x3FAB]  }
0x30: {  	s3 =	sld [smem:$0x3FAE]  }
0x31: {  	[smem:$0x3FB7] =	sst s10  }
0x32: {  	s10 =	sld [smem:$0x3FB5];
	_ =	sdelay $0x3  }
0x33: {  	p0 =	seq.s32 s10, $0x1;
	s10 =	sld [smem:$0x3FB7];
	_ =	sdelay $0x3  }
0x34: {  	[smem:$0x3FB7] =	sst s10  }
0x35: {  	s10 =	sld [smem:$0x3FB6];
	_ =	sdelay $0x3  }
0x36: {  	p1 =	seq.s32 s10, $0x1;
	s10 =	sld [smem:$0x3FB7];
	_ =	sdelay $0x3  }
0x37: {  	[smem:$0x3FB7] =	sst s10  }
0x38: {  	s10 =	sld [smem:$0x3FB8]  }
0x39: {  	_ = 	snop;
	(pc) =	sbr.ind lr, $3  }
0x3a: {  	_ = 	snop  }
0x3b: {  	_ = 	snop  }
0x3c: {  	p2 =	seq.s32 s10, $0x1;
	s10 =	sld [smem:$0x3FB7]  }
0x3d: {  	_ =	shalt  }
0x3e: {  	_ =	shalt  }
0x3f: {  	_ =	shalt  }
0x40: {  	_ =	shalt  }
0x41: {  	_ =	shalt  }
0x42: {  	_ =	shalt  }
0x43: {  	_ =	shalt  }
0x44: {  	_ =	shalt  }
0x45: {  	_ =	shalt  }
0x46: {  	_ =	shalt  }
0x47: {  	_ =	shalt  }
0x48: {  	_ =	shalt  }
0x49: {  	_ =	shalt  }
0x4a: {  	_ =	shalt  }
0x4b: {  	_ =	shalt  }
0x4c: {  	_ =	shalt  }
0x4d: {  	_ =	shalt  }
0x4e: {  	_ =	shalt  }
0x4f: {  	_ =	shalt  }
0x50: {  	_ =	shalt  }
0x51: {  	_ =	shalt  }
0x52: {  	_ =	shalt  }
0x53: {  	_ =	shalt  }
0x54: {  	_ =	shalt  }
0x55: {  	_ =	shalt  }
0x56: {  	_ =	shalt  }
0x57: {  	_ =	shalt  }
0x58: {  	_ =	shalt  }
0x59: {  	_ =	shalt  }
0x5a: {  	_ =	shalt  }
0x5b: {  	_ =	shalt  }
0x5c: {  	_ =	shalt  }
0x5d: {  	_ =	shalt  }
0x5e: {  	_ =	shalt  }
0x5f: {  	_ =	shalt  }
0x60: {  	_ =	shalt  }
0x61: {  	_ =	shalt  }
0x62: {  	_ =	shalt  }
0x63: {  	_ =	shalt  }
0x64: {  	_ =	shalt  }
0x65: {  	_ =	shalt  }
0x66: {  	_ =	shalt  }
0x67: {  	_ =	shalt  }
0x68: {  	_ =	shalt  }
0x69: {  	_ =	shalt  }
0x6a: {  	_ =	shalt  }
0x6b: {  	_ =	shalt  }
0x6c: {  	_ =	shalt  }
0x6d: {  	_ =	shalt  }
0x6e: {  	_ =	shalt  }
0x6f: {  	_ =	shalt  }
0x70: {  	_ =	shalt  }
0x71: {  	_ =	shalt  }
0x72: {  	_ =	shalt  }
0x73: {  	_ =	shalt  }
0x74: {  	_ =	shalt  }
0x75: {  	_ =	shalt  }
0x76: {  	_ =	shalt  }
0x77: {  	_ =	shalt  }
0x78: {  	_ =	shalt  }
0x79: {  	_ =	shalt  }
0x7a: {  	_ =	shalt  }
0x7b: {  	_ =	shalt  }
0x7c: {  	_ =	shalt  }
0x7d: {  	_ =	shalt  }
0x7e: {  	_ =	shalt  }
0x7f: {  	_ =	shalt  }
0x80: {  	_ =	shalt  }
0x81: {  	_ =	shalt  }
0x82: {  	_ =	shalt  }
0x83: {  	_ =	shalt  }
0x84: {  	_ =	shalt  }
0x85: {  	_ =	shalt  }
0x86: {  	_ =	shalt  }
0x87: {  	_ =	shalt  }
.Lfunc_end0:
.L_simem_size_0:
called_computation_lowered:
.L_overlay_start_0:
0x88: {  	s2 =	sld [smem:$0x3FD9]  }
0x89: {  	s3 =	sld [smem:$0x3FFE];
	_ =	sdelay $0x1  }
0x8a: {  	s1 =	srdreg.scid  }
0x8b: {  	s0 =	sand.u32 $0x1, s1  }
0x8c: {  	s17 =	sshll.u32 s0, $0xA;
	s2 =	sadd.s32 s3, s2  }
0x8d: {  	s2 =	sadd.s32 s2, s17  }
0x8e: {  	[smem:$0x3FC3] =	sst s2  }
0x8f: {  	_ = 	snop  }
0x90: {  	s2 =	sld [smem:$0x3FC9]  }
0x91: {  	s18 =	sld [smem:$0x3FC8]  }
0x92: {  	s4 =	sld [smem:$0x3FC7]  }
0x93: {  	s5 =	sld [smem:$0x3FC6]  }
0x94: {  	s6 =	sld [smem:$0x3FC5];
	(tm) =	ssettm $0x1  }
0x95: {  	s7 =	sld [smem:$0x3FFB];
	_ =	sdelay $0x3  }
0x96: {  	_ =	strace s7  }
0x97: {  	s7 =	sld [smem:$0x3FFC];
	_ =	sdelay $0x3  }
0x98: {  	_ =	strace s7  }
0x99: {  	s7 =	sld [smem:$0x3FFD];
	_ =	sdelay $0x3  }
0x9a: {  	_ =	strace s7  }
0x9b: {  	_ =	strace $0x8FFFFFFF  }
0x9c: {  	s19 =	sld [smem:$0x3FDB];
	_ =	sdelay $0x1  }
0x9d: {  	s8 =	simm.s32 $_scs_section_size  }
0x9e: {  	s9 =	simm.s32 $_size__tile_overlayer_lowered;
	s10 =	simm.s32 $_tile_overlayer_lowered  }
0x9f: {  	s22 =	simm.s32 $0x1BFF;
	s21 =	sshll.u32 s10, $0x1;
	s7 =	sadd.s32 s8, s19  }
0xa0: {  	s11 =	simm.s32 $0x0;
	s20 =	sshll.u32 s9, $0x1;
	s9 =	sadd.s32 s21, s7  }
0xa1: {  	[timem:s11], [sflag:s22] =	dma.local [hbm:s9], s20  }
0xa2: {  	_ =	swait.ge [sflag:s22], s20  }
0xa3: {  	s8 =	ssub.s32 $0x0, s20;
	[sflag:s22] =	ssyncset.done $0x0  }
0xa4: {  	[sflag:s22] =	ssyncadd.s32 s8;
	_ =	sdelay $0x1  }
0xa5: {  	s23 =	simm.s32 $0x1B8B  }
0xa6: {  	_ =	swait.ge [sflag:s23], $0x1  }
0xa7: {  	[sflag:s23] =	ssyncset.done $0x0  }
0xa8: {  	s25 =	simm.s32 $0x1B8E;
	s24 =	sld [smem:$0x3FFE];
	[sflag:s23] =	ssyncadd.s32 $0xFFFFFFFF  }
0xa9: {  	s26 =	simm.s32 $execute0_lowered;
	[smem:$0x3FD2] =	sst s25  }
0xaa: {  	s9 =	sshll.u32 s26, $0x1;
	_ =	strace $0x80000046;
	[dreg:$0x1] =	wrdreg $0xFFFFFFFF  }
0xab: {  	s28 =	simm.s32 $_size_execute0_lowered;
	s7 =	sadd.s32 s7, s9;
	[dreg:$0x0] =	wrdreg $0x0  }
0xac: {  	s9 =	sshll.u32 s28, $0x1;
	[dreg:$0x2] =	wrdreg s7  }
0xad: {  	[dreg:$0x3] =	wrdreg s9  }
0xae: {  	[dreg:$0x4] =	wrdreg $0xC0  }
0xaf: {  	_ =	task [dreg:s11], $0x5FFFF  }
0xb0: {  	[dreg:$0x1] =	wrdreg $0xFFFFFFFF  }
0xb1: {  	[dreg:$0x0] =	wrdreg $0x60  }
0xb2: {  	[dreg:$0x2] =	wrdreg s2  }
0xb3: {  	[dreg:$0x3] =	wrdreg s18  }
0xb4: {  	[dreg:$0x4] =	wrdreg s4  }
0xb5: {  	[dreg:$0x5] =	wrdreg s5  }
0xb6: {  	[dreg:$0x6] =	wrdreg s6  }
0xb7: {  	[dreg:$0x7] =	wrdreg s24  }
0xb8: {  	[dreg:$0x8] =	wrdreg $0xCF800  }
0xb9: {  	[dreg:$0x9] =	wrdreg $0x9  }
0xba: {  	_ =	task.clear_ibuf [dreg:s11], $0xAFFFF;
	_ =	strace $0x90000046  }
0xbb: {  	s29 =	simm.s32 $0x9;
	_ =	strace $0x80000048  }
0xbc: {  	_ =	swait.ge [sflag:s29], $0x1  }
0xbd: {  	[sflag:s29] =	ssyncadd.s32 $0xFFFFFFFF  }
0xbe: {  	_ =	strace $0x90000048  }
0xbf: {  	_ =	sfence  }
0xc0: {  	s30 =	sld [smem:$0x0];
	_ =	sdelay $0x2  }
0xc1: {  	s31 =	sshll.u32 s1, $0xD;
	s1 =	sshrl.u32 s1, $0x2  }
0xc2: {  	s3 =	sand.u32 $0x4000, s31;
	s1 =	sadd.s32 s1, s30  }
0xc3: {  	s0 =	sor.u32 s3, s0;
	s1 =	sshll.u32 s1, $0x11  }
0xc4: {  	s0 =	sor.u32 s1, s0  }
0xc5: {  	s0 =	sadd.s32 $0x8F2B, s0  }
0xc6: {  	[sflag:s0] =	ssyncadd.remote.s32 $0x1  }
0xc7: {  	_ =	sfence.sel $0xFFFF  }
0xc8: {  	[dreg:$0x0] =	wrdreg $0xFFFFFFFF;
	(pc) =	sbr.abs _section_cstart, $3  }
0xc9: {  	[dreg:$0x1] =	wrdreg $0xFFFFFFFF  }
0xca: {  	_ =	task.clear_ibuf [dreg:s11], $0x2FFFF;
	_ =	strace $0x9FFFFFFF  }
0xcb: {  	(tm) =	ssettm $0x7FFFFFFF  }
tec
execute0_lowered:
.L_overlay_start_1:
0x0: {  	(tag) =	ssettag $0x1  }
0x1: {  	s5 =	rddreg [dreg:$0x0]  }
0x2: {  	s1 =	rddreg [dreg:$0x1]  }
0x3: {  	s0 =	rddreg [dreg:$0x2]  }
0x4: {  	s2 =	rddreg [dreg:$0x3]  }
0x5: {  	s22 =	rddreg [dreg:$0x4]  }
0x6: {  	s6 =	rddreg [dreg:$0x5]  }
0x7: {  	s3 =	srdreg.scid;
	s4 =	stileid.u32  }
0x8: {  	s31 =	simm.s32 $0x3;
	s28 =	simm.s32 $0x4;
	[dreg:$0x8] =	wrdreg s2  }
0x9: {  	s29 =	simm.s32 $0xB;
	[dreg:$0x9] =	wrdreg s22;
	s7 =	sand.u32 $0x1, s3  }
0xa: {  	s8 =	sshll.u32 s4, $0x1;
	s3 =	simm.s32 $0x0;
	s6 =	sadd.s32 $0x400, s6  }
0xb: {  	p0 =	sne.s32 s4, $0x0;
	s4 =	simm.s32 $0x8F80;
	s8 =	sor.u32 s7, s8  }
0xc: {  	[smem:$0x7FF] =	sst s3;
	s9 =	smul.u32 $0x480, s8;
	s10 =	sshll.u32 s8, $0x3  }
0xd: {  	s7 =	ssub.s32 $0x2, s7;
	s26 =	smul.u32 $0x4400, s8;
	s11 =	sor.u32 $0x1, s10  }
0xe: {  	_ =	strace $0x80000047;
	s12 =	sshll.u32 s8, $0x7;
	s13 =	smul.u32 $0x90, s11  }
0xf: {  	s2 =	sor.u32 $0x2, s10;
	s30 =	sshll.u32 s11, $0x4;
	s11 =	smul.u32 $0x880, s11  }
0x10: {  	s24 =	sshrl.u32 s7, $0x1;
	s15 =	sor.u32 $0x3, s10;
	s14 =	smul.u32 $0x880, s2  }
0x11: {  	s8 =	sshllo.u32 s8, $0x3;
	s23 =	sadd.s32 s1, s12;
	s16 =	smul.u32 $0x880, s15  }
0x12: {  	s7 =	ssub.s32 s7, s24;
	s17 =	sor.u32 $0x4, s10;
	s18 =	smul.u32 $0x90, s2  }
0x13: {  	s9 =	sadd.s32 s5, s9;
	[dreg:$0xb] =	wrdreg s23;
	s19 =	smul.u32 $0x90, s15  }
0x14: {  	s22 =	sshll.u32 s15, $0x4;
	s24 =	smul.u32 $0x90, s17;
	[dreg:$0xa] =	wrdreg s9  }
0x15: {  	s12 =	sadd.s32 s1, s30;
	s9 =	sadd.s32 s6, s26;
	s23 =	sadd.s32 s1, s22  }
0x16: {  	s22 =	smul.u32 $0x90, s8;
	s25 =	sadd.s32 s5, s13;
	[dreg:$0xd] =	wrdreg s12  }
0x17: {  	[dreg:$0x1a] =	wrdreg s9;
	s11 =	sadd.s32 s6, s11;
	s14 =	sadd.s32 s6, s14  }
0x18: {  	s9 =	sadd.s32 s6, s16;
	s12 =	sadd.s32 s5, s18;
	[dreg:$0x11] =	wrdreg s23  }
0x19: {  	s13 =	sshll.u32 s2, $0x4;
	s16 =	sor.u32 $0x5, s10;
	[dreg:$0xc] =	wrdreg s25  }
0x1a: {  	s21 =	sadd.s32 s5, s19;
	s10 =	sor.u32 $0x6, s10;
	[dreg:$0x1b] =	wrdreg s11  }
0x1b: {  	s26 =	sadd.s32 s5, s24;
	s23 =	smul.u32 $0x880, s8;
	[dreg:$0x1c] =	wrdreg s14  }
0x1c: {  	s8 =	sshll.u32 s8, $0x4;
	[dreg:$0x1d] =	wrdreg s9;
	s9 =	smul.u32 $0x880, s17  }
0x1d: {  	[dreg:$0xe] =	wrdreg s12;
	s20 =	sadd.s32 s1, s13;
	s25 =	smul.u32 $0x880, s16  }
0x1e: {  	[dreg:$0x10] =	wrdreg s21;
	s11 =	sshll.u32 s17, $0x4;
	s30 =	smul.u32 $0x90, s16  }
0x1f: {  	s2 =	smul.u32 $0x880, s10;
	[dreg:$0x12] =	wrdreg s26;
	s18 =	sshll.u32 s16, $0x4  }
0x20: {  	s12 =	smax.u32 s7, $0x1;
	[dreg:$0xf] =	wrdreg s20;
	s11 =	sadd.s32 s1, s11  }
0x21: {  	s16 =	simm.s32 $0x1;
	s19 =	sadd.s32 s1, s18;
	[dreg:$0x13] =	wrdreg s11  }
0x22: {  	s20 =	smul.u32 $0x90, s10;
	s17 =	sadd.s32 s5, s30;
	[dreg:$0x15] =	wrdreg s19  }
0x23: {  	s10 =	sshll.u32 s10, $0x4;
	s9 =	sadd.s32 s6, s9;
	[dreg:$0x14] =	wrdreg s17  }
0x24: {  	s18 =	simm.s32 $0xF80;
	s24 =	sadd.s32 s1, s10;
	[dreg:$0x1e] =	wrdreg s9  }
0x25: {  	s25 =	sadd.s32 s6, s25;
	s1 =	sadd.s32 s1, s8;
	[dreg:$0x17] =	wrdreg s24  }
0x26: {  	s26 =	sadd.s32 s6, s2;
	s30 =	sadd.s32 s6, s23;
	[dreg:$0x1f] =	wrdreg s25  }
0x27: {  	s23 =	simm.s32 $0x4F80;
	s8 =	simm.s32 $0x9;
	[smem:$0x7FC] =	sst s26  }
0x28: {  	v7 =	vlaneseq.u32;
	s21 =	sadd.s32 s5, s20;
	s5 =	sadd.s32 s5, s22;
	[smem:$0x7FD] =	sst s30  }
0x29: {  	v8 =	vimm.s32 $0x0;
	v0 =	vadd.s32 $0x1, v7;
	v1 =	vadd.s32 $0x11, v7;
	[dreg:$0x19] =	wrdreg s1;
	s17 =	simm.s32 $0x80;
	s1 =	simm.s32 $0x5  }
0x2a: {  	v2 =	vadd.s32 $0x21, v7;
	v3 =	vadd.s32 $0x31, v7;
	v4 =	vadd.s32 $0x41, v7;
	s22 =	simm.s32 $0x2;
	s24 =	simm.s32 $0x7;
	[dreg:$0x16] =	wrdreg s21  }
0x2b: {  	v5 =	vadd.s32 $0x51, v7;
	v6 =	vadd.s32 $0x61, v7;
	v7 =	vadd.s32 $0x71, v7;
	s25 =	simm.s32 $0xE80;
	[dreg:$0x18] =	wrdreg s5;
	s5 =	simm.s32 $0x8  }
.LBB2_1:
0x2c: {  	s30 =	rddreg [dreg:$0x6]  }
0x2d: {  	s10 =	rddreg [dreg:$0x8];
	s20 =	simm.s32 @!p0 $0x1C0D;
	s11 =	sshrl.u32 @!p0 s30, $0x3  }
0x2e: {  	[spmem:s11], [sflag:s20] =	dma.local @!p0 [hbm:s10], $0x2000  }
0x2f: {  	s10 =	simm.s32 @!p0 $0xD  }
0x30: {  	_ =	swait.ge @!p0 [sflag:s10], $0x2000  }
0x31: {  	[sflag:s10] =	ssyncset.done @!p0 $0x0  }
0x32: {  	[sflag:s10] =	ssyncadd.s32 @!p0 $0xFFFFE000  }
0x33: {  	[bflag:$0x0] =	sbarrier.arrive $0xFFFF  }
0x34: {  	[tilespmem:$0xF00] =	vst v0  }
0x35: {  	[tilespmem:$0xF10] =	vst v1  }
0x36: {  	[tilespmem:$0xF20] =	vst v2  }
0x37: {  	[tilespmem:$0xF30] =	vst v3  }
0x38: {  	[tilespmem:$0xF40] =	vst v4  }
0x39: {  	[tilespmem:$0xF50] =	vst v5  }
0x3a: {  	[tilespmem:$0xF60] =	vst v6  }
0x3b: {  	[tilespmem:$0xF70] =	vst v7;
	s20 =	rddreg [dreg:$0xa]  }
0x3c: {  	[tilespmem:s3], [sflag:$0x1] =	stream.linear.gather [hbm4b:s20+s3], $0x480, $0x38;
	[tilespmem:$0xE800] =	vst v63  }
0x3d: {  	s2 =	simm.s32 $0xD80;
	s21 =	rddreg [dreg:$0xb]  }
0x3e: {  	[tilespmem:s2], [sflag:$0x1] =	stream.linear.gather [hbm4b:s21+s3], $0x80, $0x38;
	[tilespmem:$0xE800] =	vst v63  }
0x3f: {  	s9 =	simm.s32 $0x480;
	s26 =	rddreg [dreg:$0xc]  }
0x40: {  	[tilespmem:s9], [sflag:$0x2] =	stream.linear.gather [hbm4b:s26+s3], $0x480, $0x38;
	[tilespmem:$0xE800] =	vst v63  }
0x41: {  	s10 =	simm.s32 $0xE00;
	s7 =	rddreg [dreg:$0xd]  }
0x42: {  	[tilespmem:s10], [sflag:$0x2] =	stream.linear.gather [hbm4b:s7+s3], $0x80, $0x38;
	[tilespmem:$0xE800] =	vst v63  }
0x43: {  	_ =	swait.ge [sflag:s16], $0x480  }
0x44: {  	[sflag:s16] =	ssyncset.done $0x0  }
0x45: {  	[sflag:s16] =	ssyncadd.s32 $0xFFFFFB80  }
0x46: {  	_ =	swait.ge [sflag:s16], $0x80  }
0x47: {  	[sflag:s16] =	ssyncset.done $0x0  }
0x48: {  	s6 =	simm.s32 $0xD80;
	[sflag:s16] =	ssyncadd.s32 $0xFFFFFF80  }
0x49: {  	[tilespmem:s18], [sflag:$0x4] =	stream.indirect.gather [spmem:s30], $0x80, s6, s17, $0xb8;
	[tilespmem:$0xE800] =	vst v63  }
0x4a: {  	_ =	swait.ge [sflag:s28], $0x4000  }
0x4b: {  	[sflag:s28] =	ssyncset.done $0x0  }
0x4c: {  	[sflag:s28] =	ssyncadd.s32 $0xFFFFC000  }
0x4d: {  	[tilespmem:s18], [sflag:$0x7] =	stream.indirect.gather.add.f32 [hbm:s0], $0x80, s3, s17, $0xb8;
	[tilespmem:$0xE800] =	vst v63  }
0x4e: {  	_ = 	snop  }
0x4f: {  	[tilespmem:s18], [sflag:$0x7] =	stream.indirect.gather.add.f32 [hbm:s0], $0x80, s17, s17, $0xb8;
	[tilespmem:$0xE800] =	vst v63  }
0x50: {  	s11 =	simm.s32 $0x100  }
0x51: {  	[tilespmem:s18], [sflag:$0x7] =	stream.indirect.gather.add.f32 [hbm:s0], $0x80, s11, s17, $0xb8;
	[tilespmem:$0xE800] =	vst v63  }
0x52: {  	s13 =	simm.s32 $0x180  }
0x53: {  	[tilespmem:s18], [sflag:$0x7] =	stream.indirect.gather.add.f32 [hbm:s0], $0x80, s13, s17, $0xb8;
	[tilespmem:$0xE800] =	vst v63  }
0x54: {  	s14 =	simm.s32 $0x200  }
0x55: {  	[tilespmem:s18], [sflag:$0x7] =	stream.indirect.gather.add.f32 [hbm:s0], $0x80, s14, s17, $0xb8;
	[tilespmem:$0xE800] =	vst v63  }
0x56: {  	s15 =	simm.s32 $0x280  }
0x57: {  	[tilespmem:s18], [sflag:$0x7] =	stream.indirect.gather.add.f32 [hbm:s0], $0x80, s15, s17, $0xb8;
	[tilespmem:$0xE800] =	vst v63  }
0x58: {  	s19 =	simm.s32 $0x300  }
0x59: {  	[tilespmem:s18], [sflag:$0x7] =	stream.indirect.gather.add.f32 [hbm:s0], $0x80, s19, s17, $0xb8;
	[tilespmem:$0xE800] =	vst v63  }
0x5a: {  	s20 =	simm.s32 $0x380  }
0x5b: {  	[tilespmem:s18], [sflag:$0x7] =	stream.indirect.gather.add.f32 [hbm:s0], $0x80, s20, s17, $0xb8;
	[tilespmem:$0xE800] =	vst v63  }
0x5c: {  	s26 =	simm.s32 $0x400  }
0x5d: {  	[tilespmem:s18], [sflag:$0x7] =	stream.indirect.gather.add.f32 [hbm:s0], $0x80, s26, s17, $0xb8;
	[tilespmem:$0xE800] =	vst v63  }
0x5e: {  	s6 =	simm.s32 $0xD;
	s21 =	rddreg [dreg:$0x9];
	s19 =	simm.s32 $0xDF80  }
0x5f: {  	[tilespmem:s19], [sflag:$0xD] =	stream.linear.gather [hbm4b:s21+s3], $0x80, $0x38;
	[tilespmem:$0xE800] =	vst v63  }
0x60: {  	_ =	swait.ge [sflag:s6], $0x80  }
0x61: {  	[sflag:s6] =	ssyncset.done $0x0  }
0x62: {  	[sflag:s6] =	ssyncadd.s32 $0xFFFFFF80  }
0x63: {  	v9 =	vld [tilespmem:$0xDF80];
	_ =	sdelay $0x3  }
0x64: {  	[tilespmem:$0xE780] =	vst v8  }
0x65: {  	[tilespmem:$0xE000] =	vst v9  }
0x66: {  	[tilespmem:$0xE080] =	vst v9  }
0x67: {  	[tilespmem:$0xE100] =	vst v9  }
0x68: {  	[tilespmem:$0xE180] =	vst v9  }
0x69: {  	[tilespmem:$0xE200] =	vst v9  }
0x6a: {  	[tilespmem:$0xE280] =	vst v9  }
0x6b: {  	[tilespmem:$0xE300] =	vst v9  }
0x6c: {  	[tilespmem:$0xE380] =	vst v9  }
0x6d: {  	[tilespmem:$0xE400] =	vst v9  }
0x6e: {  	[tilespmem:$0xE480] =	vst v9  }
0x6f: {  	v10 =	vld [tilespmem:$0xDF90];
	[tilespmem:$0xE500] =	vst v9  }
0x70: {  	[tilespmem:$0xE580] =	vst v9  }
0x71: {  	[tilespmem:$0xE600] =	vst v9  }
0x72: {  	[tilespmem:$0xE680] =	vst v9  }
0x73: {  	[tilespmem:$0xE700] =	vst v9  }
0x74: {  	[tilespmem:$0xE010] =	vst v10  }
0x75: {  	[tilespmem:$0xE090] =	vst v10  }
0x76: {  	[tilespmem:$0xE110] =	vst v10  }
0x77: {  	[tilespmem:$0xE190] =	vst v10  }
0x78: {  	[tilespmem:$0xE210] =	vst v10  }
0x79: {  	[tilespmem:$0xE290] =	vst v10  }
0x7a: {  	[tilespmem:$0xE310] =	vst v10  }
0x7b: {  	[tilespmem:$0xE390] =	vst v10  }
0x7c: {  	[tilespmem:$0xE410] =	vst v10  }
0x7d: {  	[tilespmem:$0xE490] =	vst v10  }
0x7e: {  	[tilespmem:$0xE510] =	vst v10;
	v9 =	vld [tilespmem:$0xDFA0]  }
0x7f: {  	[tilespmem:$0xE590] =	vst v10  }
0x80: {  	[tilespmem:$0xE610] =	vst v10  }
0x81: {  	[tilespmem:$0xE690] =	vst v10  }
0x82: {  	[tilespmem:$0xE710] =	vst v10  }
0x83: {  	[tilespmem:$0xE020] =	vst v9  }
0x84: {  	[tilespmem:$0xE0A0] =	vst v9  }
0x85: {  	[tilespmem:$0xE120] =	vst v9  }
0x86: {  	[tilespmem:$0xE1A0] =	vst v9  }
0x87: {  	[tilespmem:$0xE220] =	vst v9  }
0x88: {  	[tilespmem:$0xE2A0] =	vst v9  }
0x89: {  	[tilespmem:$0xE320] =	vst v9  }
0x8a: {  	[tilespmem:$0xE3A0] =	vst v9  }
0x8b: {  	[tilespmem:$0xE420] =	vst v9  }
0x8c: {  	[tilespmem:$0xE4A0] =	vst v9  }
0x8d: {  	v10 =	vld [tilespmem:$0xDFB0];
	[tilespmem:$0xE520] =	vst v9  }
0x8e: {  	[tilespmem:$0xE5A0] =	vst v9  }
0x8f: {  	[tilespmem:$0xE620] =	vst v9  }
0x90: {  	[tilespmem:$0xE6A0] =	vst v9  }
0x91: {  	[tilespmem:$0xE720] =	vst v9  }
0x92: {  	[tilespmem:$0xE030] =	vst v10  }
0x93: {  	[tilespmem:$0xE0B0] =	vst v10  }
0x94: {  	[tilespmem:$0xE130] =	vst v10  }
0x95: {  	[tilespmem:$0xE1B0] =	vst v10  }
0x96: {  	[tilespmem:$0xE230] =	vst v10  }
0x97: {  	[tilespmem:$0xE2B0] =	vst v10  }
0x98: {  	[tilespmem:$0xE330] =	vst v10  }
0x99: {  	[tilespmem:$0xE3B0] =	vst v10  }
0x9a: {  	[tilespmem:$0xE430] =	vst v10  }
0x9b: {  	[tilespmem:$0xE4B0] =	vst v10  }
0x9c: {  	[tilespmem:$0xE530] =	vst v10;
	v9 =	vld [tilespmem:$0xDFC0]  }
0x9d: {  	[tilespmem:$0xE5B0] =	vst v10  }
0x9e: {  	[tilespmem:$0xE630] =	vst v10  }
0x9f: {  	[tilespmem:$0xE6B0] =	vst v10  }
0xa0: {  	[tilespmem:$0xE730] =	vst v10  }
0xa1: {  	[tilespmem:$0xE040] =	vst v9  }
0xa2: {  	[tilespmem:$0xE0C0] =	vst v9  }
0xa3: {  	[tilespmem:$0xE140] =	vst v9  }
0xa4: {  	[tilespmem:$0xE1C0] =	vst v9  }
0xa5: {  	[tilespmem:$0xE240] =	vst v9  }
0xa6: {  	[tilespmem:$0xE2C0] =	vst v9  }
0xa7: {  	[tilespmem:$0xE340] =	vst v9  }
0xa8: {  	[tilespmem:$0xE3C0] =	vst v9  }
0xa9: {  	[tilespmem:$0xE440] =	vst v9  }
0xaa: {  	[tilespmem:$0xE4C0] =	vst v9  }
0xab: {  	v10 =	vld [tilespmem:$0xDFD0];
	[tilespmem:$0xE540] =	vst v9  }
0xac: {  	[tilespmem:$0xE5C0] =	vst v9  }
0xad: {  	[tilespmem:$0xE640] =	vst v9  }
0xae: {  	[tilespmem:$0xE6C0] =	vst v9  }
0xaf: {  	[tilespmem:$0xE740] =	vst v9  }
0xb0: {  	[tilespmem:$0xE050] =	vst v10  }
0xb1: {  	[tilespmem:$0xE0D0] =	vst v10  }
0xb2: {  	[tilespmem:$0xE150] =	vst v10  }
0xb3: {  	[tilespmem:$0xE1D0] =	vst v10  }
0xb4: {  	[tilespmem:$0xE250] =	vst v10  }
0xb5: {  	[tilespmem:$0xE2D0] =	vst v10  }
0xb6: {  	[tilespmem:$0xE350] =	vst v10  }
0xb7: {  	[tilespmem:$0xE3D0] =	vst v10  }
0xb8: {  	[tilespmem:$0xE450] =	vst v10  }
0xb9: {  	[tilespmem:$0xE4D0] =	vst v10  }
0xba: {  	[tilespmem:$0xE550] =	vst v10;
	v9 =	vld [tilespmem:$0xDFE0]  }
0xbb: {  	[tilespmem:$0xE5D0] =	vst v10  }
0xbc: {  	[tilespmem:$0xE650] =	vst v10  }
0xbd: {  	[tilespmem:$0xE6D0] =	vst v10  }
0xbe: {  	[tilespmem:$0xE750] =	vst v10  }
0xbf: {  	[tilespmem:$0xE060] =	vst v9  }
0xc0: {  	[tilespmem:$0xE0E0] =	vst v9  }
0xc1: {  	[tilespmem:$0xE160] =	vst v9  }
0xc2: {  	[tilespmem:$0xE1E0] =	vst v9  }
0xc3: {  	[tilespmem:$0xE260] =	vst v9  }
0xc4: {  	[tilespmem:$0xE2E0] =	vst v9  }
0xc5: {  	[tilespmem:$0xE360] =	vst v9  }
0xc6: {  	[tilespmem:$0xE3E0] =	vst v9  }
0xc7: {  	[tilespmem:$0xE460] =	vst v9  }
0xc8: {  	[tilespmem:$0xE4E0] =	vst v9  }
0xc9: {  	v10 =	vld [tilespmem:$0xDFF0];
	[tilespmem:$0xE560] =	vst v9  }
0xca: {  	[tilespmem:$0xE5E0] =	vst v9  }
0xcb: {  	[tilespmem:$0xE660] =	vst v9  }
0xcc: {  	[tilespmem:$0xE6E0] =	vst v9  }
0xcd: {  	[tilespmem:$0xE760] =	vst v9  }
0xce: {  	[tilespmem:$0xE070] =	vst v10  }
0xcf: {  	[tilespmem:$0xE0F0] =	vst v10  }
0xd0: {  	[tilespmem:$0xE170] =	vst v10  }
0xd1: {  	[tilespmem:$0xE1F0] =	vst v10  }
0xd2: {  	[tilespmem:$0xE270] =	vst v10  }
0xd3: {  	[tilespmem:$0xE2F0] =	vst v10  }
0xd4: {  	[tilespmem:$0xE370] =	vst v10  }
0xd5: {  	[tilespmem:$0xE3F0] =	vst v10  }
0xd6: {  	[tilespmem:$0xE470] =	vst v10  }
0xd7: {  	[tilespmem:$0xE4F0] =	vst v10  }
0xd8: {  	[tilespmem:$0xE570] =	vst v10  }
0xd9: {  	[tilespmem:$0xE5F0] =	vst v10  }
0xda: {  	[tilespmem:$0xE670] =	vst v10  }
0xdb: {  	s20 =	rddreg [dreg:$0x1a];
	[tilespmem:$0xE6F0] =	vst v10  }
0xdc: {  	s10 =	simm.s32 $0x10;
	s11 =	simm.s32 $0xE780;
	s21 =	rddreg [dreg:$0x1b];
	[tilespmem:$0xE770] =	vst v10  }
0xdd: {  	[hbm4b:s20+s10] =	stream.indirect.scatter [tilespmem:s19], [sflag:$0x5], $0x80, s11, s10, $0xb8;
	[tilespmem:$0xE800] =	vst v63  }
0xde: {  	s13 =	rddreg [dreg:$0x1c]  }
0xdf: {  	[hbm4b:s21+s10] =	stream.indirect.scatter [tilespmem:s19], [sflag:$0x5], $0x80, s11, s10, $0xb8;
	[tilespmem:$0xE800] =	vst v63  }
0xe0: {  	s14 =	rddreg [dreg:$0x1d]  }
0xe1: {  	[hbm4b:s13+s10] =	stream.indirect.scatter [tilespmem:s19], [sflag:$0x5], $0x80, s11, s10, $0xb8;
	[tilespmem:$0xE800] =	vst v63  }
0xe2: {  	s15 =	rddreg [dreg:$0x1e]  }
0xe3: {  	[hbm4b:s14+s10] =	stream.indirect.scatter [tilespmem:s19], [sflag:$0x5], $0x80, s11, s10, $0xb8;
	[tilespmem:$0xE800] =	vst v63  }
0xe4: {  	s9 =	sld [smem:$0x7FC]  }
0xe5: {  	[hbm4b:s15+s10] =	stream.indirect.scatter [tilespmem:s19], [sflag:$0x5], $0x80, s11, s10, $0xb8;
	[tilespmem:$0xE800] =	vst v63  }
0xe6: {  	s6 =	rddreg [dreg:$0x1f]  }
0xe7: {  	[hbm4b:s6+s10] =	stream.indirect.scatter [tilespmem:s19], [sflag:$0x5], $0x80, s11, s10, $0xb8;
	[tilespmem:$0xE800] =	vst v63  }
0xe8: {  	s26 =	sld [smem:$0x7FD]  }
0xe9: {  	[hbm4b:s9+s10] =	stream.indirect.scatter [tilespmem:s19], [sflag:$0x5], $0x80, s11, s10, $0xb8;
	[tilespmem:$0xE800] =	vst v63  }
0xea: {  	_ = 	snop  }
0xeb: {  	[hbm4b:s26+s10] =	stream.indirect.scatter [tilespmem:s19], [sflag:$0x5], $0x80, s11, s10, $0xb8;
	[tilespmem:$0xE800] =	vst v63  }
0xec: {  	_ =	swait.ge [sflag:s1], $0x800  }
0xed: {  	[sflag:s1] =	ssyncset.done $0x0  }
0xee: {  	[sflag:s1] =	ssyncadd.s32 $0xFFFFF800  }
0xef: {  	_ =	swait.ge [sflag:s1], $0x800  }
0xf0: {  	[sflag:s1] =	ssyncset.done $0x0  }
0xf1: {  	[sflag:s1] =	ssyncadd.s32 $0xFFFFF800  }
0xf2: {  	_ =	swait.ge [sflag:s1], $0x800  }
0xf3: {  	[sflag:s1] =	ssyncset.done $0x0  }
0xf4: {  	[sflag:s1] =	ssyncadd.s32 $0xFFFFF800  }
0xf5: {  	_ =	swait.ge [sflag:s1], $0x800  }
0xf6: {  	[sflag:s1] =	ssyncset.done $0x0  }
0xf7: {  	[sflag:s1] =	ssyncadd.s32 $0xFFFFF800  }
0xf8: {  	_ =	swait.ge [sflag:s1], $0x800  }
0xf9: {  	[sflag:s1] =	ssyncset.done $0x0  }
0xfa: {  	[sflag:s1] =	ssyncadd.s32 $0xFFFFF800  }
0xfb: {  	_ =	swait.ge [sflag:s1], $0x800  }
0xfc: {  	[sflag:s1] =	ssyncset.done $0x0  }
0xfd: {  	[sflag:s1] =	ssyncadd.s32 $0xFFFFF800  }
0xfe: {  	_ =	swait.ge [sflag:s1], $0x800  }
0xff: {  	[sflag:s1] =	ssyncset.done $0x0  }
0x100: {  	[sflag:s1] =	ssyncadd.s32 $0xFFFFF800  }
0x101: {  	_ =	swait.ge [sflag:s1], $0x800  }
0x102: {  	[sflag:s1] =	ssyncset.done $0x0  }
0x103: {  	s19 =	simm.s32 $0x900;
	s2 =	rddreg [dreg:$0xe];
	[sflag:s1] =	ssyncadd.s32 $0xFFFFF800  }
0x104: {  	[tilespmem:s19], [sflag:$0x3] =	stream.linear.gather [hbm4b:s2+s3], $0x480, $0x38;
	[tilespmem:$0xE800] =	vst v63  }
0x105: {  	s9 =	rddreg [dreg:$0xf]  }
0x106: {  	[tilespmem:s25], [sflag:$0x3] =	stream.linear.gather [hbm4b:s9+s3], $0x80, $0x38;
	[tilespmem:$0xE800] =	vst v63  }
0x107: {  	_ =	swait.ge [sflag:s22], $0x480  }
0x108: {  	[sflag:s22] =	ssyncset.done $0x0  }
0x109: {  	[sflag:s22] =	ssyncadd.s32 $0xFFFFFB80  }
0x10a: {  	_ =	swait.ge [sflag:s22], $0x80  }
0x10b: {  	[sflag:s22] =	ssyncset.done $0x0  }
0x10c: {  	s7 =	simm.s32 $0xE00;
	[sflag:s22] =	ssyncadd.s32 $0xFFFFFF80  }
0x10d: {  	[tilespmem:s23], [sflag:$0x5] =	stream.indirect.gather [spmem:s30], $0x80, s7, s17, $0xb8;
	[tilespmem:$0xE800] =	vst v63  }
0x10e: {  	_ =	swait.ge [sflag:s24], $0x4000  }
0x10f: {  	[sflag:s24] =	ssyncset.done $0x0  }
0x110: {  	[sflag:s24] =	ssyncadd.s32 $0xFFFFC000  }
0x111: {  	_ =	swait.ge [sflag:s24], $0x4000  }
0x112: {  	[sflag:s24] =	ssyncset.done $0x0  }
0x113: {  	[sflag:s24] =	ssyncadd.s32 $0xFFFFC000  }
0x114: {  	_ =	swait.ge [sflag:s24], $0x4000  }
0x115: {  	[sflag:s24] =	ssyncset.done $0x0  }
0x116: {  	[sflag:s24] =	ssyncadd.s32 $0xFFFFC000  }
0x117: {  	_ =	swait.ge [sflag:s24], $0x4000  }
0x118: {  	[sflag:s24] =	ssyncset.done $0x0  }
0x119: {  	[sflag:s24] =	ssyncadd.s32 $0xFFFFC000  }
0x11a: {  	_ =	swait.ge [sflag:s24], $0x4000  }
0x11b: {  	[sflag:s24] =	ssyncset.done $0x0  }
0x11c: {  	[sflag:s24] =	ssyncadd.s32 $0xFFFFC000  }
0x11d: {  	_ =	swait.ge [sflag:s24], $0x4000  }
0x11e: {  	[sflag:s24] =	ssyncset.done $0x0  }
0x11f: {  	[sflag:s24] =	ssyncadd.s32 $0xFFFFC000  }
0x120: {  	_ =	swait.ge [sflag:s24], $0x4000  }
0x121: {  	[sflag:s24] =	ssyncset.done $0x0  }
0x122: {  	[sflag:s24] =	ssyncadd.s32 $0xFFFFC000  }
0x123: {  	_ =	swait.ge [sflag:s24], $0x4000  }
0x124: {  	[sflag:s24] =	ssyncset.done $0x0  }
0x125: {  	[sflag:s24] =	ssyncadd.s32 $0xFFFFC000  }
0x126: {  	_ =	swait.ge [sflag:s24], $0x4000  }
0x127: {  	[sflag:s24] =	ssyncset.done $0x0  }
0x128: {  	s2 =	simm.s32 $0xF00;
	[sflag:s24] =	ssyncadd.s32 $0xFFFFC000  }
0x129: {  	[hbm4b:s20+s17] =	stream.indirect.scatter [tilespmem:s18], [sflag:$0xA], $0x80, s2, s17, $0xb8;
	[tilespmem:$0xE800] =	vst v63  }
0x12a: {  	_ =	swait.ge [sflag:s1], $0x4000  }
0x12b: {  	[sflag:s1] =	ssyncset.done $0x0  }
0x12c: {  	s9 =	simm.s32 $0x480;
	[sflag:s1] =	ssyncadd.s32 $0xFFFFC000  }
0x12d: {  	[tilespmem:s23], [sflag:$0x8] =	stream.indirect.gather.add.f32 [hbm:s0], $0x80, s9, s17, $0xb8;
	[tilespmem:$0xE800] =	vst v63  }
0x12e: {  	s20 =	simm.s32 $0x500  }
0x12f: {  	[tilespmem:s23], [sflag:$0x8] =	stream.indirect.gather.add.f32 [hbm:s0], $0x80, s20, s17, $0xb8;
	[tilespmem:$0xE800] =	vst v63  }
0x130: {  	s26 =	simm.s32 $0x580  }
0x131: {  	[tilespmem:s23], [sflag:$0x8] =	stream.indirect.gather.add.f32 [hbm:s0], $0x80, s26, s17, $0xb8;
	[tilespmem:$0xE800] =	vst v63  }
0x132: {  	s10 =	simm.s32 $0x600  }
0x133: {  	[tilespmem:s23], [sflag:$0x8] =	stream.indirect.gather.add.f32 [hbm:s0], $0x80, s10, s17, $0xb8;
	[tilespmem:$0xE800] =	vst v63  }
0x134: {  	s11 =	simm.s32 $0x680  }
0x135: {  	[tilespmem:s23], [sflag:$0x8] =	stream.indirect.gather.add.f32 [hbm:s0], $0x80, s11, s17, $0xb8;
	[tilespmem:$0xE800] =	vst v63  }
0x136: {  	s20 =	simm.s32 $0x700  }
0x137: {  	[tilespmem:s23], [sflag:$0x8] =	stream.indirect.gather.add.f32 [hbm:s0], $0x80, s20, s17, $0xb8;
	[tilespmem:$0xE800] =	vst v63  }
0x138: {  	s26 =	simm.s32 $0x780  }
0x139: {  	[tilespmem:s23], [sflag:$0x8] =	stream.indirect.gather.add.f32 [hbm:s0], $0x80, s26, s17, $0xb8;
	[tilespmem:$0xE800] =	vst v63  }
0x13a: {  	s10 =	simm.s32 $0x800  }
0x13b: {  	[tilespmem:s23], [sflag:$0x8] =	stream.indirect.gather.add.f32 [hbm:s0], $0x80, s10, s17, $0xb8;
	[tilespmem:$0xE800] =	vst v63  }
0x13c: {  	s7 =	simm.s32 $0xA;
	s11 =	simm.s32 $0x880  }
0x13d: {  	[tilespmem:s23], [sflag:$0x8] =	stream.indirect.gather.add.f32 [hbm:s0], $0x80, s11, s17, $0xb8;
	[tilespmem:$0xE800] =	vst v63  }
0x13e: {  	_ =	swait.ge [sflag:s7], $0x4000  }
0x13f: {  	[sflag:s7] =	ssyncset.done $0x0  }
0x140: {  	s20 =	rddreg [dreg:$0x10];
	[sflag:s7] =	ssyncadd.s32 $0xFFFFC000  }
0x141: {  	[tilespmem:s3], [sflag:$0x1] =	stream.linear.gather [hbm4b:s20+s3], $0x480, $0x38;
	[tilespmem:$0xE800] =	vst v63  }
0x142: {  	s26 =	rddreg [dreg:$0x11];
	s20 =	simm.s32 $0xD80  }
0x143: {  	[tilespmem:s20], [sflag:$0x1] =	stream.linear.gather [hbm4b:s26+s3], $0x80, $0x38;
	[tilespmem:$0xE800] =	vst v63  }
0x144: {  	_ =	swait.ge [sflag:s31], $0x480  }
0x145: {  	[sflag:s31] =	ssyncset.done $0x0  }
0x146: {  	[sflag:s31] =	ssyncadd.s32 $0xFFFFFB80  }
0x147: {  	_ =	swait.ge [sflag:s31], $0x80  }
0x148: {  	[sflag:s31] =	ssyncset.done $0x0  }
0x149: {  	[sflag:s31] =	ssyncadd.s32 $0xFFFFFF80  }
0x14a: {  	[tilespmem:s4], [sflag:$0x6] =	stream.indirect.gather [spmem:s30], $0x80, s25, s17, $0xb8;
	[tilespmem:$0xE800] =	vst v63  }
0x14b: {  	_ =	swait.ge [sflag:s5], $0x4000  }
0x14c: {  	[sflag:s5] =	ssyncset.done $0x0  }
0x14d: {  	[sflag:s5] =	ssyncadd.s32 $0xFFFFC000  }
0x14e: {  	_ =	swait.ge [sflag:s5], $0x4000  }
0x14f: {  	[sflag:s5] =	ssyncset.done $0x0  }
0x150: {  	[sflag:s5] =	ssyncadd.s32 $0xFFFFC000  }
0x151: {  	_ =	swait.ge [sflag:s5], $0x4000  }
0x152: {  	[sflag:s5] =	ssyncset.done $0x0  }
0x153: {  	[sflag:s5] =	ssyncadd.s32 $0xFFFFC000  }
0x154: {  	_ =	swait.ge [sflag:s5], $0x4000  }
0x155: {  	[sflag:s5] =	ssyncset.done $0x0  }
0x156: {  	[sflag:s5] =	ssyncadd.s32 $0xFFFFC000  }
0x157: {  	_ =	swait.ge [sflag:s5], $0x4000  }
0x158: {  	[sflag:s5] =	ssyncset.done $0x0  }
0x159: {  	[sflag:s5] =	ssyncadd.s32 $0xFFFFC000  }
0x15a: {  	_ =	swait.ge [sflag:s5], $0x4000  }
0x15b: {  	[sflag:s5] =	ssyncset.done $0x0  }
0x15c: {  	[sflag:s5] =	ssyncadd.s32 $0xFFFFC000  }
0x15d: {  	_ =	swait.ge [sflag:s5], $0x4000  }
0x15e: {  	[sflag:s5] =	ssyncset.done $0x0  }
0x15f: {  	[sflag:s5] =	ssyncadd.s32 $0xFFFFC000  }
0x160: {  	_ =	swait.ge [sflag:s5], $0x4000  }
0x161: {  	[sflag:s5] =	ssyncset.done $0x0  }
0x162: {  	[sflag:s5] =	ssyncadd.s32 $0xFFFFC000  }
0x163: {  	_ =	swait.ge [sflag:s5], $0x4000  }
0x164: {  	[sflag:s5] =	ssyncset.done $0x0  }
0x165: {  	[sflag:s5] =	ssyncadd.s32 $0xFFFFC000  }
0x166: {  	[hbm4b:s21+s17] =	stream.indirect.scatter [tilespmem:s23], [sflag:$0xB], $0x80, s2, s17, $0xb8;
	[tilespmem:$0xE800] =	vst v63  }
0x167: {  	s21 =	simm.s32 $0x6  }
0x168: {  	_ =	swait.ge [sflag:s21], $0x4000  }
0x169: {  	[sflag:s21] =	ssyncset.done $0x0  }
0x16a: {  	[sflag:s21] =	ssyncadd.s32 $0xFFFFC000  }
0x16b: {  	[tilespmem:s4], [sflag:$0x9] =	stream.indirect.gather.add.f32 [hbm:s0], $0x80, s19, s17, $0xb8;
	[tilespmem:$0xE800] =	vst v63  }
0x16c: {  	s26 =	simm.s32 $0x980  }
0x16d: {  	[tilespmem:s4], [sflag:$0x9] =	stream.indirect.gather.add.f32 [hbm:s0], $0x80, s26, s17, $0xb8;
	[tilespmem:$0xE800] =	vst v63  }
0x16e: {  	s11 =	simm.s32 $0xA00  }
0x16f: {  	[tilespmem:s4], [sflag:$0x9] =	stream.indirect.gather.add.f32 [hbm:s0], $0x80, s11, s17, $0xb8;
	[tilespmem:$0xE800] =	vst v63  }
0x170: {  	s26 =	simm.s32 $0xA80  }
0x171: {  	[tilespmem:s4], [sflag:$0x9] =	stream.indirect.gather.add.f32 [hbm:s0], $0x80, s26, s17, $0xb8;
	[tilespmem:$0xE800] =	vst v63  }
0x172: {  	s11 =	simm.s32 $0xB00  }
0x173: {  	[tilespmem:s4], [sflag:$0x9] =	stream.indirect.gather.add.f32 [hbm:s0], $0x80, s11, s17, $0xb8;
	[tilespmem:$0xE800] =	vst v63  }
0x174: {  	s26 =	simm.s32 $0xB80  }
0x175: {  	[tilespmem:s4], [sflag:$0x9] =	stream.indirect.gather.add.f32 [hbm:s0], $0x80, s26, s17, $0xb8;
	[tilespmem:$0xE800] =	vst v63  }
0x176: {  	s11 =	simm.s32 $0xC00  }
0x177: {  	[tilespmem:s4], [sflag:$0x9] =	stream.indirect.gather.add.f32 [hbm:s0], $0x80, s11, s17, $0xb8;
	[tilespmem:$0xE800] =	vst v63  }
0x178: {  	s26 =	simm.s32 $0xC80  }
0x179: {  	[tilespmem:s4], [sflag:$0x9] =	stream.indirect.gather.add.f32 [hbm:s0], $0x80, s26, s17, $0xb8;
	[tilespmem:$0xE800] =	vst v63  }
0x17a: {  	s11 =	simm.s32 $0xD00  }
0x17b: {  	[tilespmem:s4], [sflag:$0x9] =	stream.indirect.gather.add.f32 [hbm:s0], $0x80, s11, s17, $0xb8;
	[tilespmem:$0xE800] =	vst v63  }
0x17c: {  	_ =	swait.ge [sflag:s29], $0x4000  }
0x17d: {  	[sflag:s29] =	ssyncset.done $0x0  }
0x17e: {  	s26 =	rddreg [dreg:$0x12];
	[sflag:s29] =	ssyncadd.s32 $0xFFFFC000  }
0x17f: {  	[tilespmem:s9], [sflag:$0x2] =	stream.linear.gather [hbm4b:s26+s3], $0x480, $0x38;
	[tilespmem:$0xE800] =	vst v63  }
0x180: {  	s11 =	rddreg [dreg:$0x13];
	s9 =	simm.s32 $0xE00  }
0x181: {  	[tilespmem:s9], [sflag:$0x2] =	stream.linear.gather [hbm4b:s11+s3], $0x80, $0x38;
	[tilespmem:$0xE800] =	vst v63  }
0x182: {  	_ =	swait.ge [sflag:s16], $0x480  }
0x183: {  	[sflag:s16] =	ssyncset.done $0x0  }
0x184: {  	[sflag:s16] =	ssyncadd.s32 $0xFFFFFB80  }
0x185: {  	_ =	swait.ge [sflag:s16], $0x80  }
0x186: {  	[sflag:s16] =	ssyncset.done $0x0  }
0x187: {  	[sflag:s16] =	ssyncadd.s32 $0xFFFFFF80  }
0x188: {  	[tilespmem:s18], [sflag:$0x4] =	stream.indirect.gather [spmem:s30], $0x80, s20, s17, $0xb8;
	[tilespmem:$0xE800] =	vst v63  }
0x189: {  	_ =	swait.ge [sflag:s8], $0x4000  }
0x18a: {  	[sflag:s8] =	ssyncset.done $0x0  }
0x18b: {  	[sflag:s8] =	ssyncadd.s32 $0xFFFFC000  }
0x18c: {  	_ =	swait.ge [sflag:s8], $0x4000  }
0x18d: {  	[sflag:s8] =	ssyncset.done $0x0  }
0x18e: {  	[sflag:s8] =	ssyncadd.s32 $0xFFFFC000  }
0x18f: {  	_ =	swait.ge [sflag:s8], $0x4000  }
0x190: {  	[sflag:s8] =	ssyncset.done $0x0  }
0x191: {  	[sflag:s8] =	ssyncadd.s32 $0xFFFFC000  }
0x192: {  	_ =	swait.ge [sflag:s8], $0x4000  }
0x193: {  	[sflag:s8] =	ssyncset.done $0x0  }
0x194: {  	[sflag:s8] =	ssyncadd.s32 $0xFFFFC000  }
0x195: {  	_ =	swait.ge [sflag:s8], $0x4000  }
0x196: {  	[sflag:s8] =	ssyncset.done $0x0  }
0x197: {  	[sflag:s8] =	ssyncadd.s32 $0xFFFFC000  }
0x198: {  	_ =	swait.ge [sflag:s8], $0x4000  }
0x199: {  	[sflag:s8] =	ssyncset.done $0x0  }
0x19a: {  	[sflag:s8] =	ssyncadd.s32 $0xFFFFC000  }
0x19b: {  	_ =	swait.ge [sflag:s8], $0x4000  }
0x19c: {  	[sflag:s8] =	ssyncset.done $0x0  }
0x19d: {  	[sflag:s8] =	ssyncadd.s32 $0xFFFFC000  }
0x19e: {  	_ =	swait.ge [sflag:s8], $0x4000  }
0x19f: {  	[sflag:s8] =	ssyncset.done $0x0  }
0x1a0: {  	[sflag:s8] =	ssyncadd.s32 $0xFFFFC000  }
0x1a1: {  	_ =	swait.ge [sflag:s8], $0x4000  }
0x1a2: {  	[sflag:s8] =	ssyncset.done $0x0  }
0x1a3: {  	[sflag:s8] =	ssyncadd.s32 $0xFFFFC000  }
0x1a4: {  	[hbm4b:s13+s17] =	stream.indirect.scatter [tilespmem:s4], [sflag:$0xC], $0x80, s2, s17, $0xb8;
	[tilespmem:$0xE800] =	vst v63  }
0x1a5: {  	_ =	swait.ge [sflag:s28], $0x4000  }
0x1a6: {  	[sflag:s28] =	ssyncset.done $0x0  }
0x1a7: {  	[sflag:s28] =	ssyncadd.s32 $0xFFFFC000  }
0x1a8: {  	[tilespmem:s18], [sflag:$0x7] =	stream.indirect.gather.add.f32 [hbm:s0], $0x80, s3, s17, $0xb8;
	[tilespmem:$0xE800] =	vst v63  }
0x1a9: {  	_ = 	snop  }
0x1aa: {  	[tilespmem:s18], [sflag:$0x7] =	stream.indirect.gather.add.f32 [hbm:s0], $0x80, s17, s17, $0xb8;
	[tilespmem:$0xE800] =	vst v63  }
0x1ab: {  	s20 =	simm.s32 $0x100  }
0x1ac: {  	[tilespmem:s18], [sflag:$0x7] =	stream.indirect.gather.add.f32 [hbm:s0], $0x80, s20, s17, $0xb8;
	[tilespmem:$0xE800] =	vst v63  }
0x1ad: {  	s11 =	simm.s32 $0x180  }
0x1ae: {  	[tilespmem:s18], [sflag:$0x7] =	stream.indirect.gather.add.f32 [hbm:s0], $0x80, s11, s17, $0xb8;
	[tilespmem:$0xE800] =	vst v63  }
0x1af: {  	s13 =	simm.s32 $0x200  }
0x1b0: {  	[tilespmem:s18], [sflag:$0x7] =	stream.indirect.gather.add.f32 [hbm:s0], $0x80, s13, s17, $0xb8;
	[tilespmem:$0xE800] =	vst v63  }
0x1b1: {  	s20 =	simm.s32 $0x280  }
0x1b2: {  	[tilespmem:s18], [sflag:$0x7] =	stream.indirect.gather.add.f32 [hbm:s0], $0x80, s20, s17, $0xb8;
	[tilespmem:$0xE800] =	vst v63  }
0x1b3: {  	s11 =	simm.s32 $0x300  }
0x1b4: {  	[tilespmem:s18], [sflag:$0x7] =	stream.indirect.gather.add.f32 [hbm:s0], $0x80, s11, s17, $0xb8;
	[tilespmem:$0xE800] =	vst v63  }
0x1b5: {  	s13 =	simm.s32 $0x380  }
0x1b6: {  	[tilespmem:s18], [sflag:$0x7] =	stream.indirect.gather.add.f32 [hbm:s0], $0x80, s13, s17, $0xb8;
	[tilespmem:$0xE800] =	vst v63  }
0x1b7: {  	s20 =	simm.s32 $0x400;
	s13 =	simm.s32 $0xC  }
0x1b8: {  	[tilespmem:s18], [sflag:$0x7] =	stream.indirect.gather.add.f32 [hbm:s0], $0x80, s20, s17, $0xb8;
	[tilespmem:$0xE800] =	vst v63  }
0x1b9: {  	_ =	swait.ge [sflag:s13], $0x4000  }
0x1ba: {  	[sflag:s13] =	ssyncset.done $0x0  }
0x1bb: {  	s11 =	rddreg [dreg:$0x14];
	[sflag:s13] =	ssyncadd.s32 $0xFFFFC000  }
0x1bc: {  	[tilespmem:s19], [sflag:$0x3] =	stream.linear.gather [hbm4b:s11+s3], $0x480, $0x38;
	[tilespmem:$0xE800] =	vst v63  }
0x1bd: {  	s20 =	rddreg [dreg:$0x15]  }
0x1be: {  	[tilespmem:s25], [sflag:$0x3] =	stream.linear.gather [hbm4b:s20+s3], $0x80, $0x38;
	[tilespmem:$0xE800] =	vst v63  }
0x1bf: {  	_ =	swait.ge [sflag:s22], $0x480  }
0x1c0: {  	[sflag:s22] =	ssyncset.done $0x0  }
0x1c1: {  	[sflag:s22] =	ssyncadd.s32 $0xFFFFFB80  }
0x1c2: {  	_ =	swait.ge [sflag:s22], $0x80  }
0x1c3: {  	[sflag:s22] =	ssyncset.done $0x0  }
0x1c4: {  	[sflag:s22] =	ssyncadd.s32 $0xFFFFFF80  }
0x1c5: {  	[tilespmem:s23], [sflag:$0x5] =	stream.indirect.gather [spmem:s30], $0x80, s9, s17, $0xb8;
	[tilespmem:$0xE800] =	vst v63  }
0x1c6: {  	_ =	swait.ge [sflag:s24], $0x4000  }
0x1c7: {  	[sflag:s24] =	ssyncset.done $0x0  }
0x1c8: {  	[sflag:s24] =	ssyncadd.s32 $0xFFFFC000  }
0x1c9: {  	_ =	swait.ge [sflag:s24], $0x4000  }
0x1ca: {  	[sflag:s24] =	ssyncset.done $0x0  }
0x1cb: {  	[sflag:s24] =	ssyncadd.s32 $0xFFFFC000  }
0x1cc: {  	_ =	swait.ge [sflag:s24], $0x4000  }
0x1cd: {  	[sflag:s24] =	ssyncset.done $0x0  }
0x1ce: {  	[sflag:s24] =	ssyncadd.s32 $0xFFFFC000  }
0x1cf: {  	_ =	swait.ge [sflag:s24], $0x4000  }
0x1d0: {  	[sflag:s24] =	ssyncset.done $0x0  }
0x1d1: {  	[sflag:s24] =	ssyncadd.s32 $0xFFFFC000  }
0x1d2: {  	_ =	swait.ge [sflag:s24], $0x4000  }
0x1d3: {  	[sflag:s24] =	ssyncset.done $0x0  }
0x1d4: {  	[sflag:s24] =	ssyncadd.s32 $0xFFFFC000  }
0x1d5: {  	_ =	swait.ge [sflag:s24], $0x4000  }
0x1d6: {  	[sflag:s24] =	ssyncset.done $0x0  }
0x1d7: {  	[sflag:s24] =	ssyncadd.s32 $0xFFFFC000  }
0x1d8: {  	_ =	swait.ge [sflag:s24], $0x4000  }
0x1d9: {  	[sflag:s24] =	ssyncset.done $0x0  }
0x1da: {  	[sflag:s24] =	ssyncadd.s32 $0xFFFFC000  }
0x1db: {  	_ =	swait.ge [sflag:s24], $0x4000  }
0x1dc: {  	[sflag:s24] =	ssyncset.done $0x0  }
0x1dd: {  	[sflag:s24] =	ssyncadd.s32 $0xFFFFC000  }
0x1de: {  	_ =	swait.ge [sflag:s24], $0x4000  }
0x1df: {  	[sflag:s24] =	ssyncset.done $0x0  }
0x1e0: {  	[sflag:s24] =	ssyncadd.s32 $0xFFFFC000  }
0x1e1: {  	[hbm4b:s14+s17] =	stream.indirect.scatter [tilespmem:s18], [sflag:$0xA], $0x80, s2, s17, $0xb8;
	[tilespmem:$0xE800] =	vst v63  }
0x1e2: {  	_ =	swait.ge [sflag:s1], $0x4000  }
0x1e3: {  	[sflag:s1] =	ssyncset.done $0x0  }
0x1e4: {  	s26 =	simm.s32 $0x480;
	[sflag:s1] =	ssyncadd.s32 $0xFFFFC000  }
0x1e5: {  	[tilespmem:s23], [sflag:$0x8] =	stream.indirect.gather.add.f32 [hbm:s0], $0x80, s26, s17, $0xb8;
	[tilespmem:$0xE800] =	vst v63  }
0x1e6: {  	s20 =	simm.s32 $0x500  }
0x1e7: {  	[tilespmem:s23], [sflag:$0x8] =	stream.indirect.gather.add.f32 [hbm:s0], $0x80, s20, s17, $0xb8;
	[tilespmem:$0xE800] =	vst v63  }
0x1e8: {  	s20 =	simm.s32 $0x580  }
0x1e9: {  	[tilespmem:s23], [sflag:$0x8] =	stream.indirect.gather.add.f32 [hbm:s0], $0x80, s20, s17, $0xb8;
	[tilespmem:$0xE800] =	vst v63  }
0x1ea: {  	s26 =	simm.s32 $0x600  }
0x1eb: {  	[tilespmem:s23], [sflag:$0x8] =	stream.indirect.gather.add.f32 [hbm:s0], $0x80, s26, s17, $0xb8;
	[tilespmem:$0xE800] =	vst v63  }
0x1ec: {  	s11 =	simm.s32 $0x680  }
0x1ed: {  	[tilespmem:s23], [sflag:$0x8] =	stream.indirect.gather.add.f32 [hbm:s0], $0x80, s11, s17, $0xb8;
	[tilespmem:$0xE800] =	vst v63  }
0x1ee: {  	s26 =	simm.s32 $0x700  }
0x1ef: {  	[tilespmem:s23], [sflag:$0x8] =	stream.indirect.gather.add.f32 [hbm:s0], $0x80, s26, s17, $0xb8;
	[tilespmem:$0xE800] =	vst v63  }
0x1f0: {  	s11 =	simm.s32 $0x780  }
0x1f1: {  	[tilespmem:s23], [sflag:$0x8] =	stream.indirect.gather.add.f32 [hbm:s0], $0x80, s11, s17, $0xb8;
	[tilespmem:$0xE800] =	vst v63  }
0x1f2: {  	s26 =	simm.s32 $0x800  }
0x1f3: {  	[tilespmem:s23], [sflag:$0x8] =	stream.indirect.gather.add.f32 [hbm:s0], $0x80, s26, s17, $0xb8;
	[tilespmem:$0xE800] =	vst v63  }
0x1f4: {  	s11 =	simm.s32 $0x880  }
0x1f5: {  	[tilespmem:s23], [sflag:$0x8] =	stream.indirect.gather.add.f32 [hbm:s0], $0x80, s11, s17, $0xb8;
	[tilespmem:$0xE800] =	vst v63  }
0x1f6: {  	_ =	swait.ge [sflag:s7], $0x4000  }
0x1f7: {  	[sflag:s7] =	ssyncset.done $0x0  }
0x1f8: {  	s26 =	rddreg [dreg:$0x16];
	[sflag:s7] =	ssyncadd.s32 $0xFFFFC000  }
0x1f9: {  	[tilespmem:s3], [sflag:$0x1] =	stream.linear.gather [hbm4b:s26+s3], $0x480, $0x38;
	[tilespmem:$0xE800] =	vst v63  }
0x1fa: {  	s11 =	rddreg [dreg:$0x17];
	s26 =	simm.s32 $0xD80  }
0x1fb: {  	[tilespmem:s26], [sflag:$0x1] =	stream.linear.gather [hbm4b:s11+s3], $0x80, $0x38;
	[tilespmem:$0xE800] =	vst v63  }
0x1fc: {  	_ =	swait.ge [sflag:s31], $0x480  }
0x1fd: {  	[sflag:s31] =	ssyncset.done $0x0  }
0x1fe: {  	[sflag:s31] =	ssyncadd.s32 $0xFFFFFB80  }
0x1ff: {  	_ =	swait.ge [sflag:s31], $0x80  }
0x200: {  	[sflag:s31] =	ssyncset.done $0x0  }
0x201: {  	[sflag:s31] =	ssyncadd.s32 $0xFFFFFF80  }
0x202: {  	[tilespmem:s4], [sflag:$0x6] =	stream.indirect.gather [spmem:s30], $0x80, s25, s17, $0xb8;
	[tilespmem:$0xE800] =	vst v63  }
0x203: {  	_ =	swait.ge [sflag:s5], $0x4000  }
0x204: {  	[sflag:s5] =	ssyncset.done $0x0  }
0x205: {  	[sflag:s5] =	ssyncadd.s32 $0xFFFFC000  }
0x206: {  	_ =	swait.ge [sflag:s5], $0x4000  }
0x207: {  	[sflag:s5] =	ssyncset.done $0x0  }
0x208: {  	[sflag:s5] =	ssyncadd.s32 $0xFFFFC000  }
0x209: {  	_ =	swait.ge [sflag:s5], $0x4000  }
0x20a: {  	[sflag:s5] =	ssyncset.done $0x0  }
0x20b: {  	[sflag:s5] =	ssyncadd.s32 $0xFFFFC000  }
0x20c: {  	_ =	swait.ge [sflag:s5], $0x4000  }
0x20d: {  	[sflag:s5] =	ssyncset.done $0x0  }
0x20e: {  	[sflag:s5] =	ssyncadd.s32 $0xFFFFC000  }
0x20f: {  	_ =	swait.ge [sflag:s5], $0x4000  }
0x210: {  	[sflag:s5] =	ssyncset.done $0x0  }
0x211: {  	[sflag:s5] =	ssyncadd.s32 $0xFFFFC000  }
0x212: {  	_ =	swait.ge [sflag:s5], $0x4000  }
0x213: {  	[sflag:s5] =	ssyncset.done $0x0  }
0x214: {  	[sflag:s5] =	ssyncadd.s32 $0xFFFFC000  }
0x215: {  	_ =	swait.ge [sflag:s5], $0x4000  }
0x216: {  	[sflag:s5] =	ssyncset.done $0x0  }
0x217: {  	[sflag:s5] =	ssyncadd.s32 $0xFFFFC000  }
0x218: {  	_ =	swait.ge [sflag:s5], $0x4000  }
0x219: {  	[sflag:s5] =	ssyncset.done $0x0  }
0x21a: {  	[sflag:s5] =	ssyncadd.s32 $0xFFFFC000  }
0x21b: {  	_ =	swait.ge [sflag:s5], $0x4000  }
0x21c: {  	[sflag:s5] =	ssyncset.done $0x0  }
0x21d: {  	[sflag:s5] =	ssyncadd.s32 $0xFFFFC000  }
0x21e: {  	[hbm4b:s15+s17] =	stream.indirect.scatter [tilespmem:s23], [sflag:$0xB], $0x80, s2, s17, $0xb8;
	[tilespmem:$0xE800] =	vst v63  }
0x21f: {  	_ =	swait.ge [sflag:s21], $0x4000  }
0x220: {  	[sflag:s21] =	ssyncset.done $0x0  }
0x221: {  	[sflag:s21] =	ssyncadd.s32 $0xFFFFC000  }
0x222: {  	[tilespmem:s4], [sflag:$0x9] =	stream.indirect.gather.add.f32 [hbm:s0], $0x80, s19, s17, $0xb8;
	[tilespmem:$0xE800] =	vst v63  }
0x223: {  	s19 =	simm.s32 $0x980  }
0x224: {  	[tilespmem:s4], [sflag:$0x9] =	stream.indirect.gather.add.f32 [hbm:s0], $0x80, s19, s17, $0xb8;
	[tilespmem:$0xE800] =	vst v63  }
0x225: {  	s21 =	simm.s32 $0xA00  }
0x226: {  	[tilespmem:s4], [sflag:$0x9] =	stream.indirect.gather.add.f32 [hbm:s0], $0x80, s21, s17, $0xb8;
	[tilespmem:$0xE800] =	vst v63  }
0x227: {  	s11 =	simm.s32 $0xA80  }
0x228: {  	[tilespmem:s4], [sflag:$0x9] =	stream.indirect.gather.add.f32 [hbm:s0], $0x80, s11, s17, $0xb8;
	[tilespmem:$0xE800] =	vst v63  }
0x229: {  	s15 =	simm.s32 $0xB00  }
0x22a: {  	[tilespmem:s4], [sflag:$0x9] =	stream.indirect.gather.add.f32 [hbm:s0], $0x80, s15, s17, $0xb8;
	[tilespmem:$0xE800] =	vst v63  }
0x22b: {  	s19 =	simm.s32 $0xB80  }
0x22c: {  	[tilespmem:s4], [sflag:$0x9] =	stream.indirect.gather.add.f32 [hbm:s0], $0x80, s19, s17, $0xb8;
	[tilespmem:$0xE800] =	vst v63  }
0x22d: {  	s21 =	simm.s32 $0xC00  }
0x22e: {  	[tilespmem:s4], [sflag:$0x9] =	stream.indirect.gather.add.f32 [hbm:s0], $0x80, s21, s17, $0xb8;
	[tilespmem:$0xE800] =	vst v63  }
0x22f: {  	s11 =	simm.s32 $0xC80  }
0x230: {  	[tilespmem:s4], [sflag:$0x9] =	stream.indirect.gather.add.f32 [hbm:s0], $0x80, s11, s17, $0xb8;
	[tilespmem:$0xE800] =	vst v63  }
0x231: {  	s15 =	simm.s32 $0xD00  }
0x232: {  	[tilespmem:s4], [sflag:$0x9] =	stream.indirect.gather.add.f32 [hbm:s0], $0x80, s15, s17, $0xb8;
	[tilespmem:$0xE800] =	vst v63  }
0x233: {  	_ =	swait.ge [sflag:s29], $0x4000  }
0x234: {  	[sflag:s29] =	ssyncset.done $0x0  }
0x235: {  	s14 =	simm.s32 $0x480;
	s19 =	rddreg [dreg:$0x18];
	[sflag:s29] =	ssyncadd.s32 $0xFFFFC000  }
0x236: {  	[tilespmem:s14], [sflag:$0x2] =	stream.linear.gather [hbm4b:s19+s3], $0x480, $0x38;
	[tilespmem:$0xE800] =	vst v63  }
0x237: {  	s9 =	simm.s32 $0xE00;
	s21 =	rddreg [dreg:$0x19]  }
0x238: {  	[tilespmem:s9], [sflag:$0x2] =	stream.linear.gather [hbm4b:s21+s3], $0x80, $0x38;
	[tilespmem:$0xE800] =	vst v63  }
0x239: {  	_ =	swait.ge [sflag:s16], $0x480  }
0x23a: {  	[sflag:s16] =	ssyncset.done $0x0  }
0x23b: {  	[sflag:s16] =	ssyncadd.s32 $0xFFFFFB80  }
0x23c: {  	_ =	swait.ge [sflag:s16], $0x80  }
0x23d: {  	[sflag:s16] =	ssyncset.done $0x0  }
0x23e: {  	s26 =	simm.s32 $0xD80;
	[sflag:s16] =	ssyncadd.s32 $0xFFFFFF80  }
0x23f: {  	[tilespmem:s18], [sflag:$0x4] =	stream.indirect.gather [spmem:s30], $0x80, s26, s17, $0xb8;
	[tilespmem:$0xE800] =	vst v63  }
0x240: {  	_ =	swait.ge [sflag:s8], $0x4000  }
0x241: {  	[sflag:s8] =	ssyncset.done $0x0  }
0x242: {  	[sflag:s8] =	ssyncadd.s32 $0xFFFFC000  }
0x243: {  	_ =	swait.ge [sflag:s8], $0x4000  }
0x244: {  	[sflag:s8] =	ssyncset.done $0x0  }
0x245: {  	[sflag:s8] =	ssyncadd.s32 $0xFFFFC000  }
0x246: {  	_ =	swait.ge [sflag:s8], $0x4000  }
0x247: {  	[sflag:s8] =	ssyncset.done $0x0  }
0x248: {  	[sflag:s8] =	ssyncadd.s32 $0xFFFFC000  }
0x249: {  	_ =	swait.ge [sflag:s8], $0x4000  }
0x24a: {  	[sflag:s8] =	ssyncset.done $0x0  }
0x24b: {  	[sflag:s8] =	ssyncadd.s32 $0xFFFFC000  }
0x24c: {  	_ =	swait.ge [sflag:s8], $0x4000  }
0x24d: {  	[sflag:s8] =	ssyncset.done $0x0  }
0x24e: {  	[sflag:s8] =	ssyncadd.s32 $0xFFFFC000  }
0x24f: {  	_ =	swait.ge [sflag:s8], $0x4000  }
0x250: {  	[sflag:s8] =	ssyncset.done $0x0  }
0x251: {  	[sflag:s8] =	ssyncadd.s32 $0xFFFFC000  }
0x252: {  	_ =	swait.ge [sflag:s8], $0x4000  }
0x253: {  	[sflag:s8] =	ssyncset.done $0x0  }
0x254: {  	[sflag:s8] =	ssyncadd.s32 $0xFFFFC000  }
0x255: {  	_ =	swait.ge [sflag:s8], $0x4000  }
0x256: {  	[sflag:s8] =	ssyncset.done $0x0  }
0x257: {  	[sflag:s8] =	ssyncadd.s32 $0xFFFFC000  }
0x258: {  	_ =	swait.ge [sflag:s8], $0x4000  }
0x259: {  	[sflag:s8] =	ssyncset.done $0x0  }
0x25a: {  	[sflag:s8] =	ssyncadd.s32 $0xFFFFC000  }
0x25b: {  	[hbm4b:s6+s17] =	stream.indirect.scatter [tilespmem:s4], [sflag:$0xC], $0x80, s2, s17, $0xb8;
	[tilespmem:$0xE800] =	vst v63  }
0x25c: {  	_ =	swait.ge [sflag:s28], $0x4000  }
0x25d: {  	[sflag:s28] =	ssyncset.done $0x0  }
0x25e: {  	[sflag:s28] =	ssyncadd.s32 $0xFFFFC000  }
0x25f: {  	[tilespmem:s18], [sflag:$0x7] =	stream.indirect.gather.add.f32 [hbm:s0], $0x80, s3, s17, $0xb8;
	[tilespmem:$0xE800] =	vst v63  }
0x260: {  	_ = 	snop  }
0x261: {  	[tilespmem:s18], [sflag:$0x7] =	stream.indirect.gather.add.f32 [hbm:s0], $0x80, s17, s17, $0xb8;
	[tilespmem:$0xE800] =	vst v63  }
0x262: {  	s10 =	simm.s32 $0x100  }
0x263: {  	[tilespmem:s18], [sflag:$0x7] =	stream.indirect.gather.add.f32 [hbm:s0], $0x80, s10, s17, $0xb8;
	[tilespmem:$0xE800] =	vst v63  }
0x264: {  	s11 =	simm.s32 $0x180  }
0x265: {  	[tilespmem:s18], [sflag:$0x7] =	stream.indirect.gather.add.f32 [hbm:s0], $0x80, s11, s17, $0xb8;
	[tilespmem:$0xE800] =	vst v63  }
0x266: {  	s15 =	simm.s32 $0x200  }
0x267: {  	[tilespmem:s18], [sflag:$0x7] =	stream.indirect.gather.add.f32 [hbm:s0], $0x80, s15, s17, $0xb8;
	[tilespmem:$0xE800] =	vst v63  }
0x268: {  	s19 =	simm.s32 $0x280  }
0x269: {  	[tilespmem:s18], [sflag:$0x7] =	stream.indirect.gather.add.f32 [hbm:s0], $0x80, s19, s17, $0xb8;
	[tilespmem:$0xE800] =	vst v63  }
0x26a: {  	s21 =	simm.s32 $0x300  }
0x26b: {  	[tilespmem:s18], [sflag:$0x7] =	stream.indirect.gather.add.f32 [hbm:s0], $0x80, s21, s17, $0xb8;
	[tilespmem:$0xE800] =	vst v63  }
0x26c: {  	s26 =	simm.s32 $0x380  }
0x26d: {  	[tilespmem:s18], [sflag:$0x7] =	stream.indirect.gather.add.f32 [hbm:s0], $0x80, s26, s17, $0xb8;
	[tilespmem:$0xE800] =	vst v63  }
0x26e: {  	s10 =	simm.s32 $0x400  }
0x26f: {  	[tilespmem:s18], [sflag:$0x7] =	stream.indirect.gather.add.f32 [hbm:s0], $0x80, s10, s17, $0xb8;
	[tilespmem:$0xE800] =	vst v63  }
0x270: {  	_ =	swait.ge [sflag:s13], $0x4000  }
0x271: {  	[sflag:s13] =	ssyncset.done $0x0  }
0x272: {  	[sflag:s13] =	ssyncadd.s32 $0xFFFFC000  }
0x273: {  	_ =	swait.ge [sflag:s22], $0x480  }
0x274: {  	[sflag:s22] =	ssyncset.done $0x0  }
0x275: {  	[sflag:s22] =	ssyncadd.s32 $0xFFFFFB80  }
0x276: {  	_ =	swait.ge [sflag:s22], $0x80  }
0x277: {  	[sflag:s22] =	ssyncset.done $0x0  }
0x278: {  	[sflag:s22] =	ssyncadd.s32 $0xFFFFFF80  }
0x279: {  	[tilespmem:s23], [sflag:$0x5] =	stream.indirect.gather [spmem:s30], $0x80, s9, s17, $0xb8;
	[tilespmem:$0xE800] =	vst v63  }
0x27a: {  	_ =	swait.ge [sflag:s24], $0x4000  }
0x27b: {  	[sflag:s24] =	ssyncset.done $0x0  }
0x27c: {  	[sflag:s24] =	ssyncadd.s32 $0xFFFFC000  }
0x27d: {  	_ =	swait.ge [sflag:s24], $0x4000  }
0x27e: {  	[sflag:s24] =	ssyncset.done $0x0  }
0x27f: {  	[sflag:s24] =	ssyncadd.s32 $0xFFFFC000  }
0x280: {  	_ =	swait.ge [sflag:s24], $0x4000  }
0x281: {  	[sflag:s24] =	ssyncset.done $0x0  }
0x282: {  	[sflag:s24] =	ssyncadd.s32 $0xFFFFC000  }
0x283: {  	_ =	swait.ge [sflag:s24], $0x4000  }
0x284: {  	[sflag:s24] =	ssyncset.done $0x0  }
0x285: {  	[sflag:s24] =	ssyncadd.s32 $0xFFFFC000  }
0x286: {  	_ =	swait.ge [sflag:s24], $0x4000  }
0x287: {  	[sflag:s24] =	ssyncset.done $0x0  }
0x288: {  	[sflag:s24] =	ssyncadd.s32 $0xFFFFC000  }
0x289: {  	_ =	swait.ge [sflag:s24], $0x4000  }
0x28a: {  	[sflag:s24] =	ssyncset.done $0x0  }
0x28b: {  	[sflag:s24] =	ssyncadd.s32 $0xFFFFC000  }
0x28c: {  	_ =	swait.ge [sflag:s24], $0x4000  }
0x28d: {  	[sflag:s24] =	ssyncset.done $0x0  }
0x28e: {  	[sflag:s24] =	ssyncadd.s32 $0xFFFFC000  }
0x28f: {  	_ =	swait.ge [sflag:s24], $0x4000  }
0x290: {  	[sflag:s24] =	ssyncset.done $0x0  }
0x291: {  	[sflag:s24] =	ssyncadd.s32 $0xFFFFC000  }
0x292: {  	_ =	swait.ge [sflag:s24], $0x4000  }
0x293: {  	s11 =	sld [smem:$0x7FC]  }
0x294: {  	[sflag:s24] =	ssyncset.done $0x0  }
0x295: {  	[sflag:s24] =	ssyncadd.s32 $0xFFFFC000  }
0x296: {  	[hbm4b:s11+s17] =	stream.indirect.scatter [tilespmem:s18], [sflag:$0xA], $0x80, s2, s17, $0xb8;
	[tilespmem:$0xE800] =	vst v63  }
0x297: {  	_ =	swait.ge [sflag:s1], $0x4000  }
0x298: {  	[sflag:s1] =	ssyncset.done $0x0  }
0x299: {  	[sflag:s1] =	ssyncadd.s32 $0xFFFFC000  }
0x29a: {  	[tilespmem:s23], [sflag:$0x8] =	stream.indirect.gather.add.f32 [hbm:s0], $0x80, s14, s17, $0xb8;
	[tilespmem:$0xE800] =	vst v63  }
0x29b: {  	s13 =	simm.s32 $0x500  }
0x29c: {  	[tilespmem:s23], [sflag:$0x8] =	stream.indirect.gather.add.f32 [hbm:s0], $0x80, s13, s17, $0xb8;
	[tilespmem:$0xE800] =	vst v63  }
0x29d: {  	_ = 	snop  }
0x29e: {  	[tilespmem:s23], [sflag:$0x8] =	stream.indirect.gather.add.f32 [hbm:s0], $0x80, s20, s17, $0xb8;
	[tilespmem:$0xE800] =	vst v63  }
0x29f: {  	s14 =	simm.s32 $0x600  }
0x2a0: {  	[tilespmem:s23], [sflag:$0x8] =	stream.indirect.gather.add.f32 [hbm:s0], $0x80, s14, s17, $0xb8;
	[tilespmem:$0xE800] =	vst v63  }
0x2a1: {  	s15 =	simm.s32 $0x680  }
0x2a2: {  	[tilespmem:s23], [sflag:$0x8] =	stream.indirect.gather.add.f32 [hbm:s0], $0x80, s15, s17, $0xb8;
	[tilespmem:$0xE800] =	vst v63  }
0x2a3: {  	s19 =	simm.s32 $0x700  }
0x2a4: {  	[tilespmem:s23], [sflag:$0x8] =	stream.indirect.gather.add.f32 [hbm:s0], $0x80, s19, s17, $0xb8;
	[tilespmem:$0xE800] =	vst v63  }
0x2a5: {  	s20 =	simm.s32 $0x780  }
0x2a6: {  	[tilespmem:s23], [sflag:$0x8] =	stream.indirect.gather.add.f32 [hbm:s0], $0x80, s20, s17, $0xb8;
	[tilespmem:$0xE800] =	vst v63  }
0x2a7: {  	s21 =	simm.s32 $0x800  }
0x2a8: {  	[tilespmem:s23], [sflag:$0x8] =	stream.indirect.gather.add.f32 [hbm:s0], $0x80, s21, s17, $0xb8;
	[tilespmem:$0xE800] =	vst v63  }
0x2a9: {  	s26 =	simm.s32 $0x880  }
0x2aa: {  	[tilespmem:s23], [sflag:$0x8] =	stream.indirect.gather.add.f32 [hbm:s0], $0x80, s26, s17, $0xb8;
	[tilespmem:$0xE800] =	vst v63  }
0x2ab: {  	_ =	swait.ge [sflag:s7], $0x4000  }
0x2ac: {  	[sflag:s7] =	ssyncset.done $0x0  }
0x2ad: {  	[sflag:s7] =	ssyncadd.s32 $0xFFFFC000  }
0x2ae: {  	_ =	swait.ge [sflag:s5], $0x4000  }
0x2af: {  	[sflag:s5] =	ssyncset.done $0x0  }
0x2b0: {  	[sflag:s5] =	ssyncadd.s32 $0xFFFFC000  }
0x2b1: {  	_ =	swait.ge [sflag:s5], $0x4000  }
0x2b2: {  	[sflag:s5] =	ssyncset.done $0x0  }
0x2b3: {  	[sflag:s5] =	ssyncadd.s32 $0xFFFFC000  }
0x2b4: {  	_ =	swait.ge [sflag:s5], $0x4000  }
0x2b5: {  	[sflag:s5] =	ssyncset.done $0x0  }
0x2b6: {  	[sflag:s5] =	ssyncadd.s32 $0xFFFFC000  }
0x2b7: {  	_ =	swait.ge [sflag:s5], $0x4000  }
0x2b8: {  	[sflag:s5] =	ssyncset.done $0x0  }
0x2b9: {  	[sflag:s5] =	ssyncadd.s32 $0xFFFFC000  }
0x2ba: {  	_ =	swait.ge [sflag:s5], $0x4000  }
0x2bb: {  	[sflag:s5] =	ssyncset.done $0x0  }
0x2bc: {  	[sflag:s5] =	ssyncadd.s32 $0xFFFFC000  }
0x2bd: {  	_ =	swait.ge [sflag:s5], $0x4000  }
0x2be: {  	[sflag:s5] =	ssyncset.done $0x0  }
0x2bf: {  	[sflag:s5] =	ssyncadd.s32 $0xFFFFC000  }
0x2c0: {  	_ =	swait.ge [sflag:s5], $0x4000  }
0x2c1: {  	[sflag:s5] =	ssyncset.done $0x0  }
0x2c2: {  	[sflag:s5] =	ssyncadd.s32 $0xFFFFC000  }
0x2c3: {  	_ =	swait.ge [sflag:s5], $0x4000  }
0x2c4: {  	[sflag:s5] =	ssyncset.done $0x0  }
0x2c5: {  	[sflag:s5] =	ssyncadd.s32 $0xFFFFC000  }
0x2c6: {  	_ =	swait.ge [sflag:s5], $0x4000  }
0x2c7: {  	s12 =	sadd.s32 $0xFFFFFFFF, s12;
	s30 =	sld [smem:$0x7FD]  }
0x2c8: {  	p1 =	sne.s32 s12, $0x0;
	[sflag:s5] =	ssyncset.done $0x0  }
.Ltmp0:
0x2c9: {  	[sflag:s5] =	ssyncadd.s32 $0xFFFFC000;
	(pc) =	sbr.rel @p1 .LBB2_1-.Ltmp0, $4  }
0x2ca: {  	[hbm4b:s30+s17] =	stream.indirect.scatter [tilespmem:s23], [sflag:$0xB], $0x80, s2, s17, $0xb8;
	[tilespmem:$0xE800] =	vst v63  }
0x2cb: {  	_ =	swait.ge [sflag:s29], $0x4000  }
0x2cc: {  	[sflag:s29] =	ssyncset.done $0x0  }
0x2cd: {  	[sflag:s29] =	ssyncadd.s32 $0xFFFFC000  }
0x2ce: {  	_ =	sfence.sel $0x180000  }
0x2cf: {  	[bflag:$0x0] =	sbarrier.arrive $0xFFFF  }
0x2d0: {  	_ =	strace $0x90000047  }
0x2d1: {  	[bflag:$0x2] =	sbarrier.arrive $0xFFFF  }
0x2d2: {  	s0 =	rddreg [dreg:$0x7]  }
0x2d3: {  	s0 =	sadd.s32 @!p0 $0x100000, s0  }
0x2d4: {  	[sflag:s0] =	ssyncadd.tile.s32 @!p0 $0x1;
	_ =	shalt  }
.Lfunc_end2:
_tile_overlayer_lowered:
.L_overlay_start_2:
0x2d5: {  	(tag) =	ssettag $0x2  }
0x2d6: {  	s0 =	rddreg [dreg:$0x0];
	s2 =	stileid.u32  }
0x2d7: {  	s1 =	rddreg [dreg:$0x1];
	p0 =	sne.s32 s2, $0x0  }
0x2d8: {  	s3 =	rddreg [dreg:$0x2];
	[bflag:$0x3] =	sbarrier.arrive $0xFFFF;
	s2 =	simm.s32 @!p0 $0x1C0D  }
0x2d9: {  	[timem:s3], [sflag:s2] =	dma.local @!p0 [hbm:s0], s1  }
0x2da: {  	s0 =	simm.s32 @!p0 $0xD  }
0x2db: {  	_ =	swait.ge @!p0 [sflag:s0], s1  }
0x2dc: {  	s1 =	ssub.s32 @!p0 $0x0, s1;
	[sflag:s0] =	ssyncset.done @!p0 $0x0  }
0x2dd: {  	[sflag:s0] =	ssyncadd.s32 @!p0 s1  }
0x2de: {  	[bflag:$0x3] =	sbarrier.arrive $0xFFFF  }
0x2df: {  	_ =	shalt  }

</sc_bundles>
